<compile_context>
chip_gen: v7x
topology: tpu7x:2x2x1
jax: 0.10.2.dev20260603
libtpu: 0.0.44.dev20260713+nightly
codegen_flags: <defaults>
</compile_context>

<pallas_src>
import functools

import jax
import jax.numpy as jnp
from jax import lax
from jax.experimental import pallas as pl
from jax.experimental.pallas import tpu as pltpu
from jax.experimental.pallas import tpu_sc as plsc

N_NODES = 10000
N_EDGES = 320000
F = 128
NC, NS = 2, 16
CHUNK = 40
EDGES_PER_TILE = N_EDGES // (NC * NS)
NCHUNK = EDGES_PER_TILE // CHUNK
ROWS_A = 624
TAIL = N_NODES - NS * ROWS_A
ZROWS = 208
DEG_W = 16

def _fill_f32(ref, rows, width, value):
    per_row = width // 16

    def body(i, _):
        r = i // per_row
        col = (i % per_row) * 16
        ref[r, pl.ds(col, 16)] = jnp.full((16,), value, jnp.float32)
        return 0

    lax.fori_loop(0, rows * per_row, body, 0)


def _deg_body(dst_hbm, deg_hbm, dst_v, ones_v, zero_v, dsem, zsem, deg_sh):
    c = lax.axis_index("c")
    s = lax.axis_index("s")
    pltpu.async_copy(dst_hbm.at[c, s], dst_v, dsem)
    _fill_f32(ones_v, CHUNK, DEG_W, 1.0)
    _fill_f32(zero_v, ZROWS, DEG_W, 0.0)
    base = s * ROWS_A
    for k in range(ROWS_A // ZROWS):
        pltpu.async_copy(zero_v, deg_sh.at[pl.ds(base + k * ZROWS, ZROWS)],
                         zsem)

    @pl.when(s == NS - 1)
    def _():
        pltpu.async_copy(zero_v.at[pl.ds(0, TAIL)],
                         deg_sh.at[pl.ds(NS * ROWS_A, TAIL)], zsem)

    for k in range(ROWS_A // ZROWS):
        pltpu.make_async_copy(zero_v, deg_sh.at[pl.ds(base + k * ZROWS, ZROWS)],
                              zsem).wait()

    @pl.when(s == NS - 1)
    def _():
        pltpu.make_async_copy(zero_v.at[pl.ds(0, TAIL)],
                              deg_sh.at[pl.ds(NS * ROWS_A, TAIL)], zsem).wait()

    pltpu.make_async_copy(dst_hbm.at[c, s], dst_v, dsem).wait()
    plsc.subcore_barrier()

    GRP = 5
    assert NCHUNK % GRP == 0

    def group(g, _):
        for i in range(GRP):
            pltpu.async_copy(ones_v, deg_sh.at[dst_v.at[g * GRP + i]], dsem,
                             add=True)
        for i in range(GRP):
            pltpu.make_async_copy(ones_v, deg_sh.at[dst_v.at[g * GRP + i]],
                                  dsem).wait()
        return 0

    lax.fori_loop(0, NCHUNK // GRP, group, 0)
    plsc.subcore_barrier()
    pltpu.async_copy(deg_sh.at[pl.ds(base, ROWS_A)],
                     deg_hbm.at[c, pl.ds(base, ROWS_A)], zsem)

    @pl.when(s == NS - 1)
    def _():
        pltpu.async_copy(deg_sh.at[pl.ds(NS * ROWS_A, TAIL)],
                         deg_hbm.at[c, pl.ds(NS * ROWS_A, TAIL)], dsem)
        pltpu.make_async_copy(deg_sh.at[pl.ds(NS * ROWS_A, TAIL)],
                              deg_hbm.at[c, pl.ds(NS * ROWS_A, TAIL)],
                              dsem).wait()

    pltpu.make_async_copy(deg_sh.at[pl.ds(base, ROWS_A)],
                          deg_hbm.at[c, pl.ds(base, ROWS_A)], zsem).wait()


NBUF = 6


def _spmv_body(y_hbm, src_hbm, dst_hbm, out_hbm, src_v, dst_v,
               r0, r1, r2, r3, r4, r5, g0, g1, g2, g3, g4, g5,
               t0, t1, t2, t3, t4, t5, z_sh):
    c = lax.axis_index("c")
    s = lax.axis_index("s")
    rows = [r0, r1, r2, r3, r4, r5]
    gsem = [g0, g1, g2, g3, g4, g5]
    ssem = [t0, t1, t2, t3, t4, t5]
    pltpu.async_copy(src_hbm.at[c, s], src_v, gsem[1])
    pltpu.async_copy(dst_hbm.at[c, s], dst_v, gsem[2])
    _fill_f32(r0, CHUNK, F, 0.0)
    base = s * ROWS_A
    nz = ROWS_A // CHUNK
    rem = ROWS_A - nz * CHUNK
    for k in range(nz):
        pltpu.async_copy(r0, z_sh.at[pl.ds(base + k * CHUNK, CHUNK)], gsem[0])
    pltpu.async_copy(r0.at[pl.ds(0, rem)],
                     z_sh.at[pl.ds(base + ROWS_A - rem, rem)], gsem[0])

    @pl.when(s == NS - 1)
    def _():
        pltpu.async_copy(r0.at[pl.ds(0, TAIL)],
                         z_sh.at[pl.ds(NS * ROWS_A, TAIL)], gsem[3])

    for k in range(nz):
        pltpu.make_async_copy(r0, z_sh.at[pl.ds(base + k * CHUNK, CHUNK)],
                              gsem[0]).wait()
    pltpu.make_async_copy(r0.at[pl.ds(0, rem)],
                          z_sh.at[pl.ds(base + ROWS_A - rem, rem)],
                          gsem[0]).wait()

    @pl.when(s == NS - 1)
    def _():
        pltpu.make_async_copy(r0.at[pl.ds(0, TAIL)],
                              z_sh.at[pl.ds(NS * ROWS_A, TAIL)], gsem[3]).wait()

    pltpu.make_async_copy(src_hbm.at[c, s], src_v, gsem[1]).wait()
    pltpu.make_async_copy(dst_hbm.at[c, s], dst_v, gsem[2]).wait()
    plsc.subcore_barrier()

    for b in range(NBUF - 1):
        pltpu.async_copy(y_hbm.at[src_v.at[b]], rows[b], gsem[b])

    def ring(g, _):
        for b in range(NBUF):
            j = g * NBUF + b
            pltpu.make_async_copy(y_hbm.at[src_v.at[j]], rows[b], gsem[b]).wait()
            pltpu.async_copy(rows[b], z_sh.at[dst_v.at[j]], ssem[b], add=True)
            nxt = j + NBUF - 1
            nb = (b + NBUF - 1) % NBUF

            @pl.when((nxt < NCHUNK) & (j >= 1))
            def _():
                pltpu.make_async_copy(rows[nb], z_sh.at[dst_v.at[j - 1]],
                                      ssem[nb]).wait()

            @pl.when(nxt < NCHUNK)
            def _():
                pltpu.async_copy(y_hbm.at[src_v.at[nxt]], rows[nb], gsem[nb])

        return 0

    lax.fori_loop(0, NCHUNK // NBUF, ring, 0)
    for j in range((NCHUNK // NBUF) * NBUF, NCHUNK):
        b = j % NBUF
        pltpu.make_async_copy(y_hbm.at[src_v.at[j]], rows[b], gsem[b]).wait()
        pltpu.async_copy(rows[b], z_sh.at[dst_v.at[j]], ssem[b], add=True)
    last = {}
    for j in range(NCHUNK):
        last[j % NBUF] = j
    for b, j in last.items():
        pltpu.make_async_copy(rows[b], z_sh.at[dst_v.at[j]], ssem[b]).wait()
    plsc.subcore_barrier()
    pltpu.async_copy(z_sh.at[pl.ds(base, ROWS_A)],
                     out_hbm.at[c, pl.ds(base, ROWS_A)], gsem[0])

    @pl.when(s == NS - 1)
    def _():
        pltpu.async_copy(z_sh.at[pl.ds(NS * ROWS_A, TAIL)],
                         out_hbm.at[c, pl.ds(NS * ROWS_A, TAIL)], gsem[1])
        pltpu.make_async_copy(z_sh.at[pl.ds(NS * ROWS_A, TAIL)],
                              out_hbm.at[c, pl.ds(NS * ROWS_A, TAIL)],
                              gsem[1]).wait()

    pltpu.make_async_copy(z_sh.at[pl.ds(base, ROWS_A)],
                          out_hbm.at[c, pl.ds(base, ROWS_A)], gsem[0]).wait()



BLK = 5000


def _dinv_of(p0d, p1d):
    d = p0d[:, 0:1] + p1d[:, 0:1]
    return jnp.where(d > 0, lax.rsqrt(jnp.maximum(d, 1.0)), 0.0)


def _prep_body(p0d_ref, p1d_ref, x_ref, y_ref):
    dinv = _dinv_of(p0d_ref[...], p1d_ref[...])
    y_ref[...] = x_ref[...] * dinv


def _layer_body(h_ref, z0_ref, z1_ref, p0d_ref, p1d_ref, w0_ref, w1_ref, b_ref,
                hn_ref, y_ref):
    dinv = _dinv_of(p0d_ref[...], p1d_ref[...])
    ahat = (z0_ref[...] + z1_ref[...]) * dinv
    out = (
        jnp.dot(h_ref[...], w0_ref[...], preferred_element_type=jnp.float32)
        - jnp.dot(ahat, w1_ref[...], preferred_element_type=jnp.float32)
        + b_ref[...]
    )
    hn = jnp.maximum(out, 0.0)
    hn_ref[...] = hn
    y_ref[...] = hn * dinv


def _final_body(h_ref, z0_ref, z1_ref, p0d_ref, p1d_ref, w0_ref, w1_ref, b_ref,
                out_ref):
    dinv = _dinv_of(p0d_ref[...], p1d_ref[...])
    ahat = (z0_ref[...] + z1_ref[...]) * dinv
    out_ref[...] = (
        jnp.dot(h_ref[...], w0_ref[...], preferred_element_type=jnp.float32)
        - jnp.dot(ahat, w1_ref[...], preferred_element_type=jnp.float32)
        + b_ref[...]
    )


_row_blk = lambda w: pl.BlockSpec((BLK, w), lambda i: (i, 0))
_full_w = pl.BlockSpec((F, F), lambda i: (0, 0))
_full_b = pl.BlockSpec((1, F), lambda i: (0, 0))
_GRID = (N_NODES // BLK,)
_f32 = jnp.float32

_prep_call = pl.pallas_call(
    _prep_body,
    grid=_GRID,
    in_specs=[_row_blk(DEG_W), _row_blk(DEG_W), _row_blk(F)],
    out_specs=_row_blk(F),
    out_shape=jax.ShapeDtypeStruct((N_NODES, F), _f32),
)

_layer_call = pl.pallas_call(
    _layer_body,
    grid=_GRID,
    in_specs=[_row_blk(F), _row_blk(F), _row_blk(F), _row_blk(DEG_W),
              _row_blk(DEG_W), _full_w, _full_w, _full_b],
    out_specs=[_row_blk(F), _row_blk(F)],
    out_shape=[jax.ShapeDtypeStruct((N_NODES, F), _f32),
               jax.ShapeDtypeStruct((N_NODES, F), _f32)],
)

_final_call = pl.pallas_call(
    _final_body,
    grid=_GRID,
    in_specs=[_row_blk(F), _row_blk(F), _row_blk(F), _row_blk(DEG_W),
              _row_blk(DEG_W), _full_w, _full_w, _full_b],
    out_specs=_row_blk(F),
    out_shape=jax.ShapeDtypeStruct((N_NODES, F), _f32),
)


@functools.lru_cache(maxsize=1)
def _sc_kernels():
    mesh = plsc.VectorSubcoreMesh(
        core_axis_name="c", subcore_axis_name="s", num_cores=NC, num_subcores=NS
    )
    params = pltpu.CompilerParams(use_tc_tiling_on_sc=False)
    deg_kernel = pl.kernel(
        _deg_body,
        compiler_params=params,
        out_type=jax.ShapeDtypeStruct((NC, N_NODES, DEG_W), jnp.float32),
        mesh=mesh,
        scratch_types=[
            pltpu.VMEM((NCHUNK, CHUNK), jnp.int32),
            pltpu.VMEM((CHUNK, DEG_W), jnp.float32),
            pltpu.VMEM((ZROWS, DEG_W), jnp.float32),
            pltpu.SemaphoreType.DMA,
            pltpu.SemaphoreType.DMA,
            pltpu.VMEM_SHARED((N_NODES, DEG_W), jnp.float32),
        ],
    )
    spmv_kernel = pl.kernel(
        _spmv_body,
        compiler_params=params,
        out_type=jax.ShapeDtypeStruct((NC, N_NODES, F), jnp.float32),
        mesh=mesh,
        scratch_types=(
            [pltpu.VMEM((NCHUNK, CHUNK), jnp.int32)] * 2
            + [pltpu.VMEM((CHUNK, F), jnp.float32)] * NBUF
            + [pltpu.SemaphoreType.DMA] * (2 * NBUF)
            + [pltpu.VMEM_SHARED((N_NODES, F), jnp.float32)]
        ),
    )
    return deg_kernel, spmv_kernel


def kernel(x, edge_index, W1, b1, W2, b2):
    deg_k, spmv_k = _sc_kernels()
    src = edge_index[0].astype(jnp.int32).reshape(NC, NS, NCHUNK, CHUNK)
    dst = edge_index[1].astype(jnp.int32).reshape(NC, NS, NCHUNK, CHUNK)

    degp = deg_k(dst)
    p0d, p1d = degp[0], degp[1]

    y = _prep_call(p0d, p1d, x)
    h = x
    b1r = b1.reshape(1, F)
    for _ in range(2):
        zp = spmv_k(y, src, dst)
        h, y = _layer_call(h, zp[0], zp[1], p0d, p1d, W1[0], W1[1], b1r)
    zp = spmv_k(y, src, dst)
    return _final_call(h, zp[0], zp[1], p0d, p1d, W2[0], W2[1], b2.reshape(1, F))

# --- scband reference (transcript-rebuilt; emitter-appended) ---
"""Pipeline reference for scband-cheb-11278584119618 (READ-ONLY COPY).

The authoritative reference and input builder live on the scoring server;
editing this copy changes nothing except your own understanding.
"""

import jax, jax.numpy as jnp
import numpy as np

N_NODES = 10000
N_EDGES = 320000
H_FEATS = 128
OUT_FEATS = 128
N_LAYERS = 2
K_CHEB = 2


def setup_inputs(seed: int = 0) -> dict:
    key = jax.random.key(seed)
    k1, k2, k3, k4, k5, k6 = jax.random.split(key, 6)
    x = jax.random.normal(k1, (N_NODES, H_FEATS), dtype=jnp.float32)
    edge_index = jax.random.randint(k2, (2, N_EDGES), 0, N_NODES, dtype=jnp.int64)
    # ChebConv weights: one linear per Chebyshev order (k=2)
    s1 = 1.0 / np.sqrt(H_FEATS)
    W1 = jax.random.uniform(k3, (K_CHEB, H_FEATS, H_FEATS), dtype=jnp.float32, minval=-s1, maxval=s1)
    b1 = jnp.zeros((H_FEATS,), dtype=jnp.float32)
    W2 = jax.random.uniform(k4, (K_CHEB, H_FEATS, OUT_FEATS), dtype=jnp.float32, minval=-s1, maxval=s1)
    b2 = jnp.zeros((OUT_FEATS,), dtype=jnp.float32)
    return {"x": x, "edge_index": edge_index, "W1": W1, "b1": b1, "W2": W2, "b2": b2}


def _cheb_conv(x, edge_index, W, b):
    # DGL ChebConv with k=2, lambda_max=2:
    #   L_hat = (2/lambda_max) * L - I = L - I = -D^{-1/2} A D^{-1/2}
    #   T0 = x, T1 = L_hat @ x, out = T0 @ W[0] + T1 @ W[1] + b
    src = edge_index[0]
    dst = edge_index[1]
    n = x.shape[0]
    deg = jnp.zeros((n,), dtype=x.dtype).at[dst].add(1.0)
    dinv = jnp.where(deg > 0, jax.lax.rsqrt(jnp.maximum(deg, 1.0)), 0.0)
    norm = dinv[src] * dinv[dst]
    msgs = x[src] * norm[:, None]
    ahat_x = jax.ops.segment_sum(msgs, dst, num_segments=n)
    t0 = x
    t1 = -ahat_x
    out = t0 @ W[0] + t1 @ W[1] + b
    return out


def reference(x, edge_index, W1, b1, W2, b2):
    # forward: n_layers applications of the shared hidden ChebConv (with relu),
    # then the final ChebConv (no activation)
    h = jax.nn.relu(_cheb_conv(x, edge_index, W1, b1))
    for _ in range(N_LAYERS - 1):
        h = jax.nn.relu(_cheb_conv(h, edge_index, W1, b1))
    return _cheb_conv(h, edge_index, W2, b2)

if __name__ == "__main__":
    import jax
    _d = setup_inputs()
    print(jax.jit(kernel)(*tuple(_d.values())))

</pallas_src>

<mosaic_0001>
#map = affine_map<(d0, d1) -> (0, 0, 0, 0)>
#map1 = affine_map<(d0, d1) -> (0, 0, 0)>
module attributes {stable_mosaic.version = 14 : i64} {
  func.func @_deg_body(%arg0: i32, %arg1: i32, %arg2: memref<2x16x250x40xi32, #tpu.memory_space<hbm>>, %arg3: memref<2x10000x16xf32, #tpu.memory_space<hbm>>, %arg4: memref<250x40xi32, #tpu.memory_space<vmem>>, %arg5: memref<40x16xf32, #tpu.memory_space<vmem>>, %arg6: memref<208x16xf32, #tpu.memory_space<vmem>>, %arg7: memref<!tpu.dma_semaphore, #tpu.memory_space<semaphore_mem>>, %arg8: memref<!tpu.dma_semaphore, #tpu.memory_space<semaphore_mem>>, %arg9: memref<10000x16xf32, #tpu.memory_space<vmem_shared>>) attributes {dimension_semantics = [#tpu.dimension_semantics<core_parallel>, #tpu.dimension_semantics<subcore_parallel>], iteration_bounds = array<i64: 2, 16>, scalar_prefetch = 0 : i64, scratch_operands = 6 : i64, tpu.core_type = #tpu.core_type<sc_vector_subcore>, window_params = [{transform_indices = #map}, {transform_indices = #map1}]} {
    %dma_start3A = arith.constant 0 : i32
    %dma_start3A_0 = arith.constant 0 : i32
    %dma_start3A_1 = tpu.memref_slice %arg2[%arg0, %arg1, %dma_start3A, %dma_start3A_0] : memref<2x16x250x40xi32, #tpu.memory_space<hbm>> -> memref<1x1x250x40xi32, #tpu.memory_space<hbm>>
    %dma_start3A_2 = tpu.memref_squeeze %dma_start3A_1 : memref<1x1x250x40xi32, #tpu.memory_space<hbm>> -> memref<250x40xi32, #tpu.memory_space<hbm>>
    %dma_start3A_3 = arith.constant 0 : i32
    %dma_start3A_4 = arith.constant 0 : i32
    %dma_start3A_5 = tpu.memref_slice %arg2[%arg0, %arg1, %dma_start3A_3, %dma_start3A_4] : memref<2x16x250x40xi32, #tpu.memory_space<hbm>> -> memref<1x1x250x40xi32, #tpu.memory_space<hbm>>
    %dma_start3A_6 = tpu.memref_squeeze %dma_start3A_5 : memref<1x1x250x40xi32, #tpu.memory_space<hbm>> -> memref<250x40xi32, #tpu.memory_space<hbm>>
    tpu.enqueue_dma source(%dma_start3A_6 : memref<250x40xi32, #tpu.memory_space<hbm>>) target(%arg4 : memref<250x40xi32, #tpu.memory_space<vmem>>) target_semaphore(%arg7 : memref<!tpu.dma_semaphore, #tpu.memory_space<semaphore_mem>>)
    %scan3A = arith.constant 0 : i32
    %scan3A_7 = arith.constant 0 : i32
    %scan3A_8 = arith.constant 40 : i32
    %scan3A_9 = arith.addi %scan3A_7, %scan3A_8 : i32
    %scan3A_10 = arith.constant 1 : i32
    %scan3A_11 = scf.for %scan3A_93 = %scan3A_7 to %scan3A_9 step %scan3A_10 iter_args(%scan3A_94 = %scan3A) -> (i32)  : i32 {
      %jit3A = arith.constant 1 : i32
      %div3A = arith.divsi %scan3A_93, %jit3A : i32
      %sign3A = arith.constant 0 : i32
      %sign3A_95 = arith.cmpi sgt, %scan3A_93, %sign3A : i32
      %sign3A_96 = arith.extui %sign3A_95 : i1 to i32
      %sign3A_97 = arith.constant 0 : i32
      %sign3A_98 = arith.cmpi slt, %scan3A_93, %sign3A_97 : i32
      %sign3A_99 = arith.extui %sign3A_98 : i1 to i32
      %sign3A_100 = arith.subi %sign3A_96, %sign3A_99 : i32
      %sign3A_101 = arith.constant 0 : i32
      %sign3A_102 = arith.cmpi sgt, %jit3A, %sign3A_101 : i32
      %sign3A_103 = arith.extui %sign3A_102 : i1 to i32
      %sign3A_104 = arith.constant 0 : i32
      %sign3A_105 = arith.cmpi slt, %jit3A, %sign3A_104 : i32
      %sign3A_106 = arith.extui %sign3A_105 : i1 to i32
      %sign3A_107 = arith.subi %sign3A_103, %sign3A_106 : i32
      %ne3A = arith.cmpi ne, %sign3A_100, %sign3A_107 : i32
      %rem3A = arith.remsi %scan3A_93, %jit3A : i32
      %ne3A_108 = arith.constant 0 : i32
      %ne3A_109 = arith.cmpi ne, %rem3A, %ne3A_108 : i32
      %and3A = arith.andi %ne3A, %ne3A_109 : i1
      %sub3A = arith.constant 1 : i32
      %sub3A_110 = arith.subi %div3A, %sub3A : i32
      %select_n3A = arith.select %and3A, %sub3A_110, %div3A : i32
      %jit3A_111 = arith.constant 1 : i32
      %eq3A_112 = arith.constant 0 : i32
      %eq3A_113 = arith.cmpi eq, %jit3A_111, %eq3A_112 : i32
      %jit3A_114 = arith.constant 1 : i32
      %select_n3A_115 = arith.select %eq3A_113, %jit3A_114, %jit3A_111 : i32
      %rem3A_116 = arith.remsi %scan3A_93, %select_n3A_115 : i32
      %ne3A_117 = arith.constant 0 : i32
      %ne3A_118 = arith.cmpi ne, %rem3A_116, %ne3A_117 : i32
      %lt3A = arith.constant 0 : i32
      %lt3A_119 = arith.cmpi slt, %rem3A_116, %lt3A : i32
      %lt3A_120 = arith.constant 0 : i32
      %lt3A_121 = arith.cmpi slt, %select_n3A_115, %lt3A_120 : i32
      %ne3A_122 = arith.xori %lt3A_119, %lt3A_121 : i1
      %and3A_123 = arith.andi %ne3A_122, %ne3A_118 : i1
      %add3A_124 = arith.addi %rem3A_116, %select_n3A_115 : i32
      %select_n3A_125 = arith.select %and3A_123, %add3A_124, %rem3A_116 : i32
      %mul3A_126 = arith.constant 16 : i32
      %mul3A_127 = arith.muli %select_n3A_125, %mul3A_126 : i32
      %broadcast_in_dim3A = arith.constant 1.000000e+00 : f32
      %broadcast_in_dim3A_128 = vector.broadcast %broadcast_in_dim3A : f32 to vector<16xf32>
      %swap3A = arith.index_cast %select_n3A : i32 to index
      %swap3A_129 = arith.index_cast %mul3A_127 : i32 to index
      %swap3A_130 = tpu.vector_load %arg5[%swap3A, %swap3A_129] {strides = array<i32>} : memref<40x16xf32, #tpu.memory_space<vmem>>, vector<1x16xf32>,
      %swap3A_131 = vector.shape_cast %swap3A_130 : vector<1x16xf32> to vector<16xf32>
      %swap3A_132 = vector.shape_cast %broadcast_in_dim3A_128 : vector<16xf32> to vector<1x16xf32>
      tpu.vector_store %arg5[%swap3A, %swap3A_129], %swap3A_132 {strides = array<i32>} : memref<40x16xf32, #tpu.memory_space<vmem>>, vector<1x16xf32>,
      %scan3A_133 = arith.constant 0 : i32
      scf.yield %scan3A_133 : i32
    }
    %scan3A_12 = arith.constant 40 : i32
    %scan3A_13 = arith.constant 0 : i32
    %scan3A_14 = arith.constant 0 : i32
    %scan3A_15 = arith.constant 208 : i32
    %scan3A_16 = arith.addi %scan3A_14, %scan3A_15 : i32
    %scan3A_17 = arith.constant 1 : i32
    %scan3A_18 = scf.for %scan3A_93 = %scan3A_14 to %scan3A_16 step %scan3A_17 iter_args(%scan3A_94 = %scan3A_13) -> (i32)  : i32 {
      %jit3A = arith.constant 1 : i32
      %div3A = arith.divsi %scan3A_93, %jit3A : i32
      %sign3A = arith.constant 0 : i32
      %sign3A_95 = arith.cmpi sgt, %scan3A_93, %sign3A : i32
      %sign3A_96 = arith.extui %sign3A_95 : i1 to i32
      %sign3A_97 = arith.constant 0 : i32
      %sign3A_98 = arith.cmpi slt, %scan3A_93, %sign3A_97 : i32
      %sign3A_99 = arith.extui %sign3A_98 : i1 to i32
      %sign3A_100 = arith.subi %sign3A_96, %sign3A_99 : i32
      %sign3A_101 = arith.constant 0 : i32
      %sign3A_102 = arith.cmpi sgt, %jit3A, %sign3A_101 : i32
      %sign3A_103 = arith.extui %sign3A_102 : i1 to i32
      %sign3A_104 = arith.constant 0 : i32
      %sign3A_105 = arith.cmpi slt, %jit3A, %sign3A_104 : i32
      %sign3A_106 = arith.extui %sign3A_105 : i1 to i32
      %sign3A_107 = arith.subi %sign3A_103, %sign3A_106 : i32
      %ne3A = arith.cmpi ne, %sign3A_100, %sign3A_107 : i32
      %rem3A = arith.remsi %scan3A_93, %jit3A : i32
      %ne3A_108 = arith.constant 0 : i32
      %ne3A_109 = arith.cmpi ne, %rem3A, %ne3A_108 : i32
      %and3A = arith.andi %ne3A, %ne3A_109 : i1
      %sub3A = arith.constant 1 : i32
      %sub3A_110 = arith.subi %div3A, %sub3A : i32
      %select_n3A = arith.select %and3A, %sub3A_110, %div3A : i32
      %jit3A_111 = arith.constant 1 : i32
      %eq3A_112 = arith.constant 0 : i32
      %eq3A_113 = arith.cmpi eq, %jit3A_111, %eq3A_112 : i32
      %jit3A_114 = arith.constant 1 : i32
      %select_n3A_115 = arith.select %eq3A_113, %jit3A_114, %jit3A_111 : i32
      %rem3A_116 = arith.remsi %scan3A_93, %select_n3A_115 : i32
      %ne3A_117 = arith.constant 0 : i32
      %ne3A_118 = arith.cmpi ne, %rem3A_116, %ne3A_117 : i32
      %lt3A = arith.constant 0 : i32
      %lt3A_119 = arith.cmpi slt, %rem3A_116, %lt3A : i32
      %lt3A_120 = arith.constant 0 : i32
      %lt3A_121 = arith.cmpi slt, %select_n3A_115, %lt3A_120 : i32
      %ne3A_122 = arith.xori %lt3A_119, %lt3A_121 : i1
      %and3A_123 = arith.andi %ne3A_122, %ne3A_118 : i1
      %add3A_124 = arith.addi %rem3A_116, %select_n3A_115 : i32
      %select_n3A_125 = arith.select %and3A_123, %add3A_124, %rem3A_116 : i32
      %mul3A_126 = arith.constant 16 : i32
      %mul3A_127 = arith.muli %select_n3A_125, %mul3A_126 : i32
      %broadcast_in_dim3A = arith.constant 0.000000e+00 : f32
      %broadcast_in_dim3A_128 = vector.broadcast %broadcast_in_dim3A : f32 to vector<16xf32>
      %swap3A = arith.index_cast %select_n3A : i32 to index
      %swap3A_129 = arith.index_cast %mul3A_127 : i32 to index
      %swap3A_130 = tpu.vector_load %arg6[%swap3A, %swap3A_129] {strides = array<i32>} : memref<208x16xf32, #tpu.memory_space<vmem>>, vector<1x16xf32>,
      %swap3A_131 = vector.shape_cast %swap3A_130 : vector<1x16xf32> to vector<16xf32>
      %swap3A_132 = vector.shape_cast %broadcast_in_dim3A_128 : vector<16xf32> to vector<1x16xf32>
      tpu.vector_store %arg6[%swap3A, %swap3A_129], %swap3A_132 {strides = array<i32>} : memref<208x16xf32, #tpu.memory_space<vmem>>, vector<1x16xf32>,
      %scan3A_133 = arith.constant 0 : i32
      scf.yield %scan3A_133 : i32
    }
    %scan3A_19 = arith.constant 208 : i32
    %mul3A = arith.constant 624 : i32
    %mul3A_20 = arith.muli %arg1, %mul3A : i32
    %add3A = arith.constant 0 : i32
    %add3A_21 = arith.addi %mul3A_20, %add3A : i32
    %dma_start3A_22 = arith.constant 0 : i32
    %dma_start3A_23 = tpu.memref_slice %arg9[%add3A_21, %dma_start3A_22] : memref<10000x16xf32, #tpu.memory_space<vmem_shared>> -> memref<208x16xf32, #tpu.memory_space<vmem_shared>>
    %dma_start3A_24 = arith.constant 0 : i32
    %dma_start3A_25 = tpu.memref_slice %arg9[%add3A_21, %dma_start3A_24] : memref<10000x16xf32, #tpu.memory_space<vmem_shared>> -> memref<208x16xf32, #tpu.memory_space<vmem_shared>>
    tpu.enqueue_dma source(%arg6 : memref<208x16xf32, #tpu.memory_space<vmem>>) target(%dma_start3A_25 : memref<208x16xf32, #tpu.memory_space<vmem_shared>>) target_semaphore(%arg8 : memref<!tpu.dma_semaphore, #tpu.memory_space<semaphore_mem>>)
    %add3A_26 = arith.constant 208 : i32
    %add3A_27 = arith.addi %mul3A_20, %add3A_26 : i32
    %dma_start3A_28 = arith.constant 0 : i32
    %dma_start3A_29 = tpu.memref_slice %arg9[%add3A_27, %dma_start3A_28] : memref<10000x16xf32, #tpu.memory_space<vmem_shared>> -> memref<208x16xf32, #tpu.memory_space<vmem_shared>>
    %dma_start3A_30 = arith.constant 0 : i32
    %dma_start3A_31 = tpu.memref_slice %arg9[%add3A_27, %dma_start3A_30] : memref<10000x16xf32, #tpu.memory_space<vmem_shared>> -> memref<208x16xf32, #tpu.memory_space<vmem_shared>>
    tpu.enqueue_dma source(%arg6 : memref<208x16xf32, #tpu.memory_space<vmem>>) target(%dma_start3A_31 : memref<208x16xf32, #tpu.memory_space<vmem_shared>>) target_semaphore(%arg8 : memref<!tpu.dma_semaphore, #tpu.memory_space<semaphore_mem>>)
    %add3A_32 = arith.constant 416 : i32
    %add3A_33 = arith.addi %mul3A_20, %add3A_32 : i32
    %dma_start3A_34 = arith.constant 0 : i32
    %dma_start3A_35 = tpu.memref_slice %arg9[%add3A_33, %dma_start3A_34] : memref<10000x16xf32, #tpu.memory_space<vmem_shared>> -> memref<208x16xf32, #tpu.memory_space<vmem_shared>>
    %dma_start3A_36 = arith.constant 0 : i32
    %dma_start3A_37 = tpu.memref_slice %arg9[%add3A_33, %dma_start3A_36] : memref<10000x16xf32, #tpu.memory_space<vmem_shared>> -> memref<208x16xf32, #tpu.memory_space<vmem_shared>>
    tpu.enqueue_dma source(%arg6 : memref<208x16xf32, #tpu.memory_space<vmem>>) target(%dma_start3A_37 : memref<208x16xf32, #tpu.memory_space<vmem_shared>>) target_semaphore(%arg8 : memref<!tpu.dma_semaphore, #tpu.memory_space<semaphore_mem>>)
    %eq3A = arith.constant 15 : i32
    %eq3A_38 = arith.cmpi eq, %arg1, %eq3A : i32
    %convert_element_type3A = arith.extui %eq3A_38 : i1 to i32
    %cond3A = arith.constant 0 : i32
    %cond3A_39 = arith.cmpi ne, %convert_element_type3A, %cond3A : i32
    scf.if %cond3A_39 {
      %dma_start3A_93 = arith.constant 0 : i32
      %dma_start3A_94 = arith.constant 0 : i32
      %dma_start3A_95 = tpu.memref_slice %arg6[%dma_start3A_93, %dma_start3A_94] : memref<208x16xf32, #tpu.memory_space<vmem>> -> memref<16x16xf32, #tpu.memory_space<vmem>>
      %dma_start3A_96 = arith.constant 9984 : i32
      %dma_start3A_97 = arith.constant 0 : i32
      %dma_start3A_98 = tpu.memref_slice %arg9[%dma_start3A_96, %dma_start3A_97] : memref<10000x16xf32, #tpu.memory_space<vmem_shared>> -> memref<16x16xf32, #tpu.memory_space<vmem_shared>>
      %dma_start3A_99 = arith.constant 9984 : i32
      %dma_start3A_100 = arith.constant 0 : i32
      %dma_start3A_101 = tpu.memref_slice %arg9[%dma_start3A_99, %dma_start3A_100] : memref<10000x16xf32, #tpu.memory_space<vmem_shared>> -> memref<16x16xf32, #tpu.memory_space<vmem_shared>>
      %dma_start3A_102 = arith.constant 0 : i32
      %dma_start3A_103 = arith.constant 0 : i32
      %dma_start3A_104 = tpu.memref_slice %arg6[%dma_start3A_102, %dma_start3A_103] : memref<208x16xf32, #tpu.memory_space<vmem>> -> memref<16x16xf32, #tpu.memory_space<vmem>>
      tpu.enqueue_dma source(%dma_start3A_104 : memref<16x16xf32, #tpu.memory_space<vmem>>) target(%dma_start3A_101 : memref<16x16xf32, #tpu.memory_space<vmem_shared>>) target_semaphore(%arg8 : memref<!tpu.dma_semaphore, #tpu.memory_space<semaphore_mem>>)
    } else {
    }
    %add3A_40 = arith.constant 0 : i32
    %add3A_41 = arith.addi %mul3A_20, %add3A_40 : i32
    %dma_wait3A = arith.constant 0 : i32
    %dma_wait3A_42 = tpu.memref_slice %arg9[%add3A_41, %dma_wait3A] : memref<10000x16xf32, #tpu.memory_space<vmem_shared>> -> memref<208x16xf32, #tpu.memory_space<vmem_shared>>
    %dma_wait3A_43 = arith.constant 0 : i32
    %dma_wait3A_44 = tpu.memref_slice %arg9[%add3A_41, %dma_wait3A_43] : memref<10000x16xf32, #tpu.memory_space<vmem_shared>> -> memref<208x16xf32, #tpu.memory_space<vmem_shared>>
    tpu.wait_dma2 semaphore(%arg8 : memref<!tpu.dma_semaphore, #tpu.memory_space<semaphore_mem>>) src(%arg6 : memref<208x16xf32, #tpu.memory_space<vmem>>) dst(%dma_wait3A_44 : memref<208x16xf32, #tpu.memory_space<vmem_shared>>)
    %add3A_45 = arith.constant 208 : i32
    %add3A_46 = arith.addi %mul3A_20, %add3A_45 : i32
    %dma_wait3A_47 = arith.constant 0 : i32
    %dma_wait3A_48 = tpu.memref_slice %arg9[%add3A_46, %dma_wait3A_47] : memref<10000x16xf32, #tpu.memory_space<vmem_shared>> -> memref<208x16xf32, #tpu.memory_space<vmem_shared>>
    %dma_wait3A_49 = arith.constant 0 : i32
    %dma_wait3A_50 = tpu.memref_slice %arg9[%add3A_46, %dma_wait3A_49] : memref<10000x16xf32, #tpu.memory_space<vmem_shared>> -> memref<208x16xf32, #tpu.memory_space<vmem_shared>>
    tpu.wait_dma2 semaphore(%arg8 : memref<!tpu.dma_semaphore, #tpu.memory_space<semaphore_mem>>) src(%arg6 : memref<208x16xf32, #tpu.memory_space<vmem>>) dst(%dma_wait3A_50 : memref<208x16xf32, #tpu.memory_space<vmem_shared>>)
    %add3A_51 = arith.constant 416 : i32
    %add3A_52 = arith.addi %mul3A_20, %add3A_51 : i32
    %dma_wait3A_53 = arith.constant 0 : i32
    %dma_wait3A_54 = tpu.memref_slice %arg9[%add3A_52, %dma_wait3A_53] : memref<10000x16xf32, #tpu.memory_space<vmem_shared>> -> memref<208x16xf32, #tpu.memory_space<vmem_shared>>
    %dma_wait3A_55 = arith.constant 0 : i32
    %dma_wait3A_56 = tpu.memref_slice %arg9[%add3A_52, %dma_wait3A_55] : memref<10000x16xf32, #tpu.memory_space<vmem_shared>> -> memref<208x16xf32, #tpu.memory_space<vmem_shared>>
    tpu.wait_dma2 semaphore(%arg8 : memref<!tpu.dma_semaphore, #tpu.memory_space<semaphore_mem>>) src(%arg6 : memref<208x16xf32, #tpu.memory_space<vmem>>) dst(%dma_wait3A_56 : memref<208x16xf32, #tpu.memory_space<vmem_shared>>)
    %eq3A_57 = arith.constant 15 : i32
    %eq3A_58 = arith.cmpi eq, %arg1, %eq3A_57 : i32
    %convert_element_type3A_59 = arith.extui %eq3A_58 : i1 to i32
    %cond3A_60 = arith.constant 0 : i32
    %cond3A_61 = arith.cmpi ne, %convert_element_type3A_59, %cond3A_60 : i32
    scf.if %cond3A_61 {
      %dma_wait3A_93 = arith.constant 0 : i32
      %dma_wait3A_94 = arith.constant 0 : i32
      %dma_wait3A_95 = tpu.memref_slice %arg6[%dma_wait3A_93, %dma_wait3A_94] : memref<208x16xf32, #tpu.memory_space<vmem>> -> memref<16x16xf32, #tpu.memory_space<vmem>>
      %dma_wait3A_96 = arith.constant 9984 : i32
      %dma_wait3A_97 = arith.constant 0 : i32
      %dma_wait3A_98 = tpu.memref_slice %arg9[%dma_wait3A_96, %dma_wait3A_97] : memref<10000x16xf32, #tpu.memory_space<vmem_shared>> -> memref<16x16xf32, #tpu.memory_space<vmem_shared>>
      %dma_wait3A_99 = arith.constant 9984 : i32
      %dma_wait3A_100 = arith.constant 0 : i32
      %dma_wait3A_101 = tpu.memref_slice %arg9[%dma_wait3A_99, %dma_wait3A_100] : memref<10000x16xf32, #tpu.memory_space<vmem_shared>> -> memref<16x16xf32, #tpu.memory_space<vmem_shared>>
      %dma_wait3A_102 = arith.constant 0 : i32
      %dma_wait3A_103 = arith.constant 0 : i32
      %dma_wait3A_104 = tpu.memref_slice %arg6[%dma_wait3A_102, %dma_wait3A_103] : memref<208x16xf32, #tpu.memory_space<vmem>> -> memref<16x16xf32, #tpu.memory_space<vmem>>
      tpu.wait_dma2 semaphore(%arg8 : memref<!tpu.dma_semaphore, #tpu.memory_space<semaphore_mem>>) src(%dma_wait3A_104 : memref<16x16xf32, #tpu.memory_space<vmem>>) dst(%dma_wait3A_101 : memref<16x16xf32, #tpu.memory_space<vmem_shared>>)
    } else {
    }
    %dma_wait3A_62 = arith.constant 0 : i32
    %dma_wait3A_63 = arith.constant 0 : i32
    %dma_wait3A_64 = tpu.memref_slice %arg2[%arg0, %arg1, %dma_wait3A_62, %dma_wait3A_63] : memref<2x16x250x40xi32, #tpu.memory_space<hbm>> -> memref<1x1x250x40xi32, #tpu.memory_space<hbm>>
    %dma_wait3A_65 = tpu.memref_squeeze %dma_wait3A_64 : memref<1x1x250x40xi32, #tpu.memory_space<hbm>> -> memref<250x40xi32, #tpu.memory_space<hbm>>
    %dma_wait3A_66 = arith.constant 0 : i32
    %dma_wait3A_67 = arith.constant 0 : i32
    %dma_wait3A_68 = tpu.memref_slice %arg2[%arg0, %arg1, %dma_wait3A_66, %dma_wait3A_67] : memref<2x16x250x40xi32, #tpu.memory_space<hbm>> -> memref<1x1x250x40xi32, #tpu.memory_space<hbm>>
    %dma_wait3A_69 = tpu.memref_squeeze %dma_wait3A_68 : memref<1x1x250x40xi32, #tpu.memory_space<hbm>> -> memref<250x40xi32, #tpu.memory_space<hbm>>
    tpu.wait_dma2 semaphore(%arg7 : memref<!tpu.dma_semaphore, #tpu.memory_space<semaphore_mem>>) src(%dma_wait3A_69 : memref<250x40xi32, #tpu.memory_space<hbm>>) dst(%arg4 : memref<250x40xi32, #tpu.memory_space<vmem>>)
    %barrier3A = arith.constant 0 : index
    tpu.barrier barrier_id(%barrier3A)
    %scan3A_70 = arith.constant 0 : i32
    %scan3A_71 = arith.constant 0 : i32
    %scan3A_72 = arith.constant 50 : i32
    %scan3A_73 = arith.addi %scan3A_71, %scan3A_72 : i32
    %scan3A_74 = arith.constant 1 : i32
    %scan3A_75 = scf.for %scan3A_93 = %scan3A_71 to %scan3A_73 step %scan3A_74 iter_args(%scan3A_94 = %scan3A_70) -> (i32)  : i32 {
      %mul3A_95 = arith.constant 5 : i32
      %mul3A_96 = arith.muli %scan3A_93, %mul3A_95 : i32
      %add3A_97 = arith.constant 0 : i32
      %add3A_98 = arith.addi %mul3A_96, %add3A_97 : i32
      %dma_start3A_99 = arith.constant 0 : i32
      %dma_start3A_100 = tpu.memref_slice %arg4[%add3A_98, %dma_start3A_99] : memref<250x40xi32, #tpu.memory_space<vmem>> -> memref<1x40xi32, #tpu.memory_space<vmem>>
      %dma_start3A_101 = tpu.memref_squeeze %dma_start3A_100 : memref<1x40xi32, #tpu.memory_space<vmem>> -> memref<40xi32, #tpu.memory_space<vmem>>
      %dma_start3A_102 = arith.constant 0 : i32
      %dma_start3A_103 = arith.constant 0 : i32
      %dma_start3A_104 = tpu.memref_slice %arg9[%dma_start3A_102, %dma_start3A_103] : memref<10000x16xf32, #tpu.memory_space<vmem_shared>> -> memref<10000x16xf32, #tpu.memory_space<vmem_shared>>
      tpu.enqueue_indirect_dma source(%arg5 : memref<40x16xf32, #tpu.memory_space<vmem>>) target(%dma_start3A_104 : memref<10000x16xf32, #tpu.memory_space<vmem_shared>>) offsets(%dma_start3A_101 : memref<40xi32, #tpu.memory_space<vmem>>) semaphore(%arg7 : memref<!tpu.dma_semaphore, #tpu.memory_space<semaphore_mem>>) {add = true}
      %mul3A_105 = arith.constant 5 : i32
      %mul3A_106 = arith.muli %scan3A_93, %mul3A_105 : i32
      %add3A_107 = arith.constant 1 : i32
      %add3A_108 = arith.addi %mul3A_106, %add3A_107 : i32
      %dma_start3A_109 = arith.constant 0 : i32
      %dma_start3A_110 = tpu.memref_slice %arg4[%add3A_108, %dma_start3A_109] : memref<250x40xi32, #tpu.memory_space<vmem>> -> memref<1x40xi32, #tpu.memory_space<vmem>>
      %dma_start3A_111 = tpu.memref_squeeze %dma_start3A_110 : memref<1x40xi32, #tpu.memory_space<vmem>> -> memref<40xi32, #tpu.memory_space<vmem>>
      %dma_start3A_112 = arith.constant 0 : i32
      %dma_start3A_113 = arith.constant 0 : i32
      %dma_start3A_114 = tpu.memref_slice %arg9[%dma_start3A_112, %dma_start3A_113] : memref<10000x16xf32, #tpu.memory_space<vmem_shared>> -> memref<10000x16xf32, #tpu.memory_space<vmem_shared>>
      tpu.enqueue_indirect_dma source(%arg5 : memref<40x16xf32, #tpu.memory_space<vmem>>) target(%dma_start3A_114 : memref<10000x16xf32, #tpu.memory_space<vmem_shared>>) offsets(%dma_start3A_111 : memref<40xi32, #tpu.memory_space<vmem>>) semaphore(%arg7 : memref<!tpu.dma_semaphore, #tpu.memory_space<semaphore_mem>>) {add = true}
      %mul3A_115 = arith.constant 5 : i32
      %mul3A_116 = arith.muli %scan3A_93, %mul3A_115 : i32
      %add3A_117 = arith.constant 2 : i32
      %add3A_118 = arith.addi %mul3A_116, %add3A_117 : i32
      %dma_start3A_119 = arith.constant 0 : i32
      %dma_start3A_120 = tpu.memref_slice %arg4[%add3A_118, %dma_start3A_119] : memref<250x40xi32, #tpu.memory_space<vmem>> -> memref<1x40xi32, #tpu.memory_space<vmem>>
      %dma_start3A_121 = tpu.memref_squeeze %dma_start3A_120 : memref<1x40xi32, #tpu.memory_space<vmem>> -> memref<40xi32, #tpu.memory_space<vmem>>
      %dma_start3A_122 = arith.constant 0 : i32
      %dma_start3A_123 = arith.constant 0 : i32
      %dma_start3A_124 = tpu.memref_slice %arg9[%dma_start3A_122, %dma_start3A_123] : memref<10000x16xf32, #tpu.memory_space<vmem_shared>> -> memref<10000x16xf32, #tpu.memory_space<vmem_shared>>
      tpu.enqueue_indirect_dma source(%arg5 : memref<40x16xf32, #tpu.memory_space<vmem>>) target(%dma_start3A_124 : memref<10000x16xf32, #tpu.memory_space<vmem_shared>>) offsets(%dma_start3A_121 : memref<40xi32, #tpu.memory_space<vmem>>) semaphore(%arg7 : memref<!tpu.dma_semaphore, #tpu.memory_space<semaphore_mem>>) {add = true}
      %mul3A_125 = arith.constant 5 : i32
      %mul3A_126 = arith.muli %scan3A_93, %mul3A_125 : i32
      %add3A_127 = arith.constant 3 : i32
      %add3A_128 = arith.addi %mul3A_126, %add3A_127 : i32
      %dma_start3A_129 = arith.constant 0 : i32
      %dma_start3A_130 = tpu.memref_slice %arg4[%add3A_128, %dma_start3A_129] : memref<250x40xi32, #tpu.memory_space<vmem>> -> memref<1x40xi32, #tpu.memory_space<vmem>>
      %dma_start3A_131 = tpu.memref_squeeze %dma_start3A_130 : memref<1x40xi32, #tpu.memory_space<vmem>> -> memref<40xi32, #tpu.memory_space<vmem>>
      %dma_start3A_132 = arith.constant 0 : i32
      %dma_start3A_133 = arith.constant 0 : i32
      %dma_start3A_134 = tpu.memref_slice %arg9[%dma_start3A_132, %dma_start3A_133] : memref<10000x16xf32, #tpu.memory_space<vmem_shared>> -> memref<10000x16xf32, #tpu.memory_space<vmem_shared>>
      tpu.enqueue_indirect_dma source(%arg5 : memref<40x16xf32, #tpu.memory_space<vmem>>) target(%dma_start3A_134 : memref<10000x16xf32, #tpu.memory_space<vmem_shared>>) offsets(%dma_start3A_131 : memref<40xi32, #tpu.memory_space<vmem>>) semaphore(%arg7 : memref<!tpu.dma_semaphore, #tpu.memory_space<semaphore_mem>>) {add = true}
      %mul3A_135 = arith.constant 5 : i32
      %mul3A_136 = arith.muli %scan3A_93, %mul3A_135 : i32
      %add3A_137 = arith.constant 4 : i32
      %add3A_138 = arith.addi %mul3A_136, %add3A_137 : i32
      %dma_start3A_139 = arith.constant 0 : i32
      %dma_start3A_140 = tpu.memref_slice %arg4[%add3A_138, %dma_start3A_139] : memref<250x40xi32, #tpu.memory_space<vmem>> -> memref<1x40xi32, #tpu.memory_space<vmem>>
      %dma_start3A_141 = tpu.memref_squeeze %dma_start3A_140 : memref<1x40xi32, #tpu.memory_space<vmem>> -> memref<40xi32, #tpu.memory_space<vmem>>
      %dma_start3A_142 = arith.constant 0 : i32
      %dma_start3A_143 = arith.constant 0 : i32
      %dma_start3A_144 = tpu.memref_slice %arg9[%dma_start3A_142, %dma_start3A_143] : memref<10000x16xf32, #tpu.memory_space<vmem_shared>> -> memref<10000x16xf32, #tpu.memory_space<vmem_shared>>
      tpu.enqueue_indirect_dma source(%arg5 : memref<40x16xf32, #tpu.memory_space<vmem>>) target(%dma_start3A_144 : memref<10000x16xf32, #tpu.memory_space<vmem_shared>>) offsets(%dma_start3A_141 : memref<40xi32, #tpu.memory_space<vmem>>) semaphore(%arg7 : memref<!tpu.dma_semaphore, #tpu.memory_space<semaphore_mem>>) {add = true}
      %mul3A_145 = arith.constant 5 : i32
      %mul3A_146 = arith.muli %scan3A_93, %mul3A_145 : i32
      %add3A_147 = arith.constant 0 : i32
      %add3A_148 = arith.addi %mul3A_146, %add3A_147 : i32
      %dma_wait3A_149 = arith.constant 0 : i32
      %dma_wait3A_150 = tpu.memref_slice %arg4[%add3A_148, %dma_wait3A_149] : memref<250x40xi32, #tpu.memory_space<vmem>> -> memref<1x40xi32, #tpu.memory_space<vmem>>
      %dma_wait3A_151 = tpu.memref_squeeze %dma_wait3A_150 : memref<1x40xi32, #tpu.memory_space<vmem>> -> memref<40xi32, #tpu.memory_space<vmem>>
      %dma_wait3A_152 = arith.constant 0 : i32
      %dma_wait3A_153 = arith.constant 0 : i32
      %dma_wait3A_154 = tpu.memref_slice %arg9[%dma_wait3A_152, %dma_wait3A_153] : memref<10000x16xf32, #tpu.memory_space<vmem_shared>> -> memref<10000x16xf32, #tpu.memory_space<vmem_shared>>
      tpu.wait_indirect_dma semaphore(%arg7 : memref<!tpu.dma_semaphore, #tpu.memory_space<semaphore_mem>>) src(%arg5 : memref<40x16xf32, #tpu.memory_space<vmem>>) dst(%dma_wait3A_154 : memref<10000x16xf32, #tpu.memory_space<vmem_shared>>)
      %mul3A_155 = arith.constant 5 : i32
      %mul3A_156 = arith.muli %scan3A_93, %mul3A_155 : i32
      %add3A_157 = arith.constant 1 : i32
      %add3A_158 = arith.addi %mul3A_156, %add3A_157 : i32
      %dma_wait3A_159 = arith.constant 0 : i32
      %dma_wait3A_160 = tpu.memref_slice %arg4[%add3A_158, %dma_wait3A_159] : memref<250x40xi32, #tpu.memory_space<vmem>> -> memref<1x40xi32, #tpu.memory_space<vmem>>
      %dma_wait3A_161 = tpu.memref_squeeze %dma_wait3A_160 : memref<1x40xi32, #tpu.memory_space<vmem>> -> memref<40xi32, #tpu.memory_space<vmem>>
      %dma_wait3A_162 = arith.constant 0 : i32
      %dma_wait3A_163 = arith.constant 0 : i32
      %dma_wait3A_164 = tpu.memref_slice %arg9[%dma_wait3A_162, %dma_wait3A_163] : memref<10000x16xf32, #tpu.memory_space<vmem_shared>> -> memref<10000x16xf32, #tpu.memory_space<vmem_shared>>
      tpu.wait_indirect_dma semaphore(%arg7 : memref<!tpu.dma_semaphore, #tpu.memory_space<semaphore_mem>>) src(%arg5 : memref<40x16xf32, #tpu.memory_space<vmem>>) dst(%dma_wait3A_164 : memref<10000x16xf32, #tpu.memory_space<vmem_shared>>)
      %mul3A_165 = arith.constant 5 : i32
      %mul3A_166 = arith.muli %scan3A_93, %mul3A_165 : i32
      %add3A_167 = arith.constant 2 : i32
      %add3A_168 = arith.addi %mul3A_166, %add3A_167 : i32
      %dma_wait3A_169 = arith.constant 0 : i32
      %dma_wait3A_170 = tpu.memref_slice %arg4[%add3A_168, %dma_wait3A_169] : memref<250x40xi32, #tpu.memory_space<vmem>> -> memref<1x40xi32, #tpu.memory_space<vmem>>
      %dma_wait3A_171 = tpu.memref_squeeze %dma_wait3A_170 : memref<1x40xi32, #tpu.memory_space<vmem>> -> memref<40xi32, #tpu.memory_space<vmem>>
      %dma_wait3A_172 = arith.constant 0 : i32
      %dma_wait3A_173 = arith.constant 0 : i32
      %dma_wait3A_174 = tpu.memref_slice %arg9[%dma_wait3A_172, %dma_wait3A_173] : memref<10000x16xf32, #tpu.memory_space<vmem_shared>> -> memref<10000x16xf32, #tpu.memory_space<vmem_shared>>
      tpu.wait_indirect_dma semaphore(%arg7 : memref<!tpu.dma_semaphore, #tpu.memory_space<semaphore_mem>>) src(%arg5 : memref<40x16xf32, #tpu.memory_space<vmem>>) dst(%dma_wait3A_174 : memref<10000x16xf32, #tpu.memory_space<vmem_shared>>)
      %mul3A_175 = arith.constant 5 : i32
      %mul3A_176 = arith.muli %scan3A_93, %mul3A_175 : i32
      %add3A_177 = arith.constant 3 : i32
      %add3A_178 = arith.addi %mul3A_176, %add3A_177 : i32
      %dma_wait3A_179 = arith.constant 0 : i32
      %dma_wait3A_180 = tpu.memref_slice %arg4[%add3A_178, %dma_wait3A_179] : memref<250x40xi32, #tpu.memory_space<vmem>> -> memref<1x40xi32, #tpu.memory_space<vmem>>
      %dma_wait3A_181 = tpu.memref_squeeze %dma_wait3A_180 : memref<1x40xi32, #tpu.memory_space<vmem>> -> memref<40xi32, #tpu.memory_space<vmem>>
      %dma_wait3A_182 = arith.constant 0 : i32
      %dma_wait3A_183 = arith.constant 0 : i32
      %dma_wait3A_184 = tpu.memref_slice %arg9[%dma_wait3A_182, %dma_wait3A_183] : memref<10000x16xf32, #tpu.memory_space<vmem_shared>> -> memref<10000x16xf32, #tpu.memory_space<vmem_shared>>
      tpu.wait_indirect_dma semaphore(%arg7 : memref<!tpu.dma_semaphore, #tpu.memory_space<semaphore_mem>>) src(%arg5 : memref<40x16xf32, #tpu.memory_space<vmem>>) dst(%dma_wait3A_184 : memref<10000x16xf32, #tpu.memory_space<vmem_shared>>)
      %mul3A_185 = arith.constant 5 : i32
      %mul3A_186 = arith.muli %scan3A_93, %mul3A_185 : i32
      %add3A_187 = arith.constant 4 : i32
      %add3A_188 = arith.addi %mul3A_186, %add3A_187 : i32
      %dma_wait3A_189 = arith.constant 0 : i32
      %dma_wait3A_190 = tpu.memref_slice %arg4[%add3A_188, %dma_wait3A_189] : memref<250x40xi32, #tpu.memory_space<vmem>> -> memref<1x40xi32, #tpu.memory_space<vmem>>
      %dma_wait3A_191 = tpu.memref_squeeze %dma_wait3A_190 : memref<1x40xi32, #tpu.memory_space<vmem>> -> memref<40xi32, #tpu.memory_space<vmem>>
      %dma_wait3A_192 = arith.constant 0 : i32
      %dma_wait3A_193 = arith.constant 0 : i32
      %dma_wait3A_194 = tpu.memref_slice %arg9[%dma_wait3A_192, %dma_wait3A_193] : memref<10000x16xf32, #tpu.memory_space<vmem_shared>> -> memref<10000x16xf32, #tpu.memory_space<vmem_shared>>
      tpu.wait_indirect_dma semaphore(%arg7 : memref<!tpu.dma_semaphore, #tpu.memory_space<semaphore_mem>>) src(%arg5 : memref<40x16xf32, #tpu.memory_space<vmem>>) dst(%dma_wait3A_194 : memref<10000x16xf32, #tpu.memory_space<vmem_shared>>)
      %scan3A_195 = arith.constant 0 : i32
      scf.yield %scan3A_195 : i32
    }
    %scan3A_76 = arith.constant 50 : i32
    %barrier3A_77 = arith.constant 0 : index
    tpu.barrier barrier_id(%barrier3A_77)
    %dma_start3A_78 = arith.constant 0 : i32
    %dma_start3A_79 = tpu.memref_slice %arg3[%arg0, %mul3A_20, %dma_start3A_78] : memref<2x10000x16xf32, #tpu.memory_space<hbm>> -> memref<1x624x16xf32, #tpu.memory_space<hbm>>
    %dma_start3A_80 = tpu.memref_squeeze %dma_start3A_79 : memref<1x624x16xf32, #tpu.memory_space<hbm>> -> memref<624x16xf32, #tpu.memory_space<hbm>>
    %dma_start3A_81 = arith.constant 0 : i32
    %dma_start3A_82 = tpu.memref_slice %arg9[%mul3A_20, %dma_start3A_81] : memref<10000x16xf32, #tpu.memory_space<vmem_shared>> -> memref<624x16xf32, #tpu.memory_space<vmem_shared>>
    tpu.enqueue_dma source(%dma_start3A_82 : memref<624x16xf32, #tpu.memory_space<vmem_shared>>) target(%dma_start3A_80 : memref<624x16xf32, #tpu.memory_space<hbm>>) target_semaphore(%arg8 : memref<!tpu.dma_semaphore, #tpu.memory_space<semaphore_mem>>)
    %eq3A_83 = arith.constant 15 : i32
    %eq3A_84 = arith.cmpi eq, %arg1, %eq3A_83 : i32
    %convert_element_type3A_85 = arith.extui %eq3A_84 : i1 to i32
    %cond3A_86 = arith.constant 0 : i32
    %cond3A_87 = arith.cmpi ne, %convert_element_type3A_85, %cond3A_86 : i32
    scf.if %cond3A_87 {
      %dma_start3A_93 = arith.constant 9984 : i32
      %dma_start3A_94 = arith.constant 0 : i32
      %dma_start3A_95 = tpu.memref_slice %arg3[%arg0, %dma_start3A_93, %dma_start3A_94] : memref<2x10000x16xf32, #tpu.memory_space<hbm>> -> memref<1x16x16xf32, #tpu.memory_space<hbm>>
      %dma_start3A_96 = tpu.memref_squeeze %dma_start3A_95 : memref<1x16x16xf32, #tpu.memory_space<hbm>> -> memref<16x16xf32, #tpu.memory_space<hbm>>
      %dma_start3A_97 = arith.constant 9984 : i32
      %dma_start3A_98 = arith.constant 0 : i32
      %dma_start3A_99 = tpu.memref_slice %arg9[%dma_start3A_97, %dma_start3A_98] : memref<10000x16xf32, #tpu.memory_space<vmem_shared>> -> memref<16x16xf32, #tpu.memory_space<vmem_shared>>
      tpu.enqueue_dma source(%dma_start3A_99 : memref<16x16xf32, #tpu.memory_space<vmem_shared>>) target(%dma_start3A_96 : memref<16x16xf32, #tpu.memory_space<hbm>>) target_semaphore(%arg7 : memref<!tpu.dma_semaphore, #tpu.memory_space<semaphore_mem>>)
      %dma_wait3A_100 = arith.constant 9984 : i32
      %dma_wait3A_101 = arith.constant 0 : i32
      %dma_wait3A_102 = tpu.memref_slice %arg3[%arg0, %dma_wait3A_100, %dma_wait3A_101] : memref<2x10000x16xf32, #tpu.memory_space<hbm>> -> memref<1x16x16xf32, #tpu.memory_space<hbm>>
      %dma_wait3A_103 = tpu.memref_squeeze %dma_wait3A_102 : memref<1x16x16xf32, #tpu.memory_space<hbm>> -> memref<16x16xf32, #tpu.memory_space<hbm>>
      %dma_wait3A_104 = arith.constant 9984 : i32
      %dma_wait3A_105 = arith.constant 0 : i32
      %dma_wait3A_106 = tpu.memref_slice %arg9[%dma_wait3A_104, %dma_wait3A_105] : memref<10000x16xf32, #tpu.memory_space<vmem_shared>> -> memref<16x16xf32, #tpu.memory_space<vmem_shared>>
      tpu.wait_dma2 semaphore(%arg7 : memref<!tpu.dma_semaphore, #tpu.memory_space<semaphore_mem>>) src(%dma_wait3A_106 : memref<16x16xf32, #tpu.memory_space<vmem_shared>>) dst(%dma_wait3A_103 : memref<16x16xf32, #tpu.memory_space<hbm>>)
    } else {
    }
    %dma_wait3A_88 = arith.constant 0 : i32
    %dma_wait3A_89 = tpu.memref_slice %arg3[%arg0, %mul3A_20, %dma_wait3A_88] : memref<2x10000x16xf32, #tpu.memory_space<hbm>> -> memref<1x624x16xf32, #tpu.memory_space<hbm>>
    %dma_wait3A_90 = tpu.memref_squeeze %dma_wait3A_89 : memref<1x624x16xf32, #tpu.memory_space<hbm>> -> memref<624x16xf32, #tpu.memory_space<hbm>>
    %dma_wait3A_91 = arith.constant 0 : i32
    %dma_wait3A_92 = tpu.memref_slice %arg9[%mul3A_20, %dma_wait3A_91] : memref<10000x16xf32, #tpu.memory_space<vmem_shared>> -> memref<624x16xf32, #tpu.memory_space<vmem_shared>>
    tpu.wait_dma2 semaphore(%arg8 : memref<!tpu.dma_semaphore, #tpu.memory_space<semaphore_mem>>) src(%dma_wait3A_92 : memref<624x16xf32, #tpu.memory_space<vmem_shared>>) dst(%dma_wait3A_90 : memref<624x16xf32, #tpu.memory_space<hbm>>)
    return
  }
}

#map = affine_map<(d0, d1) -> (0, 0)>
#map1 = affine_map<(d0, d1) -> (0, 0, 0, 0)>
#map2 = affine_map<(d0, d1) -> (0, 0, 0)>
module attributes {stable_mosaic.version = 14 : i64} {
  func.func @_spmv_body(%arg0: i32, %arg1: i32, %arg2: memref<10000x128xf32, #tpu.memory_space<hbm>>, %arg3: memref<2x16x250x40xi32, #tpu.memory_space<hbm>>, %arg4: memref<2x16x250x40xi32, #tpu.memory_space<hbm>>, %arg5: memref<2x10000x128xf32, #tpu.memory_space<hbm>>, %arg6: memref<250x40xi32, #tpu.memory_space<vmem>>, %arg7: memref<250x40xi32, #tpu.memory_space<vmem>>, %arg8: memref<40x128xf32, #tpu.memory_space<vmem>>, %arg9: memref<40x128xf32, #tpu.memory_space<vmem>>, %arg10: memref<40x128xf32, #tpu.memory_space<vmem>>, %arg11: memref<40x128xf32, #tpu.memory_space<vmem>>, %arg12: memref<40x128xf32, #tpu.memory_space<vmem>>, %arg13: memref<40x128xf32, #tpu.memory_space<vmem>>, %arg14: memref<!tpu.dma_semaphore, #tpu.memory_space<semaphore_mem>>, %arg15: memref<!tpu.dma_semaphore, #tpu.memory_space<semaphore_mem>>, %arg16: memref<!tpu.dma_semaphore, #tpu.memory_space<semaphore_mem>>, %arg17: memref<!tpu.dma_semaphore, #tpu.memory_space<semaphore_mem>>, %arg18: memref<!tpu.dma_semaphore, #tpu.memory_space<semaphore_mem>>, %arg19: memref<!tpu.dma_semaphore, #tpu.memory_space<semaphore_mem>>, %arg20: memref<!tpu.dma_semaphore, #tpu.memory_space<semaphore_mem>>, %arg21: memref<!tpu.dma_semaphore, #tpu.memory_space<semaphore_mem>>, %arg22: memref<!tpu.dma_semaphore, #tpu.memory_space<semaphore_mem>>, %arg23: memref<!tpu.dma_semaphore, #tpu.memory_space<semaphore_mem>>, %arg24: memref<!tpu.dma_semaphore, #tpu.memory_space<semaphore_mem>>, %arg25: memref<!tpu.dma_semaphore, #tpu.memory_space<semaphore_mem>>, %arg26: memref<10000x128xf32, #tpu.memory_space<vmem_shared>>) attributes {dimension_semantics = [#tpu.dimension_semantics<core_parallel>, #tpu.dimension_semantics<subcore_parallel>], iteration_bounds = array<i64: 2, 16>, scalar_prefetch = 0 : i64, scratch_operands = 21 : i64, tpu.core_type = #tpu.core_type<sc_vector_subcore>, window_params = [{transform_indices = #map}, {transform_indices = #map1}, {transform_indices = #map1}, {transform_indices = #map2}]} {
    %dma_start3A = arith.constant 0 : i32
    %dma_start3A_0 = arith.constant 0 : i32
    %dma_start3A_1 = tpu.memref_slice %arg3[%arg0, %arg1, %dma_start3A, %dma_start3A_0] : memref<2x16x250x40xi32, #tpu.memory_space<hbm>> -> memref<1x1x250x40xi32, #tpu.memory_space<hbm>>
    %dma_start3A_2 = tpu.memref_squeeze %dma_start3A_1 : memref<1x1x250x40xi32, #tpu.memory_space<hbm>> -> memref<250x40xi32, #tpu.memory_space<hbm>>
    %dma_start3A_3 = arith.constant 0 : i32
    %dma_start3A_4 = arith.constant 0 : i32
    %dma_start3A_5 = tpu.memref_slice %arg3[%arg0, %arg1, %dma_start3A_3, %dma_start3A_4] : memref<2x16x250x40xi32, #tpu.memory_space<hbm>> -> memref<1x1x250x40xi32, #tpu.memory_space<hbm>>
    %dma_start3A_6 = tpu.memref_squeeze %dma_start3A_5 : memref<1x1x250x40xi32, #tpu.memory_space<hbm>> -> memref<250x40xi32, #tpu.memory_space<hbm>>
    tpu.enqueue_dma source(%dma_start3A_6 : memref<250x40xi32, #tpu.memory_space<hbm>>) target(%arg6 : memref<250x40xi32, #tpu.memory_space<vmem>>) target_semaphore(%arg15 : memref<!tpu.dma_semaphore, #tpu.memory_space<semaphore_mem>>)
    %dma_start3A_7 = arith.constant 0 : i32
    %dma_start3A_8 = arith.constant 0 : i32
    %dma_start3A_9 = tpu.memref_slice %arg4[%arg0, %arg1, %dma_start3A_7, %dma_start3A_8] : memref<2x16x250x40xi32, #tpu.memory_space<hbm>> -> memref<1x1x250x40xi32, #tpu.memory_space<hbm>>
    %dma_start3A_10 = tpu.memref_squeeze %dma_start3A_9 : memref<1x1x250x40xi32, #tpu.memory_space<hbm>> -> memref<250x40xi32, #tpu.memory_space<hbm>>
    %dma_start3A_11 = arith.constant 0 : i32
    %dma_start3A_12 = arith.constant 0 : i32
    %dma_start3A_13 = tpu.memref_slice %arg4[%arg0, %arg1, %dma_start3A_11, %dma_start3A_12] : memref<2x16x250x40xi32, #tpu.memory_space<hbm>> -> memref<1x1x250x40xi32, #tpu.memory_space<hbm>>
    %dma_start3A_14 = tpu.memref_squeeze %dma_start3A_13 : memref<1x1x250x40xi32, #tpu.memory_space<hbm>> -> memref<250x40xi32, #tpu.memory_space<hbm>>
    tpu.enqueue_dma source(%dma_start3A_14 : memref<250x40xi32, #tpu.memory_space<hbm>>) target(%arg7 : memref<250x40xi32, #tpu.memory_space<vmem>>) target_semaphore(%arg16 : memref<!tpu.dma_semaphore, #tpu.memory_space<semaphore_mem>>)
    %scan3A = arith.constant 0 : i32
    %scan3A_15 = arith.constant 0 : i32
    %scan3A_16 = arith.constant 320 : i32
    %scan3A_17 = arith.addi %scan3A_15, %scan3A_16 : i32
    %scan3A_18 = arith.constant 1 : i32
    %scan3A_19 = scf.for %scan3A_406 = %scan3A_15 to %scan3A_17 step %scan3A_18 iter_args(%scan3A_407 = %scan3A) -> (i32)  : i32 {
      %jit3A = arith.constant 8 : i32
      %div3A = arith.divsi %scan3A_406, %jit3A : i32
      %sign3A = arith.constant 0 : i32
      %sign3A_408 = arith.cmpi sgt, %scan3A_406, %sign3A : i32
      %sign3A_409 = arith.extui %sign3A_408 : i1 to i32
      %sign3A_410 = arith.constant 0 : i32
      %sign3A_411 = arith.cmpi slt, %scan3A_406, %sign3A_410 : i32
      %sign3A_412 = arith.extui %sign3A_411 : i1 to i32
      %sign3A_413 = arith.subi %sign3A_409, %sign3A_412 : i32
      %sign3A_414 = arith.constant 0 : i32
      %sign3A_415 = arith.cmpi sgt, %jit3A, %sign3A_414 : i32
      %sign3A_416 = arith.extui %sign3A_415 : i1 to i32
      %sign3A_417 = arith.constant 0 : i32
      %sign3A_418 = arith.cmpi slt, %jit3A, %sign3A_417 : i32
      %sign3A_419 = arith.extui %sign3A_418 : i1 to i32
      %sign3A_420 = arith.subi %sign3A_416, %sign3A_419 : i32
      %ne3A = arith.cmpi ne, %sign3A_413, %sign3A_420 : i32
      %rem3A = arith.remsi %scan3A_406, %jit3A : i32
      %ne3A_421 = arith.constant 0 : i32
      %ne3A_422 = arith.cmpi ne, %rem3A, %ne3A_421 : i32
      %and3A = arith.andi %ne3A, %ne3A_422 : i1
      %sub3A_423 = arith.constant 1 : i32
      %sub3A_424 = arith.subi %div3A, %sub3A_423 : i32
      %select_n3A = arith.select %and3A, %sub3A_424, %div3A : i32
      %jit3A_425 = arith.constant 8 : i32
      %eq3A_426 = arith.constant 0 : i32
      %eq3A_427 = arith.cmpi eq, %jit3A_425, %eq3A_426 : i32
      %jit3A_428 = arith.constant 1 : i32
      %select_n3A_429 = arith.select %eq3A_427, %jit3A_428, %jit3A_425 : i32
      %rem3A_430 = arith.remsi %scan3A_406, %select_n3A_429 : i32
      %ne3A_431 = arith.constant 0 : i32
      %ne3A_432 = arith.cmpi ne, %rem3A_430, %ne3A_431 : i32
      %lt3A = arith.constant 0 : i32
      %lt3A_433 = arith.cmpi slt, %rem3A_430, %lt3A : i32
      %lt3A_434 = arith.constant 0 : i32
      %lt3A_435 = arith.cmpi slt, %select_n3A_429, %lt3A_434 : i32
      %ne3A_436 = arith.xori %lt3A_433, %lt3A_435 : i1
      %and3A_437 = arith.andi %ne3A_436, %ne3A_432 : i1
      %add3A_438 = arith.addi %rem3A_430, %select_n3A_429 : i32
      %select_n3A_439 = arith.select %and3A_437, %add3A_438, %rem3A_430 : i32
      %mul3A_440 = arith.constant 16 : i32
      %mul3A_441 = arith.muli %select_n3A_439, %mul3A_440 : i32
      %broadcast_in_dim3A = arith.constant 0.000000e+00 : f32
      %broadcast_in_dim3A_442 = vector.broadcast %broadcast_in_dim3A : f32 to vector<16xf32>
      %swap3A = arith.index_cast %select_n3A : i32 to index
      %swap3A_443 = arith.index_cast %mul3A_441 : i32 to index
      %swap3A_444 = tpu.vector_load %arg8[%swap3A, %swap3A_443] {strides = array<i32>} : memref<40x128xf32, #tpu.memory_space<vmem>>, vector<1x16xf32>,
      %swap3A_445 = vector.shape_cast %swap3A_444 : vector<1x16xf32> to vector<16xf32>
      %swap3A_446 = vector.shape_cast %broadcast_in_dim3A_442 : vector<16xf32> to vector<1x16xf32>
      tpu.vector_store %arg8[%swap3A, %swap3A_443], %swap3A_446 {strides = array<i32>} : memref<40x128xf32, #tpu.memory_space<vmem>>, vector<1x16xf32>,
      %scan3A_447 = arith.constant 0 : i32
      scf.yield %scan3A_447 : i32
    }
    %scan3A_20 = arith.constant 320 : i32
    %mul3A = arith.constant 624 : i32
    %mul3A_21 = arith.muli %arg1, %mul3A : i32
    %add3A = arith.constant 0 : i32
    %add3A_22 = arith.addi %mul3A_21, %add3A : i32
    %dma_start3A_23 = arith.constant 0 : i32
    %dma_start3A_24 = tpu.memref_slice %arg26[%add3A_22, %dma_start3A_23] : memref<10000x128xf32, #tpu.memory_space<vmem_shared>> -> memref<40x128xf32, #tpu.memory_space<vmem_shared>>
    %dma_start3A_25 = arith.constant 0 : i32
    %dma_start3A_26 = tpu.memref_slice %arg26[%add3A_22, %dma_start3A_25] : memref<10000x128xf32, #tpu.memory_space<vmem_shared>> -> memref<40x128xf32, #tpu.memory_space<vmem_shared>>
    tpu.enqueue_dma source(%arg8 : memref<40x128xf32, #tpu.memory_space<vmem>>) target(%dma_start3A_26 : memref<40x128xf32, #tpu.memory_space<vmem_shared>>) target_semaphore(%arg14 : memref<!tpu.dma_semaphore, #tpu.memory_space<semaphore_mem>>)
    %add3A_27 = arith.constant 40 : i32
    %add3A_28 = arith.addi %mul3A_21, %add3A_27 : i32
    %dma_start3A_29 = arith.constant 0 : i32
    %dma_start3A_30 = tpu.memref_slice %arg26[%add3A_28, %dma_start3A_29] : memref<10000x128xf32, #tpu.memory_space<vmem_shared>> -> memref<40x128xf32, #tpu.memory_space<vmem_shared>>
    %dma_start3A_31 = arith.constant 0 : i32
    %dma_start3A_32 = tpu.memref_slice %arg26[%add3A_28, %dma_start3A_31] : memref<10000x128xf32, #tpu.memory_space<vmem_shared>> -> memref<40x128xf32, #tpu.memory_space<vmem_shared>>
    tpu.enqueue_dma source(%arg8 : memref<40x128xf32, #tpu.memory_space<vmem>>) target(%dma_start3A_32 : memref<40x128xf32, #tpu.memory_space<vmem_shared>>) target_semaphore(%arg14 : memref<!tpu.dma_semaphore, #tpu.memory_space<semaphore_mem>>)
    %add3A_33 = arith.constant 80 : i32
    %add3A_34 = arith.addi %mul3A_21, %add3A_33 : i32
    %dma_start3A_35 = arith.constant 0 : i32
    %dma_start3A_36 = tpu.memref_slice %arg26[%add3A_34, %dma_start3A_35] : memref<10000x128xf32, #tpu.memory_space<vmem_shared>> -> memref<40x128xf32, #tpu.memory_space<vmem_shared>>
    %dma_start3A_37 = arith.constant 0 : i32
    %dma_start3A_38 = tpu.memref_slice %arg26[%add3A_34, %dma_start3A_37] : memref<10000x128xf32, #tpu.memory_space<vmem_shared>> -> memref<40x128xf32, #tpu.memory_space<vmem_shared>>
    tpu.enqueue_dma source(%arg8 : memref<40x128xf32, #tpu.memory_space<vmem>>) target(%dma_start3A_38 : memref<40x128xf32, #tpu.memory_space<vmem_shared>>) target_semaphore(%arg14 : memref<!tpu.dma_semaphore, #tpu.memory_space<semaphore_mem>>)
    %add3A_39 = arith.constant 120 : i32
    %add3A_40 = arith.addi %mul3A_21, %add3A_39 : i32
    %dma_start3A_41 = arith.constant 0 : i32
    %dma_start3A_42 = tpu.memref_slice %arg26[%add3A_40, %dma_start3A_41] : memref<10000x128xf32, #tpu.memory_space<vmem_shared>> -> memref<40x128xf32, #tpu.memory_space<vmem_shared>>
    %dma_start3A_43 = arith.constant 0 : i32
    %dma_start3A_44 = tpu.memref_slice %arg26[%add3A_40, %dma_start3A_43] : memref<10000x128xf32, #tpu.memory_space<vmem_shared>> -> memref<40x128xf32, #tpu.memory_space<vmem_shared>>
    tpu.enqueue_dma source(%arg8 : memref<40x128xf32, #tpu.memory_space<vmem>>) target(%dma_start3A_44 : memref<40x128xf32, #tpu.memory_space<vmem_shared>>) target_semaphore(%arg14 : memref<!tpu.dma_semaphore, #tpu.memory_space<semaphore_mem>>)
    %add3A_45 = arith.constant 160 : i32
    %add3A_46 = arith.addi %mul3A_21, %add3A_45 : i32
    %dma_start3A_47 = arith.constant 0 : i32
    %dma_start3A_48 = tpu.memref_slice %arg26[%add3A_46, %dma_start3A_47] : memref<10000x128xf32, #tpu.memory_space<vmem_shared>> -> memref<40x128xf32, #tpu.memory_space<vmem_shared>>
    %dma_start3A_49 = arith.constant 0 : i32
    %dma_start3A_50 = tpu.memref_slice %arg26[%add3A_46, %dma_start3A_49] : memref<10000x128xf32, #tpu.memory_space<vmem_shared>> -> memref<40x128xf32, #tpu.memory_space<vmem_shared>>
    tpu.enqueue_dma source(%arg8 : memref<40x128xf32, #tpu.memory_space<vmem>>) target(%dma_start3A_50 : memref<40x128xf32, #tpu.memory_space<vmem_shared>>) target_semaphore(%arg14 : memref<!tpu.dma_semaphore, #tpu.memory_space<semaphore_mem>>)
    %add3A_51 = arith.constant 200 : i32
    %add3A_52 = arith.addi %mul3A_21, %add3A_51 : i32
    %dma_start3A_53 = arith.constant 0 : i32
    %dma_start3A_54 = tpu.memref_slice %arg26[%add3A_52, %dma_start3A_53] : memref<10000x128xf32, #tpu.memory_space<vmem_shared>> -> memref<40x128xf32, #tpu.memory_space<vmem_shared>>
    %dma_start3A_55 = arith.constant 0 : i32
    %dma_start3A_56 = tpu.memref_slice %arg26[%add3A_52, %dma_start3A_55] : memref<10000x128xf32, #tpu.memory_space<vmem_shared>> -> memref<40x128xf32, #tpu.memory_space<vmem_shared>>
    tpu.enqueue_dma source(%arg8 : memref<40x128xf32, #tpu.memory_space<vmem>>) target(%dma_start3A_56 : memref<40x128xf32, #tpu.memory_space<vmem_shared>>) target_semaphore(%arg14 : memref<!tpu.dma_semaphore, #tpu.memory_space<semaphore_mem>>)
    %add3A_57 = arith.constant 240 : i32
    %add3A_58 = arith.addi %mul3A_21, %add3A_57 : i32
    %dma_start3A_59 = arith.constant 0 : i32
    %dma_start3A_60 = tpu.memref_slice %arg26[%add3A_58, %dma_start3A_59] : memref<10000x128xf32, #tpu.memory_space<vmem_shared>> -> memref<40x128xf32, #tpu.memory_space<vmem_shared>>
    %dma_start3A_61 = arith.constant 0 : i32
    %dma_start3A_62 = tpu.memref_slice %arg26[%add3A_58, %dma_start3A_61] : memref<10000x128xf32, #tpu.memory_space<vmem_shared>> -> memref<40x128xf32, #tpu.memory_space<vmem_shared>>
    tpu.enqueue_dma source(%arg8 : memref<40x128xf32, #tpu.memory_space<vmem>>) target(%dma_start3A_62 : memref<40x128xf32, #tpu.memory_space<vmem_shared>>) target_semaphore(%arg14 : memref<!tpu.dma_semaphore, #tpu.memory_space<semaphore_mem>>)
    %add3A_63 = arith.constant 280 : i32
    %add3A_64 = arith.addi %mul3A_21, %add3A_63 : i32
    %dma_start3A_65 = arith.constant 0 : i32
    %dma_start3A_66 = tpu.memref_slice %arg26[%add3A_64, %dma_start3A_65] : memref<10000x128xf32, #tpu.memory_space<vmem_shared>> -> memref<40x128xf32, #tpu.memory_space<vmem_shared>>
    %dma_start3A_67 = arith.constant 0 : i32
    %dma_start3A_68 = tpu.memref_slice %arg26[%add3A_64, %dma_start3A_67] : memref<10000x128xf32, #tpu.memory_space<vmem_shared>> -> memref<40x128xf32, #tpu.memory_space<vmem_shared>>
    tpu.enqueue_dma source(%arg8 : memref<40x128xf32, #tpu.memory_space<vmem>>) target(%dma_start3A_68 : memref<40x128xf32, #tpu.memory_space<vmem_shared>>) target_semaphore(%arg14 : memref<!tpu.dma_semaphore, #tpu.memory_space<semaphore_mem>>)
    %add3A_69 = arith.constant 320 : i32
    %add3A_70 = arith.addi %mul3A_21, %add3A_69 : i32
    %dma_start3A_71 = arith.constant 0 : i32
    %dma_start3A_72 = tpu.memref_slice %arg26[%add3A_70, %dma_start3A_71] : memref<10000x128xf32, #tpu.memory_space<vmem_shared>> -> memref<40x128xf32, #tpu.memory_space<vmem_shared>>
    %dma_start3A_73 = arith.constant 0 : i32
    %dma_start3A_74 = tpu.memref_slice %arg26[%add3A_70, %dma_start3A_73] : memref<10000x128xf32, #tpu.memory_space<vmem_shared>> -> memref<40x128xf32, #tpu.memory_space<vmem_shared>>
    tpu.enqueue_dma source(%arg8 : memref<40x128xf32, #tpu.memory_space<vmem>>) target(%dma_start3A_74 : memref<40x128xf32, #tpu.memory_space<vmem_shared>>) target_semaphore(%arg14 : memref<!tpu.dma_semaphore, #tpu.memory_space<semaphore_mem>>)
    %add3A_75 = arith.constant 360 : i32
    %add3A_76 = arith.addi %mul3A_21, %add3A_75 : i32
    %dma_start3A_77 = arith.constant 0 : i32
    %dma_start3A_78 = tpu.memref_slice %arg26[%add3A_76, %dma_start3A_77] : memref<10000x128xf32, #tpu.memory_space<vmem_shared>> -> memref<40x128xf32, #tpu.memory_space<vmem_shared>>
    %dma_start3A_79 = arith.constant 0 : i32
    %dma_start3A_80 = tpu.memref_slice %arg26[%add3A_76, %dma_start3A_79] : memref<10000x128xf32, #tpu.memory_space<vmem_shared>> -> memref<40x128xf32, #tpu.memory_space<vmem_shared>>
    tpu.enqueue_dma source(%arg8 : memref<40x128xf32, #tpu.memory_space<vmem>>) target(%dma_start3A_80 : memref<40x128xf32, #tpu.memory_space<vmem_shared>>) target_semaphore(%arg14 : memref<!tpu.dma_semaphore, #tpu.memory_space<semaphore_mem>>)
    %add3A_81 = arith.constant 400 : i32
    %add3A_82 = arith.addi %mul3A_21, %add3A_81 : i32
    %dma_start3A_83 = arith.constant 0 : i32
    %dma_start3A_84 = tpu.memref_slice %arg26[%add3A_82, %dma_start3A_83] : memref<10000x128xf32, #tpu.memory_space<vmem_shared>> -> memref<40x128xf32, #tpu.memory_space<vmem_shared>>
    %dma_start3A_85 = arith.constant 0 : i32
    %dma_start3A_86 = tpu.memref_slice %arg26[%add3A_82, %dma_start3A_85] : memref<10000x128xf32, #tpu.memory_space<vmem_shared>> -> memref<40x128xf32, #tpu.memory_space<vmem_shared>>
    tpu.enqueue_dma source(%arg8 : memref<40x128xf32, #tpu.memory_space<vmem>>) target(%dma_start3A_86 : memref<40x128xf32, #tpu.memory_space<vmem_shared>>) target_semaphore(%arg14 : memref<!tpu.dma_semaphore, #tpu.memory_space<semaphore_mem>>)
    %add3A_87 = arith.constant 440 : i32
    %add3A_88 = arith.addi %mul3A_21, %add3A_87 : i32
    %dma_start3A_89 = arith.constant 0 : i32
    %dma_start3A_90 = tpu.memref_slice %arg26[%add3A_88, %dma_start3A_89] : memref<10000x128xf32, #tpu.memory_space<vmem_shared>> -> memref<40x128xf32, #tpu.memory_space<vmem_shared>>
    %dma_start3A_91 = arith.constant 0 : i32
    %dma_start3A_92 = tpu.memref_slice %arg26[%add3A_88, %dma_start3A_91] : memref<10000x128xf32, #tpu.memory_space<vmem_shared>> -> memref<40x128xf32, #tpu.memory_space<vmem_shared>>
    tpu.enqueue_dma source(%arg8 : memref<40x128xf32, #tpu.memory_space<vmem>>) target(%dma_start3A_92 : memref<40x128xf32, #tpu.memory_space<vmem_shared>>) target_semaphore(%arg14 : memref<!tpu.dma_semaphore, #tpu.memory_space<semaphore_mem>>)
    %add3A_93 = arith.constant 480 : i32
    %add3A_94 = arith.addi %mul3A_21, %add3A_93 : i32
    %dma_start3A_95 = arith.constant 0 : i32
    %dma_start3A_96 = tpu.memref_slice %arg26[%add3A_94, %dma_start3A_95] : memref<10000x128xf32, #tpu.memory_space<vmem_shared>> -> memref<40x128xf32, #tpu.memory_space<vmem_shared>>
    %dma_start3A_97 = arith.constant 0 : i32
    %dma_start3A_98 = tpu.memref_slice %arg26[%add3A_94, %dma_start3A_97] : memref<10000x128xf32, #tpu.memory_space<vmem_shared>> -> memref<40x128xf32, #tpu.memory_space<vmem_shared>>
    tpu.enqueue_dma source(%arg8 : memref<40x128xf32, #tpu.memory_space<vmem>>) target(%dma_start3A_98 : memref<40x128xf32, #tpu.memory_space<vmem_shared>>) target_semaphore(%arg14 : memref<!tpu.dma_semaphore, #tpu.memory_space<semaphore_mem>>)
    %add3A_99 = arith.constant 520 : i32
    %add3A_100 = arith.addi %mul3A_21, %add3A_99 : i32
    %dma_start3A_101 = arith.constant 0 : i32
    %dma_start3A_102 = tpu.memref_slice %arg26[%add3A_100, %dma_start3A_101] : memref<10000x128xf32, #tpu.memory_space<vmem_shared>> -> memref<40x128xf32, #tpu.memory_space<vmem_shared>>
    %dma_start3A_103 = arith.constant 0 : i32
    %dma_start3A_104 = tpu.memref_slice %arg26[%add3A_100, %dma_start3A_103] : memref<10000x128xf32, #tpu.memory_space<vmem_shared>> -> memref<40x128xf32, #tpu.memory_space<vmem_shared>>
    tpu.enqueue_dma source(%arg8 : memref<40x128xf32, #tpu.memory_space<vmem>>) target(%dma_start3A_104 : memref<40x128xf32, #tpu.memory_space<vmem_shared>>) target_semaphore(%arg14 : memref<!tpu.dma_semaphore, #tpu.memory_space<semaphore_mem>>)
    %add3A_105 = arith.constant 560 : i32
    %add3A_106 = arith.addi %mul3A_21, %add3A_105 : i32
    %dma_start3A_107 = arith.constant 0 : i32
    %dma_start3A_108 = tpu.memref_slice %arg26[%add3A_106, %dma_start3A_107] : memref<10000x128xf32, #tpu.memory_space<vmem_shared>> -> memref<40x128xf32, #tpu.memory_space<vmem_shared>>
    %dma_start3A_109 = arith.constant 0 : i32
    %dma_start3A_110 = tpu.memref_slice %arg26[%add3A_106, %dma_start3A_109] : memref<10000x128xf32, #tpu.memory_space<vmem_shared>> -> memref<40x128xf32, #tpu.memory_space<vmem_shared>>
    tpu.enqueue_dma source(%arg8 : memref<40x128xf32, #tpu.memory_space<vmem>>) target(%dma_start3A_110 : memref<40x128xf32, #tpu.memory_space<vmem_shared>>) target_semaphore(%arg14 : memref<!tpu.dma_semaphore, #tpu.memory_space<semaphore_mem>>)
    %add3A_111 = arith.constant 624 : i32
    %add3A_112 = arith.addi %mul3A_21, %add3A_111 : i32
    %sub3A = arith.constant 24 : i32
    %sub3A_113 = arith.subi %add3A_112, %sub3A : i32
    %dma_start3A_114 = arith.constant 0 : i32
    %dma_start3A_115 = arith.constant 0 : i32
    %dma_start3A_116 = tpu.memref_slice %arg8[%dma_start3A_114, %dma_start3A_115] : memref<40x128xf32, #tpu.memory_space<vmem>> -> memref<24x128xf32, #tpu.memory_space<vmem>>
    %dma_start3A_117 = arith.constant 0 : i32
    %dma_start3A_118 = tpu.memref_slice %arg26[%sub3A_113, %dma_start3A_117] : memref<10000x128xf32, #tpu.memory_space<vmem_shared>> -> memref<24x128xf32, #tpu.memory_space<vmem_shared>>
    %dma_start3A_119 = arith.constant 0 : i32
    %dma_start3A_120 = tpu.memref_slice %arg26[%sub3A_113, %dma_start3A_119] : memref<10000x128xf32, #tpu.memory_space<vmem_shared>> -> memref<24x128xf32, #tpu.memory_space<vmem_shared>>
    %dma_start3A_121 = arith.constant 0 : i32
    %dma_start3A_122 = arith.constant 0 : i32
    %dma_start3A_123 = tpu.memref_slice %arg8[%dma_start3A_121, %dma_start3A_122] : memref<40x128xf32, #tpu.memory_space<vmem>> -> memref<24x128xf32, #tpu.memory_space<vmem>>
    tpu.enqueue_dma source(%dma_start3A_123 : memref<24x128xf32, #tpu.memory_space<vmem>>) target(%dma_start3A_120 : memref<24x128xf32, #tpu.memory_space<vmem_shared>>) target_semaphore(%arg14 : memref<!tpu.dma_semaphore, #tpu.memory_space<semaphore_mem>>)
    %eq3A = arith.constant 15 : i32
    %eq3A_124 = arith.cmpi eq, %arg1, %eq3A : i32
    %convert_element_type3A = arith.extui %eq3A_124 : i1 to i32
    %cond3A = arith.constant 0 : i32
    %cond3A_125 = arith.cmpi ne, %convert_element_type3A, %cond3A : i32
    scf.if %cond3A_125 {
      %dma_start3A_406 = arith.constant 0 : i32
      %dma_start3A_407 = arith.constant 0 : i32
      %dma_start3A_408 = tpu.memref_slice %arg8[%dma_start3A_406, %dma_start3A_407] : memref<40x128xf32, #tpu.memory_space<vmem>> -> memref<16x128xf32, #tpu.memory_space<vmem>>
      %dma_start3A_409 = arith.constant 9984 : i32
      %dma_start3A_410 = arith.constant 0 : i32
      %dma_start3A_411 = tpu.memref_slice %arg26[%dma_start3A_409, %dma_start3A_410] : memref<10000x128xf32, #tpu.memory_space<vmem_shared>> -> memref<16x128xf32, #tpu.memory_space<vmem_shared>>
      %dma_start3A_412 = arith.constant 9984 : i32
      %dma_start3A_413 = arith.constant 0 : i32
      %dma_start3A_414 = tpu.memref_slice %arg26[%dma_start3A_412, %dma_start3A_413] : memref<10000x128xf32, #tpu.memory_space<vmem_shared>> -> memref<16x128xf32, #tpu.memory_space<vmem_shared>>
      %dma_start3A_415 = arith.constant 0 : i32
      %dma_start3A_416 = arith.constant 0 : i32
      %dma_start3A_417 = tpu.memref_slice %arg8[%dma_start3A_415, %dma_start3A_416] : memref<40x128xf32, #tpu.memory_space<vmem>> -> memref<16x128xf32, #tpu.memory_space<vmem>>
      tpu.enqueue_dma source(%dma_start3A_417 : memref<16x128xf32, #tpu.memory_space<vmem>>) target(%dma_start3A_414 : memref<16x128xf32, #tpu.memory_space<vmem_shared>>) target_semaphore(%arg17 : memref<!tpu.dma_semaphore, #tpu.memory_space<semaphore_mem>>)
    } else {
    }
    %add3A_126 = arith.constant 0 : i32
    %add3A_127 = arith.addi %mul3A_21, %add3A_126 : i32
    %dma_wait3A = arith.constant 0 : i32
    %dma_wait3A_128 = tpu.memref_slice %arg26[%add3A_127, %dma_wait3A] : memref<10000x128xf32, #tpu.memory_space<vmem_shared>> -> memref<40x128xf32, #tpu.memory_space<vmem_shared>>
    %dma_wait3A_129 = arith.constant 0 : i32
    %dma_wait3A_130 = tpu.memref_slice %arg26[%add3A_127, %dma_wait3A_129] : memref<10000x128xf32, #tpu.memory_space<vmem_shared>> -> memref<40x128xf32, #tpu.memory_space<vmem_shared>>
    tpu.wait_dma2 semaphore(%arg14 : memref<!tpu.dma_semaphore, #tpu.memory_space<semaphore_mem>>) src(%arg8 : memref<40x128xf32, #tpu.memory_space<vmem>>) dst(%dma_wait3A_130 : memref<40x128xf32, #tpu.memory_space<vmem_shared>>)
    %add3A_131 = arith.constant 40 : i32
    %add3A_132 = arith.addi %mul3A_21, %add3A_131 : i32
    %dma_wait3A_133 = arith.constant 0 : i32
    %dma_wait3A_134 = tpu.memref_slice %arg26[%add3A_132, %dma_wait3A_133] : memref<10000x128xf32, #tpu.memory_space<vmem_shared>> -> memref<40x128xf32, #tpu.memory_space<vmem_shared>>
    %dma_wait3A_135 = arith.constant 0 : i32
    %dma_wait3A_136 = tpu.memref_slice %arg26[%add3A_132, %dma_wait3A_135] : memref<10000x128xf32, #tpu.memory_space<vmem_shared>> -> memref<40x128xf32, #tpu.memory_space<vmem_shared>>
    tpu.wait_dma2 semaphore(%arg14 : memref<!tpu.dma_semaphore, #tpu.memory_space<semaphore_mem>>) src(%arg8 : memref<40x128xf32, #tpu.memory_space<vmem>>) dst(%dma_wait3A_136 : memref<40x128xf32, #tpu.memory_space<vmem_shared>>)
    %add3A_137 = arith.constant 80 : i32
    %add3A_138 = arith.addi %mul3A_21, %add3A_137 : i32
    %dma_wait3A_139 = arith.constant 0 : i32
    %dma_wait3A_140 = tpu.memref_slice %arg26[%add3A_138, %dma_wait3A_139] : memref<10000x128xf32, #tpu.memory_space<vmem_shared>> -> memref<40x128xf32, #tpu.memory_space<vmem_shared>>
    %dma_wait3A_141 = arith.constant 0 : i32
    %dma_wait3A_142 = tpu.memref_slice %arg26[%add3A_138, %dma_wait3A_141] : memref<10000x128xf32, #tpu.memory_space<vmem_shared>> -> memref<40x128xf32, #tpu.memory_space<vmem_shared>>
    tpu.wait_dma2 semaphore(%arg14 : memref<!tpu.dma_semaphore, #tpu.memory_space<semaphore_mem>>) src(%arg8 : memref<40x128xf32, #tpu.memory_space<vmem>>) dst(%dma_wait3A_142 : memref<40x128xf32, #tpu.memory_space<vmem_shared>>)
    %add3A_143 = arith.constant 120 : i32
    %add3A_144 = arith.addi %mul3A_21, %add3A_143 : i32
    %dma_wait3A_145 = arith.constant 0 : i32
    %dma_wait3A_146 = tpu.memref_slice %arg26[%add3A_144, %dma_wait3A_145] : memref<10000x128xf32, #tpu.memory_space<vmem_shared>> -> memref<40x128xf32, #tpu.memory_space<vmem_shared>>
    %dma_wait3A_147 = arith.constant 0 : i32
    %dma_wait3A_148 = tpu.memref_slice %arg26[%add3A_144, %dma_wait3A_147] : memref<10000x128xf32, #tpu.memory_space<vmem_shared>> -> memref<40x128xf32, #tpu.memory_space<vmem_shared>>
    tpu.wait_dma2 semaphore(%arg14 : memref<!tpu.dma_semaphore, #tpu.memory_space<semaphore_mem>>) src(%arg8 : memref<40x128xf32, #tpu.memory_space<vmem>>) dst(%dma_wait3A_148 : memref<40x128xf32, #tpu.memory_space<vmem_shared>>)
    %add3A_149 = arith.constant 160 : i32
    %add3A_150 = arith.addi %mul3A_21, %add3A_149 : i32
    %dma_wait3A_151 = arith.constant 0 : i32
    %dma_wait3A_152 = tpu.memref_slice %arg26[%add3A_150, %dma_wait3A_151] : memref<10000x128xf32, #tpu.memory_space<vmem_shared>> -> memref<40x128xf32, #tpu.memory_space<vmem_shared>>
    %dma_wait3A_153 = arith.constant 0 : i32
    %dma_wait3A_154 = tpu.memref_slice %arg26[%add3A_150, %dma_wait3A_153] : memref<10000x128xf32, #tpu.memory_space<vmem_shared>> -> memref<40x128xf32, #tpu.memory_space<vmem_shared>>
    tpu.wait_dma2 semaphore(%arg14 : memref<!tpu.dma_semaphore, #tpu.memory_space<semaphore_mem>>) src(%arg8 : memref<40x128xf32, #tpu.memory_space<vmem>>) dst(%dma_wait3A_154 : memref<40x128xf32, #tpu.memory_space<vmem_shared>>)
    %add3A_155 = arith.constant 200 : i32
    %add3A_156 = arith.addi %mul3A_21, %add3A_155 : i32
    %dma_wait3A_157 = arith.constant 0 : i32
    %dma_wait3A_158 = tpu.memref_slice %arg26[%add3A_156, %dma_wait3A_157] : memref<10000x128xf32, #tpu.memory_space<vmem_shared>> -> memref<40x128xf32, #tpu.memory_space<vmem_shared>>
    %dma_wait3A_159 = arith.constant 0 : i32
    %dma_wait3A_160 = tpu.memref_slice %arg26[%add3A_156, %dma_wait3A_159] : memref<10000x128xf32, #tpu.memory_space<vmem_shared>> -> memref<40x128xf32, #tpu.memory_space<vmem_shared>>
    tpu.wait_dma2 semaphore(%arg14 : memref<!tpu.dma_semaphore, #tpu.memory_space<semaphore_mem>>) src(%arg8 : memref<40x128xf32, #tpu.memory_space<vmem>>) dst(%dma_wait3A_160 : memref<40x128xf32, #tpu.memory_space<vmem_shared>>)
    %add3A_161 = arith.constant 240 : i32
    %add3A_162 = arith.addi %mul3A_21, %add3A_161 : i32
    %dma_wait3A_163 = arith.constant 0 : i32
    %dma_wait3A_164 = tpu.memref_slice %arg26[%add3A_162, %dma_wait3A_163] : memref<10000x128xf32, #tpu.memory_space<vmem_shared>> -> memref<40x128xf32, #tpu.memory_space<vmem_shared>>
    %dma_wait3A_165 = arith.constant 0 : i32
    %dma_wait3A_166 = tpu.memref_slice %arg26[%add3A_162, %dma_wait3A_165] : memref<10000x128xf32, #tpu.memory_space<vmem_shared>> -> memref<40x128xf32, #tpu.memory_space<vmem_shared>>
    tpu.wait_dma2 semaphore(%arg14 : memref<!tpu.dma_semaphore, #tpu.memory_space<semaphore_mem>>) src(%arg8 : memref<40x128xf32, #tpu.memory_space<vmem>>) dst(%dma_wait3A_166 : memref<40x128xf32, #tpu.memory_space<vmem_shared>>)
    %add3A_167 = arith.constant 280 : i32
    %add3A_168 = arith.addi %mul3A_21, %add3A_167 : i32
    %dma_wait3A_169 = arith.constant 0 : i32
    %dma_wait3A_170 = tpu.memref_slice %arg26[%add3A_168, %dma_wait3A_169] : memref<10000x128xf32, #tpu.memory_space<vmem_shared>> -> memref<40x128xf32, #tpu.memory_space<vmem_shared>>
    %dma_wait3A_171 = arith.constant 0 : i32
    %dma_wait3A_172 = tpu.memref_slice %arg26[%add3A_168, %dma_wait3A_171] : memref<10000x128xf32, #tpu.memory_space<vmem_shared>> -> memref<40x128xf32, #tpu.memory_space<vmem_shared>>
    tpu.wait_dma2 semaphore(%arg14 : memref<!tpu.dma_semaphore, #tpu.memory_space<semaphore_mem>>) src(%arg8 : memref<40x128xf32, #tpu.memory_space<vmem>>) dst(%dma_wait3A_172 : memref<40x128xf32, #tpu.memory_space<vmem_shared>>)
    %add3A_173 = arith.constant 320 : i32
    %add3A_174 = arith.addi %mul3A_21, %add3A_173 : i32
    %dma_wait3A_175 = arith.constant 0 : i32
    %dma_wait3A_176 = tpu.memref_slice %arg26[%add3A_174, %dma_wait3A_175] : memref<10000x128xf32, #tpu.memory_space<vmem_shared>> -> memref<40x128xf32, #tpu.memory_space<vmem_shared>>
    %dma_wait3A_177 = arith.constant 0 : i32
    %dma_wait3A_178 = tpu.memref_slice %arg26[%add3A_174, %dma_wait3A_177] : memref<10000x128xf32, #tpu.memory_space<vmem_shared>> -> memref<40x128xf32, #tpu.memory_space<vmem_shared>>
    tpu.wait_dma2 semaphore(%arg14 : memref<!tpu.dma_semaphore, #tpu.memory_space<semaphore_mem>>) src(%arg8 : memref<40x128xf32, #tpu.memory_space<vmem>>) dst(%dma_wait3A_178 : memref<40x128xf32, #tpu.memory_space<vmem_shared>>)
    %add3A_179 = arith.constant 360 : i32
    %add3A_180 = arith.addi %mul3A_21, %add3A_179 : i32
    %dma_wait3A_181 = arith.constant 0 : i32
    %dma_wait3A_182 = tpu.memref_slice %arg26[%add3A_180, %dma_wait3A_181] : memref<10000x128xf32, #tpu.memory_space<vmem_shared>> -> memref<40x128xf32, #tpu.memory_space<vmem_shared>>
    %dma_wait3A_183 = arith.constant 0 : i32
    %dma_wait3A_184 = tpu.memref_slice %arg26[%add3A_180, %dma_wait3A_183] : memref<10000x128xf32, #tpu.memory_space<vmem_shared>> -> memref<40x128xf32, #tpu.memory_space<vmem_shared>>
    tpu.wait_dma2 semaphore(%arg14 : memref<!tpu.dma_semaphore, #tpu.memory_space<semaphore_mem>>) src(%arg8 : memref<40x128xf32, #tpu.memory_space<vmem>>) dst(%dma_wait3A_184 : memref<40x128xf32, #tpu.memory_space<vmem_shared>>)
    %add3A_185 = arith.constant 400 : i32
    %add3A_186 = arith.addi %mul3A_21, %add3A_185 : i32
    %dma_wait3A_187 = arith.constant 0 : i32
    %dma_wait3A_188 = tpu.memref_slice %arg26[%add3A_186, %dma_wait3A_187] : memref<10000x128xf32, #tpu.memory_space<vmem_shared>> -> memref<40x128xf32, #tpu.memory_space<vmem_shared>>
    %dma_wait3A_189 = arith.constant 0 : i32
    %dma_wait3A_190 = tpu.memref_slice %arg26[%add3A_186, %dma_wait3A_189] : memref<10000x128xf32, #tpu.memory_space<vmem_shared>> -> memref<40x128xf32, #tpu.memory_space<vmem_shared>>
    tpu.wait_dma2 semaphore(%arg14 : memref<!tpu.dma_semaphore, #tpu.memory_space<semaphore_mem>>) src(%arg8 : memref<40x128xf32, #tpu.memory_space<vmem>>) dst(%dma_wait3A_190 : memref<40x128xf32, #tpu.memory_space<vmem_shared>>)
    %add3A_191 = arith.constant 440 : i32
    %add3A_192 = arith.addi %mul3A_21, %add3A_191 : i32
    %dma_wait3A_193 = arith.constant 0 : i32
    %dma_wait3A_194 = tpu.memref_slice %arg26[%add3A_192, %dma_wait3A_193] : memref<10000x128xf32, #tpu.memory_space<vmem_shared>> -> memref<40x128xf32, #tpu.memory_space<vmem_shared>>
    %dma_wait3A_195 = arith.constant 0 : i32
    %dma_wait3A_196 = tpu.memref_slice %arg26[%add3A_192, %dma_wait3A_195] : memref<10000x128xf32, #tpu.memory_space<vmem_shared>> -> memref<40x128xf32, #tpu.memory_space<vmem_shared>>
    tpu.wait_dma2 semaphore(%arg14 : memref<!tpu.dma_semaphore, #tpu.memory_space<semaphore_mem>>) src(%arg8 : memref<40x128xf32, #tpu.memory_space<vmem>>) dst(%dma_wait3A_196 : memref<40x128xf32, #tpu.memory_space<vmem_shared>>)
    %add3A_197 = arith.constant 480 : i32
    %add3A_198 = arith.addi %mul3A_21, %add3A_197 : i32
    %dma_wait3A_199 = arith.constant 0 : i32
    %dma_wait3A_200 = tpu.memref_slice %arg26[%add3A_198, %dma_wait3A_199] : memref<10000x128xf32, #tpu.memory_space<vmem_shared>> -> memref<40x128xf32, #tpu.memory_space<vmem_shared>>
    %dma_wait3A_201 = arith.constant 0 : i32
    %dma_wait3A_202 = tpu.memref_slice %arg26[%add3A_198, %dma_wait3A_201] : memref<10000x128xf32, #tpu.memory_space<vmem_shared>> -> memref<40x128xf32, #tpu.memory_space<vmem_shared>>
    tpu.wait_dma2 semaphore(%arg14 : memref<!tpu.dma_semaphore, #tpu.memory_space<semaphore_mem>>) src(%arg8 : memref<40x128xf32, #tpu.memory_space<vmem>>) dst(%dma_wait3A_202 : memref<40x128xf32, #tpu.memory_space<vmem_shared>>)
    %add3A_203 = arith.constant 520 : i32
    %add3A_204 = arith.addi %mul3A_21, %add3A_203 : i32
    %dma_wait3A_205 = arith.constant 0 : i32
    %dma_wait3A_206 = tpu.memref_slice %arg26[%add3A_204, %dma_wait3A_205] : memref<10000x128xf32, #tpu.memory_space<vmem_shared>> -> memref<40x128xf32, #tpu.memory_space<vmem_shared>>
    %dma_wait3A_207 = arith.constant 0 : i32
    %dma_wait3A_208 = tpu.memref_slice %arg26[%add3A_204, %dma_wait3A_207] : memref<10000x128xf32, #tpu.memory_space<vmem_shared>> -> memref<40x128xf32, #tpu.memory_space<vmem_shared>>
    tpu.wait_dma2 semaphore(%arg14 : memref<!tpu.dma_semaphore, #tpu.memory_space<semaphore_mem>>) src(%arg8 : memref<40x128xf32, #tpu.memory_space<vmem>>) dst(%dma_wait3A_208 : memref<40x128xf32, #tpu.memory_space<vmem_shared>>)
    %add3A_209 = arith.constant 560 : i32
    %add3A_210 = arith.addi %mul3A_21, %add3A_209 : i32
    %dma_wait3A_211 = arith.constant 0 : i32
    %dma_wait3A_212 = tpu.memref_slice %arg26[%add3A_210, %dma_wait3A_211] : memref<10000x128xf32, #tpu.memory_space<vmem_shared>> -> memref<40x128xf32, #tpu.memory_space<vmem_shared>>
    %dma_wait3A_213 = arith.constant 0 : i32
    %dma_wait3A_214 = tpu.memref_slice %arg26[%add3A_210, %dma_wait3A_213] : memref<10000x128xf32, #tpu.memory_space<vmem_shared>> -> memref<40x128xf32, #tpu.memory_space<vmem_shared>>
    tpu.wait_dma2 semaphore(%arg14 : memref<!tpu.dma_semaphore, #tpu.memory_space<semaphore_mem>>) src(%arg8 : memref<40x128xf32, #tpu.memory_space<vmem>>) dst(%dma_wait3A_214 : memref<40x128xf32, #tpu.memory_space<vmem_shared>>)
    %add3A_215 = arith.constant 624 : i32
    %add3A_216 = arith.addi %mul3A_21, %add3A_215 : i32
    %sub3A_217 = arith.constant 24 : i32
    %sub3A_218 = arith.subi %add3A_216, %sub3A_217 : i32
    %dma_wait3A_219 = arith.constant 0 : i32
    %dma_wait3A_220 = arith.constant 0 : i32
    %dma_wait3A_221 = tpu.memref_slice %arg8[%dma_wait3A_219, %dma_wait3A_220] : memref<40x128xf32, #tpu.memory_space<vmem>> -> memref<24x128xf32, #tpu.memory_space<vmem>>
    %dma_wait3A_222 = arith.constant 0 : i32
    %dma_wait3A_223 = tpu.memref_slice %arg26[%sub3A_218, %dma_wait3A_222] : memref<10000x128xf32, #tpu.memory_space<vmem_shared>> -> memref<24x128xf32, #tpu.memory_space<vmem_shared>>
    %dma_wait3A_224 = arith.constant 0 : i32
    %dma_wait3A_225 = tpu.memref_slice %arg26[%sub3A_218, %dma_wait3A_224] : memref<10000x128xf32, #tpu.memory_space<vmem_shared>> -> memref<24x128xf32, #tpu.memory_space<vmem_shared>>
    %dma_wait3A_226 = arith.constant 0 : i32
    %dma_wait3A_227 = arith.constant 0 : i32
    %dma_wait3A_228 = tpu.memref_slice %arg8[%dma_wait3A_226, %dma_wait3A_227] : memref<40x128xf32, #tpu.memory_space<vmem>> -> memref<24x128xf32, #tpu.memory_space<vmem>>
    tpu.wait_dma2 semaphore(%arg14 : memref<!tpu.dma_semaphore, #tpu.memory_space<semaphore_mem>>) src(%dma_wait3A_228 : memref<24x128xf32, #tpu.memory_space<vmem>>) dst(%dma_wait3A_225 : memref<24x128xf32, #tpu.memory_space<vmem_shared>>)
    %eq3A_229 = arith.constant 15 : i32
    %eq3A_230 = arith.cmpi eq, %arg1, %eq3A_229 : i32
    %convert_element_type3A_231 = arith.extui %eq3A_230 : i1 to i32
    %cond3A_232 = arith.constant 0 : i32
    %cond3A_233 = arith.cmpi ne, %convert_element_type3A_231, %cond3A_232 : i32
    scf.if %cond3A_233 {
      %dma_wait3A_406 = arith.constant 0 : i32
      %dma_wait3A_407 = arith.constant 0 : i32
      %dma_wait3A_408 = tpu.memref_slice %arg8[%dma_wait3A_406, %dma_wait3A_407] : memref<40x128xf32, #tpu.memory_space<vmem>> -> memref<16x128xf32, #tpu.memory_space<vmem>>
      %dma_wait3A_409 = arith.constant 9984 : i32
      %dma_wait3A_410 = arith.constant 0 : i32
      %dma_wait3A_411 = tpu.memref_slice %arg26[%dma_wait3A_409, %dma_wait3A_410] : memref<10000x128xf32, #tpu.memory_space<vmem_shared>> -> memref<16x128xf32, #tpu.memory_space<vmem_shared>>
      %dma_wait3A_412 = arith.constant 9984 : i32
      %dma_wait3A_413 = arith.constant 0 : i32
      %dma_wait3A_414 = tpu.memref_slice %arg26[%dma_wait3A_412, %dma_wait3A_413] : memref<10000x128xf32, #tpu.memory_space<vmem_shared>> -> memref<16x128xf32, #tpu.memory_space<vmem_shared>>
      %dma_wait3A_415 = arith.constant 0 : i32
      %dma_wait3A_416 = arith.constant 0 : i32
      %dma_wait3A_417 = tpu.memref_slice %arg8[%dma_wait3A_415, %dma_wait3A_416] : memref<40x128xf32, #tpu.memory_space<vmem>> -> memref<16x128xf32, #tpu.memory_space<vmem>>
      tpu.wait_dma2 semaphore(%arg17 : memref<!tpu.dma_semaphore, #tpu.memory_space<semaphore_mem>>) src(%dma_wait3A_417 : memref<16x128xf32, #tpu.memory_space<vmem>>) dst(%dma_wait3A_414 : memref<16x128xf32, #tpu.memory_space<vmem_shared>>)
    } else {
    }
    %dma_wait3A_234 = arith.constant 0 : i32
    %dma_wait3A_235 = arith.constant 0 : i32
    %dma_wait3A_236 = tpu.memref_slice %arg3[%arg0, %arg1, %dma_wait3A_234, %dma_wait3A_235] : memref<2x16x250x40xi32, #tpu.memory_space<hbm>> -> memref<1x1x250x40xi32, #tpu.memory_space<hbm>>
    %dma_wait3A_237 = tpu.memref_squeeze %dma_wait3A_236 : memref<1x1x250x40xi32, #tpu.memory_space<hbm>> -> memref<250x40xi32, #tpu.memory_space<hbm>>
    %dma_wait3A_238 = arith.constant 0 : i32
    %dma_wait3A_239 = arith.constant 0 : i32
    %dma_wait3A_240 = tpu.memref_slice %arg3[%arg0, %arg1, %dma_wait3A_238, %dma_wait3A_239] : memref<2x16x250x40xi32, #tpu.memory_space<hbm>> -> memref<1x1x250x40xi32, #tpu.memory_space<hbm>>
    %dma_wait3A_241 = tpu.memref_squeeze %dma_wait3A_240 : memref<1x1x250x40xi32, #tpu.memory_space<hbm>> -> memref<250x40xi32, #tpu.memory_space<hbm>>
    tpu.wait_dma2 semaphore(%arg15 : memref<!tpu.dma_semaphore, #tpu.memory_space<semaphore_mem>>) src(%dma_wait3A_241 : memref<250x40xi32, #tpu.memory_space<hbm>>) dst(%arg6 : memref<250x40xi32, #tpu.memory_space<vmem>>)
    %dma_wait3A_242 = arith.constant 0 : i32
    %dma_wait3A_243 = arith.constant 0 : i32
    %dma_wait3A_244 = tpu.memref_slice %arg4[%arg0, %arg1, %dma_wait3A_242, %dma_wait3A_243] : memref<2x16x250x40xi32, #tpu.memory_space<hbm>> -> memref<1x1x250x40xi32, #tpu.memory_space<hbm>>
    %dma_wait3A_245 = tpu.memref_squeeze %dma_wait3A_244 : memref<1x1x250x40xi32, #tpu.memory_space<hbm>> -> memref<250x40xi32, #tpu.memory_space<hbm>>
    %dma_wait3A_246 = arith.constant 0 : i32
    %dma_wait3A_247 = arith.constant 0 : i32
    %dma_wait3A_248 = tpu.memref_slice %arg4[%arg0, %arg1, %dma_wait3A_246, %dma_wait3A_247] : memref<2x16x250x40xi32, #tpu.memory_space<hbm>> -> memref<1x1x250x40xi32, #tpu.memory_space<hbm>>
    %dma_wait3A_249 = tpu.memref_squeeze %dma_wait3A_248 : memref<1x1x250x40xi32, #tpu.memory_space<hbm>> -> memref<250x40xi32, #tpu.memory_space<hbm>>
    tpu.wait_dma2 semaphore(%arg16 : memref<!tpu.dma_semaphore, #tpu.memory_space<semaphore_mem>>) src(%dma_wait3A_249 : memref<250x40xi32, #tpu.memory_space<hbm>>) dst(%arg7 : memref<250x40xi32, #tpu.memory_space<vmem>>)
    %barrier3A = arith.constant 0 : index
    tpu.barrier barrier_id(%barrier3A)
    %dma_start3A_250 = arith.constant 0 : i32
    %dma_start3A_251 = arith.constant 0 : i32
    %dma_start3A_252 = tpu.memref_slice %arg6[%dma_start3A_250, %dma_start3A_251] : memref<250x40xi32, #tpu.memory_space<vmem>> -> memref<1x40xi32, #tpu.memory_space<vmem>>
    %dma_start3A_253 = tpu.memref_squeeze %dma_start3A_252 : memref<1x40xi32, #tpu.memory_space<vmem>> -> memref<40xi32, #tpu.memory_space<vmem>>
    %dma_start3A_254 = arith.constant 0 : i32
    %dma_start3A_255 = arith.constant 0 : i32
    %dma_start3A_256 = tpu.memref_slice %arg2[%dma_start3A_254, %dma_start3A_255] : memref<10000x128xf32, #tpu.memory_space<hbm>> -> memref<10000x128xf32, #tpu.memory_space<hbm>>
    tpu.enqueue_indirect_dma source(%dma_start3A_256 : memref<10000x128xf32, #tpu.memory_space<hbm>>) target(%arg8 : memref<40x128xf32, #tpu.memory_space<vmem>>) offsets(%dma_start3A_253 : memref<40xi32, #tpu.memory_space<vmem>>) semaphore(%arg14 : memref<!tpu.dma_semaphore, #tpu.memory_space<semaphore_mem>>)
    %dma_start3A_257 = arith.constant 1 : i32
    %dma_start3A_258 = arith.constant 0 : i32
    %dma_start3A_259 = tpu.memref_slice %arg6[%dma_start3A_257, %dma_start3A_258] : memref<250x40xi32, #tpu.memory_space<vmem>> -> memref<1x40xi32, #tpu.memory_space<vmem>>
    %dma_start3A_260 = tpu.memref_squeeze %dma_start3A_259 : memref<1x40xi32, #tpu.memory_space<vmem>> -> memref<40xi32, #tpu.memory_space<vmem>>
    %dma_start3A_261 = arith.constant 0 : i32
    %dma_start3A_262 = arith.constant 0 : i32
    %dma_start3A_263 = tpu.memref_slice %arg2[%dma_start3A_261, %dma_start3A_262] : memref<10000x128xf32, #tpu.memory_space<hbm>> -> memref<10000x128xf32, #tpu.memory_space<hbm>>
    tpu.enqueue_indirect_dma source(%dma_start3A_263 : memref<10000x128xf32, #tpu.memory_space<hbm>>) target(%arg9 : memref<40x128xf32, #tpu.memory_space<vmem>>) offsets(%dma_start3A_260 : memref<40xi32, #tpu.memory_space<vmem>>) semaphore(%arg15 : memref<!tpu.dma_semaphore, #tpu.memory_space<semaphore_mem>>)
    %dma_start3A_264 = arith.constant 2 : i32
    %dma_start3A_265 = arith.constant 0 : i32
    %dma_start3A_266 = tpu.memref_slice %arg6[%dma_start3A_264, %dma_start3A_265] : memref<250x40xi32, #tpu.memory_space<vmem>> -> memref<1x40xi32, #tpu.memory_space<vmem>>
    %dma_start3A_267 = tpu.memref_squeeze %dma_start3A_266 : memref<1x40xi32, #tpu.memory_space<vmem>> -> memref<40xi32, #tpu.memory_space<vmem>>
    %dma_start3A_268 = arith.constant 0 : i32
    %dma_start3A_269 = arith.constant 0 : i32
    %dma_start3A_270 = tpu.memref_slice %arg2[%dma_start3A_268, %dma_start3A_269] : memref<10000x128xf32, #tpu.memory_space<hbm>> -> memref<10000x128xf32, #tpu.memory_space<hbm>>
    tpu.enqueue_indirect_dma source(%dma_start3A_270 : memref<10000x128xf32, #tpu.memory_space<hbm>>) target(%arg10 : memref<40x128xf32, #tpu.memory_space<vmem>>) offsets(%dma_start3A_267 : memref<40xi32, #tpu.memory_space<vmem>>) semaphore(%arg16 : memref<!tpu.dma_semaphore, #tpu.memory_space<semaphore_mem>>)
    %dma_start3A_271 = arith.constant 3 : i32
    %dma_start3A_272 = arith.constant 0 : i32
    %dma_start3A_273 = tpu.memref_slice %arg6[%dma_start3A_271, %dma_start3A_272] : memref<250x40xi32, #tpu.memory_space<vmem>> -> memref<1x40xi32, #tpu.memory_space<vmem>>
    %dma_start3A_274 = tpu.memref_squeeze %dma_start3A_273 : memref<1x40xi32, #tpu.memory_space<vmem>> -> memref<40xi32, #tpu.memory_space<vmem>>
    %dma_start3A_275 = arith.constant 0 : i32
    %dma_start3A_276 = arith.constant 0 : i32
    %dma_start3A_277 = tpu.memref_slice %arg2[%dma_start3A_275, %dma_start3A_276] : memref<10000x128xf32, #tpu.memory_space<hbm>> -> memref<10000x128xf32, #tpu.memory_space<hbm>>
    tpu.enqueue_indirect_dma source(%dma_start3A_277 : memref<10000x128xf32, #tpu.memory_space<hbm>>) target(%arg11 : memref<40x128xf32, #tpu.memory_space<vmem>>) offsets(%dma_start3A_274 : memref<40xi32, #tpu.memory_space<vmem>>) semaphore(%arg17 : memref<!tpu.dma_semaphore, #tpu.memory_space<semaphore_mem>>)
    %dma_start3A_278 = arith.constant 4 : i32
    %dma_start3A_279 = arith.constant 0 : i32
    %dma_start3A_280 = tpu.memref_slice %arg6[%dma_start3A_278, %dma_start3A_279] : memref<250x40xi32, #tpu.memory_space<vmem>> -> memref<1x40xi32, #tpu.memory_space<vmem>>
    %dma_start3A_281 = tpu.memref_squeeze %dma_start3A_280 : memref<1x40xi32, #tpu.memory_space<vmem>> -> memref<40xi32, #tpu.memory_space<vmem>>
    %dma_start3A_282 = arith.constant 0 : i32
    %dma_start3A_283 = arith.constant 0 : i32
    %dma_start3A_284 = tpu.memref_slice %arg2[%dma_start3A_282, %dma_start3A_283] : memref<10000x128xf32, #tpu.memory_space<hbm>> -> memref<10000x128xf32, #tpu.memory_space<hbm>>
    tpu.enqueue_indirect_dma source(%dma_start3A_284 : memref<10000x128xf32, #tpu.memory_space<hbm>>) target(%arg12 : memref<40x128xf32, #tpu.memory_space<vmem>>) offsets(%dma_start3A_281 : memref<40xi32, #tpu.memory_space<vmem>>) semaphore(%arg18 : memref<!tpu.dma_semaphore, #tpu.memory_space<semaphore_mem>>)
    %scan3A_285 = arith.constant 0 : i32
    %scan3A_286 = arith.constant 0 : i32
    %scan3A_287 = arith.constant 41 : i32
    %scan3A_288 = arith.addi %scan3A_286, %scan3A_287 : i32
    %scan3A_289 = arith.constant 1 : i32
    %scan3A_290 = scf.for %scan3A_406 = %scan3A_286 to %scan3A_288 step %scan3A_289 iter_args(%scan3A_407 = %scan3A_285) -> (i32)  : i32 {
      %mul3A_408 = arith.constant 6 : i32
      %mul3A_409 = arith.muli %scan3A_406, %mul3A_408 : i32
      %add3A_410 = arith.constant 0 : i32
      %add3A_411 = arith.addi %mul3A_409, %add3A_410 : i32
      %dma_wait3A_412 = arith.constant 0 : i32
      %dma_wait3A_413 = tpu.memref_slice %arg6[%add3A_411, %dma_wait3A_412] : memref<250x40xi32, #tpu.memory_space<vmem>> -> memref<1x40xi32, #tpu.memory_space<vmem>>
      %dma_wait3A_414 = tpu.memref_squeeze %dma_wait3A_413 : memref<1x40xi32, #tpu.memory_space<vmem>> -> memref<40xi32, #tpu.memory_space<vmem>>
      %dma_wait3A_415 = arith.constant 0 : i32
      %dma_wait3A_416 = arith.constant 0 : i32
      %dma_wait3A_417 = tpu.memref_slice %arg2[%dma_wait3A_415, %dma_wait3A_416] : memref<10000x128xf32, #tpu.memory_space<hbm>> -> memref<10000x128xf32, #tpu.memory_space<hbm>>
      tpu.wait_indirect_dma semaphore(%arg14 : memref<!tpu.dma_semaphore, #tpu.memory_space<semaphore_mem>>) src(%dma_wait3A_417 : memref<10000x128xf32, #tpu.memory_space<hbm>>) dst(%arg8 : memref<40x128xf32, #tpu.memory_space<vmem>>)
      %dma_start3A_418 = arith.constant 0 : i32
      %dma_start3A_419 = tpu.memref_slice %arg7[%add3A_411, %dma_start3A_418] : memref<250x40xi32, #tpu.memory_space<vmem>> -> memref<1x40xi32, #tpu.memory_space<vmem>>
      %dma_start3A_420 = tpu.memref_squeeze %dma_start3A_419 : memref<1x40xi32, #tpu.memory_space<vmem>> -> memref<40xi32, #tpu.memory_space<vmem>>
      %dma_start3A_421 = arith.constant 0 : i32
      %dma_start3A_422 = arith.constant 0 : i32
      %dma_start3A_423 = tpu.memref_slice %arg26[%dma_start3A_421, %dma_start3A_422] : memref<10000x128xf32, #tpu.memory_space<vmem_shared>> -> memref<10000x128xf32, #tpu.memory_space<vmem_shared>>
      tpu.enqueue_indirect_dma source(%arg8 : memref<40x128xf32, #tpu.memory_space<vmem>>) target(%dma_start3A_423 : memref<10000x128xf32, #tpu.memory_space<vmem_shared>>) offsets(%dma_start3A_420 : memref<40xi32, #tpu.memory_space<vmem>>) semaphore(%arg20 : memref<!tpu.dma_semaphore, #tpu.memory_space<semaphore_mem>>) {add = true}
      %add3A_424 = arith.constant 6 : i32
      %add3A_425 = arith.addi %add3A_411, %add3A_424 : i32
      %sub3A_426 = arith.constant 1 : i32
      %sub3A_427 = arith.subi %add3A_425, %sub3A_426 : i32
      %lt3A = arith.constant 250 : i32
      %lt3A_428 = arith.cmpi slt, %sub3A_427, %lt3A : i32
      %ge3A = arith.constant 1 : i32
      %ge3A_429 = arith.cmpi sge, %add3A_411, %ge3A : i32
      %and3A = arith.andi %lt3A_428, %ge3A_429 : i1
      %convert_element_type3A_430 = arith.extui %and3A : i1 to i32
      %cond3A_431 = arith.constant 0 : i32
      %cond3A_432 = arith.cmpi ne, %convert_element_type3A_430, %cond3A_431 : i32
      scf.if %cond3A_432 {
        %sub3A_604 = arith.constant 1 : i32
        %sub3A_605 = arith.subi %add3A_411, %sub3A_604 : i32
        %dma_wait3A_606 = arith.constant 0 : i32
        %dma_wait3A_607 = tpu.memref_slice %arg7[%sub3A_605, %dma_wait3A_606] : memref<250x40xi32, #tpu.memory_space<vmem>> -> memref<1x40xi32, #tpu.memory_space<vmem>>
        %dma_wait3A_608 = tpu.memref_squeeze %dma_wait3A_607 : memref<1x40xi32, #tpu.memory_space<vmem>> -> memref<40xi32, #tpu.memory_space<vmem>>
        %dma_wait3A_609 = arith.constant 0 : i32
        %dma_wait3A_610 = arith.constant 0 : i32
        %dma_wait3A_611 = tpu.memref_slice %arg26[%dma_wait3A_609, %dma_wait3A_610] : memref<10000x128xf32, #tpu.memory_space<vmem_shared>> -> memref<10000x128xf32, #tpu.memory_space<vmem_shared>>
        tpu.wait_indirect_dma semaphore(%arg25 : memref<!tpu.dma_semaphore, #tpu.memory_space<semaphore_mem>>) src(%arg13 : memref<40x128xf32, #tpu.memory_space<vmem>>) dst(%dma_wait3A_611 : memref<10000x128xf32, #tpu.memory_space<vmem_shared>>)
      } else {
      }
      %lt3A_433 = arith.constant 250 : i32
      %lt3A_434 = arith.cmpi slt, %sub3A_427, %lt3A_433 : i32
      %convert_element_type3A_435 = arith.extui %lt3A_434 : i1 to i32
      %cond3A_436 = arith.constant 0 : i32
      %cond3A_437 = arith.cmpi ne, %convert_element_type3A_435, %cond3A_436 : i32
      scf.if %cond3A_437 {
        %dma_start3A_604 = arith.constant 0 : i32
        %dma_start3A_605 = tpu.memref_slice %arg6[%sub3A_427, %dma_start3A_604] : memref<250x40xi32, #tpu.memory_space<vmem>> -> memref<1x40xi32, #tpu.memory_space<vmem>>
        %dma_start3A_606 = tpu.memref_squeeze %dma_start3A_605 : memref<1x40xi32, #tpu.memory_space<vmem>> -> memref<40xi32, #tpu.memory_space<vmem>>
        %dma_start3A_607 = arith.constant 0 : i32
        %dma_start3A_608 = arith.constant 0 : i32
        %dma_start3A_609 = tpu.memref_slice %arg2[%dma_start3A_607, %dma_start3A_608] : memref<10000x128xf32, #tpu.memory_space<hbm>> -> memref<10000x128xf32, #tpu.memory_space<hbm>>
        tpu.enqueue_indirect_dma source(%dma_start3A_609 : memref<10000x128xf32, #tpu.memory_space<hbm>>) target(%arg13 : memref<40x128xf32, #tpu.memory_space<vmem>>) offsets(%dma_start3A_606 : memref<40xi32, #tpu.memory_space<vmem>>) semaphore(%arg19 : memref<!tpu.dma_semaphore, #tpu.memory_space<semaphore_mem>>)
      } else {
      }
      %mul3A_438 = arith.constant 6 : i32
      %mul3A_439 = arith.muli %scan3A_406, %mul3A_438 : i32
      %add3A_440 = arith.constant 1 : i32
      %add3A_441 = arith.addi %mul3A_439, %add3A_440 : i32
      %dma_wait3A_442 = arith.constant 0 : i32
      %dma_wait3A_443 = tpu.memref_slice %arg6[%add3A_441, %dma_wait3A_442] : memref<250x40xi32, #tpu.memory_space<vmem>> -> memref<1x40xi32, #tpu.memory_space<vmem>>
      %dma_wait3A_444 = tpu.memref_squeeze %dma_wait3A_443 : memref<1x40xi32, #tpu.memory_space<vmem>> -> memref<40xi32, #tpu.memory_space<vmem>>
      %dma_wait3A_445 = arith.constant 0 : i32
      %dma_wait3A_446 = arith.constant 0 : i32
      %dma_wait3A_447 = tpu.memref_slice %arg2[%dma_wait3A_445, %dma_wait3A_446] : memref<10000x128xf32, #tpu.memory_space<hbm>> -> memref<10000x128xf32, #tpu.memory_space<hbm>>
      tpu.wait_indirect_dma semaphore(%arg15 : memref<!tpu.dma_semaphore, #tpu.memory_space<semaphore_mem>>) src(%dma_wait3A_447 : memref<10000x128xf32, #tpu.memory_space<hbm>>) dst(%arg9 : memref<40x128xf32, #tpu.memory_space<vmem>>)
      %dma_start3A_448 = arith.constant 0 : i32
      %dma_start3A_449 = tpu.memref_slice %arg7[%add3A_441, %dma_start3A_448] : memref<250x40xi32, #tpu.memory_space<vmem>> -> memref<1x40xi32, #tpu.memory_space<vmem>>
      %dma_start3A_450 = tpu.memref_squeeze %dma_start3A_449 : memref<1x40xi32, #tpu.memory_space<vmem>> -> memref<40xi32, #tpu.memory_space<vmem>>
      %dma_start3A_451 = arith.constant 0 : i32
      %dma_start3A_452 = arith.constant 0 : i32
      %dma_start3A_453 = tpu.memref_slice %arg26[%dma_start3A_451, %dma_start3A_452] : memref<10000x128xf32, #tpu.memory_space<vmem_shared>> -> memref<10000x128xf32, #tpu.memory_space<vmem_shared>>
      tpu.enqueue_indirect_dma source(%arg9 : memref<40x128xf32, #tpu.memory_space<vmem>>) target(%dma_start3A_453 : memref<10000x128xf32, #tpu.memory_space<vmem_shared>>) offsets(%dma_start3A_450 : memref<40xi32, #tpu.memory_space<vmem>>) semaphore(%arg21 : memref<!tpu.dma_semaphore, #tpu.memory_space<semaphore_mem>>) {add = true}
      %add3A_454 = arith.constant 6 : i32
      %add3A_455 = arith.addi %add3A_441, %add3A_454 : i32
      %sub3A_456 = arith.constant 1 : i32
      %sub3A_457 = arith.subi %add3A_455, %sub3A_456 : i32
      %lt3A_458 = arith.constant 250 : i32
      %lt3A_459 = arith.cmpi slt, %sub3A_457, %lt3A_458 : i32
      %ge3A_460 = arith.constant 1 : i32
      %ge3A_461 = arith.cmpi sge, %add3A_441, %ge3A_460 : i32
      %and3A_462 = arith.andi %lt3A_459, %ge3A_461 : i1
      %convert_element_type3A_463 = arith.extui %and3A_462 : i1 to i32
      %cond3A_464 = arith.constant 0 : i32
      %cond3A_465 = arith.cmpi ne, %convert_element_type3A_463, %cond3A_464 : i32
      scf.if %cond3A_465 {
        %sub3A_604 = arith.constant 1 : i32
        %sub3A_605 = arith.subi %add3A_441, %sub3A_604 : i32
        %dma_wait3A_606 = arith.constant 0 : i32
        %dma_wait3A_607 = tpu.memref_slice %arg7[%sub3A_605, %dma_wait3A_606] : memref<250x40xi32, #tpu.memory_space<vmem>> -> memref<1x40xi32, #tpu.memory_space<vmem>>
        %dma_wait3A_608 = tpu.memref_squeeze %dma_wait3A_607 : memref<1x40xi32, #tpu.memory_space<vmem>> -> memref<40xi32, #tpu.memory_space<vmem>>
        %dma_wait3A_609 = arith.constant 0 : i32
        %dma_wait3A_610 = arith.constant 0 : i32
        %dma_wait3A_611 = tpu.memref_slice %arg26[%dma_wait3A_609, %dma_wait3A_610] : memref<10000x128xf32, #tpu.memory_space<vmem_shared>> -> memref<10000x128xf32, #tpu.memory_space<vmem_shared>>
        tpu.wait_indirect_dma semaphore(%arg20 : memref<!tpu.dma_semaphore, #tpu.memory_space<semaphore_mem>>) src(%arg8 : memref<40x128xf32, #tpu.memory_space<vmem>>) dst(%dma_wait3A_611 : memref<10000x128xf32, #tpu.memory_space<vmem_shared>>)
      } else {
      }
      %lt3A_466 = arith.constant 250 : i32
      %lt3A_467 = arith.cmpi slt, %sub3A_457, %lt3A_466 : i32
      %convert_element_type3A_468 = arith.extui %lt3A_467 : i1 to i32
      %cond3A_469 = arith.constant 0 : i32
      %cond3A_470 = arith.cmpi ne, %convert_element_type3A_468, %cond3A_469 : i32
      scf.if %cond3A_470 {
        %dma_start3A_604 = arith.constant 0 : i32
        %dma_start3A_605 = tpu.memref_slice %arg6[%sub3A_457, %dma_start3A_604] : memref<250x40xi32, #tpu.memory_space<vmem>> -> memref<1x40xi32, #tpu.memory_space<vmem>>
        %dma_start3A_606 = tpu.memref_squeeze %dma_start3A_605 : memref<1x40xi32, #tpu.memory_space<vmem>> -> memref<40xi32, #tpu.memory_space<vmem>>
        %dma_start3A_607 = arith.constant 0 : i32
        %dma_start3A_608 = arith.constant 0 : i32
        %dma_start3A_609 = tpu.memref_slice %arg2[%dma_start3A_607, %dma_start3A_608] : memref<10000x128xf32, #tpu.memory_space<hbm>> -> memref<10000x128xf32, #tpu.memory_space<hbm>>
        tpu.enqueue_indirect_dma source(%dma_start3A_609 : memref<10000x128xf32, #tpu.memory_space<hbm>>) target(%arg8 : memref<40x128xf32, #tpu.memory_space<vmem>>) offsets(%dma_start3A_606 : memref<40xi32, #tpu.memory_space<vmem>>) semaphore(%arg14 : memref<!tpu.dma_semaphore, #tpu.memory_space<semaphore_mem>>)
      } else {
      }
      %mul3A_471 = arith.constant 6 : i32
      %mul3A_472 = arith.muli %scan3A_406, %mul3A_471 : i32
      %add3A_473 = arith.constant 2 : i32
      %add3A_474 = arith.addi %mul3A_472, %add3A_473 : i32
      %dma_wait3A_475 = arith.constant 0 : i32
      %dma_wait3A_476 = tpu.memref_slice %arg6[%add3A_474, %dma_wait3A_475] : memref<250x40xi32, #tpu.memory_space<vmem>> -> memref<1x40xi32, #tpu.memory_space<vmem>>
      %dma_wait3A_477 = tpu.memref_squeeze %dma_wait3A_476 : memref<1x40xi32, #tpu.memory_space<vmem>> -> memref<40xi32, #tpu.memory_space<vmem>>
      %dma_wait3A_478 = arith.constant 0 : i32
      %dma_wait3A_479 = arith.constant 0 : i32
      %dma_wait3A_480 = tpu.memref_slice %arg2[%dma_wait3A_478, %dma_wait3A_479] : memref<10000x128xf32, #tpu.memory_space<hbm>> -> memref<10000x128xf32, #tpu.memory_space<hbm>>
      tpu.wait_indirect_dma semaphore(%arg16 : memref<!tpu.dma_semaphore, #tpu.memory_space<semaphore_mem>>) src(%dma_wait3A_480 : memref<10000x128xf32, #tpu.memory_space<hbm>>) dst(%arg10 : memref<40x128xf32, #tpu.memory_space<vmem>>)
      %dma_start3A_481 = arith.constant 0 : i32
      %dma_start3A_482 = tpu.memref_slice %arg7[%add3A_474, %dma_start3A_481] : memref<250x40xi32, #tpu.memory_space<vmem>> -> memref<1x40xi32, #tpu.memory_space<vmem>>
      %dma_start3A_483 = tpu.memref_squeeze %dma_start3A_482 : memref<1x40xi32, #tpu.memory_space<vmem>> -> memref<40xi32, #tpu.memory_space<vmem>>
      %dma_start3A_484 = arith.constant 0 : i32
      %dma_start3A_485 = arith.constant 0 : i32
      %dma_start3A_486 = tpu.memref_slice %arg26[%dma_start3A_484, %dma_start3A_485] : memref<10000x128xf32, #tpu.memory_space<vmem_shared>> -> memref<10000x128xf32, #tpu.memory_space<vmem_shared>>
      tpu.enqueue_indirect_dma source(%arg10 : memref<40x128xf32, #tpu.memory_space<vmem>>) target(%dma_start3A_486 : memref<10000x128xf32, #tpu.memory_space<vmem_shared>>) offsets(%dma_start3A_483 : memref<40xi32, #tpu.memory_space<vmem>>) semaphore(%arg22 : memref<!tpu.dma_semaphore, #tpu.memory_space<semaphore_mem>>) {add = true}
      %add3A_487 = arith.constant 6 : i32
      %add3A_488 = arith.addi %add3A_474, %add3A_487 : i32
      %sub3A_489 = arith.constant 1 : i32
      %sub3A_490 = arith.subi %add3A_488, %sub3A_489 : i32
      %lt3A_491 = arith.constant 250 : i32
      %lt3A_492 = arith.cmpi slt, %sub3A_490, %lt3A_491 : i32
      %ge3A_493 = arith.constant 1 : i32
      %ge3A_494 = arith.cmpi sge, %add3A_474, %ge3A_493 : i32
      %and3A_495 = arith.andi %lt3A_492, %ge3A_494 : i1
      %convert_element_type3A_496 = arith.extui %and3A_495 : i1 to i32
      %cond3A_497 = arith.constant 0 : i32
      %cond3A_498 = arith.cmpi ne, %convert_element_type3A_496, %cond3A_497 : i32
      scf.if %cond3A_498 {
        %sub3A_604 = arith.constant 1 : i32
        %sub3A_605 = arith.subi %add3A_474, %sub3A_604 : i32
        %dma_wait3A_606 = arith.constant 0 : i32
        %dma_wait3A_607 = tpu.memref_slice %arg7[%sub3A_605, %dma_wait3A_606] : memref<250x40xi32, #tpu.memory_space<vmem>> -> memref<1x40xi32, #tpu.memory_space<vmem>>
        %dma_wait3A_608 = tpu.memref_squeeze %dma_wait3A_607 : memref<1x40xi32, #tpu.memory_space<vmem>> -> memref<40xi32, #tpu.memory_space<vmem>>
        %dma_wait3A_609 = arith.constant 0 : i32
        %dma_wait3A_610 = arith.constant 0 : i32
        %dma_wait3A_611 = tpu.memref_slice %arg26[%dma_wait3A_609, %dma_wait3A_610] : memref<10000x128xf32, #tpu.memory_space<vmem_shared>> -> memref<10000x128xf32, #tpu.memory_space<vmem_shared>>
        tpu.wait_indirect_dma semaphore(%arg21 : memref<!tpu.dma_semaphore, #tpu.memory_space<semaphore_mem>>) src(%arg9 : memref<40x128xf32, #tpu.memory_space<vmem>>) dst(%dma_wait3A_611 : memref<10000x128xf32, #tpu.memory_space<vmem_shared>>)
      } else {
      }
      %lt3A_499 = arith.constant 250 : i32
      %lt3A_500 = arith.cmpi slt, %sub3A_490, %lt3A_499 : i32
      %convert_element_type3A_501 = arith.extui %lt3A_500 : i1 to i32
      %cond3A_502 = arith.constant 0 : i32
      %cond3A_503 = arith.cmpi ne, %convert_element_type3A_501, %cond3A_502 : i32
      scf.if %cond3A_503 {
        %dma_start3A_604 = arith.constant 0 : i32
        %dma_start3A_605 = tpu.memref_slice %arg6[%sub3A_490, %dma_start3A_604] : memref<250x40xi32, #tpu.memory_space<vmem>> -> memref<1x40xi32, #tpu.memory_space<vmem>>
        %dma_start3A_606 = tpu.memref_squeeze %dma_start3A_605 : memref<1x40xi32, #tpu.memory_space<vmem>> -> memref<40xi32, #tpu.memory_space<vmem>>
        %dma_start3A_607 = arith.constant 0 : i32
        %dma_start3A_608 = arith.constant 0 : i32
        %dma_start3A_609 = tpu.memref_slice %arg2[%dma_start3A_607, %dma_start3A_608] : memref<10000x128xf32, #tpu.memory_space<hbm>> -> memref<10000x128xf32, #tpu.memory_space<hbm>>
        tpu.enqueue_indirect_dma source(%dma_start3A_609 : memref<10000x128xf32, #tpu.memory_space<hbm>>) target(%arg9 : memref<40x128xf32, #tpu.memory_space<vmem>>) offsets(%dma_start3A_606 : memref<40xi32, #tpu.memory_space<vmem>>) semaphore(%arg15 : memref<!tpu.dma_semaphore, #tpu.memory_space<semaphore_mem>>)
      } else {
      }
      %mul3A_504 = arith.constant 6 : i32
      %mul3A_505 = arith.muli %scan3A_406, %mul3A_504 : i32
      %add3A_506 = arith.constant 3 : i32
      %add3A_507 = arith.addi %mul3A_505, %add3A_506 : i32
      %dma_wait3A_508 = arith.constant 0 : i32
      %dma_wait3A_509 = tpu.memref_slice %arg6[%add3A_507, %dma_wait3A_508] : memref<250x40xi32, #tpu.memory_space<vmem>> -> memref<1x40xi32, #tpu.memory_space<vmem>>
      %dma_wait3A_510 = tpu.memref_squeeze %dma_wait3A_509 : memref<1x40xi32, #tpu.memory_space<vmem>> -> memref<40xi32, #tpu.memory_space<vmem>>
      %dma_wait3A_511 = arith.constant 0 : i32
      %dma_wait3A_512 = arith.constant 0 : i32
      %dma_wait3A_513 = tpu.memref_slice %arg2[%dma_wait3A_511, %dma_wait3A_512] : memref<10000x128xf32, #tpu.memory_space<hbm>> -> memref<10000x128xf32, #tpu.memory_space<hbm>>
      tpu.wait_indirect_dma semaphore(%arg17 : memref<!tpu.dma_semaphore, #tpu.memory_space<semaphore_mem>>) src(%dma_wait3A_513 : memref<10000x128xf32, #tpu.memory_space<hbm>>) dst(%arg11 : memref<40x128xf32, #tpu.memory_space<vmem>>)
      %dma_start3A_514 = arith.constant 0 : i32
      %dma_start3A_515 = tpu.memref_slice %arg7[%add3A_507, %dma_start3A_514] : memref<250x40xi32, #tpu.memory_space<vmem>> -> memref<1x40xi32, #tpu.memory_space<vmem>>
      %dma_start3A_516 = tpu.memref_squeeze %dma_start3A_515 : memref<1x40xi32, #tpu.memory_space<vmem>> -> memref<40xi32, #tpu.memory_space<vmem>>
      %dma_start3A_517 = arith.constant 0 : i32
      %dma_start3A_518 = arith.constant 0 : i32
      %dma_start3A_519 = tpu.memref_slice %arg26[%dma_start3A_517, %dma_start3A_518] : memref<10000x128xf32, #tpu.memory_space<vmem_shared>> -> memref<10000x128xf32, #tpu.memory_space<vmem_shared>>
      tpu.enqueue_indirect_dma source(%arg11 : memref<40x128xf32, #tpu.memory_space<vmem>>) target(%dma_start3A_519 : memref<10000x128xf32, #tpu.memory_space<vmem_shared>>) offsets(%dma_start3A_516 : memref<40xi32, #tpu.memory_space<vmem>>) semaphore(%arg23 : memref<!tpu.dma_semaphore, #tpu.memory_space<semaphore_mem>>) {add = true}
      %add3A_520 = arith.constant 6 : i32
      %add3A_521 = arith.addi %add3A_507, %add3A_520 : i32
      %sub3A_522 = arith.constant 1 : i32
      %sub3A_523 = arith.subi %add3A_521, %sub3A_522 : i32
      %lt3A_524 = arith.constant 250 : i32
      %lt3A_525 = arith.cmpi slt, %sub3A_523, %lt3A_524 : i32
      %ge3A_526 = arith.constant 1 : i32
      %ge3A_527 = arith.cmpi sge, %add3A_507, %ge3A_526 : i32
      %and3A_528 = arith.andi %lt3A_525, %ge3A_527 : i1
      %convert_element_type3A_529 = arith.extui %and3A_528 : i1 to i32
      %cond3A_530 = arith.constant 0 : i32
      %cond3A_531 = arith.cmpi ne, %convert_element_type3A_529, %cond3A_530 : i32
      scf.if %cond3A_531 {
        %sub3A_604 = arith.constant 1 : i32
        %sub3A_605 = arith.subi %add3A_507, %sub3A_604 : i32
        %dma_wait3A_606 = arith.constant 0 : i32
        %dma_wait3A_607 = tpu.memref_slice %arg7[%sub3A_605, %dma_wait3A_606] : memref<250x40xi32, #tpu.memory_space<vmem>> -> memref<1x40xi32, #tpu.memory_space<vmem>>
        %dma_wait3A_608 = tpu.memref_squeeze %dma_wait3A_607 : memref<1x40xi32, #tpu.memory_space<vmem>> -> memref<40xi32, #tpu.memory_space<vmem>>
        %dma_wait3A_609 = arith.constant 0 : i32
        %dma_wait3A_610 = arith.constant 0 : i32
        %dma_wait3A_611 = tpu.memref_slice %arg26[%dma_wait3A_609, %dma_wait3A_610] : memref<10000x128xf32, #tpu.memory_space<vmem_shared>> -> memref<10000x128xf32, #tpu.memory_space<vmem_shared>>
        tpu.wait_indirect_dma semaphore(%arg22 : memref<!tpu.dma_semaphore, #tpu.memory_space<semaphore_mem>>) src(%arg10 : memref<40x128xf32, #tpu.memory_space<vmem>>) dst(%dma_wait3A_611 : memref<10000x128xf32, #tpu.memory_space<vmem_shared>>)
      } else {
      }
      %lt3A_532 = arith.constant 250 : i32
      %lt3A_533 = arith.cmpi slt, %sub3A_523, %lt3A_532 : i32
      %convert_element_type3A_534 = arith.extui %lt3A_533 : i1 to i32
      %cond3A_535 = arith.constant 0 : i32
      %cond3A_536 = arith.cmpi ne, %convert_element_type3A_534, %cond3A_535 : i32
      scf.if %cond3A_536 {
        %dma_start3A_604 = arith.constant 0 : i32
        %dma_start3A_605 = tpu.memref_slice %arg6[%sub3A_523, %dma_start3A_604] : memref<250x40xi32, #tpu.memory_space<vmem>> -> memref<1x40xi32, #tpu.memory_space<vmem>>
        %dma_start3A_606 = tpu.memref_squeeze %dma_start3A_605 : memref<1x40xi32, #tpu.memory_space<vmem>> -> memref<40xi32, #tpu.memory_space<vmem>>
        %dma_start3A_607 = arith.constant 0 : i32
        %dma_start3A_608 = arith.constant 0 : i32
        %dma_start3A_609 = tpu.memref_slice %arg2[%dma_start3A_607, %dma_start3A_608] : memref<10000x128xf32, #tpu.memory_space<hbm>> -> memref<10000x128xf32, #tpu.memory_space<hbm>>
        tpu.enqueue_indirect_dma source(%dma_start3A_609 : memref<10000x128xf32, #tpu.memory_space<hbm>>) target(%arg10 : memref<40x128xf32, #tpu.memory_space<vmem>>) offsets(%dma_start3A_606 : memref<40xi32, #tpu.memory_space<vmem>>) semaphore(%arg16 : memref<!tpu.dma_semaphore, #tpu.memory_space<semaphore_mem>>)
      } else {
      }
      %mul3A_537 = arith.constant 6 : i32
      %mul3A_538 = arith.muli %scan3A_406, %mul3A_537 : i32
      %add3A_539 = arith.constant 4 : i32
      %add3A_540 = arith.addi %mul3A_538, %add3A_539 : i32
      %dma_wait3A_541 = arith.constant 0 : i32
      %dma_wait3A_542 = tpu.memref_slice %arg6[%add3A_540, %dma_wait3A_541] : memref<250x40xi32, #tpu.memory_space<vmem>> -> memref<1x40xi32, #tpu.memory_space<vmem>>
      %dma_wait3A_543 = tpu.memref_squeeze %dma_wait3A_542 : memref<1x40xi32, #tpu.memory_space<vmem>> -> memref<40xi32, #tpu.memory_space<vmem>>
      %dma_wait3A_544 = arith.constant 0 : i32
      %dma_wait3A_545 = arith.constant 0 : i32
      %dma_wait3A_546 = tpu.memref_slice %arg2[%dma_wait3A_544, %dma_wait3A_545] : memref<10000x128xf32, #tpu.memory_space<hbm>> -> memref<10000x128xf32, #tpu.memory_space<hbm>>
      tpu.wait_indirect_dma semaphore(%arg18 : memref<!tpu.dma_semaphore, #tpu.memory_space<semaphore_mem>>) src(%dma_wait3A_546 : memref<10000x128xf32, #tpu.memory_space<hbm>>) dst(%arg12 : memref<40x128xf32, #tpu.memory_space<vmem>>)
      %dma_start3A_547 = arith.constant 0 : i32
      %dma_start3A_548 = tpu.memref_slice %arg7[%add3A_540, %dma_start3A_547] : memref<250x40xi32, #tpu.memory_space<vmem>> -> memref<1x40xi32, #tpu.memory_space<vmem>>
      %dma_start3A_549 = tpu.memref_squeeze %dma_start3A_548 : memref<1x40xi32, #tpu.memory_space<vmem>> -> memref<40xi32, #tpu.memory_space<vmem>>
      %dma_start3A_550 = arith.constant 0 : i32
      %dma_start3A_551 = arith.constant 0 : i32
      %dma_start3A_552 = tpu.memref_slice %arg26[%dma_start3A_550, %dma_start3A_551] : memref<10000x128xf32, #tpu.memory_space<vmem_shared>> -> memref<10000x128xf32, #tpu.memory_space<vmem_shared>>
      tpu.enqueue_indirect_dma source(%arg12 : memref<40x128xf32, #tpu.memory_space<vmem>>) target(%dma_start3A_552 : memref<10000x128xf32, #tpu.memory_space<vmem_shared>>) offsets(%dma_start3A_549 : memref<40xi32, #tpu.memory_space<vmem>>) semaphore(%arg24 : memref<!tpu.dma_semaphore, #tpu.memory_space<semaphore_mem>>) {add = true}
      %add3A_553 = arith.constant 6 : i32
      %add3A_554 = arith.addi %add3A_540, %add3A_553 : i32
      %sub3A_555 = arith.constant 1 : i32
      %sub3A_556 = arith.subi %add3A_554, %sub3A_555 : i32
      %lt3A_557 = arith.constant 250 : i32
      %lt3A_558 = arith.cmpi slt, %sub3A_556, %lt3A_557 : i32
      %ge3A_559 = arith.constant 1 : i32
      %ge3A_560 = arith.cmpi sge, %add3A_540, %ge3A_559 : i32
      %and3A_561 = arith.andi %lt3A_558, %ge3A_560 : i1
      %convert_element_type3A_562 = arith.extui %and3A_561 : i1 to i32
      %cond3A_563 = arith.constant 0 : i32
      %cond3A_564 = arith.cmpi ne, %convert_element_type3A_562, %cond3A_563 : i32
      scf.if %cond3A_564 {
        %sub3A_604 = arith.constant 1 : i32
        %sub3A_605 = arith.subi %add3A_540, %sub3A_604 : i32
        %dma_wait3A_606 = arith.constant 0 : i32
        %dma_wait3A_607 = tpu.memref_slice %arg7[%sub3A_605, %dma_wait3A_606] : memref<250x40xi32, #tpu.memory_space<vmem>> -> memref<1x40xi32, #tpu.memory_space<vmem>>
        %dma_wait3A_608 = tpu.memref_squeeze %dma_wait3A_607 : memref<1x40xi32, #tpu.memory_space<vmem>> -> memref<40xi32, #tpu.memory_space<vmem>>
        %dma_wait3A_609 = arith.constant 0 : i32
        %dma_wait3A_610 = arith.constant 0 : i32
        %dma_wait3A_611 = tpu.memref_slice %arg26[%dma_wait3A_609, %dma_wait3A_610] : memref<10000x128xf32, #tpu.memory_space<vmem_shared>> -> memref<10000x128xf32, #tpu.memory_space<vmem_shared>>
        tpu.wait_indirect_dma semaphore(%arg23 : memref<!tpu.dma_semaphore, #tpu.memory_space<semaphore_mem>>) src(%arg11 : memref<40x128xf32, #tpu.memory_space<vmem>>) dst(%dma_wait3A_611 : memref<10000x128xf32, #tpu.memory_space<vmem_shared>>)
      } else {
      }
      %lt3A_565 = arith.constant 250 : i32
      %lt3A_566 = arith.cmpi slt, %sub3A_556, %lt3A_565 : i32
      %convert_element_type3A_567 = arith.extui %lt3A_566 : i1 to i32
      %cond3A_568 = arith.constant 0 : i32
      %cond3A_569 = arith.cmpi ne, %convert_element_type3A_567, %cond3A_568 : i32
      scf.if %cond3A_569 {
        %dma_start3A_604 = arith.constant 0 : i32
        %dma_start3A_605 = tpu.memref_slice %arg6[%sub3A_556, %dma_start3A_604] : memref<250x40xi32, #tpu.memory_space<vmem>> -> memref<1x40xi32, #tpu.memory_space<vmem>>
        %dma_start3A_606 = tpu.memref_squeeze %dma_start3A_605 : memref<1x40xi32, #tpu.memory_space<vmem>> -> memref<40xi32, #tpu.memory_space<vmem>>
        %dma_start3A_607 = arith.constant 0 : i32
        %dma_start3A_608 = arith.constant 0 : i32
        %dma_start3A_609 = tpu.memref_slice %arg2[%dma_start3A_607, %dma_start3A_608] : memref<10000x128xf32, #tpu.memory_space<hbm>> -> memref<10000x128xf32, #tpu.memory_space<hbm>>
        tpu.enqueue_indirect_dma source(%dma_start3A_609 : memref<10000x128xf32, #tpu.memory_space<hbm>>) target(%arg11 : memref<40x128xf32, #tpu.memory_space<vmem>>) offsets(%dma_start3A_606 : memref<40xi32, #tpu.memory_space<vmem>>) semaphore(%arg17 : memref<!tpu.dma_semaphore, #tpu.memory_space<semaphore_mem>>)
      } else {
      }
      %mul3A_570 = arith.constant 6 : i32
      %mul3A_571 = arith.muli %scan3A_406, %mul3A_570 : i32
      %add3A_572 = arith.constant 5 : i32
      %add3A_573 = arith.addi %mul3A_571, %add3A_572 : i32
      %dma_wait3A_574 = arith.constant 0 : i32
      %dma_wait3A_575 = tpu.memref_slice %arg6[%add3A_573, %dma_wait3A_574] : memref<250x40xi32, #tpu.memory_space<vmem>> -> memref<1x40xi32, #tpu.memory_space<vmem>>
      %dma_wait3A_576 = tpu.memref_squeeze %dma_wait3A_575 : memref<1x40xi32, #tpu.memory_space<vmem>> -> memref<40xi32, #tpu.memory_space<vmem>>
      %dma_wait3A_577 = arith.constant 0 : i32
      %dma_wait3A_578 = arith.constant 0 : i32
      %dma_wait3A_579 = tpu.memref_slice %arg2[%dma_wait3A_577, %dma_wait3A_578] : memref<10000x128xf32, #tpu.memory_space<hbm>> -> memref<10000x128xf32, #tpu.memory_space<hbm>>
      tpu.wait_indirect_dma semaphore(%arg19 : memref<!tpu.dma_semaphore, #tpu.memory_space<semaphore_mem>>) src(%dma_wait3A_579 : memref<10000x128xf32, #tpu.memory_space<hbm>>) dst(%arg13 : memref<40x128xf32, #tpu.memory_space<vmem>>)
      %dma_start3A_580 = arith.constant 0 : i32
      %dma_start3A_581 = tpu.memref_slice %arg7[%add3A_573, %dma_start3A_580] : memref<250x40xi32, #tpu.memory_space<vmem>> -> memref<1x40xi32, #tpu.memory_space<vmem>>
      %dma_start3A_582 = tpu.memref_squeeze %dma_start3A_581 : memref<1x40xi32, #tpu.memory_space<vmem>> -> memref<40xi32, #tpu.memory_space<vmem>>
      %dma_start3A_583 = arith.constant 0 : i32
      %dma_start3A_584 = arith.constant 0 : i32
      %dma_start3A_585 = tpu.memref_slice %arg26[%dma_start3A_583, %dma_start3A_584] : memref<10000x128xf32, #tpu.memory_space<vmem_shared>> -> memref<10000x128xf32, #tpu.memory_space<vmem_shared>>
      tpu.enqueue_indirect_dma source(%arg13 : memref<40x128xf32, #tpu.memory_space<vmem>>) target(%dma_start3A_585 : memref<10000x128xf32, #tpu.memory_space<vmem_shared>>) offsets(%dma_start3A_582 : memref<40xi32, #tpu.memory_space<vmem>>) semaphore(%arg25 : memref<!tpu.dma_semaphore, #tpu.memory_space<semaphore_mem>>) {add = true}
      %add3A_586 = arith.constant 6 : i32
      %add3A_587 = arith.addi %add3A_573, %add3A_586 : i32
      %sub3A_588 = arith.constant 1 : i32
      %sub3A_589 = arith.subi %add3A_587, %sub3A_588 : i32
      %lt3A_590 = arith.constant 250 : i32
      %lt3A_591 = arith.cmpi slt, %sub3A_589, %lt3A_590 : i32
      %ge3A_592 = arith.constant 1 : i32
      %ge3A_593 = arith.cmpi sge, %add3A_573, %ge3A_592 : i32
      %and3A_594 = arith.andi %lt3A_591, %ge3A_593 : i1
      %convert_element_type3A_595 = arith.extui %and3A_594 : i1 to i32
      %cond3A_596 = arith.constant 0 : i32
      %cond3A_597 = arith.cmpi ne, %convert_element_type3A_595, %cond3A_596 : i32
      scf.if %cond3A_597 {
        %sub3A_604 = arith.constant 1 : i32
        %sub3A_605 = arith.subi %add3A_573, %sub3A_604 : i32
        %dma_wait3A_606 = arith.constant 0 : i32
        %dma_wait3A_607 = tpu.memref_slice %arg7[%sub3A_605, %dma_wait3A_606] : memref<250x40xi32, #tpu.memory_space<vmem>> -> memref<1x40xi32, #tpu.memory_space<vmem>>
        %dma_wait3A_608 = tpu.memref_squeeze %dma_wait3A_607 : memref<1x40xi32, #tpu.memory_space<vmem>> -> memref<40xi32, #tpu.memory_space<vmem>>
        %dma_wait3A_609 = arith.constant 0 : i32
        %dma_wait3A_610 = arith.constant 0 : i32
        %dma_wait3A_611 = tpu.memref_slice %arg26[%dma_wait3A_609, %dma_wait3A_610] : memref<10000x128xf32, #tpu.memory_space<vmem_shared>> -> memref<10000x128xf32, #tpu.memory_space<vmem_shared>>
        tpu.wait_indirect_dma semaphore(%arg24 : memref<!tpu.dma_semaphore, #tpu.memory_space<semaphore_mem>>) src(%arg12 : memref<40x128xf32, #tpu.memory_space<vmem>>) dst(%dma_wait3A_611 : memref<10000x128xf32, #tpu.memory_space<vmem_shared>>)
      } else {
      }
      %lt3A_598 = arith.constant 250 : i32
      %lt3A_599 = arith.cmpi slt, %sub3A_589, %lt3A_598 : i32
      %convert_element_type3A_600 = arith.extui %lt3A_599 : i1 to i32
      %cond3A_601 = arith.constant 0 : i32
      %cond3A_602 = arith.cmpi ne, %convert_element_type3A_600, %cond3A_601 : i32
      scf.if %cond3A_602 {
        %dma_start3A_604 = arith.constant 0 : i32
        %dma_start3A_605 = tpu.memref_slice %arg6[%sub3A_589, %dma_start3A_604] : memref<250x40xi32, #tpu.memory_space<vmem>> -> memref<1x40xi32, #tpu.memory_space<vmem>>
        %dma_start3A_606 = tpu.memref_squeeze %dma_start3A_605 : memref<1x40xi32, #tpu.memory_space<vmem>> -> memref<40xi32, #tpu.memory_space<vmem>>
        %dma_start3A_607 = arith.constant 0 : i32
        %dma_start3A_608 = arith.constant 0 : i32
        %dma_start3A_609 = tpu.memref_slice %arg2[%dma_start3A_607, %dma_start3A_608] : memref<10000x128xf32, #tpu.memory_space<hbm>> -> memref<10000x128xf32, #tpu.memory_space<hbm>>
        tpu.enqueue_indirect_dma source(%dma_start3A_609 : memref<10000x128xf32, #tpu.memory_space<hbm>>) target(%arg12 : memref<40x128xf32, #tpu.memory_space<vmem>>) offsets(%dma_start3A_606 : memref<40xi32, #tpu.memory_space<vmem>>) semaphore(%arg18 : memref<!tpu.dma_semaphore, #tpu.memory_space<semaphore_mem>>)
      } else {
      }
      %scan3A_603 = arith.constant 0 : i32
      scf.yield %scan3A_603 : i32
    }
    %scan3A_291 = arith.constant 41 : i32
    %dma_wait3A_292 = arith.constant 246 : i32
    %dma_wait3A_293 = arith.constant 0 : i32
    %dma_wait3A_294 = tpu.memref_slice %arg6[%dma_wait3A_292, %dma_wait3A_293] : memref<250x40xi32, #tpu.memory_space<vmem>> -> memref<1x40xi32, #tpu.memory_space<vmem>>
    %dma_wait3A_295 = tpu.memref_squeeze %dma_wait3A_294 : memref<1x40xi32, #tpu.memory_space<vmem>> -> memref<40xi32, #tpu.memory_space<vmem>>
    %dma_wait3A_296 = arith.constant 0 : i32
    %dma_wait3A_297 = arith.constant 0 : i32
    %dma_wait3A_298 = tpu.memref_slice %arg2[%dma_wait3A_296, %dma_wait3A_297] : memref<10000x128xf32, #tpu.memory_space<hbm>> -> memref<10000x128xf32, #tpu.memory_space<hbm>>
    tpu.wait_indirect_dma semaphore(%arg14 : memref<!tpu.dma_semaphore, #tpu.memory_space<semaphore_mem>>) src(%dma_wait3A_298 : memref<10000x128xf32, #tpu.memory_space<hbm>>) dst(%arg8 : memref<40x128xf32, #tpu.memory_space<vmem>>)
    %dma_start3A_299 = arith.constant 246 : i32
    %dma_start3A_300 = arith.constant 0 : i32
    %dma_start3A_301 = tpu.memref_slice %arg7[%dma_start3A_299, %dma_start3A_300] : memref<250x40xi32, #tpu.memory_space<vmem>> -> memref<1x40xi32, #tpu.memory_space<vmem>>
    %dma_start3A_302 = tpu.memref_squeeze %dma_start3A_301 : memref<1x40xi32, #tpu.memory_space<vmem>> -> memref<40xi32, #tpu.memory_space<vmem>>
    %dma_start3A_303 = arith.constant 0 : i32
    %dma_start3A_304 = arith.constant 0 : i32
    %dma_start3A_305 = tpu.memref_slice %arg26[%dma_start3A_303, %dma_start3A_304] : memref<10000x128xf32, #tpu.memory_space<vmem_shared>> -> memref<10000x128xf32, #tpu.memory_space<vmem_shared>>
    tpu.enqueue_indirect_dma source(%arg8 : memref<40x128xf32, #tpu.memory_space<vmem>>) target(%dma_start3A_305 : memref<10000x128xf32, #tpu.memory_space<vmem_shared>>) offsets(%dma_start3A_302 : memref<40xi32, #tpu.memory_space<vmem>>) semaphore(%arg20 : memref<!tpu.dma_semaphore, #tpu.memory_space<semaphore_mem>>) {add = true}
    %dma_wait3A_306 = arith.constant 247 : i32
    %dma_wait3A_307 = arith.constant 0 : i32
    %dma_wait3A_308 = tpu.memref_slice %arg6[%dma_wait3A_306, %dma_wait3A_307] : memref<250x40xi32, #tpu.memory_space<vmem>> -> memref<1x40xi32, #tpu.memory_space<vmem>>
    %dma_wait3A_309 = tpu.memref_squeeze %dma_wait3A_308 : memref<1x40xi32, #tpu.memory_space<vmem>> -> memref<40xi32, #tpu.memory_space<vmem>>
    %dma_wait3A_310 = arith.constant 0 : i32
    %dma_wait3A_311 = arith.constant 0 : i32
    %dma_wait3A_312 = tpu.memref_slice %arg2[%dma_wait3A_310, %dma_wait3A_311] : memref<10000x128xf32, #tpu.memory_space<hbm>> -> memref<10000x128xf32, #tpu.memory_space<hbm>>
    tpu.wait_indirect_dma semaphore(%arg15 : memref<!tpu.dma_semaphore, #tpu.memory_space<semaphore_mem>>) src(%dma_wait3A_312 : memref<10000x128xf32, #tpu.memory_space<hbm>>) dst(%arg9 : memref<40x128xf32, #tpu.memory_space<vmem>>)
    %dma_start3A_313 = arith.constant 247 : i32
    %dma_start3A_314 = arith.constant 0 : i32
    %dma_start3A_315 = tpu.memref_slice %arg7[%dma_start3A_313, %dma_start3A_314] : memref<250x40xi32, #tpu.memory_space<vmem>> -> memref<1x40xi32, #tpu.memory_space<vmem>>
    %dma_start3A_316 = tpu.memref_squeeze %dma_start3A_315 : memref<1x40xi32, #tpu.memory_space<vmem>> -> memref<40xi32, #tpu.memory_space<vmem>>
    %dma_start3A_317 = arith.constant 0 : i32
    %dma_start3A_318 = arith.constant 0 : i32
    %dma_start3A_319 = tpu.memref_slice %arg26[%dma_start3A_317, %dma_start3A_318] : memref<10000x128xf32, #tpu.memory_space<vmem_shared>> -> memref<10000x128xf32, #tpu.memory_space<vmem_shared>>
    tpu.enqueue_indirect_dma source(%arg9 : memref<40x128xf32, #tpu.memory_space<vmem>>) target(%dma_start3A_319 : memref<10000x128xf32, #tpu.memory_space<vmem_shared>>) offsets(%dma_start3A_316 : memref<40xi32, #tpu.memory_space<vmem>>) semaphore(%arg21 : memref<!tpu.dma_semaphore, #tpu.memory_space<semaphore_mem>>) {add = true}
    %dma_wait3A_320 = arith.constant 248 : i32
    %dma_wait3A_321 = arith.constant 0 : i32
    %dma_wait3A_322 = tpu.memref_slice %arg6[%dma_wait3A_320, %dma_wait3A_321] : memref<250x40xi32, #tpu.memory_space<vmem>> -> memref<1x40xi32, #tpu.memory_space<vmem>>
    %dma_wait3A_323 = tpu.memref_squeeze %dma_wait3A_322 : memref<1x40xi32, #tpu.memory_space<vmem>> -> memref<40xi32, #tpu.memory_space<vmem>>
    %dma_wait3A_324 = arith.constant 0 : i32
    %dma_wait3A_325 = arith.constant 0 : i32
    %dma_wait3A_326 = tpu.memref_slice %arg2[%dma_wait3A_324, %dma_wait3A_325] : memref<10000x128xf32, #tpu.memory_space<hbm>> -> memref<10000x128xf32, #tpu.memory_space<hbm>>
    tpu.wait_indirect_dma semaphore(%arg16 : memref<!tpu.dma_semaphore, #tpu.memory_space<semaphore_mem>>) src(%dma_wait3A_326 : memref<10000x128xf32, #tpu.memory_space<hbm>>) dst(%arg10 : memref<40x128xf32, #tpu.memory_space<vmem>>)
    %dma_start3A_327 = arith.constant 248 : i32
    %dma_start3A_328 = arith.constant 0 : i32
    %dma_start3A_329 = tpu.memref_slice %arg7[%dma_start3A_327, %dma_start3A_328] : memref<250x40xi32, #tpu.memory_space<vmem>> -> memref<1x40xi32, #tpu.memory_space<vmem>>
    %dma_start3A_330 = tpu.memref_squeeze %dma_start3A_329 : memref<1x40xi32, #tpu.memory_space<vmem>> -> memref<40xi32, #tpu.memory_space<vmem>>
    %dma_start3A_331 = arith.constant 0 : i32
    %dma_start3A_332 = arith.constant 0 : i32
    %dma_start3A_333 = tpu.memref_slice %arg26[%dma_start3A_331, %dma_start3A_332] : memref<10000x128xf32, #tpu.memory_space<vmem_shared>> -> memref<10000x128xf32, #tpu.memory_space<vmem_shared>>
    tpu.enqueue_indirect_dma source(%arg10 : memref<40x128xf32, #tpu.memory_space<vmem>>) target(%dma_start3A_333 : memref<10000x128xf32, #tpu.memory_space<vmem_shared>>) offsets(%dma_start3A_330 : memref<40xi32, #tpu.memory_space<vmem>>) semaphore(%arg22 : memref<!tpu.dma_semaphore, #tpu.memory_space<semaphore_mem>>) {add = true}
    %dma_wait3A_334 = arith.constant 249 : i32
    %dma_wait3A_335 = arith.constant 0 : i32
    %dma_wait3A_336 = tpu.memref_slice %arg6[%dma_wait3A_334, %dma_wait3A_335] : memref<250x40xi32, #tpu.memory_space<vmem>> -> memref<1x40xi32, #tpu.memory_space<vmem>>
    %dma_wait3A_337 = tpu.memref_squeeze %dma_wait3A_336 : memref<1x40xi32, #tpu.memory_space<vmem>> -> memref<40xi32, #tpu.memory_space<vmem>>
    %dma_wait3A_338 = arith.constant 0 : i32
    %dma_wait3A_339 = arith.constant 0 : i32
    %dma_wait3A_340 = tpu.memref_slice %arg2[%dma_wait3A_338, %dma_wait3A_339] : memref<10000x128xf32, #tpu.memory_space<hbm>> -> memref<10000x128xf32, #tpu.memory_space<hbm>>
    tpu.wait_indirect_dma semaphore(%arg17 : memref<!tpu.dma_semaphore, #tpu.memory_space<semaphore_mem>>) src(%dma_wait3A_340 : memref<10000x128xf32, #tpu.memory_space<hbm>>) dst(%arg11 : memref<40x128xf32, #tpu.memory_space<vmem>>)
    %dma_start3A_341 = arith.constant 249 : i32
    %dma_start3A_342 = arith.constant 0 : i32
    %dma_start3A_343 = tpu.memref_slice %arg7[%dma_start3A_341, %dma_start3A_342] : memref<250x40xi32, #tpu.memory_space<vmem>> -> memref<1x40xi32, #tpu.memory_space<vmem>>
    %dma_start3A_344 = tpu.memref_squeeze %dma_start3A_343 : memref<1x40xi32, #tpu.memory_space<vmem>> -> memref<40xi32, #tpu.memory_space<vmem>>
    %dma_start3A_345 = arith.constant 0 : i32
    %dma_start3A_346 = arith.constant 0 : i32
    %dma_start3A_347 = tpu.memref_slice %arg26[%dma_start3A_345, %dma_start3A_346] : memref<10000x128xf32, #tpu.memory_space<vmem_shared>> -> memref<10000x128xf32, #tpu.memory_space<vmem_shared>>
    tpu.enqueue_indirect_dma source(%arg11 : memref<40x128xf32, #tpu.memory_space<vmem>>) target(%dma_start3A_347 : memref<10000x128xf32, #tpu.memory_space<vmem_shared>>) offsets(%dma_start3A_344 : memref<40xi32, #tpu.memory_space<vmem>>) semaphore(%arg23 : memref<!tpu.dma_semaphore, #tpu.memory_space<semaphore_mem>>) {add = true}
    %dma_wait3A_348 = arith.constant 246 : i32
    %dma_wait3A_349 = arith.constant 0 : i32
    %dma_wait3A_350 = tpu.memref_slice %arg7[%dma_wait3A_348, %dma_wait3A_349] : memref<250x40xi32, #tpu.memory_space<vmem>> -> memref<1x40xi32, #tpu.memory_space<vmem>>
    %dma_wait3A_351 = tpu.memref_squeeze %dma_wait3A_350 : memref<1x40xi32, #tpu.memory_space<vmem>> -> memref<40xi32, #tpu.memory_space<vmem>>
    %dma_wait3A_352 = arith.constant 0 : i32
    %dma_wait3A_353 = arith.constant 0 : i32
    %dma_wait3A_354 = tpu.memref_slice %arg26[%dma_wait3A_352, %dma_wait3A_353] : memref<10000x128xf32, #tpu.memory_space<vmem_shared>> -> memref<10000x128xf32, #tpu.memory_space<vmem_shared>>
    tpu.wait_indirect_dma semaphore(%arg20 : memref<!tpu.dma_semaphore, #tpu.memory_space<semaphore_mem>>) src(%arg8 : memref<40x128xf32, #tpu.memory_space<vmem>>) dst(%dma_wait3A_354 : memref<10000x128xf32, #tpu.memory_space<vmem_shared>>)
    %dma_wait3A_355 = arith.constant 247 : i32
    %dma_wait3A_356 = arith.constant 0 : i32
    %dma_wait3A_357 = tpu.memref_slice %arg7[%dma_wait3A_355, %dma_wait3A_356] : memref<250x40xi32, #tpu.memory_space<vmem>> -> memref<1x40xi32, #tpu.memory_space<vmem>>
    %dma_wait3A_358 = tpu.memref_squeeze %dma_wait3A_357 : memref<1x40xi32, #tpu.memory_space<vmem>> -> memref<40xi32, #tpu.memory_space<vmem>>
    %dma_wait3A_359 = arith.constant 0 : i32
    %dma_wait3A_360 = arith.constant 0 : i32
    %dma_wait3A_361 = tpu.memref_slice %arg26[%dma_wait3A_359, %dma_wait3A_360] : memref<10000x128xf32, #tpu.memory_space<vmem_shared>> -> memref<10000x128xf32, #tpu.memory_space<vmem_shared>>
    tpu.wait_indirect_dma semaphore(%arg21 : memref<!tpu.dma_semaphore, #tpu.memory_space<semaphore_mem>>) src(%arg9 : memref<40x128xf32, #tpu.memory_space<vmem>>) dst(%dma_wait3A_361 : memref<10000x128xf32, #tpu.memory_space<vmem_shared>>)
    %dma_wait3A_362 = arith.constant 248 : i32
    %dma_wait3A_363 = arith.constant 0 : i32
    %dma_wait3A_364 = tpu.memref_slice %arg7[%dma_wait3A_362, %dma_wait3A_363] : memref<250x40xi32, #tpu.memory_space<vmem>> -> memref<1x40xi32, #tpu.memory_space<vmem>>
    %dma_wait3A_365 = tpu.memref_squeeze %dma_wait3A_364 : memref<1x40xi32, #tpu.memory_space<vmem>> -> memref<40xi32, #tpu.memory_space<vmem>>
    %dma_wait3A_366 = arith.constant 0 : i32
    %dma_wait3A_367 = arith.constant 0 : i32
    %dma_wait3A_368 = tpu.memref_slice %arg26[%dma_wait3A_366, %dma_wait3A_367] : memref<10000x128xf32, #tpu.memory_space<vmem_shared>> -> memref<10000x128xf32, #tpu.memory_space<vmem_shared>>
    tpu.wait_indirect_dma semaphore(%arg22 : memref<!tpu.dma_semaphore, #tpu.memory_space<semaphore_mem>>) src(%arg10 : memref<40x128xf32, #tpu.memory_space<vmem>>) dst(%dma_wait3A_368 : memref<10000x128xf32, #tpu.memory_space<vmem_shared>>)
    %dma_wait3A_369 = arith.constant 249 : i32
    %dma_wait3A_370 = arith.constant 0 : i32
    %dma_wait3A_371 = tpu.memref_slice %arg7[%dma_wait3A_369, %dma_wait3A_370] : memref<250x40xi32, #tpu.memory_space<vmem>> -> memref<1x40xi32, #tpu.memory_space<vmem>>
    %dma_wait3A_372 = tpu.memref_squeeze %dma_wait3A_371 : memref<1x40xi32, #tpu.memory_space<vmem>> -> memref<40xi32, #tpu.memory_space<vmem>>
    %dma_wait3A_373 = arith.constant 0 : i32
    %dma_wait3A_374 = arith.constant 0 : i32
    %dma_wait3A_375 = tpu.memref_slice %arg26[%dma_wait3A_373, %dma_wait3A_374] : memref<10000x128xf32, #tpu.memory_space<vmem_shared>> -> memref<10000x128xf32, #tpu.memory_space<vmem_shared>>
    tpu.wait_indirect_dma semaphore(%arg23 : memref<!tpu.dma_semaphore, #tpu.memory_space<semaphore_mem>>) src(%arg11 : memref<40x128xf32, #tpu.memory_space<vmem>>) dst(%dma_wait3A_375 : memref<10000x128xf32, #tpu.memory_space<vmem_shared>>)
    %dma_wait3A_376 = arith.constant 244 : i32
    %dma_wait3A_377 = arith.constant 0 : i32
    %dma_wait3A_378 = tpu.memref_slice %arg7[%dma_wait3A_376, %dma_wait3A_377] : memref<250x40xi32, #tpu.memory_space<vmem>> -> memref<1x40xi32, #tpu.memory_space<vmem>>
    %dma_wait3A_379 = tpu.memref_squeeze %dma_wait3A_378 : memref<1x40xi32, #tpu.memory_space<vmem>> -> memref<40xi32, #tpu.memory_space<vmem>>
    %dma_wait3A_380 = arith.constant 0 : i32
    %dma_wait3A_381 = arith.constant 0 : i32
    %dma_wait3A_382 = tpu.memref_slice %arg26[%dma_wait3A_380, %dma_wait3A_381] : memref<10000x128xf32, #tpu.memory_space<vmem_shared>> -> memref<10000x128xf32, #tpu.memory_space<vmem_shared>>
    tpu.wait_indirect_dma semaphore(%arg24 : memref<!tpu.dma_semaphore, #tpu.memory_space<semaphore_mem>>) src(%arg12 : memref<40x128xf32, #tpu.memory_space<vmem>>) dst(%dma_wait3A_382 : memref<10000x128xf32, #tpu.memory_space<vmem_shared>>)
    %dma_wait3A_383 = arith.constant 245 : i32
    %dma_wait3A_384 = arith.constant 0 : i32
    %dma_wait3A_385 = tpu.memref_slice %arg7[%dma_wait3A_383, %dma_wait3A_384] : memref<250x40xi32, #tpu.memory_space<vmem>> -> memref<1x40xi32, #tpu.memory_space<vmem>>
    %dma_wait3A_386 = tpu.memref_squeeze %dma_wait3A_385 : memref<1x40xi32, #tpu.memory_space<vmem>> -> memref<40xi32, #tpu.memory_space<vmem>>
    %dma_wait3A_387 = arith.constant 0 : i32
    %dma_wait3A_388 = arith.constant 0 : i32
    %dma_wait3A_389 = tpu.memref_slice %arg26[%dma_wait3A_387, %dma_wait3A_388] : memref<10000x128xf32, #tpu.memory_space<vmem_shared>> -> memref<10000x128xf32, #tpu.memory_space<vmem_shared>>
    tpu.wait_indirect_dma semaphore(%arg25 : memref<!tpu.dma_semaphore, #tpu.memory_space<semaphore_mem>>) src(%arg13 : memref<40x128xf32, #tpu.memory_space<vmem>>) dst(%dma_wait3A_389 : memref<10000x128xf32, #tpu.memory_space<vmem_shared>>)
    %barrier3A_390 = arith.constant 0 : index
    tpu.barrier barrier_id(%barrier3A_390)
    %dma_start3A_391 = arith.constant 0 : i32
    %dma_start3A_392 = tpu.memref_slice %arg5[%arg0, %mul3A_21, %dma_start3A_391] : memref<2x10000x128xf32, #tpu.memory_space<hbm>> -> memref<1x624x128xf32, #tpu.memory_space<hbm>>
    %dma_start3A_393 = tpu.memref_squeeze %dma_start3A_392 : memref<1x624x128xf32, #tpu.memory_space<hbm>> -> memref<624x128xf32, #tpu.memory_space<hbm>>
    %dma_start3A_394 = arith.constant 0 : i32
    %dma_start3A_395 = tpu.memref_slice %arg26[%mul3A_21, %dma_start3A_394] : memref<10000x128xf32, #tpu.memory_space<vmem_shared>> -> memref<624x128xf32, #tpu.memory_space<vmem_shared>>
    tpu.enqueue_dma source(%dma_start3A_395 : memref<624x128xf32, #tpu.memory_space<vmem_shared>>) target(%dma_start3A_393 : memref<624x128xf32, #tpu.memory_space<hbm>>) target_semaphore(%arg14 : memref<!tpu.dma_semaphore, #tpu.memory_space<semaphore_mem>>)
    %eq3A_396 = arith.constant 15 : i32
    %eq3A_397 = arith.cmpi eq, %arg1, %eq3A_396 : i32
    %convert_element_type3A_398 = arith.extui %eq3A_397 : i1 to i32
    %cond3A_399 = arith.constant 0 : i32
    %cond3A_400 = arith.cmpi ne, %convert_element_type3A_398, %cond3A_399 : i32
    scf.if %cond3A_400 {
      %dma_start3A_406 = arith.constant 9984 : i32
      %dma_start3A_407 = arith.constant 0 : i32
      %dma_start3A_408 = tpu.memref_slice %arg5[%arg0, %dma_start3A_406, %dma_start3A_407] : memref<2x10000x128xf32, #tpu.memory_space<hbm>> -> memref<1x16x128xf32, #tpu.memory_space<hbm>>
      %dma_start3A_409 = tpu.memref_squeeze %dma_start3A_408 : memref<1x16x128xf32, #tpu.memory_space<hbm>> -> memref<16x128xf32, #tpu.memory_space<hbm>>
      %dma_start3A_410 = arith.constant 9984 : i32
      %dma_start3A_411 = arith.constant 0 : i32
      %dma_start3A_412 = tpu.memref_slice %arg26[%dma_start3A_410, %dma_start3A_411] : memref<10000x128xf32, #tpu.memory_space<vmem_shared>> -> memref<16x128xf32, #tpu.memory_space<vmem_shared>>
      tpu.enqueue_dma source(%dma_start3A_412 : memref<16x128xf32, #tpu.memory_space<vmem_shared>>) target(%dma_start3A_409 : memref<16x128xf32, #tpu.memory_space<hbm>>) target_semaphore(%arg15 : memref<!tpu.dma_semaphore, #tpu.memory_space<semaphore_mem>>)
      %dma_wait3A_413 = arith.constant 9984 : i32
      %dma_wait3A_414 = arith.constant 0 : i32
      %dma_wait3A_415 = tpu.memref_slice %arg5[%arg0, %dma_wait3A_413, %dma_wait3A_414] : memref<2x10000x128xf32, #tpu.memory_space<hbm>> -> memref<1x16x128xf32, #tpu.memory_space<hbm>>
      %dma_wait3A_416 = tpu.memref_squeeze %dma_wait3A_415 : memref<1x16x128xf32, #tpu.memory_space<hbm>> -> memref<16x128xf32, #tpu.memory_space<hbm>>
      %dma_wait3A_417 = arith.constant 9984 : i32
      %dma_wait3A_418 = arith.constant 0 : i32
      %dma_wait3A_419 = tpu.memref_slice %arg26[%dma_wait3A_417, %dma_wait3A_418] : memref<10000x128xf32, #tpu.memory_space<vmem_shared>> -> memref<16x128xf32, #tpu.memory_space<vmem_shared>>
      tpu.wait_dma2 semaphore(%arg15 : memref<!tpu.dma_semaphore, #tpu.memory_space<semaphore_mem>>) src(%dma_wait3A_419 : memref<16x128xf32, #tpu.memory_space<vmem_shared>>) dst(%dma_wait3A_416 : memref<16x128xf32, #tpu.memory_space<hbm>>)
    } else {
    }
    %dma_wait3A_401 = arith.constant 0 : i32
    %dma_wait3A_402 = tpu.memref_slice %arg5[%arg0, %mul3A_21, %dma_wait3A_401] : memref<2x10000x128xf32, #tpu.memory_space<hbm>> -> memref<1x624x128xf32, #tpu.memory_space<hbm>>
    %dma_wait3A_403 = tpu.memref_squeeze %dma_wait3A_402 : memref<1x624x128xf32, #tpu.memory_space<hbm>> -> memref<624x128xf32, #tpu.memory_space<hbm>>
    %dma_wait3A_404 = arith.constant 0 : i32
    %dma_wait3A_405 = tpu.memref_slice %arg26[%mul3A_21, %dma_wait3A_404] : memref<10000x128xf32, #tpu.memory_space<vmem_shared>> -> memref<624x128xf32, #tpu.memory_space<vmem_shared>>
    tpu.wait_dma2 semaphore(%arg14 : memref<!tpu.dma_semaphore, #tpu.memory_space<semaphore_mem>>) src(%dma_wait3A_405 : memref<624x128xf32, #tpu.memory_space<vmem_shared>>) dst(%dma_wait3A_403 : memref<624x128xf32, #tpu.memory_space<hbm>>)
    return
  }
}

#map = affine_map<(d0, d1) -> (0, 0)>
#map1 = affine_map<(d0, d1) -> (0, 0, 0, 0)>
#map2 = affine_map<(d0, d1) -> (0, 0, 0)>
module attributes {stable_mosaic.version = 14 : i64} {
  func.func @_spmv_body(%arg0: i32, %arg1: i32, %arg2: memref<10000x128xf32, #tpu.memory_space<hbm>>, %arg3: memref<2x16x250x40xi32, #tpu.memory_space<hbm>>, %arg4: memref<2x16x250x40xi32, #tpu.memory_space<hbm>>, %arg5: memref<2x10000x128xf32, #tpu.memory_space<hbm>>, %arg6: memref<250x40xi32, #tpu.memory_space<vmem>>, %arg7: memref<250x40xi32, #tpu.memory_space<vmem>>, %arg8: memref<40x128xf32, #tpu.memory_space<vmem>>, %arg9: memref<40x128xf32, #tpu.memory_space<vmem>>, %arg10: memref<40x128xf32, #tpu.memory_space<vmem>>, %arg11: memref<40x128xf32, #tpu.memory_space<vmem>>, %arg12: memref<40x128xf32, #tpu.memory_space<vmem>>, %arg13: memref<40x128xf32, #tpu.memory_space<vmem>>, %arg14: memref<!tpu.dma_semaphore, #tpu.memory_space<semaphore_mem>>, %arg15: memref<!tpu.dma_semaphore, #tpu.memory_space<semaphore_mem>>, %arg16: memref<!tpu.dma_semaphore, #tpu.memory_space<semaphore_mem>>, %arg17: memref<!tpu.dma_semaphore, #tpu.memory_space<semaphore_mem>>, %arg18: memref<!tpu.dma_semaphore, #tpu.memory_space<semaphore_mem>>, %arg19: memref<!tpu.dma_semaphore, #tpu.memory_space<semaphore_mem>>, %arg20: memref<!tpu.dma_semaphore, #tpu.memory_space<semaphore_mem>>, %arg21: memref<!tpu.dma_semaphore, #tpu.memory_space<semaphore_mem>>, %arg22: memref<!tpu.dma_semaphore, #tpu.memory_space<semaphore_mem>>, %arg23: memref<!tpu.dma_semaphore, #tpu.memory_space<semaphore_mem>>, %arg24: memref<!tpu.dma_semaphore, #tpu.memory_space<semaphore_mem>>, %arg25: memref<!tpu.dma_semaphore, #tpu.memory_space<semaphore_mem>>, %arg26: memref<10000x128xf32, #tpu.memory_space<vmem_shared>>) attributes {dimension_semantics = [#tpu.dimension_semantics<core_parallel>, #tpu.dimension_semantics<subcore_parallel>], iteration_bounds = array<i64: 2, 16>, scalar_prefetch = 0 : i64, scratch_operands = 21 : i64, tpu.core_type = #tpu.core_type<sc_vector_subcore>, window_params = [{transform_indices = #map}, {transform_indices = #map1}, {transform_indices = #map1}, {transform_indices = #map2}]} {
    %dma_start3A = arith.constant 0 : i32
    %dma_start3A_0 = arith.constant 0 : i32
    %dma_start3A_1 = tpu.memref_slice %arg3[%arg0, %arg1, %dma_start3A, %dma_start3A_0] : memref<2x16x250x40xi32, #tpu.memory_space<hbm>> -> memref<1x1x250x40xi32, #tpu.memory_space<hbm>>
    %dma_start3A_2 = tpu.memref_squeeze %dma_start3A_1 : memref<1x1x250x40xi32, #tpu.memory_space<hbm>> -> memref<250x40xi32, #tpu.memory_space<hbm>>
    %dma_start3A_3 = arith.constant 0 : i32
    %dma_start3A_4 = arith.constant 0 : i32
    %dma_start3A_5 = tpu.memref_slice %arg3[%arg0, %arg1, %dma_start3A_3, %dma_start3A_4] : memref<2x16x250x40xi32, #tpu.memory_space<hbm>> -> memref<1x1x250x40xi32, #tpu.memory_space<hbm>>
    %dma_start3A_6 = tpu.memref_squeeze %dma_start3A_5 : memref<1x1x250x40xi32, #tpu.memory_space<hbm>> -> memref<250x40xi32, #tpu.memory_space<hbm>>
    tpu.enqueue_dma source(%dma_start3A_6 : memref<250x40xi32, #tpu.memory_space<hbm>>) target(%arg6 : memref<250x40xi32, #tpu.memory_space<vmem>>) target_semaphore(%arg15 : memref<!tpu.dma_semaphore, #tpu.memory_space<semaphore_mem>>)
    %dma_start3A_7 = arith.constant 0 : i32
    %dma_start3A_8 = arith.constant 0 : i32
    %dma_start3A_9 = tpu.memref_slice %arg4[%arg0, %arg1, %dma_start3A_7, %dma_start3A_8] : memref<2x16x250x40xi32, #tpu.memory_space<hbm>> -> memref<1x1x250x40xi32, #tpu.memory_space<hbm>>
    %dma_start3A_10 = tpu.memref_squeeze %dma_start3A_9 : memref<1x1x250x40xi32, #tpu.memory_space<hbm>> -> memref<250x40xi32, #tpu.memory_space<hbm>>
    %dma_start3A_11 = arith.constant 0 : i32
    %dma_start3A_12 = arith.constant 0 : i32
    %dma_start3A_13 = tpu.memref_slice %arg4[%arg0, %arg1, %dma_start3A_11, %dma_start3A_12] : memref<2x16x250x40xi32, #tpu.memory_space<hbm>> -> memref<1x1x250x40xi32, #tpu.memory_space<hbm>>
    %dma_start3A_14 = tpu.memref_squeeze %dma_start3A_13 : memref<1x1x250x40xi32, #tpu.memory_space<hbm>> -> memref<250x40xi32, #tpu.memory_space<hbm>>
    tpu.enqueue_dma source(%dma_start3A_14 : memref<250x40xi32, #tpu.memory_space<hbm>>) target(%arg7 : memref<250x40xi32, #tpu.memory_space<vmem>>) target_semaphore(%arg16 : memref<!tpu.dma_semaphore, #tpu.memory_space<semaphore_mem>>)
    %scan3A = arith.constant 0 : i32
    %scan3A_15 = arith.constant 0 : i32
    %scan3A_16 = arith.constant 320 : i32
    %scan3A_17 = arith.addi %scan3A_15, %scan3A_16 : i32
    %scan3A_18 = arith.constant 1 : i32
    %scan3A_19 = scf.for %scan3A_406 = %scan3A_15 to %scan3A_17 step %scan3A_18 iter_args(%scan3A_407 = %scan3A) -> (i32)  : i32 {
      %jit3A = arith.constant 8 : i32
      %div3A = arith.divsi %scan3A_406, %jit3A : i32
      %sign3A = arith.constant 0 : i32
      %sign3A_408 = arith.cmpi sgt, %scan3A_406, %sign3A : i32
      %sign3A_409 = arith.extui %sign3A_408 : i1 to i32
      %sign3A_410 = arith.constant 0 : i32
      %sign3A_411 = arith.cmpi slt, %scan3A_406, %sign3A_410 : i32
      %sign3A_412 = arith.extui %sign3A_411 : i1 to i32
      %sign3A_413 = arith.subi %sign3A_409, %sign3A_412 : i32
      %sign3A_414 = arith.constant 0 : i32
      %sign3A_415 = arith.cmpi sgt, %jit3A, %sign3A_414 : i32
      %sign3A_416 = arith.extui %sign3A_415 : i1 to i32
      %sign3A_417 = arith.constant 0 : i32
      %sign3A_418 = arith.cmpi slt, %jit3A, %sign3A_417 : i32
      %sign3A_419 = arith.extui %sign3A_418 : i1 to i32
      %sign3A_420 = arith.subi %sign3A_416, %sign3A_419 : i32
      %ne3A = arith.cmpi ne, %sign3A_413, %sign3A_420 : i32
      %rem3A = arith.remsi %scan3A_406, %jit3A : i32
      %ne3A_421 = arith.constant 0 : i32
      %ne3A_422 = arith.cmpi ne, %rem3A, %ne3A_421 : i32
      %and3A = arith.andi %ne3A, %ne3A_422 : i1
      %sub3A_423 = arith.constant 1 : i32
      %sub3A_424 = arith.subi %div3A, %sub3A_423 : i32
      %select_n3A = arith.select %and3A, %sub3A_424, %div3A : i32
      %jit3A_425 = arith.constant 8 : i32
      %eq3A_426 = arith.constant 0 : i32
      %eq3A_427 = arith.cmpi eq, %jit3A_425, %eq3A_426 : i32
      %jit3A_428 = arith.constant 1 : i32
      %select_n3A_429 = arith.select %eq3A_427, %jit3A_428, %jit3A_425 : i32
      %rem3A_430 = arith.remsi %scan3A_406, %select_n3A_429 : i32
      %ne3A_431 = arith.constant 0 : i32
      %ne3A_432 = arith.cmpi ne, %rem3A_430, %ne3A_431 : i32
      %lt3A = arith.constant 0 : i32
      %lt3A_433 = arith.cmpi slt, %rem3A_430, %lt3A : i32
      %lt3A_434 = arith.constant 0 : i32
      %lt3A_435 = arith.cmpi slt, %select_n3A_429, %lt3A_434 : i32
      %ne3A_436 = arith.xori %lt3A_433, %lt3A_435 : i1
      %and3A_437 = arith.andi %ne3A_436, %ne3A_432 : i1
      %add3A_438 = arith.addi %rem3A_430, %select_n3A_429 : i32
      %select_n3A_439 = arith.select %and3A_437, %add3A_438, %rem3A_430 : i32
      %mul3A_440 = arith.constant 16 : i32
      %mul3A_441 = arith.muli %select_n3A_439, %mul3A_440 : i32
      %broadcast_in_dim3A = arith.constant 0.000000e+00 : f32
      %broadcast_in_dim3A_442 = vector.broadcast %broadcast_in_dim3A : f32 to vector<16xf32>
      %swap3A = arith.index_cast %select_n3A : i32 to index
      %swap3A_443 = arith.index_cast %mul3A_441 : i32 to index
      %swap3A_444 = tpu.vector_load %arg8[%swap3A, %swap3A_443] {strides = array<i32>} : memref<40x128xf32, #tpu.memory_space<vmem>>, vector<1x16xf32>,
      %swap3A_445 = vector.shape_cast %swap3A_444 : vector<1x16xf32> to vector<16xf32>
      %swap3A_446 = vector.shape_cast %broadcast_in_dim3A_442 : vector<16xf32> to vector<1x16xf32>
      tpu.vector_store %arg8[%swap3A, %swap3A_443], %swap3A_446 {strides = array<i32>} : memref<40x128xf32, #tpu.memory_space<vmem>>, vector<1x16xf32>,
      %scan3A_447 = arith.constant 0 : i32
      scf.yield %scan3A_447 : i32
    }
    %scan3A_20 = arith.constant 320 : i32
    %mul3A = arith.constant 624 : i32
    %mul3A_21 = arith.muli %arg1, %mul3A : i32
    %add3A = arith.constant 0 : i32
    %add3A_22 = arith.addi %mul3A_21, %add3A : i32
    %dma_start3A_23 = arith.constant 0 : i32
    %dma_start3A_24 = tpu.memref_slice %arg26[%add3A_22, %dma_start3A_23] : memref<10000x128xf32, #tpu.memory_space<vmem_shared>> -> memref<40x128xf32, #tpu.memory_space<vmem_shared>>
    %dma_start3A_25 = arith.constant 0 : i32
    %dma_start3A_26 = tpu.memref_slice %arg26[%add3A_22, %dma_start3A_25] : memref<10000x128xf32, #tpu.memory_space<vmem_shared>> -> memref<40x128xf32, #tpu.memory_space<vmem_shared>>
    tpu.enqueue_dma source(%arg8 : memref<40x128xf32, #tpu.memory_space<vmem>>) target(%dma_start3A_26 : memref<40x128xf32, #tpu.memory_space<vmem_shared>>) target_semaphore(%arg14 : memref<!tpu.dma_semaphore, #tpu.memory_space<semaphore_mem>>)
    %add3A_27 = arith.constant 40 : i32
    %add3A_28 = arith.addi %mul3A_21, %add3A_27 : i32
    %dma_start3A_29 = arith.constant 0 : i32
    %dma_start3A_30 = tpu.memref_slice %arg26[%add3A_28, %dma_start3A_29] : memref<10000x128xf32, #tpu.memory_space<vmem_shared>> -> memref<40x128xf32, #tpu.memory_space<vmem_shared>>
    %dma_start3A_31 = arith.constant 0 : i32
    %dma_start3A_32 = tpu.memref_slice %arg26[%add3A_28, %dma_start3A_31] : memref<10000x128xf32, #tpu.memory_space<vmem_shared>> -> memref<40x128xf32, #tpu.memory_space<vmem_shared>>
    tpu.enqueue_dma source(%arg8 : memref<40x128xf32, #tpu.memory_space<vmem>>) target(%dma_start3A_32 : memref<40x128xf32, #tpu.memory_space<vmem_shared>>) target_semaphore(%arg14 : memref<!tpu.dma_semaphore, #tpu.memory_space<semaphore_mem>>)
    %add3A_33 = arith.constant 80 : i32
    %add3A_34 = arith.addi %mul3A_21, %add3A_33 : i32
    %dma_start3A_35 = arith.constant 0 : i32
    %dma_start3A_36 = tpu.memref_slice %arg26[%add3A_34, %dma_start3A_35] : memref<10000x128xf32, #tpu.memory_space<vmem_shared>> -> memref<40x128xf32, #tpu.memory_space<vmem_shared>>
    %dma_start3A_37 = arith.constant 0 : i32
    %dma_start3A_38 = tpu.memref_slice %arg26[%add3A_34, %dma_start3A_37] : memref<10000x128xf32, #tpu.memory_space<vmem_shared>> -> memref<40x128xf32, #tpu.memory_space<vmem_shared>>
    tpu.enqueue_dma source(%arg8 : memref<40x128xf32, #tpu.memory_space<vmem>>) target(%dma_start3A_38 : memref<40x128xf32, #tpu.memory_space<vmem_shared>>) target_semaphore(%arg14 : memref<!tpu.dma_semaphore, #tpu.memory_space<semaphore_mem>>)
    %add3A_39 = arith.constant 120 : i32
    %add3A_40 = arith.addi %mul3A_21, %add3A_39 : i32
    %dma_start3A_41 = arith.constant 0 : i32
    %dma_start3A_42 = tpu.memref_slice %arg26[%add3A_40, %dma_start3A_41] : memref<10000x128xf32, #tpu.memory_space<vmem_shared>> -> memref<40x128xf32, #tpu.memory_space<vmem_shared>>
    %dma_start3A_43 = arith.constant 0 : i32
    %dma_start3A_44 = tpu.memref_slice %arg26[%add3A_40, %dma_start3A_43] : memref<10000x128xf32, #tpu.memory_space<vmem_shared>> -> memref<40x128xf32, #tpu.memory_space<vmem_shared>>
    tpu.enqueue_dma source(%arg8 : memref<40x128xf32, #tpu.memory_space<vmem>>) target(%dma_start3A_44 : memref<40x128xf32, #tpu.memory_space<vmem_shared>>) target_semaphore(%arg14 : memref<!tpu.dma_semaphore, #tpu.memory_space<semaphore_mem>>)
    %add3A_45 = arith.constant 160 : i32
    %add3A_46 = arith.addi %mul3A_21, %add3A_45 : i32
    %dma_start3A_47 = arith.constant 0 : i32
    %dma_start3A_48 = tpu.memref_slice %arg26[%add3A_46, %dma_start3A_47] : memref<10000x128xf32, #tpu.memory_space<vmem_shared>> -> memref<40x128xf32, #tpu.memory_space<vmem_shared>>
    %dma_start3A_49 = arith.constant 0 : i32
    %dma_start3A_50 = tpu.memref_slice %arg26[%add3A_46, %dma_start3A_49] : memref<10000x128xf32, #tpu.memory_space<vmem_shared>> -> memref<40x128xf32, #tpu.memory_space<vmem_shared>>
    tpu.enqueue_dma source(%arg8 : memref<40x128xf32, #tpu.memory_space<vmem>>) target(%dma_start3A_50 : memref<40x128xf32, #tpu.memory_space<vmem_shared>>) target_semaphore(%arg14 : memref<!tpu.dma_semaphore, #tpu.memory_space<semaphore_mem>>)
    %add3A_51 = arith.constant 200 : i32
    %add3A_52 = arith.addi %mul3A_21, %add3A_51 : i32
    %dma_start3A_53 = arith.constant 0 : i32
    %dma_start3A_54 = tpu.memref_slice %arg26[%add3A_52, %dma_start3A_53] : memref<10000x128xf32, #tpu.memory_space<vmem_shared>> -> memref<40x128xf32, #tpu.memory_space<vmem_shared>>
    %dma_start3A_55 = arith.constant 0 : i32
    %dma_start3A_56 = tpu.memref_slice %arg26[%add3A_52, %dma_start3A_55] : memref<10000x128xf32, #tpu.memory_space<vmem_shared>> -> memref<40x128xf32, #tpu.memory_space<vmem_shared>>
    tpu.enqueue_dma source(%arg8 : memref<40x128xf32, #tpu.memory_space<vmem>>) target(%dma_start3A_56 : memref<40x128xf32, #tpu.memory_space<vmem_shared>>) target_semaphore(%arg14 : memref<!tpu.dma_semaphore, #tpu.memory_space<semaphore_mem>>)
    %add3A_57 = arith.constant 240 : i32
    %add3A_58 = arith.addi %mul3A_21, %add3A_57 : i32
    %dma_start3A_59 = arith.constant 0 : i32
    %dma_start3A_60 = tpu.memref_slice %arg26[%add3A_58, %dma_start3A_59] : memref<10000x128xf32, #tpu.memory_space<vmem_shared>> -> memref<40x128xf32, #tpu.memory_space<vmem_shared>>
    %dma_start3A_61 = arith.constant 0 : i32
    %dma_start3A_62 = tpu.memref_slice %arg26[%add3A_58, %dma_start3A_61] : memref<10000x128xf32, #tpu.memory_space<vmem_shared>> -> memref<40x128xf32, #tpu.memory_space<vmem_shared>>
    tpu.enqueue_dma source(%arg8 : memref<40x128xf32, #tpu.memory_space<vmem>>) target(%dma_start3A_62 : memref<40x128xf32, #tpu.memory_space<vmem_shared>>) target_semaphore(%arg14 : memref<!tpu.dma_semaphore, #tpu.memory_space<semaphore_mem>>)
    %add3A_63 = arith.constant 280 : i32
    %add3A_64 = arith.addi %mul3A_21, %add3A_63 : i32
    %dma_start3A_65 = arith.constant 0 : i32
    %dma_start3A_66 = tpu.memref_slice %arg26[%add3A_64, %dma_start3A_65] : memref<10000x128xf32, #tpu.memory_space<vmem_shared>> -> memref<40x128xf32, #tpu.memory_space<vmem_shared>>
    %dma_start3A_67 = arith.constant 0 : i32
    %dma_start3A_68 = tpu.memref_slice %arg26[%add3A_64, %dma_start3A_67] : memref<10000x128xf32, #tpu.memory_space<vmem_shared>> -> memref<40x128xf32, #tpu.memory_space<vmem_shared>>
    tpu.enqueue_dma source(%arg8 : memref<40x128xf32, #tpu.memory_space<vmem>>) target(%dma_start3A_68 : memref<40x128xf32, #tpu.memory_space<vmem_shared>>) target_semaphore(%arg14 : memref<!tpu.dma_semaphore, #tpu.memory_space<semaphore_mem>>)
    %add3A_69 = arith.constant 320 : i32
    %add3A_70 = arith.addi %mul3A_21, %add3A_69 : i32
    %dma_start3A_71 = arith.constant 0 : i32
    %dma_start3A_72 = tpu.memref_slice %arg26[%add3A_70, %dma_start3A_71] : memref<10000x128xf32, #tpu.memory_space<vmem_shared>> -> memref<40x128xf32, #tpu.memory_space<vmem_shared>>
    %dma_start3A_73 = arith.constant 0 : i32
    %dma_start3A_74 = tpu.memref_slice %arg26[%add3A_70, %dma_start3A_73] : memref<10000x128xf32, #tpu.memory_space<vmem_shared>> -> memref<40x128xf32, #tpu.memory_space<vmem_shared>>
    tpu.enqueue_dma source(%arg8 : memref<40x128xf32, #tpu.memory_space<vmem>>) target(%dma_start3A_74 : memref<40x128xf32, #tpu.memory_space<vmem_shared>>) target_semaphore(%arg14 : memref<!tpu.dma_semaphore, #tpu.memory_space<semaphore_mem>>)
    %add3A_75 = arith.constant 360 : i32
    %add3A_76 = arith.addi %mul3A_21, %add3A_75 : i32
    %dma_start3A_77 = arith.constant 0 : i32
    %dma_start3A_78 = tpu.memref_slice %arg26[%add3A_76, %dma_start3A_77] : memref<10000x128xf32, #tpu.memory_space<vmem_shared>> -> memref<40x128xf32, #tpu.memory_space<vmem_shared>>
    %dma_start3A_79 = arith.constant 0 : i32
    %dma_start3A_80 = tpu.memref_slice %arg26[%add3A_76, %dma_start3A_79] : memref<10000x128xf32, #tpu.memory_space<vmem_shared>> -> memref<40x128xf32, #tpu.memory_space<vmem_shared>>
    tpu.enqueue_dma source(%arg8 : memref<40x128xf32, #tpu.memory_space<vmem>>) target(%dma_start3A_80 : memref<40x128xf32, #tpu.memory_space<vmem_shared>>) target_semaphore(%arg14 : memref<!tpu.dma_semaphore, #tpu.memory_space<semaphore_mem>>)
    %add3A_81 = arith.constant 400 : i32
    %add3A_82 = arith.addi %mul3A_21, %add3A_81 : i32
    %dma_start3A_83 = arith.constant 0 : i32
    %dma_start3A_84 = tpu.memref_slice %arg26[%add3A_82, %dma_start3A_83] : memref<10000x128xf32, #tpu.memory_space<vmem_shared>> -> memref<40x128xf32, #tpu.memory_space<vmem_shared>>
    %dma_start3A_85 = arith.constant 0 : i32
    %dma_start3A_86 = tpu.memref_slice %arg26[%add3A_82, %dma_start3A_85] : memref<10000x128xf32, #tpu.memory_space<vmem_shared>> -> memref<40x128xf32, #tpu.memory_space<vmem_shared>>
    tpu.enqueue_dma source(%arg8 : memref<40x128xf32, #tpu.memory_space<vmem>>) target(%dma_start3A_86 : memref<40x128xf32, #tpu.memory_space<vmem_shared>>) target_semaphore(%arg14 : memref<!tpu.dma_semaphore, #tpu.memory_space<semaphore_mem>>)
    %add3A_87 = arith.constant 440 : i32
    %add3A_88 = arith.addi %mul3A_21, %add3A_87 : i32
    %dma_start3A_89 = arith.constant 0 : i32
    %dma_start3A_90 = tpu.memref_slice %arg26[%add3A_88, %dma_start3A_89] : memref<10000x128xf32, #tpu.memory_space<vmem_shared>> -> memref<40x128xf32, #tpu.memory_space<vmem_shared>>
    %dma_start3A_91 = arith.constant 0 : i32
    %dma_start3A_92 = tpu.memref_slice %arg26[%add3A_88, %dma_start3A_91] : memref<10000x128xf32, #tpu.memory_space<vmem_shared>> -> memref<40x128xf32, #tpu.memory_space<vmem_shared>>
    tpu.enqueue_dma source(%arg8 : memref<40x128xf32, #tpu.memory_space<vmem>>) target(%dma_start3A_92 : memref<40x128xf32, #tpu.memory_space<vmem_shared>>) target_semaphore(%arg14 : memref<!tpu.dma_semaphore, #tpu.memory_space<semaphore_mem>>)
    %add3A_93 = arith.constant 480 : i32
    %add3A_94 = arith.addi %mul3A_21, %add3A_93 : i32
    %dma_start3A_95 = arith.constant 0 : i32
    %dma_start3A_96 = tpu.memref_slice %arg26[%add3A_94, %dma_start3A_95] : memref<10000x128xf32, #tpu.memory_space<vmem_shared>> -> memref<40x128xf32, #tpu.memory_space<vmem_shared>>
    %dma_start3A_97 = arith.constant 0 : i32
    %dma_start3A_98 = tpu.memref_slice %arg26[%add3A_94, %dma_start3A_97] : memref<10000x128xf32, #tpu.memory_space<vmem_shared>> -> memref<40x128xf32, #tpu.memory_space<vmem_shared>>
    tpu.enqueue_dma source(%arg8 : memref<40x128xf32, #tpu.memory_space<vmem>>) target(%dma_start3A_98 : memref<40x128xf32, #tpu.memory_space<vmem_shared>>) target_semaphore(%arg14 : memref<!tpu.dma_semaphore, #tpu.memory_space<semaphore_mem>>)
    %add3A_99 = arith.constant 520 : i32
    %add3A_100 = arith.addi %mul3A_21, %add3A_99 : i32
    %dma_start3A_101 = arith.constant 0 : i32
    %dma_start3A_102 = tpu.memref_slice %arg26[%add3A_100, %dma_start3A_101] : memref<10000x128xf32, #tpu.memory_space<vmem_shared>> -> memref<40x128xf32, #tpu.memory_space<vmem_shared>>
    %dma_start3A_103 = arith.constant 0 : i32
    %dma_start3A_104 = tpu.memref_slice %arg26[%add3A_100, %dma_start3A_103] : memref<10000x128xf32, #tpu.memory_space<vmem_shared>> -> memref<40x128xf32, #tpu.memory_space<vmem_shared>>
    tpu.enqueue_dma source(%arg8 : memref<40x128xf32, #tpu.memory_space<vmem>>) target(%dma_start3A_104 : memref<40x128xf32, #tpu.memory_space<vmem_shared>>) target_semaphore(%arg14 : memref<!tpu.dma_semaphore, #tpu.memory_space<semaphore_mem>>)
    %add3A_105 = arith.constant 560 : i32
    %add3A_106 = arith.addi %mul3A_21, %add3A_105 : i32
    %dma_start3A_107 = arith.constant 0 : i32
    %dma_start3A_108 = tpu.memref_slice %arg26[%add3A_106, %dma_start3A_107] : memref<10000x128xf32, #tpu.memory_space<vmem_shared>> -> memref<40x128xf32, #tpu.memory_space<vmem_shared>>
    %dma_start3A_109 = arith.constant 0 : i32
    %dma_start3A_110 = tpu.memref_slice %arg26[%add3A_106, %dma_start3A_109] : memref<10000x128xf32, #tpu.memory_space<vmem_shared>> -> memref<40x128xf32, #tpu.memory_space<vmem_shared>>
    tpu.enqueue_dma source(%arg8 : memref<40x128xf32, #tpu.memory_space<vmem>>) target(%dma_start3A_110 : memref<40x128xf32, #tpu.memory_space<vmem_shared>>) target_semaphore(%arg14 : memref<!tpu.dma_semaphore, #tpu.memory_space<semaphore_mem>>)
    %add3A_111 = arith.constant 624 : i32
    %add3A_112 = arith.addi %mul3A_21, %add3A_111 : i32
    %sub3A = arith.constant 24 : i32
    %sub3A_113 = arith.subi %add3A_112, %sub3A : i32
    %dma_start3A_114 = arith.constant 0 : i32
    %dma_start3A_115 = arith.constant 0 : i32
    %dma_start3A_116 = tpu.memref_slice %arg8[%dma_start3A_114, %dma_start3A_115] : memref<40x128xf32, #tpu.memory_space<vmem>> -> memref<24x128xf32, #tpu.memory_space<vmem>>
    %dma_start3A_117 = arith.constant 0 : i32
    %dma_start3A_118 = tpu.memref_slice %arg26[%sub3A_113, %dma_start3A_117] : memref<10000x128xf32, #tpu.memory_space<vmem_shared>> -> memref<24x128xf32, #tpu.memory_space<vmem_shared>>
    %dma_start3A_119 = arith.constant 0 : i32
    %dma_start3A_120 = tpu.memref_slice %arg26[%sub3A_113, %dma_start3A_119] : memref<10000x128xf32, #tpu.memory_space<vmem_shared>> -> memref<24x128xf32, #tpu.memory_space<vmem_shared>>
    %dma_start3A_121 = arith.constant 0 : i32
    %dma_start3A_122 = arith.constant 0 : i32
    %dma_start3A_123 = tpu.memref_slice %arg8[%dma_start3A_121, %dma_start3A_122] : memref<40x128xf32, #tpu.memory_space<vmem>> -> memref<24x128xf32, #tpu.memory_space<vmem>>
    tpu.enqueue_dma source(%dma_start3A_123 : memref<24x128xf32, #tpu.memory_space<vmem>>) target(%dma_start3A_120 : memref<24x128xf32, #tpu.memory_space<vmem_shared>>) target_semaphore(%arg14 : memref<!tpu.dma_semaphore, #tpu.memory_space<semaphore_mem>>)
    %eq3A = arith.constant 15 : i32
    %eq3A_124 = arith.cmpi eq, %arg1, %eq3A : i32
    %convert_element_type3A = arith.extui %eq3A_124 : i1 to i32
    %cond3A = arith.constant 0 : i32
    %cond3A_125 = arith.cmpi ne, %convert_element_type3A, %cond3A : i32
    scf.if %cond3A_125 {
      %dma_start3A_406 = arith.constant 0 : i32
      %dma_start3A_407 = arith.constant 0 : i32
      %dma_start3A_408 = tpu.memref_slice %arg8[%dma_start3A_406, %dma_start3A_407] : memref<40x128xf32, #tpu.memory_space<vmem>> -> memref<16x128xf32, #tpu.memory_space<vmem>>
      %dma_start3A_409 = arith.constant 9984 : i32
      %dma_start3A_410 = arith.constant 0 : i32
      %dma_start3A_411 = tpu.memref_slice %arg26[%dma_start3A_409, %dma_start3A_410] : memref<10000x128xf32, #tpu.memory_space<vmem_shared>> -> memref<16x128xf32, #tpu.memory_space<vmem_shared>>
      %dma_start3A_412 = arith.constant 9984 : i32
      %dma_start3A_413 = arith.constant 0 : i32
      %dma_start3A_414 = tpu.memref_slice %arg26[%dma_start3A_412, %dma_start3A_413] : memref<10000x128xf32, #tpu.memory_space<vmem_shared>> -> memref<16x128xf32, #tpu.memory_space<vmem_shared>>
      %dma_start3A_415 = arith.constant 0 : i32
      %dma_start3A_416 = arith.constant 0 : i32
      %dma_start3A_417 = tpu.memref_slice %arg8[%dma_start3A_415, %dma_start3A_416] : memref<40x128xf32, #tpu.memory_space<vmem>> -> memref<16x128xf32, #tpu.memory_space<vmem>>
      tpu.enqueue_dma source(%dma_start3A_417 : memref<16x128xf32, #tpu.memory_space<vmem>>) target(%dma_start3A_414 : memref<16x128xf32, #tpu.memory_space<vmem_shared>>) target_semaphore(%arg17 : memref<!tpu.dma_semaphore, #tpu.memory_space<semaphore_mem>>)
    } else {
    }
    %add3A_126 = arith.constant 0 : i32
    %add3A_127 = arith.addi %mul3A_21, %add3A_126 : i32
    %dma_wait3A = arith.constant 0 : i32
    %dma_wait3A_128 = tpu.memref_slice %arg26[%add3A_127, %dma_wait3A] : memref<10000x128xf32, #tpu.memory_space<vmem_shared>> -> memref<40x128xf32, #tpu.memory_space<vmem_shared>>
    %dma_wait3A_129 = arith.constant 0 : i32
    %dma_wait3A_130 = tpu.memref_slice %arg26[%add3A_127, %dma_wait3A_129] : memref<10000x128xf32, #tpu.memory_space<vmem_shared>> -> memref<40x128xf32, #tpu.memory_space<vmem_shared>>
    tpu.wait_dma2 semaphore(%arg14 : memref<!tpu.dma_semaphore, #tpu.memory_space<semaphore_mem>>) src(%arg8 : memref<40x128xf32, #tpu.memory_space<vmem>>) dst(%dma_wait3A_130 : memref<40x128xf32, #tpu.memory_space<vmem_shared>>)
    %add3A_131 = arith.constant 40 : i32
    %add3A_132 = arith.addi %mul3A_21, %add3A_131 : i32
    %dma_wait3A_133 = arith.constant 0 : i32
    %dma_wait3A_134 = tpu.memref_slice %arg26[%add3A_132, %dma_wait3A_133] : memref<10000x128xf32, #tpu.memory_space<vmem_shared>> -> memref<40x128xf32, #tpu.memory_space<vmem_shared>>
    %dma_wait3A_135 = arith.constant 0 : i32
    %dma_wait3A_136 = tpu.memref_slice %arg26[%add3A_132, %dma_wait3A_135] : memref<10000x128xf32, #tpu.memory_space<vmem_shared>> -> memref<40x128xf32, #tpu.memory_space<vmem_shared>>
    tpu.wait_dma2 semaphore(%arg14 : memref<!tpu.dma_semaphore, #tpu.memory_space<semaphore_mem>>) src(%arg8 : memref<40x128xf32, #tpu.memory_space<vmem>>) dst(%dma_wait3A_136 : memref<40x128xf32, #tpu.memory_space<vmem_shared>>)
    %add3A_137 = arith.constant 80 : i32
    %add3A_138 = arith.addi %mul3A_21, %add3A_137 : i32
    %dma_wait3A_139 = arith.constant 0 : i32
    %dma_wait3A_140 = tpu.memref_slice %arg26[%add3A_138, %dma_wait3A_139] : memref<10000x128xf32, #tpu.memory_space<vmem_shared>> -> memref<40x128xf32, #tpu.memory_space<vmem_shared>>
    %dma_wait3A_141 = arith.constant 0 : i32
    %dma_wait3A_142 = tpu.memref_slice %arg26[%add3A_138, %dma_wait3A_141] : memref<10000x128xf32, #tpu.memory_space<vmem_shared>> -> memref<40x128xf32, #tpu.memory_space<vmem_shared>>
    tpu.wait_dma2 semaphore(%arg14 : memref<!tpu.dma_semaphore, #tpu.memory_space<semaphore_mem>>) src(%arg8 : memref<40x128xf32, #tpu.memory_space<vmem>>) dst(%dma_wait3A_142 : memref<40x128xf32, #tpu.memory_space<vmem_shared>>)
    %add3A_143 = arith.constant 120 : i32
    %add3A_144 = arith.addi %mul3A_21, %add3A_143 : i32
    %dma_wait3A_145 = arith.constant 0 : i32
    %dma_wait3A_146 = tpu.memref_slice %arg26[%add3A_144, %dma_wait3A_145] : memref<10000x128xf32, #tpu.memory_space<vmem_shared>> -> memref<40x128xf32, #tpu.memory_space<vmem_shared>>
    %dma_wait3A_147 = arith.constant 0 : i32
    %dma_wait3A_148 = tpu.memref_slice %arg26[%add3A_144, %dma_wait3A_147] : memref<10000x128xf32, #tpu.memory_space<vmem_shared>> -> memref<40x128xf32, #tpu.memory_space<vmem_shared>>
    tpu.wait_dma2 semaphore(%arg14 : memref<!tpu.dma_semaphore, #tpu.memory_space<semaphore_mem>>) src(%arg8 : memref<40x128xf32, #tpu.memory_space<vmem>>) dst(%dma_wait3A_148 : memref<40x128xf32, #tpu.memory_space<vmem_shared>>)
    %add3A_149 = arith.constant 160 : i32
    %add3A_150 = arith.addi %mul3A_21, %add3A_149 : i32
    %dma_wait3A_151 = arith.constant 0 : i32
    %dma_wait3A_152 = tpu.memref_slice %arg26[%add3A_150, %dma_wait3A_151] : memref<10000x128xf32, #tpu.memory_space<vmem_shared>> -> memref<40x128xf32, #tpu.memory_space<vmem_shared>>
    %dma_wait3A_153 = arith.constant 0 : i32
    %dma_wait3A_154 = tpu.memref_slice %arg26[%add3A_150, %dma_wait3A_153] : memref<10000x128xf32, #tpu.memory_space<vmem_shared>> -> memref<40x128xf32, #tpu.memory_space<vmem_shared>>
    tpu.wait_dma2 semaphore(%arg14 : memref<!tpu.dma_semaphore, #tpu.memory_space<semaphore_mem>>) src(%arg8 : memref<40x128xf32, #tpu.memory_space<vmem>>) dst(%dma_wait3A_154 : memref<40x128xf32, #tpu.memory_space<vmem_shared>>)
    %add3A_155 = arith.constant 200 : i32
    %add3A_156 = arith.addi %mul3A_21, %add3A_155 : i32
    %dma_wait3A_157 = arith.constant 0 : i32
    %dma_wait3A_158 = tpu.memref_slice %arg26[%add3A_156, %dma_wait3A_157] : memref<10000x128xf32, #tpu.memory_space<vmem_shared>> -> memref<40x128xf32, #tpu.memory_space<vmem_shared>>
    %dma_wait3A_159 = arith.constant 0 : i32
    %dma_wait3A_160 = tpu.memref_slice %arg26[%add3A_156, %dma_wait3A_159] : memref<10000x128xf32, #tpu.memory_space<vmem_shared>> -> memref<40x128xf32, #tpu.memory_space<vmem_shared>>
    tpu.wait_dma2 semaphore(%arg14 : memref<!tpu.dma_semaphore, #tpu.memory_space<semaphore_mem>>) src(%arg8 : memref<40x128xf32, #tpu.memory_space<vmem>>) dst(%dma_wait3A_160 : memref<40x128xf32, #tpu.memory_space<vmem_shared>>)
    %add3A_161 = arith.constant 240 : i32
    %add3A_162 = arith.addi %mul3A_21, %add3A_161 : i32
    %dma_wait3A_163 = arith.constant 0 : i32
    %dma_wait3A_164 = tpu.memref_slice %arg26[%add3A_162, %dma_wait3A_163] : memref<10000x128xf32, #tpu.memory_space<vmem_shared>> -> memref<40x128xf32, #tpu.memory_space<vmem_shared>>
    %dma_wait3A_165 = arith.constant 0 : i32
    %dma_wait3A_166 = tpu.memref_slice %arg26[%add3A_162, %dma_wait3A_165] : memref<10000x128xf32, #tpu.memory_space<vmem_shared>> -> memref<40x128xf32, #tpu.memory_space<vmem_shared>>
    tpu.wait_dma2 semaphore(%arg14 : memref<!tpu.dma_semaphore, #tpu.memory_space<semaphore_mem>>) src(%arg8 : memref<40x128xf32, #tpu.memory_space<vmem>>) dst(%dma_wait3A_166 : memref<40x128xf32, #tpu.memory_space<vmem_shared>>)
    %add3A_167 = arith.constant 280 : i32
    %add3A_168 = arith.addi %mul3A_21, %add3A_167 : i32
    %dma_wait3A_169 = arith.constant 0 : i32
    %dma_wait3A_170 = tpu.memref_slice %arg26[%add3A_168, %dma_wait3A_169] : memref<10000x128xf32, #tpu.memory_space<vmem_shared>> -> memref<40x128xf32, #tpu.memory_space<vmem_shared>>
    %dma_wait3A_171 = arith.constant 0 : i32
    %dma_wait3A_172 = tpu.memref_slice %arg26[%add3A_168, %dma_wait3A_171] : memref<10000x128xf32, #tpu.memory_space<vmem_shared>> -> memref<40x128xf32, #tpu.memory_space<vmem_shared>>
    tpu.wait_dma2 semaphore(%arg14 : memref<!tpu.dma_semaphore, #tpu.memory_space<semaphore_mem>>) src(%arg8 : memref<40x128xf32, #tpu.memory_space<vmem>>) dst(%dma_wait3A_172 : memref<40x128xf32, #tpu.memory_space<vmem_shared>>)
    %add3A_173 = arith.constant 320 : i32
    %add3A_174 = arith.addi %mul3A_21, %add3A_173 : i32
    %dma_wait3A_175 = arith.constant 0 : i32
    %dma_wait3A_176 = tpu.memref_slice %arg26[%add3A_174, %dma_wait3A_175] : memref<10000x128xf32, #tpu.memory_space<vmem_shared>> -> memref<40x128xf32, #tpu.memory_space<vmem_shared>>
    %dma_wait3A_177 = arith.constant 0 : i32
    %dma_wait3A_178 = tpu.memref_slice %arg26[%add3A_174, %dma_wait3A_177] : memref<10000x128xf32, #tpu.memory_space<vmem_shared>> -> memref<40x128xf32, #tpu.memory_space<vmem_shared>>
    tpu.wait_dma2 semaphore(%arg14 : memref<!tpu.dma_semaphore, #tpu.memory_space<semaphore_mem>>) src(%arg8 : memref<40x128xf32, #tpu.memory_space<vmem>>) dst(%dma_wait3A_178 : memref<40x128xf32, #tpu.memory_space<vmem_shared>>)
    %add3A_179 = arith.constant 360 : i32
    %add3A_180 = arith.addi %mul3A_21, %add3A_179 : i32
    %dma_wait3A_181 = arith.constant 0 : i32
    %dma_wait3A_182 = tpu.memref_slice %arg26[%add3A_180, %dma_wait3A_181] : memref<10000x128xf32, #tpu.memory_space<vmem_shared>> -> memref<40x128xf32, #tpu.memory_space<vmem_shared>>
    %dma_wait3A_183 = arith.constant 0 : i32
    %dma_wait3A_184 = tpu.memref_slice %arg26[%add3A_180, %dma_wait3A_183] : memref<10000x128xf32, #tpu.memory_space<vmem_shared>> -> memref<40x128xf32, #tpu.memory_space<vmem_shared>>
    tpu.wait_dma2 semaphore(%arg14 : memref<!tpu.dma_semaphore, #tpu.memory_space<semaphore_mem>>) src(%arg8 : memref<40x128xf32, #tpu.memory_space<vmem>>) dst(%dma_wait3A_184 : memref<40x128xf32, #tpu.memory_space<vmem_shared>>)
    %add3A_185 = arith.constant 400 : i32
    %add3A_186 = arith.addi %mul3A_21, %add3A_185 : i32
    %dma_wait3A_187 = arith.constant 0 : i32
    %dma_wait3A_188 = tpu.memref_slice %arg26[%add3A_186, %dma_wait3A_187] : memref<10000x128xf32, #tpu.memory_space<vmem_shared>> -> memref<40x128xf32, #tpu.memory_space<vmem_shared>>
    %dma_wait3A_189 = arith.constant 0 : i32
    %dma_wait3A_190 = tpu.memref_slice %arg26[%add3A_186, %dma_wait3A_189] : memref<10000x128xf32, #tpu.memory_space<vmem_shared>> -> memref<40x128xf32, #tpu.memory_space<vmem_shared>>
    tpu.wait_dma2 semaphore(%arg14 : memref<!tpu.dma_semaphore, #tpu.memory_space<semaphore_mem>>) src(%arg8 : memref<40x128xf32, #tpu.memory_space<vmem>>) dst(%dma_wait3A_190 : memref<40x128xf32, #tpu.memory_space<vmem_shared>>)
    %add3A_191 = arith.constant 440 : i32
    %add3A_192 = arith.addi %mul3A_21, %add3A_191 : i32
    %dma_wait3A_193 = arith.constant 0 : i32
    %dma_wait3A_194 = tpu.memref_slice %arg26[%add3A_192, %dma_wait3A_193] : memref<10000x128xf32, #tpu.memory_space<vmem_shared>> -> memref<40x128xf32, #tpu.memory_space<vmem_shared>>
    %dma_wait3A_195 = arith.constant 0 : i32
    %dma_wait3A_196 = tpu.memref_slice %arg26[%add3A_192, %dma_wait3A_195] : memref<10000x128xf32, #tpu.memory_space<vmem_shared>> -> memref<40x128xf32, #tpu.memory_space<vmem_shared>>
    tpu.wait_dma2 semaphore(%arg14 : memref<!tpu.dma_semaphore, #tpu.memory_space<semaphore_mem>>) src(%arg8 : memref<40x128xf32, #tpu.memory_space<vmem>>) dst(%dma_wait3A_196 : memref<40x128xf32, #tpu.memory_space<vmem_shared>>)
    %add3A_197 = arith.constant 480 : i32
    %add3A_198 = arith.addi %mul3A_21, %add3A_197 : i32
    %dma_wait3A_199 = arith.constant 0 : i32
    %dma_wait3A_200 = tpu.memref_slice %arg26[%add3A_198, %dma_wait3A_199] : memref<10000x128xf32, #tpu.memory_space<vmem_shared>> -> memref<40x128xf32, #tpu.memory_space<vmem_shared>>
    %dma_wait3A_201 = arith.constant 0 : i32
    %dma_wait3A_202 = tpu.memref_slice %arg26[%add3A_198, %dma_wait3A_201] : memref<10000x128xf32, #tpu.memory_space<vmem_shared>> -> memref<40x128xf32, #tpu.memory_space<vmem_shared>>
    tpu.wait_dma2 semaphore(%arg14 : memref<!tpu.dma_semaphore, #tpu.memory_space<semaphore_mem>>) src(%arg8 : memref<40x128xf32, #tpu.memory_space<vmem>>) dst(%dma_wait3A_202 : memref<40x128xf32, #tpu.memory_space<vmem_shared>>)
    %add3A_203 = arith.constant 520 : i32
    %add3A_204 = arith.addi %mul3A_21, %add3A_203 : i32
    %dma_wait3A_205 = arith.constant 0 : i32
    %dma_wait3A_206 = tpu.memref_slice %arg26[%add3A_204, %dma_wait3A_205] : memref<10000x128xf32, #tpu.memory_space<vmem_shared>> -> memref<40x128xf32, #tpu.memory_space<vmem_shared>>
    %dma_wait3A_207 = arith.constant 0 : i32
    %dma_wait3A_208 = tpu.memref_slice %arg26[%add3A_204, %dma_wait3A_207] : memref<10000x128xf32, #tpu.memory_space<vmem_shared>> -> memref<40x128xf32, #tpu.memory_space<vmem_shared>>
    tpu.wait_dma2 semaphore(%arg14 : memref<!tpu.dma_semaphore, #tpu.memory_space<semaphore_mem>>) src(%arg8 : memref<40x128xf32, #tpu.memory_space<vmem>>) dst(%dma_wait3A_208 : memref<40x128xf32, #tpu.memory_space<vmem_shared>>)
    %add3A_209 = arith.constant 560 : i32
    %add3A_210 = arith.addi %mul3A_21, %add3A_209 : i32
    %dma_wait3A_211 = arith.constant 0 : i32
    %dma_wait3A_212 = tpu.memref_slice %arg26[%add3A_210, %dma_wait3A_211] : memref<10000x128xf32, #tpu.memory_space<vmem_shared>> -> memref<40x128xf32, #tpu.memory_space<vmem_shared>>
    %dma_wait3A_213 = arith.constant 0 : i32
    %dma_wait3A_214 = tpu.memref_slice %arg26[%add3A_210, %dma_wait3A_213] : memref<10000x128xf32, #tpu.memory_space<vmem_shared>> -> memref<40x128xf32, #tpu.memory_space<vmem_shared>>
    tpu.wait_dma2 semaphore(%arg14 : memref<!tpu.dma_semaphore, #tpu.memory_space<semaphore_mem>>) src(%arg8 : memref<40x128xf32, #tpu.memory_space<vmem>>) dst(%dma_wait3A_214 : memref<40x128xf32, #tpu.memory_space<vmem_shared>>)
    %add3A_215 = arith.constant 624 : i32
    %add3A_216 = arith.addi %mul3A_21, %add3A_215 : i32
    %sub3A_217 = arith.constant 24 : i32
    %sub3A_218 = arith.subi %add3A_216, %sub3A_217 : i32
    %dma_wait3A_219 = arith.constant 0 : i32
    %dma_wait3A_220 = arith.constant 0 : i32
    %dma_wait3A_221 = tpu.memref_slice %arg8[%dma_wait3A_219, %dma_wait3A_220] : memref<40x128xf32, #tpu.memory_space<vmem>> -> memref<24x128xf32, #tpu.memory_space<vmem>>
    %dma_wait3A_222 = arith.constant 0 : i32
    %dma_wait3A_223 = tpu.memref_slice %arg26[%sub3A_218, %dma_wait3A_222] : memref<10000x128xf32, #tpu.memory_space<vmem_shared>> -> memref<24x128xf32, #tpu.memory_space<vmem_shared>>
    %dma_wait3A_224 = arith.constant 0 : i32
    %dma_wait3A_225 = tpu.memref_slice %arg26[%sub3A_218, %dma_wait3A_224] : memref<10000x128xf32, #tpu.memory_space<vmem_shared>> -> memref<24x128xf32, #tpu.memory_space<vmem_shared>>
    %dma_wait3A_226 = arith.constant 0 : i32
    %dma_wait3A_227 = arith.constant 0 : i32
    %dma_wait3A_228 = tpu.memref_slice %arg8[%dma_wait3A_226, %dma_wait3A_227] : memref<40x128xf32, #tpu.memory_space<vmem>> -> memref<24x128xf32, #tpu.memory_space<vmem>>
    tpu.wait_dma2 semaphore(%arg14 : memref<!tpu.dma_semaphore, #tpu.memory_space<semaphore_mem>>) src(%dma_wait3A_228 : memref<24x128xf32, #tpu.memory_space<vmem>>) dst(%dma_wait3A_225 : memref<24x128xf32, #tpu.memory_space<vmem_shared>>)
    %eq3A_229 = arith.constant 15 : i32
    %eq3A_230 = arith.cmpi eq, %arg1, %eq3A_229 : i32
    %convert_element_type3A_231 = arith.extui %eq3A_230 : i1 to i32
    %cond3A_232 = arith.constant 0 : i32
    %cond3A_233 = arith.cmpi ne, %convert_element_type3A_231, %cond3A_232 : i32
    scf.if %cond3A_233 {
      %dma_wait3A_406 = arith.constant 0 : i32
      %dma_wait3A_407 = arith.constant 0 : i32
      %dma_wait3A_408 = tpu.memref_slice %arg8[%dma_wait3A_406, %dma_wait3A_407] : memref<40x128xf32, #tpu.memory_space<vmem>> -> memref<16x128xf32, #tpu.memory_space<vmem>>
      %dma_wait3A_409 = arith.constant 9984 : i32
      %dma_wait3A_410 = arith.constant 0 : i32
      %dma_wait3A_411 = tpu.memref_slice %arg26[%dma_wait3A_409, %dma_wait3A_410] : memref<10000x128xf32, #tpu.memory_space<vmem_shared>> -> memref<16x128xf32, #tpu.memory_space<vmem_shared>>
      %dma_wait3A_412 = arith.constant 9984 : i32
      %dma_wait3A_413 = arith.constant 0 : i32
      %dma_wait3A_414 = tpu.memref_slice %arg26[%dma_wait3A_412, %dma_wait3A_413] : memref<10000x128xf32, #tpu.memory_space<vmem_shared>> -> memref<16x128xf32, #tpu.memory_space<vmem_shared>>
      %dma_wait3A_415 = arith.constant 0 : i32
      %dma_wait3A_416 = arith.constant 0 : i32
      %dma_wait3A_417 = tpu.memref_slice %arg8[%dma_wait3A_415, %dma_wait3A_416] : memref<40x128xf32, #tpu.memory_space<vmem>> -> memref<16x128xf32, #tpu.memory_space<vmem>>
      tpu.wait_dma2 semaphore(%arg17 : memref<!tpu.dma_semaphore, #tpu.memory_space<semaphore_mem>>) src(%dma_wait3A_417 : memref<16x128xf32, #tpu.memory_space<vmem>>) dst(%dma_wait3A_414 : memref<16x128xf32, #tpu.memory_space<vmem_shared>>)
    } else {
    }
    %dma_wait3A_234 = arith.constant 0 : i32
    %dma_wait3A_235 = arith.constant 0 : i32
    %dma_wait3A_236 = tpu.memref_slice %arg3[%arg0, %arg1, %dma_wait3A_234, %dma_wait3A_235] : memref<2x16x250x40xi32, #tpu.memory_space<hbm>> -> memref<1x1x250x40xi32, #tpu.memory_space<hbm>>
    %dma_wait3A_237 = tpu.memref_squeeze %dma_wait3A_236 : memref<1x1x250x40xi32, #tpu.memory_space<hbm>> -> memref<250x40xi32, #tpu.memory_space<hbm>>
    %dma_wait3A_238 = arith.constant 0 : i32
    %dma_wait3A_239 = arith.constant 0 : i32
    %dma_wait3A_240 = tpu.memref_slice %arg3[%arg0, %arg1, %dma_wait3A_238, %dma_wait3A_239] : memref<2x16x250x40xi32, #tpu.memory_space<hbm>> -> memref<1x1x250x40xi32, #tpu.memory_space<hbm>>
    %dma_wait3A_241 = tpu.memref_squeeze %dma_wait3A_240 : memref<1x1x250x40xi32, #tpu.memory_space<hbm>> -> memref<250x40xi32, #tpu.memory_space<hbm>>
    tpu.wait_dma2 semaphore(%arg15 : memref<!tpu.dma_semaphore, #tpu.memory_space<semaphore_mem>>) src(%dma_wait3A_241 : memref<250x40xi32, #tpu.memory_space<hbm>>) dst(%arg6 : memref<250x40xi32, #tpu.memory_space<vmem>>)
    %dma_wait3A_242 = arith.constant 0 : i32
    %dma_wait3A_243 = arith.constant 0 : i32
    %dma_wait3A_244 = tpu.memref_slice %arg4[%arg0, %arg1, %dma_wait3A_242, %dma_wait3A_243] : memref<2x16x250x40xi32, #tpu.memory_space<hbm>> -> memref<1x1x250x40xi32, #tpu.memory_space<hbm>>
    %dma_wait3A_245 = tpu.memref_squeeze %dma_wait3A_244 : memref<1x1x250x40xi32, #tpu.memory_space<hbm>> -> memref<250x40xi32, #tpu.memory_space<hbm>>
    %dma_wait3A_246 = arith.constant 0 : i32
    %dma_wait3A_247 = arith.constant 0 : i32
    %dma_wait3A_248 = tpu.memref_slice %arg4[%arg0, %arg1, %dma_wait3A_246, %dma_wait3A_247] : memref<2x16x250x40xi32, #tpu.memory_space<hbm>> -> memref<1x1x250x40xi32, #tpu.memory_space<hbm>>
    %dma_wait3A_249 = tpu.memref_squeeze %dma_wait3A_248 : memref<1x1x250x40xi32, #tpu.memory_space<hbm>> -> memref<250x40xi32, #tpu.memory_space<hbm>>
    tpu.wait_dma2 semaphore(%arg16 : memref<!tpu.dma_semaphore, #tpu.memory_space<semaphore_mem>>) src(%dma_wait3A_249 : memref<250x40xi32, #tpu.memory_space<hbm>>) dst(%arg7 : memref<250x40xi32, #tpu.memory_space<vmem>>)
    %barrier3A = arith.constant 0 : index
    tpu.barrier barrier_id(%barrier3A)
    %dma_start3A_250 = arith.constant 0 : i32
    %dma_start3A_251 = arith.constant 0 : i32
    %dma_start3A_252 = tpu.memref_slice %arg6[%dma_start3A_250, %dma_start3A_251] : memref<250x40xi32, #tpu.memory_space<vmem>> -> memref<1x40xi32, #tpu.memory_space<vmem>>
    %dma_start3A_253 = tpu.memref_squeeze %dma_start3A_252 : memref<1x40xi32, #tpu.memory_space<vmem>> -> memref<40xi32, #tpu.memory_space<vmem>>
    %dma_start3A_254 = arith.constant 0 : i32
    %dma_start3A_255 = arith.constant 0 : i32
    %dma_start3A_256 = tpu.memref_slice %arg2[%dma_start3A_254, %dma_start3A_255] : memref<10000x128xf32, #tpu.memory_space<hbm>> -> memref<10000x128xf32, #tpu.memory_space<hbm>>
    tpu.enqueue_indirect_dma source(%dma_start3A_256 : memref<10000x128xf32, #tpu.memory_space<hbm>>) target(%arg8 : memref<40x128xf32, #tpu.memory_space<vmem>>) offsets(%dma_start3A_253 : memref<40xi32, #tpu.memory_space<vmem>>) semaphore(%arg14 : memref<!tpu.dma_semaphore, #tpu.memory_space<semaphore_mem>>)
    %dma_start3A_257 = arith.constant 1 : i32
    %dma_start3A_258 = arith.constant 0 : i32
    %dma_start3A_259 = tpu.memref_slice %arg6[%dma_start3A_257, %dma_start3A_258] : memref<250x40xi32, #tpu.memory_space<vmem>> -> memref<1x40xi32, #tpu.memory_space<vmem>>
    %dma_start3A_260 = tpu.memref_squeeze %dma_start3A_259 : memref<1x40xi32, #tpu.memory_space<vmem>> -> memref<40xi32, #tpu.memory_space<vmem>>
    %dma_start3A_261 = arith.constant 0 : i32
    %dma_start3A_262 = arith.constant 0 : i32
    %dma_start3A_263 = tpu.memref_slice %arg2[%dma_start3A_261, %dma_start3A_262] : memref<10000x128xf32, #tpu.memory_space<hbm>> -> memref<10000x128xf32, #tpu.memory_space<hbm>>
    tpu.enqueue_indirect_dma source(%dma_start3A_263 : memref<10000x128xf32, #tpu.memory_space<hbm>>) target(%arg9 : memref<40x128xf32, #tpu.memory_space<vmem>>) offsets(%dma_start3A_260 : memref<40xi32, #tpu.memory_space<vmem>>) semaphore(%arg15 : memref<!tpu.dma_semaphore, #tpu.memory_space<semaphore_mem>>)
    %dma_start3A_264 = arith.constant 2 : i32
    %dma_start3A_265 = arith.constant 0 : i32
    %dma_start3A_266 = tpu.memref_slice %arg6[%dma_start3A_264, %dma_start3A_265] : memref<250x40xi32, #tpu.memory_space<vmem>> -> memref<1x40xi32, #tpu.memory_space<vmem>>
    %dma_start3A_267 = tpu.memref_squeeze %dma_start3A_266 : memref<1x40xi32, #tpu.memory_space<vmem>> -> memref<40xi32, #tpu.memory_space<vmem>>
    %dma_start3A_268 = arith.constant 0 : i32
    %dma_start3A_269 = arith.constant 0 : i32
    %dma_start3A_270 = tpu.memref_slice %arg2[%dma_start3A_268, %dma_start3A_269] : memref<10000x128xf32, #tpu.memory_space<hbm>> -> memref<10000x128xf32, #tpu.memory_space<hbm>>
    tpu.enqueue_indirect_dma source(%dma_start3A_270 : memref<10000x128xf32, #tpu.memory_space<hbm>>) target(%arg10 : memref<40x128xf32, #tpu.memory_space<vmem>>) offsets(%dma_start3A_267 : memref<40xi32, #tpu.memory_space<vmem>>) semaphore(%arg16 : memref<!tpu.dma_semaphore, #tpu.memory_space<semaphore_mem>>)
    %dma_start3A_271 = arith.constant 3 : i32
    %dma_start3A_272 = arith.constant 0 : i32
    %dma_start3A_273 = tpu.memref_slice %arg6[%dma_start3A_271, %dma_start3A_272] : memref<250x40xi32, #tpu.memory_space<vmem>> -> memref<1x40xi32, #tpu.memory_space<vmem>>
    %dma_start3A_274 = tpu.memref_squeeze %dma_start3A_273 : memref<1x40xi32, #tpu.memory_space<vmem>> -> memref<40xi32, #tpu.memory_space<vmem>>
    %dma_start3A_275 = arith.constant 0 : i32
    %dma_start3A_276 = arith.constant 0 : i32
    %dma_start3A_277 = tpu.memref_slice %arg2[%dma_start3A_275, %dma_start3A_276] : memref<10000x128xf32, #tpu.memory_space<hbm>> -> memref<10000x128xf32, #tpu.memory_space<hbm>>
    tpu.enqueue_indirect_dma source(%dma_start3A_277 : memref<10000x128xf32, #tpu.memory_space<hbm>>) target(%arg11 : memref<40x128xf32, #tpu.memory_space<vmem>>) offsets(%dma_start3A_274 : memref<40xi32, #tpu.memory_space<vmem>>) semaphore(%arg17 : memref<!tpu.dma_semaphore, #tpu.memory_space<semaphore_mem>>)
    %dma_start3A_278 = arith.constant 4 : i32
    %dma_start3A_279 = arith.constant 0 : i32
    %dma_start3A_280 = tpu.memref_slice %arg6[%dma_start3A_278, %dma_start3A_279] : memref<250x40xi32, #tpu.memory_space<vmem>> -> memref<1x40xi32, #tpu.memory_space<vmem>>
    %dma_start3A_281 = tpu.memref_squeeze %dma_start3A_280 : memref<1x40xi32, #tpu.memory_space<vmem>> -> memref<40xi32, #tpu.memory_space<vmem>>
    %dma_start3A_282 = arith.constant 0 : i32
    %dma_start3A_283 = arith.constant 0 : i32
    %dma_start3A_284 = tpu.memref_slice %arg2[%dma_start3A_282, %dma_start3A_283] : memref<10000x128xf32, #tpu.memory_space<hbm>> -> memref<10000x128xf32, #tpu.memory_space<hbm>>
    tpu.enqueue_indirect_dma source(%dma_start3A_284 : memref<10000x128xf32, #tpu.memory_space<hbm>>) target(%arg12 : memref<40x128xf32, #tpu.memory_space<vmem>>) offsets(%dma_start3A_281 : memref<40xi32, #tpu.memory_space<vmem>>) semaphore(%arg18 : memref<!tpu.dma_semaphore, #tpu.memory_space<semaphore_mem>>)
    %scan3A_285 = arith.constant 0 : i32
    %scan3A_286 = arith.constant 0 : i32
    %scan3A_287 = arith.constant 41 : i32
    %scan3A_288 = arith.addi %scan3A_286, %scan3A_287 : i32
    %scan3A_289 = arith.constant 1 : i32
    %scan3A_290 = scf.for %scan3A_406 = %scan3A_286 to %scan3A_288 step %scan3A_289 iter_args(%scan3A_407 = %scan3A_285) -> (i32)  : i32 {
      %mul3A_408 = arith.constant 6 : i32
      %mul3A_409 = arith.muli %scan3A_406, %mul3A_408 : i32
      %add3A_410 = arith.constant 0 : i32
      %add3A_411 = arith.addi %mul3A_409, %add3A_410 : i32
      %dma_wait3A_412 = arith.constant 0 : i32
      %dma_wait3A_413 = tpu.memref_slice %arg6[%add3A_411, %dma_wait3A_412] : memref<250x40xi32, #tpu.memory_space<vmem>> -> memref<1x40xi32, #tpu.memory_space<vmem>>
      %dma_wait3A_414 = tpu.memref_squeeze %dma_wait3A_413 : memref<1x40xi32, #tpu.memory_space<vmem>> -> memref<40xi32, #tpu.memory_space<vmem>>
      %dma_wait3A_415 = arith.constant 0 : i32
      %dma_wait3A_416 = arith.constant 0 : i32
      %dma_wait3A_417 = tpu.memref_slice %arg2[%dma_wait3A_415, %dma_wait3A_416] : memref<10000x128xf32, #tpu.memory_space<hbm>> -> memref<10000x128xf32, #tpu.memory_space<hbm>>
      tpu.wait_indirect_dma semaphore(%arg14 : memref<!tpu.dma_semaphore, #tpu.memory_space<semaphore_mem>>) src(%dma_wait3A_417 : memref<10000x128xf32, #tpu.memory_space<hbm>>) dst(%arg8 : memref<40x128xf32, #tpu.memory_space<vmem>>)
      %dma_start3A_418 = arith.constant 0 : i32
      %dma_start3A_419 = tpu.memref_slice %arg7[%add3A_411, %dma_start3A_418] : memref<250x40xi32, #tpu.memory_space<vmem>> -> memref<1x40xi32, #tpu.memory_space<vmem>>
      %dma_start3A_420 = tpu.memref_squeeze %dma_start3A_419 : memref<1x40xi32, #tpu.memory_space<vmem>> -> memref<40xi32, #tpu.memory_space<vmem>>
      %dma_start3A_421 = arith.constant 0 : i32
      %dma_start3A_422 = arith.constant 0 : i32
      %dma_start3A_423 = tpu.memref_slice %arg26[%dma_start3A_421, %dma_start3A_422] : memref<10000x128xf32, #tpu.memory_space<vmem_shared>> -> memref<10000x128xf32, #tpu.memory_space<vmem_shared>>
      tpu.enqueue_indirect_dma source(%arg8 : memref<40x128xf32, #tpu.memory_space<vmem>>) target(%dma_start3A_423 : memref<10000x128xf32, #tpu.memory_space<vmem_shared>>) offsets(%dma_start3A_420 : memref<40xi32, #tpu.memory_space<vmem>>) semaphore(%arg20 : memref<!tpu.dma_semaphore, #tpu.memory_space<semaphore_mem>>) {add = true}
      %add3A_424 = arith.constant 6 : i32
      %add3A_425 = arith.addi %add3A_411, %add3A_424 : i32
      %sub3A_426 = arith.constant 1 : i32
      %sub3A_427 = arith.subi %add3A_425, %sub3A_426 : i32
      %lt3A = arith.constant 250 : i32
      %lt3A_428 = arith.cmpi slt, %sub3A_427, %lt3A : i32
      %ge3A = arith.constant 1 : i32
      %ge3A_429 = arith.cmpi sge, %add3A_411, %ge3A : i32
      %and3A = arith.andi %lt3A_428, %ge3A_429 : i1
      %convert_element_type3A_430 = arith.extui %and3A : i1 to i32
      %cond3A_431 = arith.constant 0 : i32
      %cond3A_432 = arith.cmpi ne, %convert_element_type3A_430, %cond3A_431 : i32
      scf.if %cond3A_432 {
        %sub3A_604 = arith.constant 1 : i32
        %sub3A_605 = arith.subi %add3A_411, %sub3A_604 : i32
        %dma_wait3A_606 = arith.constant 0 : i32
        %dma_wait3A_607 = tpu.memref_slice %arg7[%sub3A_605, %dma_wait3A_606] : memref<250x40xi32, #tpu.memory_space<vmem>> -> memref<1x40xi32, #tpu.memory_space<vmem>>
        %dma_wait3A_608 = tpu.memref_squeeze %dma_wait3A_607 : memref<1x40xi32, #tpu.memory_space<vmem>> -> memref<40xi32, #tpu.memory_space<vmem>>
        %dma_wait3A_609 = arith.constant 0 : i32
        %dma_wait3A_610 = arith.constant 0 : i32
        %dma_wait3A_611 = tpu.memref_slice %arg26[%dma_wait3A_609, %dma_wait3A_610] : memref<10000x128xf32, #tpu.memory_space<vmem_shared>> -> memref<10000x128xf32, #tpu.memory_space<vmem_shared>>
        tpu.wait_indirect_dma semaphore(%arg25 : memref<!tpu.dma_semaphore, #tpu.memory_space<semaphore_mem>>) src(%arg13 : memref<40x128xf32, #tpu.memory_space<vmem>>) dst(%dma_wait3A_611 : memref<10000x128xf32, #tpu.memory_space<vmem_shared>>)
      } else {
      }
      %lt3A_433 = arith.constant 250 : i32
      %lt3A_434 = arith.cmpi slt, %sub3A_427, %lt3A_433 : i32
      %convert_element_type3A_435 = arith.extui %lt3A_434 : i1 to i32
      %cond3A_436 = arith.constant 0 : i32
      %cond3A_437 = arith.cmpi ne, %convert_element_type3A_435, %cond3A_436 : i32
      scf.if %cond3A_437 {
        %dma_start3A_604 = arith.constant 0 : i32
        %dma_start3A_605 = tpu.memref_slice %arg6[%sub3A_427, %dma_start3A_604] : memref<250x40xi32, #tpu.memory_space<vmem>> -> memref<1x40xi32, #tpu.memory_space<vmem>>
        %dma_start3A_606 = tpu.memref_squeeze %dma_start3A_605 : memref<1x40xi32, #tpu.memory_space<vmem>> -> memref<40xi32, #tpu.memory_space<vmem>>
        %dma_start3A_607 = arith.constant 0 : i32
        %dma_start3A_608 = arith.constant 0 : i32
        %dma_start3A_609 = tpu.memref_slice %arg2[%dma_start3A_607, %dma_start3A_608] : memref<10000x128xf32, #tpu.memory_space<hbm>> -> memref<10000x128xf32, #tpu.memory_space<hbm>>
        tpu.enqueue_indirect_dma source(%dma_start3A_609 : memref<10000x128xf32, #tpu.memory_space<hbm>>) target(%arg13 : memref<40x128xf32, #tpu.memory_space<vmem>>) offsets(%dma_start3A_606 : memref<40xi32, #tpu.memory_space<vmem>>) semaphore(%arg19 : memref<!tpu.dma_semaphore, #tpu.memory_space<semaphore_mem>>)
      } else {
      }
      %mul3A_438 = arith.constant 6 : i32
      %mul3A_439 = arith.muli %scan3A_406, %mul3A_438 : i32
      %add3A_440 = arith.constant 1 : i32
      %add3A_441 = arith.addi %mul3A_439, %add3A_440 : i32
      %dma_wait3A_442 = arith.constant 0 : i32
      %dma_wait3A_443 = tpu.memref_slice %arg6[%add3A_441, %dma_wait3A_442] : memref<250x40xi32, #tpu.memory_space<vmem>> -> memref<1x40xi32, #tpu.memory_space<vmem>>
      %dma_wait3A_444 = tpu.memref_squeeze %dma_wait3A_443 : memref<1x40xi32, #tpu.memory_space<vmem>> -> memref<40xi32, #tpu.memory_space<vmem>>
      %dma_wait3A_445 = arith.constant 0 : i32
      %dma_wait3A_446 = arith.constant 0 : i32
      %dma_wait3A_447 = tpu.memref_slice %arg2[%dma_wait3A_445, %dma_wait3A_446] : memref<10000x128xf32, #tpu.memory_space<hbm>> -> memref<10000x128xf32, #tpu.memory_space<hbm>>
      tpu.wait_indirect_dma semaphore(%arg15 : memref<!tpu.dma_semaphore, #tpu.memory_space<semaphore_mem>>) src(%dma_wait3A_447 : memref<10000x128xf32, #tpu.memory_space<hbm>>) dst(%arg9 : memref<40x128xf32, #tpu.memory_space<vmem>>)
      %dma_start3A_448 = arith.constant 0 : i32
      %dma_start3A_449 = tpu.memref_slice %arg7[%add3A_441, %dma_start3A_448] : memref<250x40xi32, #tpu.memory_space<vmem>> -> memref<1x40xi32, #tpu.memory_space<vmem>>
      %dma_start3A_450 = tpu.memref_squeeze %dma_start3A_449 : memref<1x40xi32, #tpu.memory_space<vmem>> -> memref<40xi32, #tpu.memory_space<vmem>>
      %dma_start3A_451 = arith.constant 0 : i32
      %dma_start3A_452 = arith.constant 0 : i32
      %dma_start3A_453 = tpu.memref_slice %arg26[%dma_start3A_451, %dma_start3A_452] : memref<10000x128xf32, #tpu.memory_space<vmem_shared>> -> memref<10000x128xf32, #tpu.memory_space<vmem_shared>>
      tpu.enqueue_indirect_dma source(%arg9 : memref<40x128xf32, #tpu.memory_space<vmem>>) target(%dma_start3A_453 : memref<10000x128xf32, #tpu.memory_space<vmem_shared>>) offsets(%dma_start3A_450 : memref<40xi32, #tpu.memory_space<vmem>>) semaphore(%arg21 : memref<!tpu.dma_semaphore, #tpu.memory_space<semaphore_mem>>) {add = true}
      %add3A_454 = arith.constant 6 : i32
      %add3A_455 = arith.addi %add3A_441, %add3A_454 : i32
      %sub3A_456 = arith.constant 1 : i32
      %sub3A_457 = arith.subi %add3A_455, %sub3A_456 : i32
      %lt3A_458 = arith.constant 250 : i32
      %lt3A_459 = arith.cmpi slt, %sub3A_457, %lt3A_458 : i32
      %ge3A_460 = arith.constant 1 : i32
      %ge3A_461 = arith.cmpi sge, %add3A_441, %ge3A_460 : i32
      %and3A_462 = arith.andi %lt3A_459, %ge3A_461 : i1
      %convert_element_type3A_463 = arith.extui %and3A_462 : i1 to i32
      %cond3A_464 = arith.constant 0 : i32
      %cond3A_465 = arith.cmpi ne, %convert_element_type3A_463, %cond3A_464 : i32
      scf.if %cond3A_465 {
        %sub3A_604 = arith.constant 1 : i32
        %sub3A_605 = arith.subi %add3A_441, %sub3A_604 : i32
        %dma_wait3A_606 = arith.constant 0 : i32
        %dma_wait3A_607 = tpu.memref_slice %arg7[%sub3A_605, %dma_wait3A_606] : memref<250x40xi32, #tpu.memory_space<vmem>> -> memref<1x40xi32, #tpu.memory_space<vmem>>
        %dma_wait3A_608 = tpu.memref_squeeze %dma_wait3A_607 : memref<1x40xi32, #tpu.memory_space<vmem>> -> memref<40xi32, #tpu.memory_space<vmem>>
        %dma_wait3A_609 = arith.constant 0 : i32
        %dma_wait3A_610 = arith.constant 0 : i32
        %dma_wait3A_611 = tpu.memref_slice %arg26[%dma_wait3A_609, %dma_wait3A_610] : memref<10000x128xf32, #tpu.memory_space<vmem_shared>> -> memref<10000x128xf32, #tpu.memory_space<vmem_shared>>
        tpu.wait_indirect_dma semaphore(%arg20 : memref<!tpu.dma_semaphore, #tpu.memory_space<semaphore_mem>>) src(%arg8 : memref<40x128xf32, #tpu.memory_space<vmem>>) dst(%dma_wait3A_611 : memref<10000x128xf32, #tpu.memory_space<vmem_shared>>)
      } else {
      }
      %lt3A_466 = arith.constant 250 : i32
      %lt3A_467 = arith.cmpi slt, %sub3A_457, %lt3A_466 : i32
      %convert_element_type3A_468 = arith.extui %lt3A_467 : i1 to i32
      %cond3A_469 = arith.constant 0 : i32
      %cond3A_470 = arith.cmpi ne, %convert_element_type3A_468, %cond3A_469 : i32
      scf.if %cond3A_470 {
        %dma_start3A_604 = arith.constant 0 : i32
        %dma_start3A_605 = tpu.memref_slice %arg6[%sub3A_457, %dma_start3A_604] : memref<250x40xi32, #tpu.memory_space<vmem>> -> memref<1x40xi32, #tpu.memory_space<vmem>>
        %dma_start3A_606 = tpu.memref_squeeze %dma_start3A_605 : memref<1x40xi32, #tpu.memory_space<vmem>> -> memref<40xi32, #tpu.memory_space<vmem>>
        %dma_start3A_607 = arith.constant 0 : i32
        %dma_start3A_608 = arith.constant 0 : i32
        %dma_start3A_609 = tpu.memref_slice %arg2[%dma_start3A_607, %dma_start3A_608] : memref<10000x128xf32, #tpu.memory_space<hbm>> -> memref<10000x128xf32, #tpu.memory_space<hbm>>
        tpu.enqueue_indirect_dma source(%dma_start3A_609 : memref<10000x128xf32, #tpu.memory_space<hbm>>) target(%arg8 : memref<40x128xf32, #tpu.memory_space<vmem>>) offsets(%dma_start3A_606 : memref<40xi32, #tpu.memory_space<vmem>>) semaphore(%arg14 : memref<!tpu.dma_semaphore, #tpu.memory_space<semaphore_mem>>)
      } else {
      }
      %mul3A_471 = arith.constant 6 : i32
      %mul3A_472 = arith.muli %scan3A_406, %mul3A_471 : i32
      %add3A_473 = arith.constant 2 : i32
      %add3A_474 = arith.addi %mul3A_472, %add3A_473 : i32
      %dma_wait3A_475 = arith.constant 0 : i32
      %dma_wait3A_476 = tpu.memref_slice %arg6[%add3A_474, %dma_wait3A_475] : memref<250x40xi32, #tpu.memory_space<vmem>> -> memref<1x40xi32, #tpu.memory_space<vmem>>
      %dma_wait3A_477 = tpu.memref_squeeze %dma_wait3A_476 : memref<1x40xi32, #tpu.memory_space<vmem>> -> memref<40xi32, #tpu.memory_space<vmem>>
      %dma_wait3A_478 = arith.constant 0 : i32
      %dma_wait3A_479 = arith.constant 0 : i32
      %dma_wait3A_480 = tpu.memref_slice %arg2[%dma_wait3A_478, %dma_wait3A_479] : memref<10000x128xf32, #tpu.memory_space<hbm>> -> memref<10000x128xf32, #tpu.memory_space<hbm>>
      tpu.wait_indirect_dma semaphore(%arg16 : memref<!tpu.dma_semaphore, #tpu.memory_space<semaphore_mem>>) src(%dma_wait3A_480 : memref<10000x128xf32, #tpu.memory_space<hbm>>) dst(%arg10 : memref<40x128xf32, #tpu.memory_space<vmem>>)
      %dma_start3A_481 = arith.constant 0 : i32
      %dma_start3A_482 = tpu.memref_slice %arg7[%add3A_474, %dma_start3A_481] : memref<250x40xi32, #tpu.memory_space<vmem>> -> memref<1x40xi32, #tpu.memory_space<vmem>>
      %dma_start3A_483 = tpu.memref_squeeze %dma_start3A_482 : memref<1x40xi32, #tpu.memory_space<vmem>> -> memref<40xi32, #tpu.memory_space<vmem>>
      %dma_start3A_484 = arith.constant 0 : i32
      %dma_start3A_485 = arith.constant 0 : i32
      %dma_start3A_486 = tpu.memref_slice %arg26[%dma_start3A_484, %dma_start3A_485] : memref<10000x128xf32, #tpu.memory_space<vmem_shared>> -> memref<10000x128xf32, #tpu.memory_space<vmem_shared>>
      tpu.enqueue_indirect_dma source(%arg10 : memref<40x128xf32, #tpu.memory_space<vmem>>) target(%dma_start3A_486 : memref<10000x128xf32, #tpu.memory_space<vmem_shared>>) offsets(%dma_start3A_483 : memref<40xi32, #tpu.memory_space<vmem>>) semaphore(%arg22 : memref<!tpu.dma_semaphore, #tpu.memory_space<semaphore_mem>>) {add = true}
      %add3A_487 = arith.constant 6 : i32
      %add3A_488 = arith.addi %add3A_474, %add3A_487 : i32
      %sub3A_489 = arith.constant 1 : i32
      %sub3A_490 = arith.subi %add3A_488, %sub3A_489 : i32
      %lt3A_491 = arith.constant 250 : i32
      %lt3A_492 = arith.cmpi slt, %sub3A_490, %lt3A_491 : i32
      %ge3A_493 = arith.constant 1 : i32
      %ge3A_494 = arith.cmpi sge, %add3A_474, %ge3A_493 : i32
      %and3A_495 = arith.andi %lt3A_492, %ge3A_494 : i1
      %convert_element_type3A_496 = arith.extui %and3A_495 : i1 to i32
      %cond3A_497 = arith.constant 0 : i32
      %cond3A_498 = arith.cmpi ne, %convert_element_type3A_496, %cond3A_497 : i32
      scf.if %cond3A_498 {
        %sub3A_604 = arith.constant 1 : i32
        %sub3A_605 = arith.subi %add3A_474, %sub3A_604 : i32
        %dma_wait3A_606 = arith.constant 0 : i32
        %dma_wait3A_607 = tpu.memref_slice %arg7[%sub3A_605, %dma_wait3A_606] : memref<250x40xi32, #tpu.memory_space<vmem>> -> memref<1x40xi32, #tpu.memory_space<vmem>>
        %dma_wait3A_608 = tpu.memref_squeeze %dma_wait3A_607 : memref<1x40xi32, #tpu.memory_space<vmem>> -> memref<40xi32, #tpu.memory_space<vmem>>
        %dma_wait3A_609 = arith.constant 0 : i32
        %dma_wait3A_610 = arith.constant 0 : i32
        %dma_wait3A_611 = tpu.memref_slice %arg26[%dma_wait3A_609, %dma_wait3A_610] : memref<10000x128xf32, #tpu.memory_space<vmem_shared>> -> memref<10000x128xf32, #tpu.memory_space<vmem_shared>>
        tpu.wait_indirect_dma semaphore(%arg21 : memref<!tpu.dma_semaphore, #tpu.memory_space<semaphore_mem>>) src(%arg9 : memref<40x128xf32, #tpu.memory_space<vmem>>) dst(%dma_wait3A_611 : memref<10000x128xf32, #tpu.memory_space<vmem_shared>>)
      } else {
      }
      %lt3A_499 = arith.constant 250 : i32
      %lt3A_500 = arith.cmpi slt, %sub3A_490, %lt3A_499 : i32
      %convert_element_type3A_501 = arith.extui %lt3A_500 : i1 to i32
      %cond3A_502 = arith.constant 0 : i32
      %cond3A_503 = arith.cmpi ne, %convert_element_type3A_501, %cond3A_502 : i32
      scf.if %cond3A_503 {
        %dma_start3A_604 = arith.constant 0 : i32
        %dma_start3A_605 = tpu.memref_slice %arg6[%sub3A_490, %dma_start3A_604] : memref<250x40xi32, #tpu.memory_space<vmem>> -> memref<1x40xi32, #tpu.memory_space<vmem>>
        %dma_start3A_606 = tpu.memref_squeeze %dma_start3A_605 : memref<1x40xi32, #tpu.memory_space<vmem>> -> memref<40xi32, #tpu.memory_space<vmem>>
        %dma_start3A_607 = arith.constant 0 : i32
        %dma_start3A_608 = arith.constant 0 : i32
        %dma_start3A_609 = tpu.memref_slice %arg2[%dma_start3A_607, %dma_start3A_608] : memref<10000x128xf32, #tpu.memory_space<hbm>> -> memref<10000x128xf32, #tpu.memory_space<hbm>>
        tpu.enqueue_indirect_dma source(%dma_start3A_609 : memref<10000x128xf32, #tpu.memory_space<hbm>>) target(%arg9 : memref<40x128xf32, #tpu.memory_space<vmem>>) offsets(%dma_start3A_606 : memref<40xi32, #tpu.memory_space<vmem>>) semaphore(%arg15 : memref<!tpu.dma_semaphore, #tpu.memory_space<semaphore_mem>>)
      } else {
      }
      %mul3A_504 = arith.constant 6 : i32
      %mul3A_505 = arith.muli %scan3A_406, %mul3A_504 : i32
      %add3A_506 = arith.constant 3 : i32
      %add3A_507 = arith.addi %mul3A_505, %add3A_506 : i32
      %dma_wait3A_508 = arith.constant 0 : i32
      %dma_wait3A_509 = tpu.memref_slice %arg6[%add3A_507, %dma_wait3A_508] : memref<250x40xi32, #tpu.memory_space<vmem>> -> memref<1x40xi32, #tpu.memory_space<vmem>>
      %dma_wait3A_510 = tpu.memref_squeeze %dma_wait3A_509 : memref<1x40xi32, #tpu.memory_space<vmem>> -> memref<40xi32, #tpu.memory_space<vmem>>
      %dma_wait3A_511 = arith.constant 0 : i32
      %dma_wait3A_512 = arith.constant 0 : i32
      %dma_wait3A_513 = tpu.memref_slice %arg2[%dma_wait3A_511, %dma_wait3A_512] : memref<10000x128xf32, #tpu.memory_space<hbm>> -> memref<10000x128xf32, #tpu.memory_space<hbm>>
      tpu.wait_indirect_dma semaphore(%arg17 : memref<!tpu.dma_semaphore, #tpu.memory_space<semaphore_mem>>) src(%dma_wait3A_513 : memref<10000x128xf32, #tpu.memory_space<hbm>>) dst(%arg11 : memref<40x128xf32, #tpu.memory_space<vmem>>)
      %dma_start3A_514 = arith.constant 0 : i32
      %dma_start3A_515 = tpu.memref_slice %arg7[%add3A_507, %dma_start3A_514] : memref<250x40xi32, #tpu.memory_space<vmem>> -> memref<1x40xi32, #tpu.memory_space<vmem>>
      %dma_start3A_516 = tpu.memref_squeeze %dma_start3A_515 : memref<1x40xi32, #tpu.memory_space<vmem>> -> memref<40xi32, #tpu.memory_space<vmem>>
      %dma_start3A_517 = arith.constant 0 : i32
      %dma_start3A_518 = arith.constant 0 : i32
      %dma_start3A_519 = tpu.memref_slice %arg26[%dma_start3A_517, %dma_start3A_518] : memref<10000x128xf32, #tpu.memory_space<vmem_shared>> -> memref<10000x128xf32, #tpu.memory_space<vmem_shared>>
      tpu.enqueue_indirect_dma source(%arg11 : memref<40x128xf32, #tpu.memory_space<vmem>>) target(%dma_start3A_519 : memref<10000x128xf32, #tpu.memory_space<vmem_shared>>) offsets(%dma_start3A_516 : memref<40xi32, #tpu.memory_space<vmem>>) semaphore(%arg23 : memref<!tpu.dma_semaphore, #tpu.memory_space<semaphore_mem>>) {add = true}
      %add3A_520 = arith.constant 6 : i32
      %add3A_521 = arith.addi %add3A_507, %add3A_520 : i32
      %sub3A_522 = arith.constant 1 : i32
      %sub3A_523 = arith.subi %add3A_521, %sub3A_522 : i32
      %lt3A_524 = arith.constant 250 : i32
      %lt3A_525 = arith.cmpi slt, %sub3A_523, %lt3A_524 : i32
      %ge3A_526 = arith.constant 1 : i32
      %ge3A_527 = arith.cmpi sge, %add3A_507, %ge3A_526 : i32
      %and3A_528 = arith.andi %lt3A_525, %ge3A_527 : i1
      %convert_element_type3A_529 = arith.extui %and3A_528 : i1 to i32
      %cond3A_530 = arith.constant 0 : i32
      %cond3A_531 = arith.cmpi ne, %convert_element_type3A_529, %cond3A_530 : i32
      scf.if %cond3A_531 {
        %sub3A_604 = arith.constant 1 : i32
        %sub3A_605 = arith.subi %add3A_507, %sub3A_604 : i32
        %dma_wait3A_606 = arith.constant 0 : i32
        %dma_wait3A_607 = tpu.memref_slice %arg7[%sub3A_605, %dma_wait3A_606] : memref<250x40xi32, #tpu.memory_space<vmem>> -> memref<1x40xi32, #tpu.memory_space<vmem>>
        %dma_wait3A_608 = tpu.memref_squeeze %dma_wait3A_607 : memref<1x40xi32, #tpu.memory_space<vmem>> -> memref<40xi32, #tpu.memory_space<vmem>>
        %dma_wait3A_609 = arith.constant 0 : i32
        %dma_wait3A_610 = arith.constant 0 : i32
        %dma_wait3A_611 = tpu.memref_slice %arg26[%dma_wait3A_609, %dma_wait3A_610] : memref<10000x128xf32, #tpu.memory_space<vmem_shared>> -> memref<10000x128xf32, #tpu.memory_space<vmem_shared>>
        tpu.wait_indirect_dma semaphore(%arg22 : memref<!tpu.dma_semaphore, #tpu.memory_space<semaphore_mem>>) src(%arg10 : memref<40x128xf32, #tpu.memory_space<vmem>>) dst(%dma_wait3A_611 : memref<10000x128xf32, #tpu.memory_space<vmem_shared>>)
      } else {
      }
      %lt3A_532 = arith.constant 250 : i32
      %lt3A_533 = arith.cmpi slt, %sub3A_523, %lt3A_532 : i32
      %convert_element_type3A_534 = arith.extui %lt3A_533 : i1 to i32
      %cond3A_535 = arith.constant 0 : i32
      %cond3A_536 = arith.cmpi ne, %convert_element_type3A_534, %cond3A_535 : i32
      scf.if %cond3A_536 {
        %dma_start3A_604 = arith.constant 0 : i32
        %dma_start3A_605 = tpu.memref_slice %arg6[%sub3A_523, %dma_start3A_604] : memref<250x40xi32, #tpu.memory_space<vmem>> -> memref<1x40xi32, #tpu.memory_space<vmem>>
        %dma_start3A_606 = tpu.memref_squeeze %dma_start3A_605 : memref<1x40xi32, #tpu.memory_space<vmem>> -> memref<40xi32, #tpu.memory_space<vmem>>
        %dma_start3A_607 = arith.constant 0 : i32
        %dma_start3A_608 = arith.constant 0 : i32
        %dma_start3A_609 = tpu.memref_slice %arg2[%dma_start3A_607, %dma_start3A_608] : memref<10000x128xf32, #tpu.memory_space<hbm>> -> memref<10000x128xf32, #tpu.memory_space<hbm>>
        tpu.enqueue_indirect_dma source(%dma_start3A_609 : memref<10000x128xf32, #tpu.memory_space<hbm>>) target(%arg10 : memref<40x128xf32, #tpu.memory_space<vmem>>) offsets(%dma_start3A_606 : memref<40xi32, #tpu.memory_space<vmem>>) semaphore(%arg16 : memref<!tpu.dma_semaphore, #tpu.memory_space<semaphore_mem>>)
      } else {
      }
      %mul3A_537 = arith.constant 6 : i32
      %mul3A_538 = arith.muli %scan3A_406, %mul3A_537 : i32
      %add3A_539 = arith.constant 4 : i32
      %add3A_540 = arith.addi %mul3A_538, %add3A_539 : i32
      %dma_wait3A_541 = arith.constant 0 : i32
      %dma_wait3A_542 = tpu.memref_slice %arg6[%add3A_540, %dma_wait3A_541] : memref<250x40xi32, #tpu.memory_space<vmem>> -> memref<1x40xi32, #tpu.memory_space<vmem>>
      %dma_wait3A_543 = tpu.memref_squeeze %dma_wait3A_542 : memref<1x40xi32, #tpu.memory_space<vmem>> -> memref<40xi32, #tpu.memory_space<vmem>>
      %dma_wait3A_544 = arith.constant 0 : i32
      %dma_wait3A_545 = arith.constant 0 : i32
      %dma_wait3A_546 = tpu.memref_slice %arg2[%dma_wait3A_544, %dma_wait3A_545] : memref<10000x128xf32, #tpu.memory_space<hbm>> -> memref<10000x128xf32, #tpu.memory_space<hbm>>
      tpu.wait_indirect_dma semaphore(%arg18 : memref<!tpu.dma_semaphore, #tpu.memory_space<semaphore_mem>>) src(%dma_wait3A_546 : memref<10000x128xf32, #tpu.memory_space<hbm>>) dst(%arg12 : memref<40x128xf32, #tpu.memory_space<vmem>>)
      %dma_start3A_547 = arith.constant 0 : i32
      %dma_start3A_548 = tpu.memref_slice %arg7[%add3A_540, %dma_start3A_547] : memref<250x40xi32, #tpu.memory_space<vmem>> -> memref<1x40xi32, #tpu.memory_space<vmem>>
      %dma_start3A_549 = tpu.memref_squeeze %dma_start3A_548 : memref<1x40xi32, #tpu.memory_space<vmem>> -> memref<40xi32, #tpu.memory_space<vmem>>
      %dma_start3A_550 = arith.constant 0 : i32
      %dma_start3A_551 = arith.constant 0 : i32
      %dma_start3A_552 = tpu.memref_slice %arg26[%dma_start3A_550, %dma_start3A_551] : memref<10000x128xf32, #tpu.memory_space<vmem_shared>> -> memref<10000x128xf32, #tpu.memory_space<vmem_shared>>
      tpu.enqueue_indirect_dma source(%arg12 : memref<40x128xf32, #tpu.memory_space<vmem>>) target(%dma_start3A_552 : memref<10000x128xf32, #tpu.memory_space<vmem_shared>>) offsets(%dma_start3A_549 : memref<40xi32, #tpu.memory_space<vmem>>) semaphore(%arg24 : memref<!tpu.dma_semaphore, #tpu.memory_space<semaphore_mem>>) {add = true}
      %add3A_553 = arith.constant 6 : i32
      %add3A_554 = arith.addi %add3A_540, %add3A_553 : i32
      %sub3A_555 = arith.constant 1 : i32
      %sub3A_556 = arith.subi %add3A_554, %sub3A_555 : i32
      %lt3A_557 = arith.constant 250 : i32
      %lt3A_558 = arith.cmpi slt, %sub3A_556, %lt3A_557 : i32
      %ge3A_559 = arith.constant 1 : i32
      %ge3A_560 = arith.cmpi sge, %add3A_540, %ge3A_559 : i32
      %and3A_561 = arith.andi %lt3A_558, %ge3A_560 : i1
      %convert_element_type3A_562 = arith.extui %and3A_561 : i1 to i32
      %cond3A_563 = arith.constant 0 : i32
      %cond3A_564 = arith.cmpi ne, %convert_element_type3A_562, %cond3A_563 : i32
      scf.if %cond3A_564 {
        %sub3A_604 = arith.constant 1 : i32
        %sub3A_605 = arith.subi %add3A_540, %sub3A_604 : i32
        %dma_wait3A_606 = arith.constant 0 : i32
        %dma_wait3A_607 = tpu.memref_slice %arg7[%sub3A_605, %dma_wait3A_606] : memref<250x40xi32, #tpu.memory_space<vmem>> -> memref<1x40xi32, #tpu.memory_space<vmem>>
        %dma_wait3A_608 = tpu.memref_squeeze %dma_wait3A_607 : memref<1x40xi32, #tpu.memory_space<vmem>> -> memref<40xi32, #tpu.memory_space<vmem>>
        %dma_wait3A_609 = arith.constant 0 : i32
        %dma_wait3A_610 = arith.constant 0 : i32
        %dma_wait3A_611 = tpu.memref_slice %arg26[%dma_wait3A_609, %dma_wait3A_610] : memref<10000x128xf32, #tpu.memory_space<vmem_shared>> -> memref<10000x128xf32, #tpu.memory_space<vmem_shared>>
        tpu.wait_indirect_dma semaphore(%arg23 : memref<!tpu.dma_semaphore, #tpu.memory_space<semaphore_mem>>) src(%arg11 : memref<40x128xf32, #tpu.memory_space<vmem>>) dst(%dma_wait3A_611 : memref<10000x128xf32, #tpu.memory_space<vmem_shared>>)
      } else {
      }
      %lt3A_565 = arith.constant 250 : i32
      %lt3A_566 = arith.cmpi slt, %sub3A_556, %lt3A_565 : i32
      %convert_element_type3A_567 = arith.extui %lt3A_566 : i1 to i32
      %cond3A_568 = arith.constant 0 : i32
      %cond3A_569 = arith.cmpi ne, %convert_element_type3A_567, %cond3A_568 : i32
      scf.if %cond3A_569 {
        %dma_start3A_604 = arith.constant 0 : i32
        %dma_start3A_605 = tpu.memref_slice %arg6[%sub3A_556, %dma_start3A_604] : memref<250x40xi32, #tpu.memory_space<vmem>> -> memref<1x40xi32, #tpu.memory_space<vmem>>
        %dma_start3A_606 = tpu.memref_squeeze %dma_start3A_605 : memref<1x40xi32, #tpu.memory_space<vmem>> -> memref<40xi32, #tpu.memory_space<vmem>>
        %dma_start3A_607 = arith.constant 0 : i32
        %dma_start3A_608 = arith.constant 0 : i32
        %dma_start3A_609 = tpu.memref_slice %arg2[%dma_start3A_607, %dma_start3A_608] : memref<10000x128xf32, #tpu.memory_space<hbm>> -> memref<10000x128xf32, #tpu.memory_space<hbm>>
        tpu.enqueue_indirect_dma source(%dma_start3A_609 : memref<10000x128xf32, #tpu.memory_space<hbm>>) target(%arg11 : memref<40x128xf32, #tpu.memory_space<vmem>>) offsets(%dma_start3A_606 : memref<40xi32, #tpu.memory_space<vmem>>) semaphore(%arg17 : memref<!tpu.dma_semaphore, #tpu.memory_space<semaphore_mem>>)
      } else {
      }
      %mul3A_570 = arith.constant 6 : i32
      %mul3A_571 = arith.muli %scan3A_406, %mul3A_570 : i32
      %add3A_572 = arith.constant 5 : i32
      %add3A_573 = arith.addi %mul3A_571, %add3A_572 : i32
      %dma_wait3A_574 = arith.constant 0 : i32
      %dma_wait3A_575 = tpu.memref_slice %arg6[%add3A_573, %dma_wait3A_574] : memref<250x40xi32, #tpu.memory_space<vmem>> -> memref<1x40xi32, #tpu.memory_space<vmem>>
      %dma_wait3A_576 = tpu.memref_squeeze %dma_wait3A_575 : memref<1x40xi32, #tpu.memory_space<vmem>> -> memref<40xi32, #tpu.memory_space<vmem>>
      %dma_wait3A_577 = arith.constant 0 : i32
      %dma_wait3A_578 = arith.constant 0 : i32
      %dma_wait3A_579 = tpu.memref_slice %arg2[%dma_wait3A_577, %dma_wait3A_578] : memref<10000x128xf32, #tpu.memory_space<hbm>> -> memref<10000x128xf32, #tpu.memory_space<hbm>>
      tpu.wait_indirect_dma semaphore(%arg19 : memref<!tpu.dma_semaphore, #tpu.memory_space<semaphore_mem>>) src(%dma_wait3A_579 : memref<10000x128xf32, #tpu.memory_space<hbm>>) dst(%arg13 : memref<40x128xf32, #tpu.memory_space<vmem>>)
      %dma_start3A_580 = arith.constant 0 : i32
      %dma_start3A_581 = tpu.memref_slice %arg7[%add3A_573, %dma_start3A_580] : memref<250x40xi32, #tpu.memory_space<vmem>> -> memref<1x40xi32, #tpu.memory_space<vmem>>
      %dma_start3A_582 = tpu.memref_squeeze %dma_start3A_581 : memref<1x40xi32, #tpu.memory_space<vmem>> -> memref<40xi32, #tpu.memory_space<vmem>>
      %dma_start3A_583 = arith.constant 0 : i32
      %dma_start3A_584 = arith.constant 0 : i32
      %dma_start3A_585 = tpu.memref_slice %arg26[%dma_start3A_583, %dma_start3A_584] : memref<10000x128xf32, #tpu.memory_space<vmem_shared>> -> memref<10000x128xf32, #tpu.memory_space<vmem_shared>>
      tpu.enqueue_indirect_dma source(%arg13 : memref<40x128xf32, #tpu.memory_space<vmem>>) target(%dma_start3A_585 : memref<10000x128xf32, #tpu.memory_space<vmem_shared>>) offsets(%dma_start3A_582 : memref<40xi32, #tpu.memory_space<vmem>>) semaphore(%arg25 : memref<!tpu.dma_semaphore, #tpu.memory_space<semaphore_mem>>) {add = true}
      %add3A_586 = arith.constant 6 : i32
      %add3A_587 = arith.addi %add3A_573, %add3A_586 : i32
      %sub3A_588 = arith.constant 1 : i32
      %sub3A_589 = arith.subi %add3A_587, %sub3A_588 : i32
      %lt3A_590 = arith.constant 250 : i32
      %lt3A_591 = arith.cmpi slt, %sub3A_589, %lt3A_590 : i32
      %ge3A_592 = arith.constant 1 : i32
      %ge3A_593 = arith.cmpi sge, %add3A_573, %ge3A_592 : i32
      %and3A_594 = arith.andi %lt3A_591, %ge3A_593 : i1
      %convert_element_type3A_595 = arith.extui %and3A_594 : i1 to i32
      %cond3A_596 = arith.constant 0 : i32
      %cond3A_597 = arith.cmpi ne, %convert_element_type3A_595, %cond3A_596 : i32
      scf.if %cond3A_597 {
        %sub3A_604 = arith.constant 1 : i32
        %sub3A_605 = arith.subi %add3A_573, %sub3A_604 : i32
        %dma_wait3A_606 = arith.constant 0 : i32
        %dma_wait3A_607 = tpu.memref_slice %arg7[%sub3A_605, %dma_wait3A_606] : memref<250x40xi32, #tpu.memory_space<vmem>> -> memref<1x40xi32, #tpu.memory_space<vmem>>
        %dma_wait3A_608 = tpu.memref_squeeze %dma_wait3A_607 : memref<1x40xi32, #tpu.memory_space<vmem>> -> memref<40xi32, #tpu.memory_space<vmem>>
        %dma_wait3A_609 = arith.constant 0 : i32
        %dma_wait3A_610 = arith.constant 0 : i32
        %dma_wait3A_611 = tpu.memref_slice %arg26[%dma_wait3A_609, %dma_wait3A_610] : memref<10000x128xf32, #tpu.memory_space<vmem_shared>> -> memref<10000x128xf32, #tpu.memory_space<vmem_shared>>
        tpu.wait_indirect_dma semaphore(%arg24 : memref<!tpu.dma_semaphore, #tpu.memory_space<semaphore_mem>>) src(%arg12 : memref<40x128xf32, #tpu.memory_space<vmem>>) dst(%dma_wait3A_611 : memref<10000x128xf32, #tpu.memory_space<vmem_shared>>)
      } else {
      }
      %lt3A_598 = arith.constant 250 : i32
      %lt3A_599 = arith.cmpi slt, %sub3A_589, %lt3A_598 : i32
      %convert_element_type3A_600 = arith.extui %lt3A_599 : i1 to i32
      %cond3A_601 = arith.constant 0 : i32
      %cond3A_602 = arith.cmpi ne, %convert_element_type3A_600, %cond3A_601 : i32
      scf.if %cond3A_602 {
        %dma_start3A_604 = arith.constant 0 : i32
        %dma_start3A_605 = tpu.memref_slice %arg6[%sub3A_589, %dma_start3A_604] : memref<250x40xi32, #tpu.memory_space<vmem>> -> memref<1x40xi32, #tpu.memory_space<vmem>>
        %dma_start3A_606 = tpu.memref_squeeze %dma_start3A_605 : memref<1x40xi32, #tpu.memory_space<vmem>> -> memref<40xi32, #tpu.memory_space<vmem>>
        %dma_start3A_607 = arith.constant 0 : i32
        %dma_start3A_608 = arith.constant 0 : i32
        %dma_start3A_609 = tpu.memref_slice %arg2[%dma_start3A_607, %dma_start3A_608] : memref<10000x128xf32, #tpu.memory_space<hbm>> -> memref<10000x128xf32, #tpu.memory_space<hbm>>
        tpu.enqueue_indirect_dma source(%dma_start3A_609 : memref<10000x128xf32, #tpu.memory_space<hbm>>) target(%arg12 : memref<40x128xf32, #tpu.memory_space<vmem>>) offsets(%dma_start3A_606 : memref<40xi32, #tpu.memory_space<vmem>>) semaphore(%arg18 : memref<!tpu.dma_semaphore, #tpu.memory_space<semaphore_mem>>)
      } else {
      }
      %scan3A_603 = arith.constant 0 : i32
      scf.yield %scan3A_603 : i32
    }
    %scan3A_291 = arith.constant 41 : i32
    %dma_wait3A_292 = arith.constant 246 : i32
    %dma_wait3A_293 = arith.constant 0 : i32
    %dma_wait3A_294 = tpu.memref_slice %arg6[%dma_wait3A_292, %dma_wait3A_293] : memref<250x40xi32, #tpu.memory_space<vmem>> -> memref<1x40xi32, #tpu.memory_space<vmem>>
    %dma_wait3A_295 = tpu.memref_squeeze %dma_wait3A_294 : memref<1x40xi32, #tpu.memory_space<vmem>> -> memref<40xi32, #tpu.memory_space<vmem>>
    %dma_wait3A_296 = arith.constant 0 : i32
    %dma_wait3A_297 = arith.constant 0 : i32
    %dma_wait3A_298 = tpu.memref_slice %arg2[%dma_wait3A_296, %dma_wait3A_297] : memref<10000x128xf32, #tpu.memory_space<hbm>> -> memref<10000x128xf32, #tpu.memory_space<hbm>>
    tpu.wait_indirect_dma semaphore(%arg14 : memref<!tpu.dma_semaphore, #tpu.memory_space<semaphore_mem>>) src(%dma_wait3A_298 : memref<10000x128xf32, #tpu.memory_space<hbm>>) dst(%arg8 : memref<40x128xf32, #tpu.memory_space<vmem>>)
    %dma_start3A_299 = arith.constant 246 : i32
    %dma_start3A_300 = arith.constant 0 : i32
    %dma_start3A_301 = tpu.memref_slice %arg7[%dma_start3A_299, %dma_start3A_300] : memref<250x40xi32, #tpu.memory_space<vmem>> -> memref<1x40xi32, #tpu.memory_space<vmem>>
    %dma_start3A_302 = tpu.memref_squeeze %dma_start3A_301 : memref<1x40xi32, #tpu.memory_space<vmem>> -> memref<40xi32, #tpu.memory_space<vmem>>
    %dma_start3A_303 = arith.constant 0 : i32
    %dma_start3A_304 = arith.constant 0 : i32
    %dma_start3A_305 = tpu.memref_slice %arg26[%dma_start3A_303, %dma_start3A_304] : memref<10000x128xf32, #tpu.memory_space<vmem_shared>> -> memref<10000x128xf32, #tpu.memory_space<vmem_shared>>
    tpu.enqueue_indirect_dma source(%arg8 : memref<40x128xf32, #tpu.memory_space<vmem>>) target(%dma_start3A_305 : memref<10000x128xf32, #tpu.memory_space<vmem_shared>>) offsets(%dma_start3A_302 : memref<40xi32, #tpu.memory_space<vmem>>) semaphore(%arg20 : memref<!tpu.dma_semaphore, #tpu.memory_space<semaphore_mem>>) {add = true}
    %dma_wait3A_306 = arith.constant 247 : i32
    %dma_wait3A_307 = arith.constant 0 : i32
    %dma_wait3A_308 = tpu.memref_slice %arg6[%dma_wait3A_306, %dma_wait3A_307] : memref<250x40xi32, #tpu.memory_space<vmem>> -> memref<1x40xi32, #tpu.memory_space<vmem>>
    %dma_wait3A_309 = tpu.memref_squeeze %dma_wait3A_308 : memref<1x40xi32, #tpu.memory_space<vmem>> -> memref<40xi32, #tpu.memory_space<vmem>>
    %dma_wait3A_310 = arith.constant 0 : i32
    %dma_wait3A_311 = arith.constant 0 : i32
    %dma_wait3A_312 = tpu.memref_slice %arg2[%dma_wait3A_310, %dma_wait3A_311] : memref<10000x128xf32, #tpu.memory_space<hbm>> -> memref<10000x128xf32, #tpu.memory_space<hbm>>
    tpu.wait_indirect_dma semaphore(%arg15 : memref<!tpu.dma_semaphore, #tpu.memory_space<semaphore_mem>>) src(%dma_wait3A_312 : memref<10000x128xf32, #tpu.memory_space<hbm>>) dst(%arg9 : memref<40x128xf32, #tpu.memory_space<vmem>>)
    %dma_start3A_313 = arith.constant 247 : i32
    %dma_start3A_314 = arith.constant 0 : i32
    %dma_start3A_315 = tpu.memref_slice %arg7[%dma_start3A_313, %dma_start3A_314] : memref<250x40xi32, #tpu.memory_space<vmem>> -> memref<1x40xi32, #tpu.memory_space<vmem>>
    %dma_start3A_316 = tpu.memref_squeeze %dma_start3A_315 : memref<1x40xi32, #tpu.memory_space<vmem>> -> memref<40xi32, #tpu.memory_space<vmem>>
    %dma_start3A_317 = arith.constant 0 : i32
    %dma_start3A_318 = arith.constant 0 : i32
    %dma_start3A_319 = tpu.memref_slice %arg26[%dma_start3A_317, %dma_start3A_318] : memref<10000x128xf32, #tpu.memory_space<vmem_shared>> -> memref<10000x128xf32, #tpu.memory_space<vmem_shared>>
    tpu.enqueue_indirect_dma source(%arg9 : memref<40x128xf32, #tpu.memory_space<vmem>>) target(%dma_start3A_319 : memref<10000x128xf32, #tpu.memory_space<vmem_shared>>) offsets(%dma_start3A_316 : memref<40xi32, #tpu.memory_space<vmem>>) semaphore(%arg21 : memref<!tpu.dma_semaphore, #tpu.memory_space<semaphore_mem>>) {add = true}
    %dma_wait3A_320 = arith.constant 248 : i32
    %dma_wait3A_321 = arith.constant 0 : i32
    %dma_wait3A_322 = tpu.memref_slice %arg6[%dma_wait3A_320, %dma_wait3A_321] : memref<250x40xi32, #tpu.memory_space<vmem>> -> memref<1x40xi32, #tpu.memory_space<vmem>>
    %dma_wait3A_323 = tpu.memref_squeeze %dma_wait3A_322 : memref<1x40xi32, #tpu.memory_space<vmem>> -> memref<40xi32, #tpu.memory_space<vmem>>
    %dma_wait3A_324 = arith.constant 0 : i32
    %dma_wait3A_325 = arith.constant 0 : i32
    %dma_wait3A_326 = tpu.memref_slice %arg2[%dma_wait3A_324, %dma_wait3A_325] : memref<10000x128xf32, #tpu.memory_space<hbm>> -> memref<10000x128xf32, #tpu.memory_space<hbm>>
    tpu.wait_indirect_dma semaphore(%arg16 : memref<!tpu.dma_semaphore, #tpu.memory_space<semaphore_mem>>) src(%dma_wait3A_326 : memref<10000x128xf32, #tpu.memory_space<hbm>>) dst(%arg10 : memref<40x128xf32, #tpu.memory_space<vmem>>)
    %dma_start3A_327 = arith.constant 248 : i32
    %dma_start3A_328 = arith.constant 0 : i32
    %dma_start3A_329 = tpu.memref_slice %arg7[%dma_start3A_327, %dma_start3A_328] : memref<250x40xi32, #tpu.memory_space<vmem>> -> memref<1x40xi32, #tpu.memory_space<vmem>>
    %dma_start3A_330 = tpu.memref_squeeze %dma_start3A_329 : memref<1x40xi32, #tpu.memory_space<vmem>> -> memref<40xi32, #tpu.memory_space<vmem>>
    %dma_start3A_331 = arith.constant 0 : i32
    %dma_start3A_332 = arith.constant 0 : i32
    %dma_start3A_333 = tpu.memref_slice %arg26[%dma_start3A_331, %dma_start3A_332] : memref<10000x128xf32, #tpu.memory_space<vmem_shared>> -> memref<10000x128xf32, #tpu.memory_space<vmem_shared>>
    tpu.enqueue_indirect_dma source(%arg10 : memref<40x128xf32, #tpu.memory_space<vmem>>) target(%dma_start3A_333 : memref<10000x128xf32, #tpu.memory_space<vmem_shared>>) offsets(%dma_start3A_330 : memref<40xi32, #tpu.memory_space<vmem>>) semaphore(%arg22 : memref<!tpu.dma_semaphore, #tpu.memory_space<semaphore_mem>>) {add = true}
    %dma_wait3A_334 = arith.constant 249 : i32
    %dma_wait3A_335 = arith.constant 0 : i32
    %dma_wait3A_336 = tpu.memref_slice %arg6[%dma_wait3A_334, %dma_wait3A_335] : memref<250x40xi32, #tpu.memory_space<vmem>> -> memref<1x40xi32, #tpu.memory_space<vmem>>
    %dma_wait3A_337 = tpu.memref_squeeze %dma_wait3A_336 : memref<1x40xi32, #tpu.memory_space<vmem>> -> memref<40xi32, #tpu.memory_space<vmem>>
    %dma_wait3A_338 = arith.constant 0 : i32
    %dma_wait3A_339 = arith.constant 0 : i32
    %dma_wait3A_340 = tpu.memref_slice %arg2[%dma_wait3A_338, %dma_wait3A_339] : memref<10000x128xf32, #tpu.memory_space<hbm>> -> memref<10000x128xf32, #tpu.memory_space<hbm>>
    tpu.wait_indirect_dma semaphore(%arg17 : memref<!tpu.dma_semaphore, #tpu.memory_space<semaphore_mem>>) src(%dma_wait3A_340 : memref<10000x128xf32, #tpu.memory_space<hbm>>) dst(%arg11 : memref<40x128xf32, #tpu.memory_space<vmem>>)
    %dma_start3A_341 = arith.constant 249 : i32
    %dma_start3A_342 = arith.constant 0 : i32
    %dma_start3A_343 = tpu.memref_slice %arg7[%dma_start3A_341, %dma_start3A_342] : memref<250x40xi32, #tpu.memory_space<vmem>> -> memref<1x40xi32, #tpu.memory_space<vmem>>
    %dma_start3A_344 = tpu.memref_squeeze %dma_start3A_343 : memref<1x40xi32, #tpu.memory_space<vmem>> -> memref<40xi32, #tpu.memory_space<vmem>>
    %dma_start3A_345 = arith.constant 0 : i32
    %dma_start3A_346 = arith.constant 0 : i32
    %dma_start3A_347 = tpu.memref_slice %arg26[%dma_start3A_345, %dma_start3A_346] : memref<10000x128xf32, #tpu.memory_space<vmem_shared>> -> memref<10000x128xf32, #tpu.memory_space<vmem_shared>>
    tpu.enqueue_indirect_dma source(%arg11 : memref<40x128xf32, #tpu.memory_space<vmem>>) target(%dma_start3A_347 : memref<10000x128xf32, #tpu.memory_space<vmem_shared>>) offsets(%dma_start3A_344 : memref<40xi32, #tpu.memory_space<vmem>>) semaphore(%arg23 : memref<!tpu.dma_semaphore, #tpu.memory_space<semaphore_mem>>) {add = true}
    %dma_wait3A_348 = arith.constant 246 : i32
    %dma_wait3A_349 = arith.constant 0 : i32
    %dma_wait3A_350 = tpu.memref_slice %arg7[%dma_wait3A_348, %dma_wait3A_349] : memref<250x40xi32, #tpu.memory_space<vmem>> -> memref<1x40xi32, #tpu.memory_space<vmem>>
    %dma_wait3A_351 = tpu.memref_squeeze %dma_wait3A_350 : memref<1x40xi32, #tpu.memory_space<vmem>> -> memref<40xi32, #tpu.memory_space<vmem>>
    %dma_wait3A_352 = arith.constant 0 : i32
    %dma_wait3A_353 = arith.constant 0 : i32
    %dma_wait3A_354 = tpu.memref_slice %arg26[%dma_wait3A_352, %dma_wait3A_353] : memref<10000x128xf32, #tpu.memory_space<vmem_shared>> -> memref<10000x128xf32, #tpu.memory_space<vmem_shared>>
    tpu.wait_indirect_dma semaphore(%arg20 : memref<!tpu.dma_semaphore, #tpu.memory_space<semaphore_mem>>) src(%arg8 : memref<40x128xf32, #tpu.memory_space<vmem>>) dst(%dma_wait3A_354 : memref<10000x128xf32, #tpu.memory_space<vmem_shared>>)
    %dma_wait3A_355 = arith.constant 247 : i32
    %dma_wait3A_356 = arith.constant 0 : i32
    %dma_wait3A_357 = tpu.memref_slice %arg7[%dma_wait3A_355, %dma_wait3A_356] : memref<250x40xi32, #tpu.memory_space<vmem>> -> memref<1x40xi32, #tpu.memory_space<vmem>>
    %dma_wait3A_358 = tpu.memref_squeeze %dma_wait3A_357 : memref<1x40xi32, #tpu.memory_space<vmem>> -> memref<40xi32, #tpu.memory_space<vmem>>
    %dma_wait3A_359 = arith.constant 0 : i32
    %dma_wait3A_360 = arith.constant 0 : i32
    %dma_wait3A_361 = tpu.memref_slice %arg26[%dma_wait3A_359, %dma_wait3A_360] : memref<10000x128xf32, #tpu.memory_space<vmem_shared>> -> memref<10000x128xf32, #tpu.memory_space<vmem_shared>>
    tpu.wait_indirect_dma semaphore(%arg21 : memref<!tpu.dma_semaphore, #tpu.memory_space<semaphore_mem>>) src(%arg9 : memref<40x128xf32, #tpu.memory_space<vmem>>) dst(%dma_wait3A_361 : memref<10000x128xf32, #tpu.memory_space<vmem_shared>>)
    %dma_wait3A_362 = arith.constant 248 : i32
    %dma_wait3A_363 = arith.constant 0 : i32
    %dma_wait3A_364 = tpu.memref_slice %arg7[%dma_wait3A_362, %dma_wait3A_363] : memref<250x40xi32, #tpu.memory_space<vmem>> -> memref<1x40xi32, #tpu.memory_space<vmem>>
    %dma_wait3A_365 = tpu.memref_squeeze %dma_wait3A_364 : memref<1x40xi32, #tpu.memory_space<vmem>> -> memref<40xi32, #tpu.memory_space<vmem>>
    %dma_wait3A_366 = arith.constant 0 : i32
    %dma_wait3A_367 = arith.constant 0 : i32
    %dma_wait3A_368 = tpu.memref_slice %arg26[%dma_wait3A_366, %dma_wait3A_367] : memref<10000x128xf32, #tpu.memory_space<vmem_shared>> -> memref<10000x128xf32, #tpu.memory_space<vmem_shared>>
    tpu.wait_indirect_dma semaphore(%arg22 : memref<!tpu.dma_semaphore, #tpu.memory_space<semaphore_mem>>) src(%arg10 : memref<40x128xf32, #tpu.memory_space<vmem>>) dst(%dma_wait3A_368 : memref<10000x128xf32, #tpu.memory_space<vmem_shared>>)
    %dma_wait3A_369 = arith.constant 249 : i32
    %dma_wait3A_370 = arith.constant 0 : i32
    %dma_wait3A_371 = tpu.memref_slice %arg7[%dma_wait3A_369, %dma_wait3A_370] : memref<250x40xi32, #tpu.memory_space<vmem>> -> memref<1x40xi32, #tpu.memory_space<vmem>>
    %dma_wait3A_372 = tpu.memref_squeeze %dma_wait3A_371 : memref<1x40xi32, #tpu.memory_space<vmem>> -> memref<40xi32, #tpu.memory_space<vmem>>
    %dma_wait3A_373 = arith.constant 0 : i32
    %dma_wait3A_374 = arith.constant 0 : i32
    %dma_wait3A_375 = tpu.memref_slice %arg26[%dma_wait3A_373, %dma_wait3A_374] : memref<10000x128xf32, #tpu.memory_space<vmem_shared>> -> memref<10000x128xf32, #tpu.memory_space<vmem_shared>>
    tpu.wait_indirect_dma semaphore(%arg23 : memref<!tpu.dma_semaphore, #tpu.memory_space<semaphore_mem>>) src(%arg11 : memref<40x128xf32, #tpu.memory_space<vmem>>) dst(%dma_wait3A_375 : memref<10000x128xf32, #tpu.memory_space<vmem_shared>>)
    %dma_wait3A_376 = arith.constant 244 : i32
    %dma_wait3A_377 = arith.constant 0 : i32
    %dma_wait3A_378 = tpu.memref_slice %arg7[%dma_wait3A_376, %dma_wait3A_377] : memref<250x40xi32, #tpu.memory_space<vmem>> -> memref<1x40xi32, #tpu.memory_space<vmem>>
    %dma_wait3A_379 = tpu.memref_squeeze %dma_wait3A_378 : memref<1x40xi32, #tpu.memory_space<vmem>> -> memref<40xi32, #tpu.memory_space<vmem>>
    %dma_wait3A_380 = arith.constant 0 : i32
    %dma_wait3A_381 = arith.constant 0 : i32
    %dma_wait3A_382 = tpu.memref_slice %arg26[%dma_wait3A_380, %dma_wait3A_381] : memref<10000x128xf32, #tpu.memory_space<vmem_shared>> -> memref<10000x128xf32, #tpu.memory_space<vmem_shared>>
    tpu.wait_indirect_dma semaphore(%arg24 : memref<!tpu.dma_semaphore, #tpu.memory_space<semaphore_mem>>) src(%arg12 : memref<40x128xf32, #tpu.memory_space<vmem>>) dst(%dma_wait3A_382 : memref<10000x128xf32, #tpu.memory_space<vmem_shared>>)
    %dma_wait3A_383 = arith.constant 245 : i32
    %dma_wait3A_384 = arith.constant 0 : i32
    %dma_wait3A_385 = tpu.memref_slice %arg7[%dma_wait3A_383, %dma_wait3A_384] : memref<250x40xi32, #tpu.memory_space<vmem>> -> memref<1x40xi32, #tpu.memory_space<vmem>>
    %dma_wait3A_386 = tpu.memref_squeeze %dma_wait3A_385 : memref<1x40xi32, #tpu.memory_space<vmem>> -> memref<40xi32, #tpu.memory_space<vmem>>
    %dma_wait3A_387 = arith.constant 0 : i32
    %dma_wait3A_388 = arith.constant 0 : i32
    %dma_wait3A_389 = tpu.memref_slice %arg26[%dma_wait3A_387, %dma_wait3A_388] : memref<10000x128xf32, #tpu.memory_space<vmem_shared>> -> memref<10000x128xf32, #tpu.memory_space<vmem_shared>>
    tpu.wait_indirect_dma semaphore(%arg25 : memref<!tpu.dma_semaphore, #tpu.memory_space<semaphore_mem>>) src(%arg13 : memref<40x128xf32, #tpu.memory_space<vmem>>) dst(%dma_wait3A_389 : memref<10000x128xf32, #tpu.memory_space<vmem_shared>>)
    %barrier3A_390 = arith.constant 0 : index
    tpu.barrier barrier_id(%barrier3A_390)
    %dma_start3A_391 = arith.constant 0 : i32
    %dma_start3A_392 = tpu.memref_slice %arg5[%arg0, %mul3A_21, %dma_start3A_391] : memref<2x10000x128xf32, #tpu.memory_space<hbm>> -> memref<1x624x128xf32, #tpu.memory_space<hbm>>
    %dma_start3A_393 = tpu.memref_squeeze %dma_start3A_392 : memref<1x624x128xf32, #tpu.memory_space<hbm>> -> memref<624x128xf32, #tpu.memory_space<hbm>>
    %dma_start3A_394 = arith.constant 0 : i32
    %dma_start3A_395 = tpu.memref_slice %arg26[%mul3A_21, %dma_start3A_394] : memref<10000x128xf32, #tpu.memory_space<vmem_shared>> -> memref<624x128xf32, #tpu.memory_space<vmem_shared>>
    tpu.enqueue_dma source(%dma_start3A_395 : memref<624x128xf32, #tpu.memory_space<vmem_shared>>) target(%dma_start3A_393 : memref<624x128xf32, #tpu.memory_space<hbm>>) target_semaphore(%arg14 : memref<!tpu.dma_semaphore, #tpu.memory_space<semaphore_mem>>)
    %eq3A_396 = arith.constant 15 : i32
    %eq3A_397 = arith.cmpi eq, %arg1, %eq3A_396 : i32
    %convert_element_type3A_398 = arith.extui %eq3A_397 : i1 to i32
    %cond3A_399 = arith.constant 0 : i32
    %cond3A_400 = arith.cmpi ne, %convert_element_type3A_398, %cond3A_399 : i32
    scf.if %cond3A_400 {
      %dma_start3A_406 = arith.constant 9984 : i32
      %dma_start3A_407 = arith.constant 0 : i32
      %dma_start3A_408 = tpu.memref_slice %arg5[%arg0, %dma_start3A_406, %dma_start3A_407] : memref<2x10000x128xf32, #tpu.memory_space<hbm>> -> memref<1x16x128xf32, #tpu.memory_space<hbm>>
      %dma_start3A_409 = tpu.memref_squeeze %dma_start3A_408 : memref<1x16x128xf32, #tpu.memory_space<hbm>> -> memref<16x128xf32, #tpu.memory_space<hbm>>
      %dma_start3A_410 = arith.constant 9984 : i32
      %dma_start3A_411 = arith.constant 0 : i32
      %dma_start3A_412 = tpu.memref_slice %arg26[%dma_start3A_410, %dma_start3A_411] : memref<10000x128xf32, #tpu.memory_space<vmem_shared>> -> memref<16x128xf32, #tpu.memory_space<vmem_shared>>
      tpu.enqueue_dma source(%dma_start3A_412 : memref<16x128xf32, #tpu.memory_space<vmem_shared>>) target(%dma_start3A_409 : memref<16x128xf32, #tpu.memory_space<hbm>>) target_semaphore(%arg15 : memref<!tpu.dma_semaphore, #tpu.memory_space<semaphore_mem>>)
      %dma_wait3A_413 = arith.constant 9984 : i32
      %dma_wait3A_414 = arith.constant 0 : i32
      %dma_wait3A_415 = tpu.memref_slice %arg5[%arg0, %dma_wait3A_413, %dma_wait3A_414] : memref<2x10000x128xf32, #tpu.memory_space<hbm>> -> memref<1x16x128xf32, #tpu.memory_space<hbm>>
      %dma_wait3A_416 = tpu.memref_squeeze %dma_wait3A_415 : memref<1x16x128xf32, #tpu.memory_space<hbm>> -> memref<16x128xf32, #tpu.memory_space<hbm>>
      %dma_wait3A_417 = arith.constant 9984 : i32
      %dma_wait3A_418 = arith.constant 0 : i32
      %dma_wait3A_419 = tpu.memref_slice %arg26[%dma_wait3A_417, %dma_wait3A_418] : memref<10000x128xf32, #tpu.memory_space<vmem_shared>> -> memref<16x128xf32, #tpu.memory_space<vmem_shared>>
      tpu.wait_dma2 semaphore(%arg15 : memref<!tpu.dma_semaphore, #tpu.memory_space<semaphore_mem>>) src(%dma_wait3A_419 : memref<16x128xf32, #tpu.memory_space<vmem_shared>>) dst(%dma_wait3A_416 : memref<16x128xf32, #tpu.memory_space<hbm>>)
    } else {
    }
    %dma_wait3A_401 = arith.constant 0 : i32
    %dma_wait3A_402 = tpu.memref_slice %arg5[%arg0, %mul3A_21, %dma_wait3A_401] : memref<2x10000x128xf32, #tpu.memory_space<hbm>> -> memref<1x624x128xf32, #tpu.memory_space<hbm>>
    %dma_wait3A_403 = tpu.memref_squeeze %dma_wait3A_402 : memref<1x624x128xf32, #tpu.memory_space<hbm>> -> memref<624x128xf32, #tpu.memory_space<hbm>>
    %dma_wait3A_404 = arith.constant 0 : i32
    %dma_wait3A_405 = tpu.memref_slice %arg26[%mul3A_21, %dma_wait3A_404] : memref<10000x128xf32, #tpu.memory_space<vmem_shared>> -> memref<624x128xf32, #tpu.memory_space<vmem_shared>>
    tpu.wait_dma2 semaphore(%arg14 : memref<!tpu.dma_semaphore, #tpu.memory_space<semaphore_mem>>) src(%dma_wait3A_405 : memref<624x128xf32, #tpu.memory_space<vmem_shared>>) dst(%dma_wait3A_403 : memref<624x128xf32, #tpu.memory_space<hbm>>)
    return
  }
}

#map = affine_map<(d0, d1) -> (0, 0)>
#map1 = affine_map<(d0, d1) -> (0, 0, 0, 0)>
#map2 = affine_map<(d0, d1) -> (0, 0, 0)>
module attributes {stable_mosaic.version = 14 : i64} {
  func.func @_spmv_body(%arg0: i32, %arg1: i32, %arg2: memref<10000x128xf32, #tpu.memory_space<hbm>>, %arg3: memref<2x16x250x40xi32, #tpu.memory_space<hbm>>, %arg4: memref<2x16x250x40xi32, #tpu.memory_space<hbm>>, %arg5: memref<2x10000x128xf32, #tpu.memory_space<hbm>>, %arg6: memref<250x40xi32, #tpu.memory_space<vmem>>, %arg7: memref<250x40xi32, #tpu.memory_space<vmem>>, %arg8: memref<40x128xf32, #tpu.memory_space<vmem>>, %arg9: memref<40x128xf32, #tpu.memory_space<vmem>>, %arg10: memref<40x128xf32, #tpu.memory_space<vmem>>, %arg11: memref<40x128xf32, #tpu.memory_space<vmem>>, %arg12: memref<40x128xf32, #tpu.memory_space<vmem>>, %arg13: memref<40x128xf32, #tpu.memory_space<vmem>>, %arg14: memref<!tpu.dma_semaphore, #tpu.memory_space<semaphore_mem>>, %arg15: memref<!tpu.dma_semaphore, #tpu.memory_space<semaphore_mem>>, %arg16: memref<!tpu.dma_semaphore, #tpu.memory_space<semaphore_mem>>, %arg17: memref<!tpu.dma_semaphore, #tpu.memory_space<semaphore_mem>>, %arg18: memref<!tpu.dma_semaphore, #tpu.memory_space<semaphore_mem>>, %arg19: memref<!tpu.dma_semaphore, #tpu.memory_space<semaphore_mem>>, %arg20: memref<!tpu.dma_semaphore, #tpu.memory_space<semaphore_mem>>, %arg21: memref<!tpu.dma_semaphore, #tpu.memory_space<semaphore_mem>>, %arg22: memref<!tpu.dma_semaphore, #tpu.memory_space<semaphore_mem>>, %arg23: memref<!tpu.dma_semaphore, #tpu.memory_space<semaphore_mem>>, %arg24: memref<!tpu.dma_semaphore, #tpu.memory_space<semaphore_mem>>, %arg25: memref<!tpu.dma_semaphore, #tpu.memory_space<semaphore_mem>>, %arg26: memref<10000x128xf32, #tpu.memory_space<vmem_shared>>) attributes {dimension_semantics = [#tpu.dimension_semantics<core_parallel>, #tpu.dimension_semantics<subcore_parallel>], iteration_bounds = array<i64: 2, 16>, scalar_prefetch = 0 : i64, scratch_operands = 21 : i64, tpu.core_type = #tpu.core_type<sc_vector_subcore>, window_params = [{transform_indices = #map}, {transform_indices = #map1}, {transform_indices = #map1}, {transform_indices = #map2}]} {
    %dma_start3A = arith.constant 0 : i32
    %dma_start3A_0 = arith.constant 0 : i32
    %dma_start3A_1 = tpu.memref_slice %arg3[%arg0, %arg1, %dma_start3A, %dma_start3A_0] : memref<2x16x250x40xi32, #tpu.memory_space<hbm>> -> memref<1x1x250x40xi32, #tpu.memory_space<hbm>>
    %dma_start3A_2 = tpu.memref_squeeze %dma_start3A_1 : memref<1x1x250x40xi32, #tpu.memory_space<hbm>> -> memref<250x40xi32, #tpu.memory_space<hbm>>
    %dma_start3A_3 = arith.constant 0 : i32
    %dma_start3A_4 = arith.constant 0 : i32
    %dma_start3A_5 = tpu.memref_slice %arg3[%arg0, %arg1, %dma_start3A_3, %dma_start3A_4] : memref<2x16x250x40xi32, #tpu.memory_space<hbm>> -> memref<1x1x250x40xi32, #tpu.memory_space<hbm>>
    %dma_start3A_6 = tpu.memref_squeeze %dma_start3A_5 : memref<1x1x250x40xi32, #tpu.memory_space<hbm>> -> memref<250x40xi32, #tpu.memory_space<hbm>>
    tpu.enqueue_dma source(%dma_start3A_6 : memref<250x40xi32, #tpu.memory_space<hbm>>) target(%arg6 : memref<250x40xi32, #tpu.memory_space<vmem>>) target_semaphore(%arg15 : memref<!tpu.dma_semaphore, #tpu.memory_space<semaphore_mem>>)
    %dma_start3A_7 = arith.constant 0 : i32
    %dma_start3A_8 = arith.constant 0 : i32
    %dma_start3A_9 = tpu.memref_slice %arg4[%arg0, %arg1, %dma_start3A_7, %dma_start3A_8] : memref<2x16x250x40xi32, #tpu.memory_space<hbm>> -> memref<1x1x250x40xi32, #tpu.memory_space<hbm>>
    %dma_start3A_10 = tpu.memref_squeeze %dma_start3A_9 : memref<1x1x250x40xi32, #tpu.memory_space<hbm>> -> memref<250x40xi32, #tpu.memory_space<hbm>>
    %dma_start3A_11 = arith.constant 0 : i32
    %dma_start3A_12 = arith.constant 0 : i32
    %dma_start3A_13 = tpu.memref_slice %arg4[%arg0, %arg1, %dma_start3A_11, %dma_start3A_12] : memref<2x16x250x40xi32, #tpu.memory_space<hbm>> -> memref<1x1x250x40xi32, #tpu.memory_space<hbm>>
    %dma_start3A_14 = tpu.memref_squeeze %dma_start3A_13 : memref<1x1x250x40xi32, #tpu.memory_space<hbm>> -> memref<250x40xi32, #tpu.memory_space<hbm>>
    tpu.enqueue_dma source(%dma_start3A_14 : memref<250x40xi32, #tpu.memory_space<hbm>>) target(%arg7 : memref<250x40xi32, #tpu.memory_space<vmem>>) target_semaphore(%arg16 : memref<!tpu.dma_semaphore, #tpu.memory_space<semaphore_mem>>)
    %scan3A = arith.constant 0 : i32
    %scan3A_15 = arith.constant 0 : i32
    %scan3A_16 = arith.constant 320 : i32
    %scan3A_17 = arith.addi %scan3A_15, %scan3A_16 : i32
    %scan3A_18 = arith.constant 1 : i32
    %scan3A_19 = scf.for %scan3A_406 = %scan3A_15 to %scan3A_17 step %scan3A_18 iter_args(%scan3A_407 = %scan3A) -> (i32)  : i32 {
      %jit3A = arith.constant 8 : i32
      %div3A = arith.divsi %scan3A_406, %jit3A : i32
      %sign3A = arith.constant 0 : i32
      %sign3A_408 = arith.cmpi sgt, %scan3A_406, %sign3A : i32
      %sign3A_409 = arith.extui %sign3A_408 : i1 to i32
      %sign3A_410 = arith.constant 0 : i32
      %sign3A_411 = arith.cmpi slt, %scan3A_406, %sign3A_410 : i32
      %sign3A_412 = arith.extui %sign3A_411 : i1 to i32
      %sign3A_413 = arith.subi %sign3A_409, %sign3A_412 : i32
      %sign3A_414 = arith.constant 0 : i32
      %sign3A_415 = arith.cmpi sgt, %jit3A, %sign3A_414 : i32
      %sign3A_416 = arith.extui %sign3A_415 : i1 to i32
      %sign3A_417 = arith.constant 0 : i32
      %sign3A_418 = arith.cmpi slt, %jit3A, %sign3A_417 : i32
      %sign3A_419 = arith.extui %sign3A_418 : i1 to i32
      %sign3A_420 = arith.subi %sign3A_416, %sign3A_419 : i32
      %ne3A = arith.cmpi ne, %sign3A_413, %sign3A_420 : i32
      %rem3A = arith.remsi %scan3A_406, %jit3A : i32
      %ne3A_421 = arith.constant 0 : i32
      %ne3A_422 = arith.cmpi ne, %rem3A, %ne3A_421 : i32
      %and3A = arith.andi %ne3A, %ne3A_422 : i1
      %sub3A_423 = arith.constant 1 : i32
      %sub3A_424 = arith.subi %div3A, %sub3A_423 : i32
      %select_n3A = arith.select %and3A, %sub3A_424, %div3A : i32
      %jit3A_425 = arith.constant 8 : i32
      %eq3A_426 = arith.constant 0 : i32
      %eq3A_427 = arith.cmpi eq, %jit3A_425, %eq3A_426 : i32
      %jit3A_428 = arith.constant 1 : i32
      %select_n3A_429 = arith.select %eq3A_427, %jit3A_428, %jit3A_425 : i32
      %rem3A_430 = arith.remsi %scan3A_406, %select_n3A_429 : i32
      %ne3A_431 = arith.constant 0 : i32
      %ne3A_432 = arith.cmpi ne, %rem3A_430, %ne3A_431 : i32
      %lt3A = arith.constant 0 : i32
      %lt3A_433 = arith.cmpi slt, %rem3A_430, %lt3A : i32
      %lt3A_434 = arith.constant 0 : i32
      %lt3A_435 = arith.cmpi slt, %select_n3A_429, %lt3A_434 : i32
      %ne3A_436 = arith.xori %lt3A_433, %lt3A_435 : i1
      %and3A_437 = arith.andi %ne3A_436, %ne3A_432 : i1
      %add3A_438 = arith.addi %rem3A_430, %select_n3A_429 : i32
      %select_n3A_439 = arith.select %and3A_437, %add3A_438, %rem3A_430 : i32
      %mul3A_440 = arith.constant 16 : i32
      %mul3A_441 = arith.muli %select_n3A_439, %mul3A_440 : i32
      %broadcast_in_dim3A = arith.constant 0.000000e+00 : f32
      %broadcast_in_dim3A_442 = vector.broadcast %broadcast_in_dim3A : f32 to vector<16xf32>
      %swap3A = arith.index_cast %select_n3A : i32 to index
      %swap3A_443 = arith.index_cast %mul3A_441 : i32 to index
      %swap3A_444 = tpu.vector_load %arg8[%swap3A, %swap3A_443] {strides = array<i32>} : memref<40x128xf32, #tpu.memory_space<vmem>>, vector<1x16xf32>,
      %swap3A_445 = vector.shape_cast %swap3A_444 : vector<1x16xf32> to vector<16xf32>
      %swap3A_446 = vector.shape_cast %broadcast_in_dim3A_442 : vector<16xf32> to vector<1x16xf32>
      tpu.vector_store %arg8[%swap3A, %swap3A_443], %swap3A_446 {strides = array<i32>} : memref<40x128xf32, #tpu.memory_space<vmem>>, vector<1x16xf32>,
      %scan3A_447 = arith.constant 0 : i32
      scf.yield %scan3A_447 : i32
    }
    %scan3A_20 = arith.constant 320 : i32
    %mul3A = arith.constant 624 : i32
    %mul3A_21 = arith.muli %arg1, %mul3A : i32
    %add3A = arith.constant 0 : i32
    %add3A_22 = arith.addi %mul3A_21, %add3A : i32
    %dma_start3A_23 = arith.constant 0 : i32
    %dma_start3A_24 = tpu.memref_slice %arg26[%add3A_22, %dma_start3A_23] : memref<10000x128xf32, #tpu.memory_space<vmem_shared>> -> memref<40x128xf32, #tpu.memory_space<vmem_shared>>
    %dma_start3A_25 = arith.constant 0 : i32
    %dma_start3A_26 = tpu.memref_slice %arg26[%add3A_22, %dma_start3A_25] : memref<10000x128xf32, #tpu.memory_space<vmem_shared>> -> memref<40x128xf32, #tpu.memory_space<vmem_shared>>
    tpu.enqueue_dma source(%arg8 : memref<40x128xf32, #tpu.memory_space<vmem>>) target(%dma_start3A_26 : memref<40x128xf32, #tpu.memory_space<vmem_shared>>) target_semaphore(%arg14 : memref<!tpu.dma_semaphore, #tpu.memory_space<semaphore_mem>>)
    %add3A_27 = arith.constant 40 : i32
    %add3A_28 = arith.addi %mul3A_21, %add3A_27 : i32
    %dma_start3A_29 = arith.constant 0 : i32
    %dma_start3A_30 = tpu.memref_slice %arg26[%add3A_28, %dma_start3A_29] : memref<10000x128xf32, #tpu.memory_space<vmem_shared>> -> memref<40x128xf32, #tpu.memory_space<vmem_shared>>
    %dma_start3A_31 = arith.constant 0 : i32
    %dma_start3A_32 = tpu.memref_slice %arg26[%add3A_28, %dma_start3A_31] : memref<10000x128xf32, #tpu.memory_space<vmem_shared>> -> memref<40x128xf32, #tpu.memory_space<vmem_shared>>
    tpu.enqueue_dma source(%arg8 : memref<40x128xf32, #tpu.memory_space<vmem>>) target(%dma_start3A_32 : memref<40x128xf32, #tpu.memory_space<vmem_shared>>) target_semaphore(%arg14 : memref<!tpu.dma_semaphore, #tpu.memory_space<semaphore_mem>>)
    %add3A_33 = arith.constant 80 : i32
    %add3A_34 = arith.addi %mul3A_21, %add3A_33 : i32
    %dma_start3A_35 = arith.constant 0 : i32
    %dma_start3A_36 = tpu.memref_slice %arg26[%add3A_34, %dma_start3A_35] : memref<10000x128xf32, #tpu.memory_space<vmem_shared>> -> memref<40x128xf32, #tpu.memory_space<vmem_shared>>
    %dma_start3A_37 = arith.constant 0 : i32
    %dma_start3A_38 = tpu.memref_slice %arg26[%add3A_34, %dma_start3A_37] : memref<10000x128xf32, #tpu.memory_space<vmem_shared>> -> memref<40x128xf32, #tpu.memory_space<vmem_shared>>
    tpu.enqueue_dma source(%arg8 : memref<40x128xf32, #tpu.memory_space<vmem>>) target(%dma_start3A_38 : memref<40x128xf32, #tpu.memory_space<vmem_shared>>) target_semaphore(%arg14 : memref<!tpu.dma_semaphore, #tpu.memory_space<semaphore_mem>>)
    %add3A_39 = arith.constant 120 : i32
    %add3A_40 = arith.addi %mul3A_21, %add3A_39 : i32
    %dma_start3A_41 = arith.constant 0 : i32
    %dma_start3A_42 = tpu.memref_slice %arg26[%add3A_40, %dma_start3A_41] : memref<10000x128xf32, #tpu.memory_space<vmem_shared>> -> memref<40x128xf32, #tpu.memory_space<vmem_shared>>
    %dma_start3A_43 = arith.constant 0 : i32
    %dma_start3A_44 = tpu.memref_slice %arg26[%add3A_40, %dma_start3A_43] : memref<10000x128xf32, #tpu.memory_space<vmem_shared>> -> memref<40x128xf32, #tpu.memory_space<vmem_shared>>
    tpu.enqueue_dma source(%arg8 : memref<40x128xf32, #tpu.memory_space<vmem>>) target(%dma_start3A_44 : memref<40x128xf32, #tpu.memory_space<vmem_shared>>) target_semaphore(%arg14 : memref<!tpu.dma_semaphore, #tpu.memory_space<semaphore_mem>>)
    %add3A_45 = arith.constant 160 : i32
    %add3A_46 = arith.addi %mul3A_21, %add3A_45 : i32
    %dma_start3A_47 = arith.constant 0 : i32
    %dma_start3A_48 = tpu.memref_slice %arg26[%add3A_46, %dma_start3A_47] : memref<10000x128xf32, #tpu.memory_space<vmem_shared>> -> memref<40x128xf32, #tpu.memory_space<vmem_shared>>
    %dma_start3A_49 = arith.constant 0 : i32
    %dma_start3A_50 = tpu.memref_slice %arg26[%add3A_46, %dma_start3A_49] : memref<10000x128xf32, #tpu.memory_space<vmem_shared>> -> memref<40x128xf32, #tpu.memory_space<vmem_shared>>
    tpu.enqueue_dma source(%arg8 : memref<40x128xf32, #tpu.memory_space<vmem>>) target(%dma_start3A_50 : memref<40x128xf32, #tpu.memory_space<vmem_shared>>) target_semaphore(%arg14 : memref<!tpu.dma_semaphore, #tpu.memory_space<semaphore_mem>>)
    %add3A_51 = arith.constant 200 : i32
    %add3A_52 = arith.addi %mul3A_21, %add3A_51 : i32
    %dma_start3A_53 = arith.constant 0 : i32
    %dma_start3A_54 = tpu.memref_slice %arg26[%add3A_52, %dma_start3A_53] : memref<10000x128xf32, #tpu.memory_space<vmem_shared>> -> memref<40x128xf32, #tpu.memory_space<vmem_shared>>
    %dma_start3A_55 = arith.constant 0 : i32
    %dma_start3A_56 = tpu.memref_slice %arg26[%add3A_52, %dma_start3A_55] : memref<10000x128xf32, #tpu.memory_space<vmem_shared>> -> memref<40x128xf32, #tpu.memory_space<vmem_shared>>
    tpu.enqueue_dma source(%arg8 : memref<40x128xf32, #tpu.memory_space<vmem>>) target(%dma_start3A_56 : memref<40x128xf32, #tpu.memory_space<vmem_shared>>) target_semaphore(%arg14 : memref<!tpu.dma_semaphore, #tpu.memory_space<semaphore_mem>>)
    %add3A_57 = arith.constant 240 : i32
    %add3A_58 = arith.addi %mul3A_21, %add3A_57 : i32
    %dma_start3A_59 = arith.constant 0 : i32
    %dma_start3A_60 = tpu.memref_slice %arg26[%add3A_58, %dma_start3A_59] : memref<10000x128xf32, #tpu.memory_space<vmem_shared>> -> memref<40x128xf32, #tpu.memory_space<vmem_shared>>
    %dma_start3A_61 = arith.constant 0 : i32
    %dma_start3A_62 = tpu.memref_slice %arg26[%add3A_58, %dma_start3A_61] : memref<10000x128xf32, #tpu.memory_space<vmem_shared>> -> memref<40x128xf32, #tpu.memory_space<vmem_shared>>
    tpu.enqueue_dma source(%arg8 : memref<40x128xf32, #tpu.memory_space<vmem>>) target(%dma_start3A_62 : memref<40x128xf32, #tpu.memory_space<vmem_shared>>) target_semaphore(%arg14 : memref<!tpu.dma_semaphore, #tpu.memory_space<semaphore_mem>>)
    %add3A_63 = arith.constant 280 : i32
    %add3A_64 = arith.addi %mul3A_21, %add3A_63 : i32
    %dma_start3A_65 = arith.constant 0 : i32
    %dma_start3A_66 = tpu.memref_slice %arg26[%add3A_64, %dma_start3A_65] : memref<10000x128xf32, #tpu.memory_space<vmem_shared>> -> memref<40x128xf32, #tpu.memory_space<vmem_shared>>
    %dma_start3A_67 = arith.constant 0 : i32
    %dma_start3A_68 = tpu.memref_slice %arg26[%add3A_64, %dma_start3A_67] : memref<10000x128xf32, #tpu.memory_space<vmem_shared>> -> memref<40x128xf32, #tpu.memory_space<vmem_shared>>
    tpu.enqueue_dma source(%arg8 : memref<40x128xf32, #tpu.memory_space<vmem>>) target(%dma_start3A_68 : memref<40x128xf32, #tpu.memory_space<vmem_shared>>) target_semaphore(%arg14 : memref<!tpu.dma_semaphore, #tpu.memory_space<semaphore_mem>>)
    %add3A_69 = arith.constant 320 : i32
    %add3A_70 = arith.addi %mul3A_21, %add3A_69 : i32
    %dma_start3A_71 = arith.constant 0 : i32
    %dma_start3A_72 = tpu.memref_slice %arg26[%add3A_70, %dma_start3A_71] : memref<10000x128xf32, #tpu.memory_space<vmem_shared>> -> memref<40x128xf32, #tpu.memory_space<vmem_shared>>
    %dma_start3A_73 = arith.constant 0 : i32
    %dma_start3A_74 = tpu.memref_slice %arg26[%add3A_70, %dma_start3A_73] : memref<10000x128xf32, #tpu.memory_space<vmem_shared>> -> memref<40x128xf32, #tpu.memory_space<vmem_shared>>
    tpu.enqueue_dma source(%arg8 : memref<40x128xf32, #tpu.memory_space<vmem>>) target(%dma_start3A_74 : memref<40x128xf32, #tpu.memory_space<vmem_shared>>) target_semaphore(%arg14 : memref<!tpu.dma_semaphore, #tpu.memory_space<semaphore_mem>>)
    %add3A_75 = arith.constant 360 : i32
    %add3A_76 = arith.addi %mul3A_21, %add3A_75 : i32
    %dma_start3A_77 = arith.constant 0 : i32
    %dma_start3A_78 = tpu.memref_slice %arg26[%add3A_76, %dma_start3A_77] : memref<10000x128xf32, #tpu.memory_space<vmem_shared>> -> memref<40x128xf32, #tpu.memory_space<vmem_shared>>
    %dma_start3A_79 = arith.constant 0 : i32
    %dma_start3A_80 = tpu.memref_slice %arg26[%add3A_76, %dma_start3A_79] : memref<10000x128xf32, #tpu.memory_space<vmem_shared>> -> memref<40x128xf32, #tpu.memory_space<vmem_shared>>
    tpu.enqueue_dma source(%arg8 : memref<40x128xf32, #tpu.memory_space<vmem>>) target(%dma_start3A_80 : memref<40x128xf32, #tpu.memory_space<vmem_shared>>) target_semaphore(%arg14 : memref<!tpu.dma_semaphore, #tpu.memory_space<semaphore_mem>>)
    %add3A_81 = arith.constant 400 : i32
    %add3A_82 = arith.addi %mul3A_21, %add3A_81 : i32
    %dma_start3A_83 = arith.constant 0 : i32
    %dma_start3A_84 = tpu.memref_slice %arg26[%add3A_82, %dma_start3A_83] : memref<10000x128xf32, #tpu.memory_space<vmem_shared>> -> memref<40x128xf32, #tpu.memory_space<vmem_shared>>
    %dma_start3A_85 = arith.constant 0 : i32
    %dma_start3A_86 = tpu.memref_slice %arg26[%add3A_82, %dma_start3A_85] : memref<10000x128xf32, #tpu.memory_space<vmem_shared>> -> memref<40x128xf32, #tpu.memory_space<vmem_shared>>
    tpu.enqueue_dma source(%arg8 : memref<40x128xf32, #tpu.memory_space<vmem>>) target(%dma_start3A_86 : memref<40x128xf32, #tpu.memory_space<vmem_shared>>) target_semaphore(%arg14 : memref<!tpu.dma_semaphore, #tpu.memory_space<semaphore_mem>>)
    %add3A_87 = arith.constant 440 : i32
    %add3A_88 = arith.addi %mul3A_21, %add3A_87 : i32
    %dma_start3A_89 = arith.constant 0 : i32
    %dma_start3A_90 = tpu.memref_slice %arg26[%add3A_88, %dma_start3A_89] : memref<10000x128xf32, #tpu.memory_space<vmem_shared>> -> memref<40x128xf32, #tpu.memory_space<vmem_shared>>
    %dma_start3A_91 = arith.constant 0 : i32
    %dma_start3A_92 = tpu.memref_slice %arg26[%add3A_88, %dma_start3A_91] : memref<10000x128xf32, #tpu.memory_space<vmem_shared>> -> memref<40x128xf32, #tpu.memory_space<vmem_shared>>
    tpu.enqueue_dma source(%arg8 : memref<40x128xf32, #tpu.memory_space<vmem>>) target(%dma_start3A_92 : memref<40x128xf32, #tpu.memory_space<vmem_shared>>) target_semaphore(%arg14 : memref<!tpu.dma_semaphore, #tpu.memory_space<semaphore_mem>>)
    %add3A_93 = arith.constant 480 : i32
    %add3A_94 = arith.addi %mul3A_21, %add3A_93 : i32
    %dma_start3A_95 = arith.constant 0 : i32
    %dma_start3A_96 = tpu.memref_slice %arg26[%add3A_94, %dma_start3A_95] : memref<10000x128xf32, #tpu.memory_space<vmem_shared>> -> memref<40x128xf32, #tpu.memory_space<vmem_shared>>
    %dma_start3A_97 = arith.constant 0 : i32
    %dma_start3A_98 = tpu.memref_slice %arg26[%add3A_94, %dma_start3A_97] : memref<10000x128xf32, #tpu.memory_space<vmem_shared>> -> memref<40x128xf32, #tpu.memory_space<vmem_shared>>
    tpu.enqueue_dma source(%arg8 : memref<40x128xf32, #tpu.memory_space<vmem>>) target(%dma_start3A_98 : memref<40x128xf32, #tpu.memory_space<vmem_shared>>) target_semaphore(%arg14 : memref<!tpu.dma_semaphore, #tpu.memory_space<semaphore_mem>>)
    %add3A_99 = arith.constant 520 : i32
    %add3A_100 = arith.addi %mul3A_21, %add3A_99 : i32
    %dma_start3A_101 = arith.constant 0 : i32
    %dma_start3A_102 = tpu.memref_slice %arg26[%add3A_100, %dma_start3A_101] : memref<10000x128xf32, #tpu.memory_space<vmem_shared>> -> memref<40x128xf32, #tpu.memory_space<vmem_shared>>
    %dma_start3A_103 = arith.constant 0 : i32
    %dma_start3A_104 = tpu.memref_slice %arg26[%add3A_100, %dma_start3A_103] : memref<10000x128xf32, #tpu.memory_space<vmem_shared>> -> memref<40x128xf32, #tpu.memory_space<vmem_shared>>
    tpu.enqueue_dma source(%arg8 : memref<40x128xf32, #tpu.memory_space<vmem>>) target(%dma_start3A_104 : memref<40x128xf32, #tpu.memory_space<vmem_shared>>) target_semaphore(%arg14 : memref<!tpu.dma_semaphore, #tpu.memory_space<semaphore_mem>>)
    %add3A_105 = arith.constant 560 : i32
    %add3A_106 = arith.addi %mul3A_21, %add3A_105 : i32
    %dma_start3A_107 = arith.constant 0 : i32
    %dma_start3A_108 = tpu.memref_slice %arg26[%add3A_106, %dma_start3A_107] : memref<10000x128xf32, #tpu.memory_space<vmem_shared>> -> memref<40x128xf32, #tpu.memory_space<vmem_shared>>
    %dma_start3A_109 = arith.constant 0 : i32
    %dma_start3A_110 = tpu.memref_slice %arg26[%add3A_106, %dma_start3A_109] : memref<10000x128xf32, #tpu.memory_space<vmem_shared>> -> memref<40x128xf32, #tpu.memory_space<vmem_shared>>
    tpu.enqueue_dma source(%arg8 : memref<40x128xf32, #tpu.memory_space<vmem>>) target(%dma_start3A_110 : memref<40x128xf32, #tpu.memory_space<vmem_shared>>) target_semaphore(%arg14 : memref<!tpu.dma_semaphore, #tpu.memory_space<semaphore_mem>>)
    %add3A_111 = arith.constant 624 : i32
    %add3A_112 = arith.addi %mul3A_21, %add3A_111 : i32
    %sub3A = arith.constant 24 : i32
    %sub3A_113 = arith.subi %add3A_112, %sub3A : i32
    %dma_start3A_114 = arith.constant 0 : i32
    %dma_start3A_115 = arith.constant 0 : i32
    %dma_start3A_116 = tpu.memref_slice %arg8[%dma_start3A_114, %dma_start3A_115] : memref<40x128xf32, #tpu.memory_space<vmem>> -> memref<24x128xf32, #tpu.memory_space<vmem>>
    %dma_start3A_117 = arith.constant 0 : i32
    %dma_start3A_118 = tpu.memref_slice %arg26[%sub3A_113, %dma_start3A_117] : memref<10000x128xf32, #tpu.memory_space<vmem_shared>> -> memref<24x128xf32, #tpu.memory_space<vmem_shared>>
    %dma_start3A_119 = arith.constant 0 : i32
    %dma_start3A_120 = tpu.memref_slice %arg26[%sub3A_113, %dma_start3A_119] : memref<10000x128xf32, #tpu.memory_space<vmem_shared>> -> memref<24x128xf32, #tpu.memory_space<vmem_shared>>
    %dma_start3A_121 = arith.constant 0 : i32
    %dma_start3A_122 = arith.constant 0 : i32
    %dma_start3A_123 = tpu.memref_slice %arg8[%dma_start3A_121, %dma_start3A_122] : memref<40x128xf32, #tpu.memory_space<vmem>> -> memref<24x128xf32, #tpu.memory_space<vmem>>
    tpu.enqueue_dma source(%dma_start3A_123 : memref<24x128xf32, #tpu.memory_space<vmem>>) target(%dma_start3A_120 : memref<24x128xf32, #tpu.memory_space<vmem_shared>>) target_semaphore(%arg14 : memref<!tpu.dma_semaphore, #tpu.memory_space<semaphore_mem>>)
    %eq3A = arith.constant 15 : i32
    %eq3A_124 = arith.cmpi eq, %arg1, %eq3A : i32
    %convert_element_type3A = arith.extui %eq3A_124 : i1 to i32
    %cond3A = arith.constant 0 : i32
    %cond3A_125 = arith.cmpi ne, %convert_element_type3A, %cond3A : i32
    scf.if %cond3A_125 {
      %dma_start3A_406 = arith.constant 0 : i32
      %dma_start3A_407 = arith.constant 0 : i32
      %dma_start3A_408 = tpu.memref_slice %arg8[%dma_start3A_406, %dma_start3A_407] : memref<40x128xf32, #tpu.memory_space<vmem>> -> memref<16x128xf32, #tpu.memory_space<vmem>>
      %dma_start3A_409 = arith.constant 9984 : i32
      %dma_start3A_410 = arith.constant 0 : i32
      %dma_start3A_411 = tpu.memref_slice %arg26[%dma_start3A_409, %dma_start3A_410] : memref<10000x128xf32, #tpu.memory_space<vmem_shared>> -> memref<16x128xf32, #tpu.memory_space<vmem_shared>>
      %dma_start3A_412 = arith.constant 9984 : i32
      %dma_start3A_413 = arith.constant 0 : i32
      %dma_start3A_414 = tpu.memref_slice %arg26[%dma_start3A_412, %dma_start3A_413] : memref<10000x128xf32, #tpu.memory_space<vmem_shared>> -> memref<16x128xf32, #tpu.memory_space<vmem_shared>>
      %dma_start3A_415 = arith.constant 0 : i32
      %dma_start3A_416 = arith.constant 0 : i32
      %dma_start3A_417 = tpu.memref_slice %arg8[%dma_start3A_415, %dma_start3A_416] : memref<40x128xf32, #tpu.memory_space<vmem>> -> memref<16x128xf32, #tpu.memory_space<vmem>>
      tpu.enqueue_dma source(%dma_start3A_417 : memref<16x128xf32, #tpu.memory_space<vmem>>) target(%dma_start3A_414 : memref<16x128xf32, #tpu.memory_space<vmem_shared>>) target_semaphore(%arg17 : memref<!tpu.dma_semaphore, #tpu.memory_space<semaphore_mem>>)
    } else {
    }
    %add3A_126 = arith.constant 0 : i32
    %add3A_127 = arith.addi %mul3A_21, %add3A_126 : i32
    %dma_wait3A = arith.constant 0 : i32
    %dma_wait3A_128 = tpu.memref_slice %arg26[%add3A_127, %dma_wait3A] : memref<10000x128xf32, #tpu.memory_space<vmem_shared>> -> memref<40x128xf32, #tpu.memory_space<vmem_shared>>
    %dma_wait3A_129 = arith.constant 0 : i32
    %dma_wait3A_130 = tpu.memref_slice %arg26[%add3A_127, %dma_wait3A_129] : memref<10000x128xf32, #tpu.memory_space<vmem_shared>> -> memref<40x128xf32, #tpu.memory_space<vmem_shared>>
    tpu.wait_dma2 semaphore(%arg14 : memref<!tpu.dma_semaphore, #tpu.memory_space<semaphore_mem>>) src(%arg8 : memref<40x128xf32, #tpu.memory_space<vmem>>) dst(%dma_wait3A_130 : memref<40x128xf32, #tpu.memory_space<vmem_shared>>)
    %add3A_131 = arith.constant 40 : i32
    %add3A_132 = arith.addi %mul3A_21, %add3A_131 : i32
    %dma_wait3A_133 = arith.constant 0 : i32
    %dma_wait3A_134 = tpu.memref_slice %arg26[%add3A_132, %dma_wait3A_133] : memref<10000x128xf32, #tpu.memory_space<vmem_shared>> -> memref<40x128xf32, #tpu.memory_space<vmem_shared>>
    %dma_wait3A_135 = arith.constant 0 : i32
    %dma_wait3A_136 = tpu.memref_slice %arg26[%add3A_132, %dma_wait3A_135] : memref<10000x128xf32, #tpu.memory_space<vmem_shared>> -> memref<40x128xf32, #tpu.memory_space<vmem_shared>>
    tpu.wait_dma2 semaphore(%arg14 : memref<!tpu.dma_semaphore, #tpu.memory_space<semaphore_mem>>) src(%arg8 : memref<40x128xf32, #tpu.memory_space<vmem>>) dst(%dma_wait3A_136 : memref<40x128xf32, #tpu.memory_space<vmem_shared>>)
    %add3A_137 = arith.constant 80 : i32
    %add3A_138 = arith.addi %mul3A_21, %add3A_137 : i32
    %dma_wait3A_139 = arith.constant 0 : i32
    %dma_wait3A_140 = tpu.memref_slice %arg26[%add3A_138, %dma_wait3A_139] : memref<10000x128xf32, #tpu.memory_space<vmem_shared>> -> memref<40x128xf32, #tpu.memory_space<vmem_shared>>
    %dma_wait3A_141 = arith.constant 0 : i32
    %dma_wait3A_142 = tpu.memref_slice %arg26[%add3A_138, %dma_wait3A_141] : memref<10000x128xf32, #tpu.memory_space<vmem_shared>> -> memref<40x128xf32, #tpu.memory_space<vmem_shared>>
    tpu.wait_dma2 semaphore(%arg14 : memref<!tpu.dma_semaphore, #tpu.memory_space<semaphore_mem>>) src(%arg8 : memref<40x128xf32, #tpu.memory_space<vmem>>) dst(%dma_wait3A_142 : memref<40x128xf32, #tpu.memory_space<vmem_shared>>)
    %add3A_143 = arith.constant 120 : i32
    %add3A_144 = arith.addi %mul3A_21, %add3A_143 : i32
    %dma_wait3A_145 = arith.constant 0 : i32
    %dma_wait3A_146 = tpu.memref_slice %arg26[%add3A_144, %dma_wait3A_145] : memref<10000x128xf32, #tpu.memory_space<vmem_shared>> -> memref<40x128xf32, #tpu.memory_space<vmem_shared>>
    %dma_wait3A_147 = arith.constant 0 : i32
    %dma_wait3A_148 = tpu.memref_slice %arg26[%add3A_144, %dma_wait3A_147] : memref<10000x128xf32, #tpu.memory_space<vmem_shared>> -> memref<40x128xf32, #tpu.memory_space<vmem_shared>>
    tpu.wait_dma2 semaphore(%arg14 : memref<!tpu.dma_semaphore, #tpu.memory_space<semaphore_mem>>) src(%arg8 : memref<40x128xf32, #tpu.memory_space<vmem>>) dst(%dma_wait3A_148 : memref<40x128xf32, #tpu.memory_space<vmem_shared>>)
    %add3A_149 = arith.constant 160 : i32
    %add3A_150 = arith.addi %mul3A_21, %add3A_149 : i32
    %dma_wait3A_151 = arith.constant 0 : i32
    %dma_wait3A_152 = tpu.memref_slice %arg26[%add3A_150, %dma_wait3A_151] : memref<10000x128xf32, #tpu.memory_space<vmem_shared>> -> memref<40x128xf32, #tpu.memory_space<vmem_shared>>
    %dma_wait3A_153 = arith.constant 0 : i32
    %dma_wait3A_154 = tpu.memref_slice %arg26[%add3A_150, %dma_wait3A_153] : memref<10000x128xf32, #tpu.memory_space<vmem_shared>> -> memref<40x128xf32, #tpu.memory_space<vmem_shared>>
    tpu.wait_dma2 semaphore(%arg14 : memref<!tpu.dma_semaphore, #tpu.memory_space<semaphore_mem>>) src(%arg8 : memref<40x128xf32, #tpu.memory_space<vmem>>) dst(%dma_wait3A_154 : memref<40x128xf32, #tpu.memory_space<vmem_shared>>)
    %add3A_155 = arith.constant 200 : i32
    %add3A_156 = arith.addi %mul3A_21, %add3A_155 : i32
    %dma_wait3A_157 = arith.constant 0 : i32
    %dma_wait3A_158 = tpu.memref_slice %arg26[%add3A_156, %dma_wait3A_157] : memref<10000x128xf32, #tpu.memory_space<vmem_shared>> -> memref<40x128xf32, #tpu.memory_space<vmem_shared>>
    %dma_wait3A_159 = arith.constant 0 : i32
    %dma_wait3A_160 = tpu.memref_slice %arg26[%add3A_156, %dma_wait3A_159] : memref<10000x128xf32, #tpu.memory_space<vmem_shared>> -> memref<40x128xf32, #tpu.memory_space<vmem_shared>>
    tpu.wait_dma2 semaphore(%arg14 : memref<!tpu.dma_semaphore, #tpu.memory_space<semaphore_mem>>) src(%arg8 : memref<40x128xf32, #tpu.memory_space<vmem>>) dst(%dma_wait3A_160 : memref<40x128xf32, #tpu.memory_space<vmem_shared>>)
    %add3A_161 = arith.constant 240 : i32
    %add3A_162 = arith.addi %mul3A_21, %add3A_161 : i32
    %dma_wait3A_163 = arith.constant 0 : i32
    %dma_wait3A_164 = tpu.memref_slice %arg26[%add3A_162, %dma_wait3A_163] : memref<10000x128xf32, #tpu.memory_space<vmem_shared>> -> memref<40x128xf32, #tpu.memory_space<vmem_shared>>
    %dma_wait3A_165 = arith.constant 0 : i32
    %dma_wait3A_166 = tpu.memref_slice %arg26[%add3A_162, %dma_wait3A_165] : memref<10000x128xf32, #tpu.memory_space<vmem_shared>> -> memref<40x128xf32, #tpu.memory_space<vmem_shared>>
    tpu.wait_dma2 semaphore(%arg14 : memref<!tpu.dma_semaphore, #tpu.memory_space<semaphore_mem>>) src(%arg8 : memref<40x128xf32, #tpu.memory_space<vmem>>) dst(%dma_wait3A_166 : memref<40x128xf32, #tpu.memory_space<vmem_shared>>)
    %add3A_167 = arith.constant 280 : i32
    %add3A_168 = arith.addi %mul3A_21, %add3A_167 : i32
    %dma_wait3A_169 = arith.constant 0 : i32
    %dma_wait3A_170 = tpu.memref_slice %arg26[%add3A_168, %dma_wait3A_169] : memref<10000x128xf32, #tpu.memory_space<vmem_shared>> -> memref<40x128xf32, #tpu.memory_space<vmem_shared>>
    %dma_wait3A_171 = arith.constant 0 : i32
    %dma_wait3A_172 = tpu.memref_slice %arg26[%add3A_168, %dma_wait3A_171] : memref<10000x128xf32, #tpu.memory_space<vmem_shared>> -> memref<40x128xf32, #tpu.memory_space<vmem_shared>>
    tpu.wait_dma2 semaphore(%arg14 : memref<!tpu.dma_semaphore, #tpu.memory_space<semaphore_mem>>) src(%arg8 : memref<40x128xf32, #tpu.memory_space<vmem>>) dst(%dma_wait3A_172 : memref<40x128xf32, #tpu.memory_space<vmem_shared>>)
    %add3A_173 = arith.constant 320 : i32
    %add3A_174 = arith.addi %mul3A_21, %add3A_173 : i32
    %dma_wait3A_175 = arith.constant 0 : i32
    %dma_wait3A_176 = tpu.memref_slice %arg26[%add3A_174, %dma_wait3A_175] : memref<10000x128xf32, #tpu.memory_space<vmem_shared>> -> memref<40x128xf32, #tpu.memory_space<vmem_shared>>
    %dma_wait3A_177 = arith.constant 0 : i32
    %dma_wait3A_178 = tpu.memref_slice %arg26[%add3A_174, %dma_wait3A_177] : memref<10000x128xf32, #tpu.memory_space<vmem_shared>> -> memref<40x128xf32, #tpu.memory_space<vmem_shared>>
    tpu.wait_dma2 semaphore(%arg14 : memref<!tpu.dma_semaphore, #tpu.memory_space<semaphore_mem>>) src(%arg8 : memref<40x128xf32, #tpu.memory_space<vmem>>) dst(%dma_wait3A_178 : memref<40x128xf32, #tpu.memory_space<vmem_shared>>)
    %add3A_179 = arith.constant 360 : i32
    %add3A_180 = arith.addi %mul3A_21, %add3A_179 : i32
    %dma_wait3A_181 = arith.constant 0 : i32
    %dma_wait3A_182 = tpu.memref_slice %arg26[%add3A_180, %dma_wait3A_181] : memref<10000x128xf32, #tpu.memory_space<vmem_shared>> -> memref<40x128xf32, #tpu.memory_space<vmem_shared>>
    %dma_wait3A_183 = arith.constant 0 : i32
    %dma_wait3A_184 = tpu.memref_slice %arg26[%add3A_180, %dma_wait3A_183] : memref<10000x128xf32, #tpu.memory_space<vmem_shared>> -> memref<40x128xf32, #tpu.memory_space<vmem_shared>>
    tpu.wait_dma2 semaphore(%arg14 : memref<!tpu.dma_semaphore, #tpu.memory_space<semaphore_mem>>) src(%arg8 : memref<40x128xf32, #tpu.memory_space<vmem>>) dst(%dma_wait3A_184 : memref<40x128xf32, #tpu.memory_space<vmem_shared>>)
    %add3A_185 = arith.constant 400 : i32
    %add3A_186 = arith.addi %mul3A_21, %add3A_185 : i32
    %dma_wait3A_187 = arith.constant 0 : i32
    %dma_wait3A_188 = tpu.memref_slice %arg26[%add3A_186, %dma_wait3A_187] : memref<10000x128xf32, #tpu.memory_space<vmem_shared>> -> memref<40x128xf32, #tpu.memory_space<vmem_shared>>
    %dma_wait3A_189 = arith.constant 0 : i32
    %dma_wait3A_190 = tpu.memref_slice %arg26[%add3A_186, %dma_wait3A_189] : memref<10000x128xf32, #tpu.memory_space<vmem_shared>> -> memref<40x128xf32, #tpu.memory_space<vmem_shared>>
    tpu.wait_dma2 semaphore(%arg14 : memref<!tpu.dma_semaphore, #tpu.memory_space<semaphore_mem>>) src(%arg8 : memref<40x128xf32, #tpu.memory_space<vmem>>) dst(%dma_wait3A_190 : memref<40x128xf32, #tpu.memory_space<vmem_shared>>)
    %add3A_191 = arith.constant 440 : i32
    %add3A_192 = arith.addi %mul3A_21, %add3A_191 : i32
    %dma_wait3A_193 = arith.constant 0 : i32
    %dma_wait3A_194 = tpu.memref_slice %arg26[%add3A_192, %dma_wait3A_193] : memref<10000x128xf32, #tpu.memory_space<vmem_shared>> -> memref<40x128xf32, #tpu.memory_space<vmem_shared>>
    %dma_wait3A_195 = arith.constant 0 : i32
    %dma_wait3A_196 = tpu.memref_slice %arg26[%add3A_192, %dma_wait3A_195] : memref<10000x128xf32, #tpu.memory_space<vmem_shared>> -> memref<40x128xf32, #tpu.memory_space<vmem_shared>>
    tpu.wait_dma2 semaphore(%arg14 : memref<!tpu.dma_semaphore, #tpu.memory_space<semaphore_mem>>) src(%arg8 : memref<40x128xf32, #tpu.memory_space<vmem>>) dst(%dma_wait3A_196 : memref<40x128xf32, #tpu.memory_space<vmem_shared>>)
    %add3A_197 = arith.constant 480 : i32
    %add3A_198 = arith.addi %mul3A_21, %add3A_197 : i32
    %dma_wait3A_199 = arith.constant 0 : i32
    %dma_wait3A_200 = tpu.memref_slice %arg26[%add3A_198, %dma_wait3A_199] : memref<10000x128xf32, #tpu.memory_space<vmem_shared>> -> memref<40x128xf32, #tpu.memory_space<vmem_shared>>
    %dma_wait3A_201 = arith.constant 0 : i32
    %dma_wait3A_202 = tpu.memref_slice %arg26[%add3A_198, %dma_wait3A_201] : memref<10000x128xf32, #tpu.memory_space<vmem_shared>> -> memref<40x128xf32, #tpu.memory_space<vmem_shared>>
    tpu.wait_dma2 semaphore(%arg14 : memref<!tpu.dma_semaphore, #tpu.memory_space<semaphore_mem>>) src(%arg8 : memref<40x128xf32, #tpu.memory_space<vmem>>) dst(%dma_wait3A_202 : memref<40x128xf32, #tpu.memory_space<vmem_shared>>)
    %add3A_203 = arith.constant 520 : i32
    %add3A_204 = arith.addi %mul3A_21, %add3A_203 : i32
    %dma_wait3A_205 = arith.constant 0 : i32
    %dma_wait3A_206 = tpu.memref_slice %arg26[%add3A_204, %dma_wait3A_205] : memref<10000x128xf32, #tpu.memory_space<vmem_shared>> -> memref<40x128xf32, #tpu.memory_space<vmem_shared>>
    %dma_wait3A_207 = arith.constant 0 : i32
    %dma_wait3A_208 = tpu.memref_slice %arg26[%add3A_204, %dma_wait3A_207] : memref<10000x128xf32, #tpu.memory_space<vmem_shared>> -> memref<40x128xf32, #tpu.memory_space<vmem_shared>>
    tpu.wait_dma2 semaphore(%arg14 : memref<!tpu.dma_semaphore, #tpu.memory_space<semaphore_mem>>) src(%arg8 : memref<40x128xf32, #tpu.memory_space<vmem>>) dst(%dma_wait3A_208 : memref<40x128xf32, #tpu.memory_space<vmem_shared>>)
    %add3A_209 = arith.constant 560 : i32
    %add3A_210 = arith.addi %mul3A_21, %add3A_209 : i32
    %dma_wait3A_211 = arith.constant 0 : i32
    %dma_wait3A_212 = tpu.memref_slice %arg26[%add3A_210, %dma_wait3A_211] : memref<10000x128xf32, #tpu.memory_space<vmem_shared>> -> memref<40x128xf32, #tpu.memory_space<vmem_shared>>
    %dma_wait3A_213 = arith.constant 0 : i32
    %dma_wait3A_214 = tpu.memref_slice %arg26[%add3A_210, %dma_wait3A_213] : memref<10000x128xf32, #tpu.memory_space<vmem_shared>> -> memref<40x128xf32, #tpu.memory_space<vmem_shared>>
    tpu.wait_dma2 semaphore(%arg14 : memref<!tpu.dma_semaphore, #tpu.memory_space<semaphore_mem>>) src(%arg8 : memref<40x128xf32, #tpu.memory_space<vmem>>) dst(%dma_wait3A_214 : memref<40x128xf32, #tpu.memory_space<vmem_shared>>)
    %add3A_215 = arith.constant 624 : i32
    %add3A_216 = arith.addi %mul3A_21, %add3A_215 : i32
    %sub3A_217 = arith.constant 24 : i32
    %sub3A_218 = arith.subi %add3A_216, %sub3A_217 : i32
    %dma_wait3A_219 = arith.constant 0 : i32
    %dma_wait3A_220 = arith.constant 0 : i32
    %dma_wait3A_221 = tpu.memref_slice %arg8[%dma_wait3A_219, %dma_wait3A_220] : memref<40x128xf32, #tpu.memory_space<vmem>> -> memref<24x128xf32, #tpu.memory_space<vmem>>
    %dma_wait3A_222 = arith.constant 0 : i32
    %dma_wait3A_223 = tpu.memref_slice %arg26[%sub3A_218, %dma_wait3A_222] : memref<10000x128xf32, #tpu.memory_space<vmem_shared>> -> memref<24x128xf32, #tpu.memory_space<vmem_shared>>
    %dma_wait3A_224 = arith.constant 0 : i32
    %dma_wait3A_225 = tpu.memref_slice %arg26[%sub3A_218, %dma_wait3A_224] : memref<10000x128xf32, #tpu.memory_space<vmem_shared>> -> memref<24x128xf32, #tpu.memory_space<vmem_shared>>
    %dma_wait3A_226 = arith.constant 0 : i32
    %dma_wait3A_227 = arith.constant 0 : i32
    %dma_wait3A_228 = tpu.memref_slice %arg8[%dma_wait3A_226, %dma_wait3A_227] : memref<40x128xf32, #tpu.memory_space<vmem>> -> memref<24x128xf32, #tpu.memory_space<vmem>>
    tpu.wait_dma2 semaphore(%arg14 : memref<!tpu.dma_semaphore, #tpu.memory_space<semaphore_mem>>) src(%dma_wait3A_228 : memref<24x128xf32, #tpu.memory_space<vmem>>) dst(%dma_wait3A_225 : memref<24x128xf32, #tpu.memory_space<vmem_shared>>)
    %eq3A_229 = arith.constant 15 : i32
    %eq3A_230 = arith.cmpi eq, %arg1, %eq3A_229 : i32
    %convert_element_type3A_231 = arith.extui %eq3A_230 : i1 to i32
    %cond3A_232 = arith.constant 0 : i32
    %cond3A_233 = arith.cmpi ne, %convert_element_type3A_231, %cond3A_232 : i32
    scf.if %cond3A_233 {
      %dma_wait3A_406 = arith.constant 0 : i32
      %dma_wait3A_407 = arith.constant 0 : i32
      %dma_wait3A_408 = tpu.memref_slice %arg8[%dma_wait3A_406, %dma_wait3A_407] : memref<40x128xf32, #tpu.memory_space<vmem>> -> memref<16x128xf32, #tpu.memory_space<vmem>>
      %dma_wait3A_409 = arith.constant 9984 : i32
      %dma_wait3A_410 = arith.constant 0 : i32
      %dma_wait3A_411 = tpu.memref_slice %arg26[%dma_wait3A_409, %dma_wait3A_410] : memref<10000x128xf32, #tpu.memory_space<vmem_shared>> -> memref<16x128xf32, #tpu.memory_space<vmem_shared>>
      %dma_wait3A_412 = arith.constant 9984 : i32
      %dma_wait3A_413 = arith.constant 0 : i32
      %dma_wait3A_414 = tpu.memref_slice %arg26[%dma_wait3A_412, %dma_wait3A_413] : memref<10000x128xf32, #tpu.memory_space<vmem_shared>> -> memref<16x128xf32, #tpu.memory_space<vmem_shared>>
      %dma_wait3A_415 = arith.constant 0 : i32
      %dma_wait3A_416 = arith.constant 0 : i32
      %dma_wait3A_417 = tpu.memref_slice %arg8[%dma_wait3A_415, %dma_wait3A_416] : memref<40x128xf32, #tpu.memory_space<vmem>> -> memref<16x128xf32, #tpu.memory_space<vmem>>
      tpu.wait_dma2 semaphore(%arg17 : memref<!tpu.dma_semaphore, #tpu.memory_space<semaphore_mem>>) src(%dma_wait3A_417 : memref<16x128xf32, #tpu.memory_space<vmem>>) dst(%dma_wait3A_414 : memref<16x128xf32, #tpu.memory_space<vmem_shared>>)
    } else {
    }
    %dma_wait3A_234 = arith.constant 0 : i32
    %dma_wait3A_235 = arith.constant 0 : i32
    %dma_wait3A_236 = tpu.memref_slice %arg3[%arg0, %arg1, %dma_wait3A_234, %dma_wait3A_235] : memref<2x16x250x40xi32, #tpu.memory_space<hbm>> -> memref<1x1x250x40xi32, #tpu.memory_space<hbm>>
    %dma_wait3A_237 = tpu.memref_squeeze %dma_wait3A_236 : memref<1x1x250x40xi32, #tpu.memory_space<hbm>> -> memref<250x40xi32, #tpu.memory_space<hbm>>
    %dma_wait3A_238 = arith.constant 0 : i32
    %dma_wait3A_239 = arith.constant 0 : i32
    %dma_wait3A_240 = tpu.memref_slice %arg3[%arg0, %arg1, %dma_wait3A_238, %dma_wait3A_239] : memref<2x16x250x40xi32, #tpu.memory_space<hbm>> -> memref<1x1x250x40xi32, #tpu.memory_space<hbm>>
    %dma_wait3A_241 = tpu.memref_squeeze %dma_wait3A_240 : memref<1x1x250x40xi32, #tpu.memory_space<hbm>> -> memref<250x40xi32, #tpu.memory_space<hbm>>
    tpu.wait_dma2 semaphore(%arg15 : memref<!tpu.dma_semaphore, #tpu.memory_space<semaphore_mem>>) src(%dma_wait3A_241 : memref<250x40xi32, #tpu.memory_space<hbm>>) dst(%arg6 : memref<250x40xi32, #tpu.memory_space<vmem>>)
    %dma_wait3A_242 = arith.constant 0 : i32
    %dma_wait3A_243 = arith.constant 0 : i32
    %dma_wait3A_244 = tpu.memref_slice %arg4[%arg0, %arg1, %dma_wait3A_242, %dma_wait3A_243] : memref<2x16x250x40xi32, #tpu.memory_space<hbm>> -> memref<1x1x250x40xi32, #tpu.memory_space<hbm>>
    %dma_wait3A_245 = tpu.memref_squeeze %dma_wait3A_244 : memref<1x1x250x40xi32, #tpu.memory_space<hbm>> -> memref<250x40xi32, #tpu.memory_space<hbm>>
    %dma_wait3A_246 = arith.constant 0 : i32
    %dma_wait3A_247 = arith.constant 0 : i32
    %dma_wait3A_248 = tpu.memref_slice %arg4[%arg0, %arg1, %dma_wait3A_246, %dma_wait3A_247] : memref<2x16x250x40xi32, #tpu.memory_space<hbm>> -> memref<1x1x250x40xi32, #tpu.memory_space<hbm>>
    %dma_wait3A_249 = tpu.memref_squeeze %dma_wait3A_248 : memref<1x1x250x40xi32, #tpu.memory_space<hbm>> -> memref<250x40xi32, #tpu.memory_space<hbm>>
    tpu.wait_dma2 semaphore(%arg16 : memref<!tpu.dma_semaphore, #tpu.memory_space<semaphore_mem>>) src(%dma_wait3A_249 : memref<250x40xi32, #tpu.memory_space<hbm>>) dst(%arg7 : memref<250x40xi32, #tpu.memory_space<vmem>>)
    %barrier3A = arith.constant 0 : index
    tpu.barrier barrier_id(%barrier3A)
    %dma_start3A_250 = arith.constant 0 : i32
    %dma_start3A_251 = arith.constant 0 : i32
    %dma_start3A_252 = tpu.memref_slice %arg6[%dma_start3A_250, %dma_start3A_251] : memref<250x40xi32, #tpu.memory_space<vmem>> -> memref<1x40xi32, #tpu.memory_space<vmem>>
    %dma_start3A_253 = tpu.memref_squeeze %dma_start3A_252 : memref<1x40xi32, #tpu.memory_space<vmem>> -> memref<40xi32, #tpu.memory_space<vmem>>
    %dma_start3A_254 = arith.constant 0 : i32
    %dma_start3A_255 = arith.constant 0 : i32
    %dma_start3A_256 = tpu.memref_slice %arg2[%dma_start3A_254, %dma_start3A_255] : memref<10000x128xf32, #tpu.memory_space<hbm>> -> memref<10000x128xf32, #tpu.memory_space<hbm>>
    tpu.enqueue_indirect_dma source(%dma_start3A_256 : memref<10000x128xf32, #tpu.memory_space<hbm>>) target(%arg8 : memref<40x128xf32, #tpu.memory_space<vmem>>) offsets(%dma_start3A_253 : memref<40xi32, #tpu.memory_space<vmem>>) semaphore(%arg14 : memref<!tpu.dma_semaphore, #tpu.memory_space<semaphore_mem>>)
    %dma_start3A_257 = arith.constant 1 : i32
    %dma_start3A_258 = arith.constant 0 : i32
    %dma_start3A_259 = tpu.memref_slice %arg6[%dma_start3A_257, %dma_start3A_258] : memref<250x40xi32, #tpu.memory_space<vmem>> -> memref<1x40xi32, #tpu.memory_space<vmem>>
    %dma_start3A_260 = tpu.memref_squeeze %dma_start3A_259 : memref<1x40xi32, #tpu.memory_space<vmem>> -> memref<40xi32, #tpu.memory_space<vmem>>
    %dma_start3A_261 = arith.constant 0 : i32
    %dma_start3A_262 = arith.constant 0 : i32
    %dma_start3A_263 = tpu.memref_slice %arg2[%dma_start3A_261, %dma_start3A_262] : memref<10000x128xf32, #tpu.memory_space<hbm>> -> memref<10000x128xf32, #tpu.memory_space<hbm>>
    tpu.enqueue_indirect_dma source(%dma_start3A_263 : memref<10000x128xf32, #tpu.memory_space<hbm>>) target(%arg9 : memref<40x128xf32, #tpu.memory_space<vmem>>) offsets(%dma_start3A_260 : memref<40xi32, #tpu.memory_space<vmem>>) semaphore(%arg15 : memref<!tpu.dma_semaphore, #tpu.memory_space<semaphore_mem>>)
    %dma_start3A_264 = arith.constant 2 : i32
    %dma_start3A_265 = arith.constant 0 : i32
    %dma_start3A_266 = tpu.memref_slice %arg6[%dma_start3A_264, %dma_start3A_265] : memref<250x40xi32, #tpu.memory_space<vmem>> -> memref<1x40xi32, #tpu.memory_space<vmem>>
    %dma_start3A_267 = tpu.memref_squeeze %dma_start3A_266 : memref<1x40xi32, #tpu.memory_space<vmem>> -> memref<40xi32, #tpu.memory_space<vmem>>
    %dma_start3A_268 = arith.constant 0 : i32
    %dma_start3A_269 = arith.constant 0 : i32
    %dma_start3A_270 = tpu.memref_slice %arg2[%dma_start3A_268, %dma_start3A_269] : memref<10000x128xf32, #tpu.memory_space<hbm>> -> memref<10000x128xf32, #tpu.memory_space<hbm>>
    tpu.enqueue_indirect_dma source(%dma_start3A_270 : memref<10000x128xf32, #tpu.memory_space<hbm>>) target(%arg10 : memref<40x128xf32, #tpu.memory_space<vmem>>) offsets(%dma_start3A_267 : memref<40xi32, #tpu.memory_space<vmem>>) semaphore(%arg16 : memref<!tpu.dma_semaphore, #tpu.memory_space<semaphore_mem>>)
    %dma_start3A_271 = arith.constant 3 : i32
    %dma_start3A_272 = arith.constant 0 : i32
    %dma_start3A_273 = tpu.memref_slice %arg6[%dma_start3A_271, %dma_start3A_272] : memref<250x40xi32, #tpu.memory_space<vmem>> -> memref<1x40xi32, #tpu.memory_space<vmem>>
    %dma_start3A_274 = tpu.memref_squeeze %dma_start3A_273 : memref<1x40xi32, #tpu.memory_space<vmem>> -> memref<40xi32, #tpu.memory_space<vmem>>
    %dma_start3A_275 = arith.constant 0 : i32
    %dma_start3A_276 = arith.constant 0 : i32
    %dma_start3A_277 = tpu.memref_slice %arg2[%dma_start3A_275, %dma_start3A_276] : memref<10000x128xf32, #tpu.memory_space<hbm>> -> memref<10000x128xf32, #tpu.memory_space<hbm>>
    tpu.enqueue_indirect_dma source(%dma_start3A_277 : memref<10000x128xf32, #tpu.memory_space<hbm>>) target(%arg11 : memref<40x128xf32, #tpu.memory_space<vmem>>) offsets(%dma_start3A_274 : memref<40xi32, #tpu.memory_space<vmem>>) semaphore(%arg17 : memref<!tpu.dma_semaphore, #tpu.memory_space<semaphore_mem>>)
    %dma_start3A_278 = arith.constant 4 : i32
    %dma_start3A_279 = arith.constant 0 : i32
    %dma_start3A_280 = tpu.memref_slice %arg6[%dma_start3A_278, %dma_start3A_279] : memref<250x40xi32, #tpu.memory_space<vmem>> -> memref<1x40xi32, #tpu.memory_space<vmem>>
    %dma_start3A_281 = tpu.memref_squeeze %dma_start3A_280 : memref<1x40xi32, #tpu.memory_space<vmem>> -> memref<40xi32, #tpu.memory_space<vmem>>
    %dma_start3A_282 = arith.constant 0 : i32
    %dma_start3A_283 = arith.constant 0 : i32
    %dma_start3A_284 = tpu.memref_slice %arg2[%dma_start3A_282, %dma_start3A_283] : memref<10000x128xf32, #tpu.memory_space<hbm>> -> memref<10000x128xf32, #tpu.memory_space<hbm>>
    tpu.enqueue_indirect_dma source(%dma_start3A_284 : memref<10000x128xf32, #tpu.memory_space<hbm>>) target(%arg12 : memref<40x128xf32, #tpu.memory_space<vmem>>) offsets(%dma_start3A_281 : memref<40xi32, #tpu.memory_space<vmem>>) semaphore(%arg18 : memref<!tpu.dma_semaphore, #tpu.memory_space<semaphore_mem>>)
    %scan3A_285 = arith.constant 0 : i32
    %scan3A_286 = arith.constant 0 : i32
    %scan3A_287 = arith.constant 41 : i32
    %scan3A_288 = arith.addi %scan3A_286, %scan3A_287 : i32
    %scan3A_289 = arith.constant 1 : i32
    %scan3A_290 = scf.for %scan3A_406 = %scan3A_286 to %scan3A_288 step %scan3A_289 iter_args(%scan3A_407 = %scan3A_285) -> (i32)  : i32 {
      %mul3A_408 = arith.constant 6 : i32
      %mul3A_409 = arith.muli %scan3A_406, %mul3A_408 : i32
      %add3A_410 = arith.constant 0 : i32
      %add3A_411 = arith.addi %mul3A_409, %add3A_410 : i32
      %dma_wait3A_412 = arith.constant 0 : i32
      %dma_wait3A_413 = tpu.memref_slice %arg6[%add3A_411, %dma_wait3A_412] : memref<250x40xi32, #tpu.memory_space<vmem>> -> memref<1x40xi32, #tpu.memory_space<vmem>>
      %dma_wait3A_414 = tpu.memref_squeeze %dma_wait3A_413 : memref<1x40xi32, #tpu.memory_space<vmem>> -> memref<40xi32, #tpu.memory_space<vmem>>
      %dma_wait3A_415 = arith.constant 0 : i32
      %dma_wait3A_416 = arith.constant 0 : i32
      %dma_wait3A_417 = tpu.memref_slice %arg2[%dma_wait3A_415, %dma_wait3A_416] : memref<10000x128xf32, #tpu.memory_space<hbm>> -> memref<10000x128xf32, #tpu.memory_space<hbm>>
      tpu.wait_indirect_dma semaphore(%arg14 : memref<!tpu.dma_semaphore, #tpu.memory_space<semaphore_mem>>) src(%dma_wait3A_417 : memref<10000x128xf32, #tpu.memory_space<hbm>>) dst(%arg8 : memref<40x128xf32, #tpu.memory_space<vmem>>)
      %dma_start3A_418 = arith.constant 0 : i32
      %dma_start3A_419 = tpu.memref_slice %arg7[%add3A_411, %dma_start3A_418] : memref<250x40xi32, #tpu.memory_space<vmem>> -> memref<1x40xi32, #tpu.memory_space<vmem>>
      %dma_start3A_420 = tpu.memref_squeeze %dma_start3A_419 : memref<1x40xi32, #tpu.memory_space<vmem>> -> memref<40xi32, #tpu.memory_space<vmem>>
      %dma_start3A_421 = arith.constant 0 : i32
      %dma_start3A_422 = arith.constant 0 : i32
      %dma_start3A_423 = tpu.memref_slice %arg26[%dma_start3A_421, %dma_start3A_422] : memref<10000x128xf32, #tpu.memory_space<vmem_shared>> -> memref<10000x128xf32, #tpu.memory_space<vmem_shared>>
      tpu.enqueue_indirect_dma source(%arg8 : memref<40x128xf32, #tpu.memory_space<vmem>>) target(%dma_start3A_423 : memref<10000x128xf32, #tpu.memory_space<vmem_shared>>) offsets(%dma_start3A_420 : memref<40xi32, #tpu.memory_space<vmem>>) semaphore(%arg20 : memref<!tpu.dma_semaphore, #tpu.memory_space<semaphore_mem>>) {add = true}
      %add3A_424 = arith.constant 6 : i32
      %add3A_425 = arith.addi %add3A_411, %add3A_424 : i32
      %sub3A_426 = arith.constant 1 : i32
      %sub3A_427 = arith.subi %add3A_425, %sub3A_426 : i32
      %lt3A = arith.constant 250 : i32
      %lt3A_428 = arith.cmpi slt, %sub3A_427, %lt3A : i32
      %ge3A = arith.constant 1 : i32
      %ge3A_429 = arith.cmpi sge, %add3A_411, %ge3A : i32
      %and3A = arith.andi %lt3A_428, %ge3A_429 : i1
      %convert_element_type3A_430 = arith.extui %and3A : i1 to i32
      %cond3A_431 = arith.constant 0 : i32
      %cond3A_432 = arith.cmpi ne, %convert_element_type3A_430, %cond3A_431 : i32
      scf.if %cond3A_432 {
        %sub3A_604 = arith.constant 1 : i32
        %sub3A_605 = arith.subi %add3A_411, %sub3A_604 : i32
        %dma_wait3A_606 = arith.constant 0 : i32
        %dma_wait3A_607 = tpu.memref_slice %arg7[%sub3A_605, %dma_wait3A_606] : memref<250x40xi32, #tpu.memory_space<vmem>> -> memref<1x40xi32, #tpu.memory_space<vmem>>
        %dma_wait3A_608 = tpu.memref_squeeze %dma_wait3A_607 : memref<1x40xi32, #tpu.memory_space<vmem>> -> memref<40xi32, #tpu.memory_space<vmem>>
        %dma_wait3A_609 = arith.constant 0 : i32
        %dma_wait3A_610 = arith.constant 0 : i32
        %dma_wait3A_611 = tpu.memref_slice %arg26[%dma_wait3A_609, %dma_wait3A_610] : memref<10000x128xf32, #tpu.memory_space<vmem_shared>> -> memref<10000x128xf32, #tpu.memory_space<vmem_shared>>
        tpu.wait_indirect_dma semaphore(%arg25 : memref<!tpu.dma_semaphore, #tpu.memory_space<semaphore_mem>>) src(%arg13 : memref<40x128xf32, #tpu.memory_space<vmem>>) dst(%dma_wait3A_611 : memref<10000x128xf32, #tpu.memory_space<vmem_shared>>)
      } else {
      }
      %lt3A_433 = arith.constant 250 : i32
      %lt3A_434 = arith.cmpi slt, %sub3A_427, %lt3A_433 : i32
      %convert_element_type3A_435 = arith.extui %lt3A_434 : i1 to i32
      %cond3A_436 = arith.constant 0 : i32
      %cond3A_437 = arith.cmpi ne, %convert_element_type3A_435, %cond3A_436 : i32
      scf.if %cond3A_437 {
        %dma_start3A_604 = arith.constant 0 : i32
        %dma_start3A_605 = tpu.memref_slice %arg6[%sub3A_427, %dma_start3A_604] : memref<250x40xi32, #tpu.memory_space<vmem>> -> memref<1x40xi32, #tpu.memory_space<vmem>>
        %dma_start3A_606 = tpu.memref_squeeze %dma_start3A_605 : memref<1x40xi32, #tpu.memory_space<vmem>> -> memref<40xi32, #tpu.memory_space<vmem>>
        %dma_start3A_607 = arith.constant 0 : i32
        %dma_start3A_608 = arith.constant 0 : i32
        %dma_start3A_609 = tpu.memref_slice %arg2[%dma_start3A_607, %dma_start3A_608] : memref<10000x128xf32, #tpu.memory_space<hbm>> -> memref<10000x128xf32, #tpu.memory_space<hbm>>
        tpu.enqueue_indirect_dma source(%dma_start3A_609 : memref<10000x128xf32, #tpu.memory_space<hbm>>) target(%arg13 : memref<40x128xf32, #tpu.memory_space<vmem>>) offsets(%dma_start3A_606 : memref<40xi32, #tpu.memory_space<vmem>>) semaphore(%arg19 : memref<!tpu.dma_semaphore, #tpu.memory_space<semaphore_mem>>)
      } else {
      }
      %mul3A_438 = arith.constant 6 : i32
      %mul3A_439 = arith.muli %scan3A_406, %mul3A_438 : i32
      %add3A_440 = arith.constant 1 : i32
      %add3A_441 = arith.addi %mul3A_439, %add3A_440 : i32
      %dma_wait3A_442 = arith.constant 0 : i32
      %dma_wait3A_443 = tpu.memref_slice %arg6[%add3A_441, %dma_wait3A_442] : memref<250x40xi32, #tpu.memory_space<vmem>> -> memref<1x40xi32, #tpu.memory_space<vmem>>
      %dma_wait3A_444 = tpu.memref_squeeze %dma_wait3A_443 : memref<1x40xi32, #tpu.memory_space<vmem>> -> memref<40xi32, #tpu.memory_space<vmem>>
      %dma_wait3A_445 = arith.constant 0 : i32
      %dma_wait3A_446 = arith.constant 0 : i32
      %dma_wait3A_447 = tpu.memref_slice %arg2[%dma_wait3A_445, %dma_wait3A_446] : memref<10000x128xf32, #tpu.memory_space<hbm>> -> memref<10000x128xf32, #tpu.memory_space<hbm>>
      tpu.wait_indirect_dma semaphore(%arg15 : memref<!tpu.dma_semaphore, #tpu.memory_space<semaphore_mem>>) src(%dma_wait3A_447 : memref<10000x128xf32, #tpu.memory_space<hbm>>) dst(%arg9 : memref<40x128xf32, #tpu.memory_space<vmem>>)
      %dma_start3A_448 = arith.constant 0 : i32
      %dma_start3A_449 = tpu.memref_slice %arg7[%add3A_441, %dma_start3A_448] : memref<250x40xi32, #tpu.memory_space<vmem>> -> memref<1x40xi32, #tpu.memory_space<vmem>>
      %dma_start3A_450 = tpu.memref_squeeze %dma_start3A_449 : memref<1x40xi32, #tpu.memory_space<vmem>> -> memref<40xi32, #tpu.memory_space<vmem>>
      %dma_start3A_451 = arith.constant 0 : i32
      %dma_start3A_452 = arith.constant 0 : i32
      %dma_start3A_453 = tpu.memref_slice %arg26[%dma_start3A_451, %dma_start3A_452] : memref<10000x128xf32, #tpu.memory_space<vmem_shared>> -> memref<10000x128xf32, #tpu.memory_space<vmem_shared>>
      tpu.enqueue_indirect_dma source(%arg9 : memref<40x128xf32, #tpu.memory_space<vmem>>) target(%dma_start3A_453 : memref<10000x128xf32, #tpu.memory_space<vmem_shared>>) offsets(%dma_start3A_450 : memref<40xi32, #tpu.memory_space<vmem>>) semaphore(%arg21 : memref<!tpu.dma_semaphore, #tpu.memory_space<semaphore_mem>>) {add = true}
      %add3A_454 = arith.constant 6 : i32
      %add3A_455 = arith.addi %add3A_441, %add3A_454 : i32
      %sub3A_456 = arith.constant 1 : i32
      %sub3A_457 = arith.subi %add3A_455, %sub3A_456 : i32
      %lt3A_458 = arith.constant 250 : i32
      %lt3A_459 = arith.cmpi slt, %sub3A_457, %lt3A_458 : i32
      %ge3A_460 = arith.constant 1 : i32
      %ge3A_461 = arith.cmpi sge, %add3A_441, %ge3A_460 : i32
      %and3A_462 = arith.andi %lt3A_459, %ge3A_461 : i1
      %convert_element_type3A_463 = arith.extui %and3A_462 : i1 to i32
      %cond3A_464 = arith.constant 0 : i32
      %cond3A_465 = arith.cmpi ne, %convert_element_type3A_463, %cond3A_464 : i32
      scf.if %cond3A_465 {
        %sub3A_604 = arith.constant 1 : i32
        %sub3A_605 = arith.subi %add3A_441, %sub3A_604 : i32
        %dma_wait3A_606 = arith.constant 0 : i32
        %dma_wait3A_607 = tpu.memref_slice %arg7[%sub3A_605, %dma_wait3A_606] : memref<250x40xi32, #tpu.memory_space<vmem>> -> memref<1x40xi32, #tpu.memory_space<vmem>>
        %dma_wait3A_608 = tpu.memref_squeeze %dma_wait3A_607 : memref<1x40xi32, #tpu.memory_space<vmem>> -> memref<40xi32, #tpu.memory_space<vmem>>
        %dma_wait3A_609 = arith.constant 0 : i32
        %dma_wait3A_610 = arith.constant 0 : i32
        %dma_wait3A_611 = tpu.memref_slice %arg26[%dma_wait3A_609, %dma_wait3A_610] : memref<10000x128xf32, #tpu.memory_space<vmem_shared>> -> memref<10000x128xf32, #tpu.memory_space<vmem_shared>>
        tpu.wait_indirect_dma semaphore(%arg20 : memref<!tpu.dma_semaphore, #tpu.memory_space<semaphore_mem>>) src(%arg8 : memref<40x128xf32, #tpu.memory_space<vmem>>) dst(%dma_wait3A_611 : memref<10000x128xf32, #tpu.memory_space<vmem_shared>>)
      } else {
      }
      %lt3A_466 = arith.constant 250 : i32
      %lt3A_467 = arith.cmpi slt, %sub3A_457, %lt3A_466 : i32
      %convert_element_type3A_468 = arith.extui %lt3A_467 : i1 to i32
      %cond3A_469 = arith.constant 0 : i32
      %cond3A_470 = arith.cmpi ne, %convert_element_type3A_468, %cond3A_469 : i32
      scf.if %cond3A_470 {
        %dma_start3A_604 = arith.constant 0 : i32
        %dma_start3A_605 = tpu.memref_slice %arg6[%sub3A_457, %dma_start3A_604] : memref<250x40xi32, #tpu.memory_space<vmem>> -> memref<1x40xi32, #tpu.memory_space<vmem>>
        %dma_start3A_606 = tpu.memref_squeeze %dma_start3A_605 : memref<1x40xi32, #tpu.memory_space<vmem>> -> memref<40xi32, #tpu.memory_space<vmem>>
        %dma_start3A_607 = arith.constant 0 : i32
        %dma_start3A_608 = arith.constant 0 : i32
        %dma_start3A_609 = tpu.memref_slice %arg2[%dma_start3A_607, %dma_start3A_608] : memref<10000x128xf32, #tpu.memory_space<hbm>> -> memref<10000x128xf32, #tpu.memory_space<hbm>>
        tpu.enqueue_indirect_dma source(%dma_start3A_609 : memref<10000x128xf32, #tpu.memory_space<hbm>>) target(%arg8 : memref<40x128xf32, #tpu.memory_space<vmem>>) offsets(%dma_start3A_606 : memref<40xi32, #tpu.memory_space<vmem>>) semaphore(%arg14 : memref<!tpu.dma_semaphore, #tpu.memory_space<semaphore_mem>>)
      } else {
      }
      %mul3A_471 = arith.constant 6 : i32
      %mul3A_472 = arith.muli %scan3A_406, %mul3A_471 : i32
      %add3A_473 = arith.constant 2 : i32
      %add3A_474 = arith.addi %mul3A_472, %add3A_473 : i32
      %dma_wait3A_475 = arith.constant 0 : i32
      %dma_wait3A_476 = tpu.memref_slice %arg6[%add3A_474, %dma_wait3A_475] : memref<250x40xi32, #tpu.memory_space<vmem>> -> memref<1x40xi32, #tpu.memory_space<vmem>>
      %dma_wait3A_477 = tpu.memref_squeeze %dma_wait3A_476 : memref<1x40xi32, #tpu.memory_space<vmem>> -> memref<40xi32, #tpu.memory_space<vmem>>
      %dma_wait3A_478 = arith.constant 0 : i32
      %dma_wait3A_479 = arith.constant 0 : i32
      %dma_wait3A_480 = tpu.memref_slice %arg2[%dma_wait3A_478, %dma_wait3A_479] : memref<10000x128xf32, #tpu.memory_space<hbm>> -> memref<10000x128xf32, #tpu.memory_space<hbm>>
      tpu.wait_indirect_dma semaphore(%arg16 : memref<!tpu.dma_semaphore, #tpu.memory_space<semaphore_mem>>) src(%dma_wait3A_480 : memref<10000x128xf32, #tpu.memory_space<hbm>>) dst(%arg10 : memref<40x128xf32, #tpu.memory_space<vmem>>)
      %dma_start3A_481 = arith.constant 0 : i32
      %dma_start3A_482 = tpu.memref_slice %arg7[%add3A_474, %dma_start3A_481] : memref<250x40xi32, #tpu.memory_space<vmem>> -> memref<1x40xi32, #tpu.memory_space<vmem>>
      %dma_start3A_483 = tpu.memref_squeeze %dma_start3A_482 : memref<1x40xi32, #tpu.memory_space<vmem>> -> memref<40xi32, #tpu.memory_space<vmem>>
      %dma_start3A_484 = arith.constant 0 : i32
      %dma_start3A_485 = arith.constant 0 : i32
      %dma_start3A_486 = tpu.memref_slice %arg26[%dma_start3A_484, %dma_start3A_485] : memref<10000x128xf32, #tpu.memory_space<vmem_shared>> -> memref<10000x128xf32, #tpu.memory_space<vmem_shared>>
      tpu.enqueue_indirect_dma source(%arg10 : memref<40x128xf32, #tpu.memory_space<vmem>>) target(%dma_start3A_486 : memref<10000x128xf32, #tpu.memory_space<vmem_shared>>) offsets(%dma_start3A_483 : memref<40xi32, #tpu.memory_space<vmem>>) semaphore(%arg22 : memref<!tpu.dma_semaphore, #tpu.memory_space<semaphore_mem>>) {add = true}
      %add3A_487 = arith.constant 6 : i32
      %add3A_488 = arith.addi %add3A_474, %add3A_487 : i32
      %sub3A_489 = arith.constant 1 : i32
      %sub3A_490 = arith.subi %add3A_488, %sub3A_489 : i32
      %lt3A_491 = arith.constant 250 : i32
      %lt3A_492 = arith.cmpi slt, %sub3A_490, %lt3A_491 : i32
      %ge3A_493 = arith.constant 1 : i32
      %ge3A_494 = arith.cmpi sge, %add3A_474, %ge3A_493 : i32
      %and3A_495 = arith.andi %lt3A_492, %ge3A_494 : i1
      %convert_element_type3A_496 = arith.extui %and3A_495 : i1 to i32
      %cond3A_497 = arith.constant 0 : i32
      %cond3A_498 = arith.cmpi ne, %convert_element_type3A_496, %cond3A_497 : i32
      scf.if %cond3A_498 {
        %sub3A_604 = arith.constant 1 : i32
        %sub3A_605 = arith.subi %add3A_474, %sub3A_604 : i32
        %dma_wait3A_606 = arith.constant 0 : i32
        %dma_wait3A_607 = tpu.memref_slice %arg7[%sub3A_605, %dma_wait3A_606] : memref<250x40xi32, #tpu.memory_space<vmem>> -> memref<1x40xi32, #tpu.memory_space<vmem>>
        %dma_wait3A_608 = tpu.memref_squeeze %dma_wait3A_607 : memref<1x40xi32, #tpu.memory_space<vmem>> -> memref<40xi32, #tpu.memory_space<vmem>>
        %dma_wait3A_609 = arith.constant 0 : i32
        %dma_wait3A_610 = arith.constant 0 : i32
        %dma_wait3A_611 = tpu.memref_slice %arg26[%dma_wait3A_609, %dma_wait3A_610] : memref<10000x128xf32, #tpu.memory_space<vmem_shared>> -> memref<10000x128xf32, #tpu.memory_space<vmem_shared>>
        tpu.wait_indirect_dma semaphore(%arg21 : memref<!tpu.dma_semaphore, #tpu.memory_space<semaphore_mem>>) src(%arg9 : memref<40x128xf32, #tpu.memory_space<vmem>>) dst(%dma_wait3A_611 : memref<10000x128xf32, #tpu.memory_space<vmem_shared>>)
      } else {
      }
      %lt3A_499 = arith.constant 250 : i32
      %lt3A_500 = arith.cmpi slt, %sub3A_490, %lt3A_499 : i32
      %convert_element_type3A_501 = arith.extui %lt3A_500 : i1 to i32
      %cond3A_502 = arith.constant 0 : i32
      %cond3A_503 = arith.cmpi ne, %convert_element_type3A_501, %cond3A_502 : i32
      scf.if %cond3A_503 {
        %dma_start3A_604 = arith.constant 0 : i32
        %dma_start3A_605 = tpu.memref_slice %arg6[%sub3A_490, %dma_start3A_604] : memref<250x40xi32, #tpu.memory_space<vmem>> -> memref<1x40xi32, #tpu.memory_space<vmem>>
        %dma_start3A_606 = tpu.memref_squeeze %dma_start3A_605 : memref<1x40xi32, #tpu.memory_space<vmem>> -> memref<40xi32, #tpu.memory_space<vmem>>
        %dma_start3A_607 = arith.constant 0 : i32
        %dma_start3A_608 = arith.constant 0 : i32
        %dma_start3A_609 = tpu.memref_slice %arg2[%dma_start3A_607, %dma_start3A_608] : memref<10000x128xf32, #tpu.memory_space<hbm>> -> memref<10000x128xf32, #tpu.memory_space<hbm>>
        tpu.enqueue_indirect_dma source(%dma_start3A_609 : memref<10000x128xf32, #tpu.memory_space<hbm>>) target(%arg9 : memref<40x128xf32, #tpu.memory_space<vmem>>) offsets(%dma_start3A_606 : memref<40xi32, #tpu.memory_space<vmem>>) semaphore(%arg15 : memref<!tpu.dma_semaphore, #tpu.memory_space<semaphore_mem>>)
      } else {
      }
      %mul3A_504 = arith.constant 6 : i32
      %mul3A_505 = arith.muli %scan3A_406, %mul3A_504 : i32
      %add3A_506 = arith.constant 3 : i32
      %add3A_507 = arith.addi %mul3A_505, %add3A_506 : i32
      %dma_wait3A_508 = arith.constant 0 : i32
      %dma_wait3A_509 = tpu.memref_slice %arg6[%add3A_507, %dma_wait3A_508] : memref<250x40xi32, #tpu.memory_space<vmem>> -> memref<1x40xi32, #tpu.memory_space<vmem>>
      %dma_wait3A_510 = tpu.memref_squeeze %dma_wait3A_509 : memref<1x40xi32, #tpu.memory_space<vmem>> -> memref<40xi32, #tpu.memory_space<vmem>>
      %dma_wait3A_511 = arith.constant 0 : i32
      %dma_wait3A_512 = arith.constant 0 : i32
      %dma_wait3A_513 = tpu.memref_slice %arg2[%dma_wait3A_511, %dma_wait3A_512] : memref<10000x128xf32, #tpu.memory_space<hbm>> -> memref<10000x128xf32, #tpu.memory_space<hbm>>
      tpu.wait_indirect_dma semaphore(%arg17 : memref<!tpu.dma_semaphore, #tpu.memory_space<semaphore_mem>>) src(%dma_wait3A_513 : memref<10000x128xf32, #tpu.memory_space<hbm>>) dst(%arg11 : memref<40x128xf32, #tpu.memory_space<vmem>>)
      %dma_start3A_514 = arith.constant 0 : i32
      %dma_start3A_515 = tpu.memref_slice %arg7[%add3A_507, %dma_start3A_514] : memref<250x40xi32, #tpu.memory_space<vmem>> -> memref<1x40xi32, #tpu.memory_space<vmem>>
      %dma_start3A_516 = tpu.memref_squeeze %dma_start3A_515 : memref<1x40xi32, #tpu.memory_space<vmem>> -> memref<40xi32, #tpu.memory_space<vmem>>
      %dma_start3A_517 = arith.constant 0 : i32
      %dma_start3A_518 = arith.constant 0 : i32
      %dma_start3A_519 = tpu.memref_slice %arg26[%dma_start3A_517, %dma_start3A_518] : memref<10000x128xf32, #tpu.memory_space<vmem_shared>> -> memref<10000x128xf32, #tpu.memory_space<vmem_shared>>
      tpu.enqueue_indirect_dma source(%arg11 : memref<40x128xf32, #tpu.memory_space<vmem>>) target(%dma_start3A_519 : memref<10000x128xf32, #tpu.memory_space<vmem_shared>>) offsets(%dma_start3A_516 : memref<40xi32, #tpu.memory_space<vmem>>) semaphore(%arg23 : memref<!tpu.dma_semaphore, #tpu.memory_space<semaphore_mem>>) {add = true}
      %add3A_520 = arith.constant 6 : i32
      %add3A_521 = arith.addi %add3A_507, %add3A_520 : i32
      %sub3A_522 = arith.constant 1 : i32
      %sub3A_523 = arith.subi %add3A_521, %sub3A_522 : i32
      %lt3A_524 = arith.constant 250 : i32
      %lt3A_525 = arith.cmpi slt, %sub3A_523, %lt3A_524 : i32
      %ge3A_526 = arith.constant 1 : i32
      %ge3A_527 = arith.cmpi sge, %add3A_507, %ge3A_526 : i32
      %and3A_528 = arith.andi %lt3A_525, %ge3A_527 : i1
      %convert_element_type3A_529 = arith.extui %and3A_528 : i1 to i32
      %cond3A_530 = arith.constant 0 : i32
      %cond3A_531 = arith.cmpi ne, %convert_element_type3A_529, %cond3A_530 : i32
      scf.if %cond3A_531 {
        %sub3A_604 = arith.constant 1 : i32
        %sub3A_605 = arith.subi %add3A_507, %sub3A_604 : i32
        %dma_wait3A_606 = arith.constant 0 : i32
        %dma_wait3A_607 = tpu.memref_slice %arg7[%sub3A_605, %dma_wait3A_606] : memref<250x40xi32, #tpu.memory_space<vmem>> -> memref<1x40xi32, #tpu.memory_space<vmem>>
        %dma_wait3A_608 = tpu.memref_squeeze %dma_wait3A_607 : memref<1x40xi32, #tpu.memory_space<vmem>> -> memref<40xi32, #tpu.memory_space<vmem>>
        %dma_wait3A_609 = arith.constant 0 : i32
        %dma_wait3A_610 = arith.constant 0 : i32
        %dma_wait3A_611 = tpu.memref_slice %arg26[%dma_wait3A_609, %dma_wait3A_610] : memref<10000x128xf32, #tpu.memory_space<vmem_shared>> -> memref<10000x128xf32, #tpu.memory_space<vmem_shared>>
        tpu.wait_indirect_dma semaphore(%arg22 : memref<!tpu.dma_semaphore, #tpu.memory_space<semaphore_mem>>) src(%arg10 : memref<40x128xf32, #tpu.memory_space<vmem>>) dst(%dma_wait3A_611 : memref<10000x128xf32, #tpu.memory_space<vmem_shared>>)
      } else {
      }
      %lt3A_532 = arith.constant 250 : i32
      %lt3A_533 = arith.cmpi slt, %sub3A_523, %lt3A_532 : i32
      %convert_element_type3A_534 = arith.extui %lt3A_533 : i1 to i32
      %cond3A_535 = arith.constant 0 : i32
      %cond3A_536 = arith.cmpi ne, %convert_element_type3A_534, %cond3A_535 : i32
      scf.if %cond3A_536 {
        %dma_start3A_604 = arith.constant 0 : i32
        %dma_start3A_605 = tpu.memref_slice %arg6[%sub3A_523, %dma_start3A_604] : memref<250x40xi32, #tpu.memory_space<vmem>> -> memref<1x40xi32, #tpu.memory_space<vmem>>
        %dma_start3A_606 = tpu.memref_squeeze %dma_start3A_605 : memref<1x40xi32, #tpu.memory_space<vmem>> -> memref<40xi32, #tpu.memory_space<vmem>>
        %dma_start3A_607 = arith.constant 0 : i32
        %dma_start3A_608 = arith.constant 0 : i32
        %dma_start3A_609 = tpu.memref_slice %arg2[%dma_start3A_607, %dma_start3A_608] : memref<10000x128xf32, #tpu.memory_space<hbm>> -> memref<10000x128xf32, #tpu.memory_space<hbm>>
        tpu.enqueue_indirect_dma source(%dma_start3A_609 : memref<10000x128xf32, #tpu.memory_space<hbm>>) target(%arg10 : memref<40x128xf32, #tpu.memory_space<vmem>>) offsets(%dma_start3A_606 : memref<40xi32, #tpu.memory_space<vmem>>) semaphore(%arg16 : memref<!tpu.dma_semaphore, #tpu.memory_space<semaphore_mem>>)
      } else {
      }
      %mul3A_537 = arith.constant 6 : i32
      %mul3A_538 = arith.muli %scan3A_406, %mul3A_537 : i32
      %add3A_539 = arith.constant 4 : i32
      %add3A_540 = arith.addi %mul3A_538, %add3A_539 : i32
      %dma_wait3A_541 = arith.constant 0 : i32
      %dma_wait3A_542 = tpu.memref_slice %arg6[%add3A_540, %dma_wait3A_541] : memref<250x40xi32, #tpu.memory_space<vmem>> -> memref<1x40xi32, #tpu.memory_space<vmem>>
      %dma_wait3A_543 = tpu.memref_squeeze %dma_wait3A_542 : memref<1x40xi32, #tpu.memory_space<vmem>> -> memref<40xi32, #tpu.memory_space<vmem>>
      %dma_wait3A_544 = arith.constant 0 : i32
      %dma_wait3A_545 = arith.constant 0 : i32
      %dma_wait3A_546 = tpu.memref_slice %arg2[%dma_wait3A_544, %dma_wait3A_545] : memref<10000x128xf32, #tpu.memory_space<hbm>> -> memref<10000x128xf32, #tpu.memory_space<hbm>>
      tpu.wait_indirect_dma semaphore(%arg18 : memref<!tpu.dma_semaphore, #tpu.memory_space<semaphore_mem>>) src(%dma_wait3A_546 : memref<10000x128xf32, #tpu.memory_space<hbm>>) dst(%arg12 : memref<40x128xf32, #tpu.memory_space<vmem>>)
      %dma_start3A_547 = arith.constant 0 : i32
      %dma_start3A_548 = tpu.memref_slice %arg7[%add3A_540, %dma_start3A_547] : memref<250x40xi32, #tpu.memory_space<vmem>> -> memref<1x40xi32, #tpu.memory_space<vmem>>
      %dma_start3A_549 = tpu.memref_squeeze %dma_start3A_548 : memref<1x40xi32, #tpu.memory_space<vmem>> -> memref<40xi32, #tpu.memory_space<vmem>>
      %dma_start3A_550 = arith.constant 0 : i32
      %dma_start3A_551 = arith.constant 0 : i32
      %dma_start3A_552 = tpu.memref_slice %arg26[%dma_start3A_550, %dma_start3A_551] : memref<10000x128xf32, #tpu.memory_space<vmem_shared>> -> memref<10000x128xf32, #tpu.memory_space<vmem_shared>>
      tpu.enqueue_indirect_dma source(%arg12 : memref<40x128xf32, #tpu.memory_space<vmem>>) target(%dma_start3A_552 : memref<10000x128xf32, #tpu.memory_space<vmem_shared>>) offsets(%dma_start3A_549 : memref<40xi32, #tpu.memory_space<vmem>>) semaphore(%arg24 : memref<!tpu.dma_semaphore, #tpu.memory_space<semaphore_mem>>) {add = true}
      %add3A_553 = arith.constant 6 : i32
      %add3A_554 = arith.addi %add3A_540, %add3A_553 : i32
      %sub3A_555 = arith.constant 1 : i32
      %sub3A_556 = arith.subi %add3A_554, %sub3A_555 : i32
      %lt3A_557 = arith.constant 250 : i32
      %lt3A_558 = arith.cmpi slt, %sub3A_556, %lt3A_557 : i32
      %ge3A_559 = arith.constant 1 : i32
      %ge3A_560 = arith.cmpi sge, %add3A_540, %ge3A_559 : i32
      %and3A_561 = arith.andi %lt3A_558, %ge3A_560 : i1
      %convert_element_type3A_562 = arith.extui %and3A_561 : i1 to i32
      %cond3A_563 = arith.constant 0 : i32
      %cond3A_564 = arith.cmpi ne, %convert_element_type3A_562, %cond3A_563 : i32
      scf.if %cond3A_564 {
        %sub3A_604 = arith.constant 1 : i32
        %sub3A_605 = arith.subi %add3A_540, %sub3A_604 : i32
        %dma_wait3A_606 = arith.constant 0 : i32
        %dma_wait3A_607 = tpu.memref_slice %arg7[%sub3A_605, %dma_wait3A_606] : memref<250x40xi32, #tpu.memory_space<vmem>> -> memref<1x40xi32, #tpu.memory_space<vmem>>
        %dma_wait3A_608 = tpu.memref_squeeze %dma_wait3A_607 : memref<1x40xi32, #tpu.memory_space<vmem>> -> memref<40xi32, #tpu.memory_space<vmem>>
        %dma_wait3A_609 = arith.constant 0 : i32
        %dma_wait3A_610 = arith.constant 0 : i32
        %dma_wait3A_611 = tpu.memref_slice %arg26[%dma_wait3A_609, %dma_wait3A_610] : memref<10000x128xf32, #tpu.memory_space<vmem_shared>> -> memref<10000x128xf32, #tpu.memory_space<vmem_shared>>
        tpu.wait_indirect_dma semaphore(%arg23 : memref<!tpu.dma_semaphore, #tpu.memory_space<semaphore_mem>>) src(%arg11 : memref<40x128xf32, #tpu.memory_space<vmem>>) dst(%dma_wait3A_611 : memref<10000x128xf32, #tpu.memory_space<vmem_shared>>)
      } else {
      }
      %lt3A_565 = arith.constant 250 : i32
      %lt3A_566 = arith.cmpi slt, %sub3A_556, %lt3A_565 : i32
      %convert_element_type3A_567 = arith.extui %lt3A_566 : i1 to i32
      %cond3A_568 = arith.constant 0 : i32
      %cond3A_569 = arith.cmpi ne, %convert_element_type3A_567, %cond3A_568 : i32
      scf.if %cond3A_569 {
        %dma_start3A_604 = arith.constant 0 : i32
        %dma_start3A_605 = tpu.memref_slice %arg6[%sub3A_556, %dma_start3A_604] : memref<250x40xi32, #tpu.memory_space<vmem>> -> memref<1x40xi32, #tpu.memory_space<vmem>>
        %dma_start3A_606 = tpu.memref_squeeze %dma_start3A_605 : memref<1x40xi32, #tpu.memory_space<vmem>> -> memref<40xi32, #tpu.memory_space<vmem>>
        %dma_start3A_607 = arith.constant 0 : i32
        %dma_start3A_608 = arith.constant 0 : i32
        %dma_start3A_609 = tpu.memref_slice %arg2[%dma_start3A_607, %dma_start3A_608] : memref<10000x128xf32, #tpu.memory_space<hbm>> -> memref<10000x128xf32, #tpu.memory_space<hbm>>
        tpu.enqueue_indirect_dma source(%dma_start3A_609 : memref<10000x128xf32, #tpu.memory_space<hbm>>) target(%arg11 : memref<40x128xf32, #tpu.memory_space<vmem>>) offsets(%dma_start3A_606 : memref<40xi32, #tpu.memory_space<vmem>>) semaphore(%arg17 : memref<!tpu.dma_semaphore, #tpu.memory_space<semaphore_mem>>)
      } else {
      }
      %mul3A_570 = arith.constant 6 : i32
      %mul3A_571 = arith.muli %scan3A_406, %mul3A_570 : i32
      %add3A_572 = arith.constant 5 : i32
      %add3A_573 = arith.addi %mul3A_571, %add3A_572 : i32
      %dma_wait3A_574 = arith.constant 0 : i32
      %dma_wait3A_575 = tpu.memref_slice %arg6[%add3A_573, %dma_wait3A_574] : memref<250x40xi32, #tpu.memory_space<vmem>> -> memref<1x40xi32, #tpu.memory_space<vmem>>
      %dma_wait3A_576 = tpu.memref_squeeze %dma_wait3A_575 : memref<1x40xi32, #tpu.memory_space<vmem>> -> memref<40xi32, #tpu.memory_space<vmem>>
      %dma_wait3A_577 = arith.constant 0 : i32
      %dma_wait3A_578 = arith.constant 0 : i32
      %dma_wait3A_579 = tpu.memref_slice %arg2[%dma_wait3A_577, %dma_wait3A_578] : memref<10000x128xf32, #tpu.memory_space<hbm>> -> memref<10000x128xf32, #tpu.memory_space<hbm>>
      tpu.wait_indirect_dma semaphore(%arg19 : memref<!tpu.dma_semaphore, #tpu.memory_space<semaphore_mem>>) src(%dma_wait3A_579 : memref<10000x128xf32, #tpu.memory_space<hbm>>) dst(%arg13 : memref<40x128xf32, #tpu.memory_space<vmem>>)
      %dma_start3A_580 = arith.constant 0 : i32
      %dma_start3A_581 = tpu.memref_slice %arg7[%add3A_573, %dma_start3A_580] : memref<250x40xi32, #tpu.memory_space<vmem>> -> memref<1x40xi32, #tpu.memory_space<vmem>>
      %dma_start3A_582 = tpu.memref_squeeze %dma_start3A_581 : memref<1x40xi32, #tpu.memory_space<vmem>> -> memref<40xi32, #tpu.memory_space<vmem>>
      %dma_start3A_583 = arith.constant 0 : i32
      %dma_start3A_584 = arith.constant 0 : i32
      %dma_start3A_585 = tpu.memref_slice %arg26[%dma_start3A_583, %dma_start3A_584] : memref<10000x128xf32, #tpu.memory_space<vmem_shared>> -> memref<10000x128xf32, #tpu.memory_space<vmem_shared>>
      tpu.enqueue_indirect_dma source(%arg13 : memref<40x128xf32, #tpu.memory_space<vmem>>) target(%dma_start3A_585 : memref<10000x128xf32, #tpu.memory_space<vmem_shared>>) offsets(%dma_start3A_582 : memref<40xi32, #tpu.memory_space<vmem>>) semaphore(%arg25 : memref<!tpu.dma_semaphore, #tpu.memory_space<semaphore_mem>>) {add = true}
      %add3A_586 = arith.constant 6 : i32
      %add3A_587 = arith.addi %add3A_573, %add3A_586 : i32
      %sub3A_588 = arith.constant 1 : i32
      %sub3A_589 = arith.subi %add3A_587, %sub3A_588 : i32
      %lt3A_590 = arith.constant 250 : i32
      %lt3A_591 = arith.cmpi slt, %sub3A_589, %lt3A_590 : i32
      %ge3A_592 = arith.constant 1 : i32
      %ge3A_593 = arith.cmpi sge, %add3A_573, %ge3A_592 : i32
      %and3A_594 = arith.andi %lt3A_591, %ge3A_593 : i1
      %convert_element_type3A_595 = arith.extui %and3A_594 : i1 to i32
      %cond3A_596 = arith.constant 0 : i32
      %cond3A_597 = arith.cmpi ne, %convert_element_type3A_595, %cond3A_596 : i32
      scf.if %cond3A_597 {
        %sub3A_604 = arith.constant 1 : i32
        %sub3A_605 = arith.subi %add3A_573, %sub3A_604 : i32
        %dma_wait3A_606 = arith.constant 0 : i32
        %dma_wait3A_607 = tpu.memref_slice %arg7[%sub3A_605, %dma_wait3A_606] : memref<250x40xi32, #tpu.memory_space<vmem>> -> memref<1x40xi32, #tpu.memory_space<vmem>>
        %dma_wait3A_608 = tpu.memref_squeeze %dma_wait3A_607 : memref<1x40xi32, #tpu.memory_space<vmem>> -> memref<40xi32, #tpu.memory_space<vmem>>
        %dma_wait3A_609 = arith.constant 0 : i32
        %dma_wait3A_610 = arith.constant 0 : i32
        %dma_wait3A_611 = tpu.memref_slice %arg26[%dma_wait3A_609, %dma_wait3A_610] : memref<10000x128xf32, #tpu.memory_space<vmem_shared>> -> memref<10000x128xf32, #tpu.memory_space<vmem_shared>>
        tpu.wait_indirect_dma semaphore(%arg24 : memref<!tpu.dma_semaphore, #tpu.memory_space<semaphore_mem>>) src(%arg12 : memref<40x128xf32, #tpu.memory_space<vmem>>) dst(%dma_wait3A_611 : memref<10000x128xf32, #tpu.memory_space<vmem_shared>>)
      } else {
      }
      %lt3A_598 = arith.constant 250 : i32
      %lt3A_599 = arith.cmpi slt, %sub3A_589, %lt3A_598 : i32
      %convert_element_type3A_600 = arith.extui %lt3A_599 : i1 to i32
      %cond3A_601 = arith.constant 0 : i32
      %cond3A_602 = arith.cmpi ne, %convert_element_type3A_600, %cond3A_601 : i32
      scf.if %cond3A_602 {
        %dma_start3A_604 = arith.constant 0 : i32
        %dma_start3A_605 = tpu.memref_slice %arg6[%sub3A_589, %dma_start3A_604] : memref<250x40xi32, #tpu.memory_space<vmem>> -> memref<1x40xi32, #tpu.memory_space<vmem>>
        %dma_start3A_606 = tpu.memref_squeeze %dma_start3A_605 : memref<1x40xi32, #tpu.memory_space<vmem>> -> memref<40xi32, #tpu.memory_space<vmem>>
        %dma_start3A_607 = arith.constant 0 : i32
        %dma_start3A_608 = arith.constant 0 : i32
        %dma_start3A_609 = tpu.memref_slice %arg2[%dma_start3A_607, %dma_start3A_608] : memref<10000x128xf32, #tpu.memory_space<hbm>> -> memref<10000x128xf32, #tpu.memory_space<hbm>>
        tpu.enqueue_indirect_dma source(%dma_start3A_609 : memref<10000x128xf32, #tpu.memory_space<hbm>>) target(%arg12 : memref<40x128xf32, #tpu.memory_space<vmem>>) offsets(%dma_start3A_606 : memref<40xi32, #tpu.memory_space<vmem>>) semaphore(%arg18 : memref<!tpu.dma_semaphore, #tpu.memory_space<semaphore_mem>>)
      } else {
      }
      %scan3A_603 = arith.constant 0 : i32
      scf.yield %scan3A_603 : i32
    }
    %scan3A_291 = arith.constant 41 : i32
    %dma_wait3A_292 = arith.constant 246 : i32
    %dma_wait3A_293 = arith.constant 0 : i32
    %dma_wait3A_294 = tpu.memref_slice %arg6[%dma_wait3A_292, %dma_wait3A_293] : memref<250x40xi32, #tpu.memory_space<vmem>> -> memref<1x40xi32, #tpu.memory_space<vmem>>
    %dma_wait3A_295 = tpu.memref_squeeze %dma_wait3A_294 : memref<1x40xi32, #tpu.memory_space<vmem>> -> memref<40xi32, #tpu.memory_space<vmem>>
    %dma_wait3A_296 = arith.constant 0 : i32
    %dma_wait3A_297 = arith.constant 0 : i32
    %dma_wait3A_298 = tpu.memref_slice %arg2[%dma_wait3A_296, %dma_wait3A_297] : memref<10000x128xf32, #tpu.memory_space<hbm>> -> memref<10000x128xf32, #tpu.memory_space<hbm>>
    tpu.wait_indirect_dma semaphore(%arg14 : memref<!tpu.dma_semaphore, #tpu.memory_space<semaphore_mem>>) src(%dma_wait3A_298 : memref<10000x128xf32, #tpu.memory_space<hbm>>) dst(%arg8 : memref<40x128xf32, #tpu.memory_space<vmem>>)
    %dma_start3A_299 = arith.constant 246 : i32
    %dma_start3A_300 = arith.constant 0 : i32
    %dma_start3A_301 = tpu.memref_slice %arg7[%dma_start3A_299, %dma_start3A_300] : memref<250x40xi32, #tpu.memory_space<vmem>> -> memref<1x40xi32, #tpu.memory_space<vmem>>
    %dma_start3A_302 = tpu.memref_squeeze %dma_start3A_301 : memref<1x40xi32, #tpu.memory_space<vmem>> -> memref<40xi32, #tpu.memory_space<vmem>>
    %dma_start3A_303 = arith.constant 0 : i32
    %dma_start3A_304 = arith.constant 0 : i32
    %dma_start3A_305 = tpu.memref_slice %arg26[%dma_start3A_303, %dma_start3A_304] : memref<10000x128xf32, #tpu.memory_space<vmem_shared>> -> memref<10000x128xf32, #tpu.memory_space<vmem_shared>>
    tpu.enqueue_indirect_dma source(%arg8 : memref<40x128xf32, #tpu.memory_space<vmem>>) target(%dma_start3A_305 : memref<10000x128xf32, #tpu.memory_space<vmem_shared>>) offsets(%dma_start3A_302 : memref<40xi32, #tpu.memory_space<vmem>>) semaphore(%arg20 : memref<!tpu.dma_semaphore, #tpu.memory_space<semaphore_mem>>) {add = true}
    %dma_wait3A_306 = arith.constant 247 : i32
    %dma_wait3A_307 = arith.constant 0 : i32
    %dma_wait3A_308 = tpu.memref_slice %arg6[%dma_wait3A_306, %dma_wait3A_307] : memref<250x40xi32, #tpu.memory_space<vmem>> -> memref<1x40xi32, #tpu.memory_space<vmem>>
    %dma_wait3A_309 = tpu.memref_squeeze %dma_wait3A_308 : memref<1x40xi32, #tpu.memory_space<vmem>> -> memref<40xi32, #tpu.memory_space<vmem>>
    %dma_wait3A_310 = arith.constant 0 : i32
    %dma_wait3A_311 = arith.constant 0 : i32
    %dma_wait3A_312 = tpu.memref_slice %arg2[%dma_wait3A_310, %dma_wait3A_311] : memref<10000x128xf32, #tpu.memory_space<hbm>> -> memref<10000x128xf32, #tpu.memory_space<hbm>>
    tpu.wait_indirect_dma semaphore(%arg15 : memref<!tpu.dma_semaphore, #tpu.memory_space<semaphore_mem>>) src(%dma_wait3A_312 : memref<10000x128xf32, #tpu.memory_space<hbm>>) dst(%arg9 : memref<40x128xf32, #tpu.memory_space<vmem>>)
    %dma_start3A_313 = arith.constant 247 : i32
    %dma_start3A_314 = arith.constant 0 : i32
    %dma_start3A_315 = tpu.memref_slice %arg7[%dma_start3A_313, %dma_start3A_314] : memref<250x40xi32, #tpu.memory_space<vmem>> -> memref<1x40xi32, #tpu.memory_space<vmem>>
    %dma_start3A_316 = tpu.memref_squeeze %dma_start3A_315 : memref<1x40xi32, #tpu.memory_space<vmem>> -> memref<40xi32, #tpu.memory_space<vmem>>
    %dma_start3A_317 = arith.constant 0 : i32
    %dma_start3A_318 = arith.constant 0 : i32
    %dma_start3A_319 = tpu.memref_slice %arg26[%dma_start3A_317, %dma_start3A_318] : memref<10000x128xf32, #tpu.memory_space<vmem_shared>> -> memref<10000x128xf32, #tpu.memory_space<vmem_shared>>
    tpu.enqueue_indirect_dma source(%arg9 : memref<40x128xf32, #tpu.memory_space<vmem>>) target(%dma_start3A_319 : memref<10000x128xf32, #tpu.memory_space<vmem_shared>>) offsets(%dma_start3A_316 : memref<40xi32, #tpu.memory_space<vmem>>) semaphore(%arg21 : memref<!tpu.dma_semaphore, #tpu.memory_space<semaphore_mem>>) {add = true}
    %dma_wait3A_320 = arith.constant 248 : i32
    %dma_wait3A_321 = arith.constant 0 : i32
    %dma_wait3A_322 = tpu.memref_slice %arg6[%dma_wait3A_320, %dma_wait3A_321] : memref<250x40xi32, #tpu.memory_space<vmem>> -> memref<1x40xi32, #tpu.memory_space<vmem>>
    %dma_wait3A_323 = tpu.memref_squeeze %dma_wait3A_322 : memref<1x40xi32, #tpu.memory_space<vmem>> -> memref<40xi32, #tpu.memory_space<vmem>>
    %dma_wait3A_324 = arith.constant 0 : i32
    %dma_wait3A_325 = arith.constant 0 : i32
    %dma_wait3A_326 = tpu.memref_slice %arg2[%dma_wait3A_324, %dma_wait3A_325] : memref<10000x128xf32, #tpu.memory_space<hbm>> -> memref<10000x128xf32, #tpu.memory_space<hbm>>
    tpu.wait_indirect_dma semaphore(%arg16 : memref<!tpu.dma_semaphore, #tpu.memory_space<semaphore_mem>>) src(%dma_wait3A_326 : memref<10000x128xf32, #tpu.memory_space<hbm>>) dst(%arg10 : memref<40x128xf32, #tpu.memory_space<vmem>>)
    %dma_start3A_327 = arith.constant 248 : i32
    %dma_start3A_328 = arith.constant 0 : i32
    %dma_start3A_329 = tpu.memref_slice %arg7[%dma_start3A_327, %dma_start3A_328] : memref<250x40xi32, #tpu.memory_space<vmem>> -> memref<1x40xi32, #tpu.memory_space<vmem>>
    %dma_start3A_330 = tpu.memref_squeeze %dma_start3A_329 : memref<1x40xi32, #tpu.memory_space<vmem>> -> memref<40xi32, #tpu.memory_space<vmem>>
    %dma_start3A_331 = arith.constant 0 : i32
    %dma_start3A_332 = arith.constant 0 : i32
    %dma_start3A_333 = tpu.memref_slice %arg26[%dma_start3A_331, %dma_start3A_332] : memref<10000x128xf32, #tpu.memory_space<vmem_shared>> -> memref<10000x128xf32, #tpu.memory_space<vmem_shared>>
    tpu.enqueue_indirect_dma source(%arg10 : memref<40x128xf32, #tpu.memory_space<vmem>>) target(%dma_start3A_333 : memref<10000x128xf32, #tpu.memory_space<vmem_shared>>) offsets(%dma_start3A_330 : memref<40xi32, #tpu.memory_space<vmem>>) semaphore(%arg22 : memref<!tpu.dma_semaphore, #tpu.memory_space<semaphore_mem>>) {add = true}
    %dma_wait3A_334 = arith.constant 249 : i32
    %dma_wait3A_335 = arith.constant 0 : i32
    %dma_wait3A_336 = tpu.memref_slice %arg6[%dma_wait3A_334, %dma_wait3A_335] : memref<250x40xi32, #tpu.memory_space<vmem>> -> memref<1x40xi32, #tpu.memory_space<vmem>>
    %dma_wait3A_337 = tpu.memref_squeeze %dma_wait3A_336 : memref<1x40xi32, #tpu.memory_space<vmem>> -> memref<40xi32, #tpu.memory_space<vmem>>
    %dma_wait3A_338 = arith.constant 0 : i32
    %dma_wait3A_339 = arith.constant 0 : i32
    %dma_wait3A_340 = tpu.memref_slice %arg2[%dma_wait3A_338, %dma_wait3A_339] : memref<10000x128xf32, #tpu.memory_space<hbm>> -> memref<10000x128xf32, #tpu.memory_space<hbm>>
    tpu.wait_indirect_dma semaphore(%arg17 : memref<!tpu.dma_semaphore, #tpu.memory_space<semaphore_mem>>) src(%dma_wait3A_340 : memref<10000x128xf32, #tpu.memory_space<hbm>>) dst(%arg11 : memref<40x128xf32, #tpu.memory_space<vmem>>)
    %dma_start3A_341 = arith.constant 249 : i32
    %dma_start3A_342 = arith.constant 0 : i32
    %dma_start3A_343 = tpu.memref_slice %arg7[%dma_start3A_341, %dma_start3A_342] : memref<250x40xi32, #tpu.memory_space<vmem>> -> memref<1x40xi32, #tpu.memory_space<vmem>>
    %dma_start3A_344 = tpu.memref_squeeze %dma_start3A_343 : memref<1x40xi32, #tpu.memory_space<vmem>> -> memref<40xi32, #tpu.memory_space<vmem>>
    %dma_start3A_345 = arith.constant 0 : i32
    %dma_start3A_346 = arith.constant 0 : i32
    %dma_start3A_347 = tpu.memref_slice %arg26[%dma_start3A_345, %dma_start3A_346] : memref<10000x128xf32, #tpu.memory_space<vmem_shared>> -> memref<10000x128xf32, #tpu.memory_space<vmem_shared>>
    tpu.enqueue_indirect_dma source(%arg11 : memref<40x128xf32, #tpu.memory_space<vmem>>) target(%dma_start3A_347 : memref<10000x128xf32, #tpu.memory_space<vmem_shared>>) offsets(%dma_start3A_344 : memref<40xi32, #tpu.memory_space<vmem>>) semaphore(%arg23 : memref<!tpu.dma_semaphore, #tpu.memory_space<semaphore_mem>>) {add = true}
    %dma_wait3A_348 = arith.constant 246 : i32
    %dma_wait3A_349 = arith.constant 0 : i32
    %dma_wait3A_350 = tpu.memref_slice %arg7[%dma_wait3A_348, %dma_wait3A_349] : memref<250x40xi32, #tpu.memory_space<vmem>> -> memref<1x40xi32, #tpu.memory_space<vmem>>
    %dma_wait3A_351 = tpu.memref_squeeze %dma_wait3A_350 : memref<1x40xi32, #tpu.memory_space<vmem>> -> memref<40xi32, #tpu.memory_space<vmem>>
    %dma_wait3A_352 = arith.constant 0 : i32
    %dma_wait3A_353 = arith.constant 0 : i32
    %dma_wait3A_354 = tpu.memref_slice %arg26[%dma_wait3A_352, %dma_wait3A_353] : memref<10000x128xf32, #tpu.memory_space<vmem_shared>> -> memref<10000x128xf32, #tpu.memory_space<vmem_shared>>
    tpu.wait_indirect_dma semaphore(%arg20 : memref<!tpu.dma_semaphore, #tpu.memory_space<semaphore_mem>>) src(%arg8 : memref<40x128xf32, #tpu.memory_space<vmem>>) dst(%dma_wait3A_354 : memref<10000x128xf32, #tpu.memory_space<vmem_shared>>)
    %dma_wait3A_355 = arith.constant 247 : i32
    %dma_wait3A_356 = arith.constant 0 : i32
    %dma_wait3A_357 = tpu.memref_slice %arg7[%dma_wait3A_355, %dma_wait3A_356] : memref<250x40xi32, #tpu.memory_space<vmem>> -> memref<1x40xi32, #tpu.memory_space<vmem>>
    %dma_wait3A_358 = tpu.memref_squeeze %dma_wait3A_357 : memref<1x40xi32, #tpu.memory_space<vmem>> -> memref<40xi32, #tpu.memory_space<vmem>>
    %dma_wait3A_359 = arith.constant 0 : i32
    %dma_wait3A_360 = arith.constant 0 : i32
    %dma_wait3A_361 = tpu.memref_slice %arg26[%dma_wait3A_359, %dma_wait3A_360] : memref<10000x128xf32, #tpu.memory_space<vmem_shared>> -> memref<10000x128xf32, #tpu.memory_space<vmem_shared>>
    tpu.wait_indirect_dma semaphore(%arg21 : memref<!tpu.dma_semaphore, #tpu.memory_space<semaphore_mem>>) src(%arg9 : memref<40x128xf32, #tpu.memory_space<vmem>>) dst(%dma_wait3A_361 : memref<10000x128xf32, #tpu.memory_space<vmem_shared>>)
    %dma_wait3A_362 = arith.constant 248 : i32
    %dma_wait3A_363 = arith.constant 0 : i32
    %dma_wait3A_364 = tpu.memref_slice %arg7[%dma_wait3A_362, %dma_wait3A_363] : memref<250x40xi32, #tpu.memory_space<vmem>> -> memref<1x40xi32, #tpu.memory_space<vmem>>
    %dma_wait3A_365 = tpu.memref_squeeze %dma_wait3A_364 : memref<1x40xi32, #tpu.memory_space<vmem>> -> memref<40xi32, #tpu.memory_space<vmem>>
    %dma_wait3A_366 = arith.constant 0 : i32
    %dma_wait3A_367 = arith.constant 0 : i32
    %dma_wait3A_368 = tpu.memref_slice %arg26[%dma_wait3A_366, %dma_wait3A_367] : memref<10000x128xf32, #tpu.memory_space<vmem_shared>> -> memref<10000x128xf32, #tpu.memory_space<vmem_shared>>
    tpu.wait_indirect_dma semaphore(%arg22 : memref<!tpu.dma_semaphore, #tpu.memory_space<semaphore_mem>>) src(%arg10 : memref<40x128xf32, #tpu.memory_space<vmem>>) dst(%dma_wait3A_368 : memref<10000x128xf32, #tpu.memory_space<vmem_shared>>)
    %dma_wait3A_369 = arith.constant 249 : i32
    %dma_wait3A_370 = arith.constant 0 : i32
    %dma_wait3A_371 = tpu.memref_slice %arg7[%dma_wait3A_369, %dma_wait3A_370] : memref<250x40xi32, #tpu.memory_space<vmem>> -> memref<1x40xi32, #tpu.memory_space<vmem>>
    %dma_wait3A_372 = tpu.memref_squeeze %dma_wait3A_371 : memref<1x40xi32, #tpu.memory_space<vmem>> -> memref<40xi32, #tpu.memory_space<vmem>>
    %dma_wait3A_373 = arith.constant 0 : i32
    %dma_wait3A_374 = arith.constant 0 : i32
    %dma_wait3A_375 = tpu.memref_slice %arg26[%dma_wait3A_373, %dma_wait3A_374] : memref<10000x128xf32, #tpu.memory_space<vmem_shared>> -> memref<10000x128xf32, #tpu.memory_space<vmem_shared>>
    tpu.wait_indirect_dma semaphore(%arg23 : memref<!tpu.dma_semaphore, #tpu.memory_space<semaphore_mem>>) src(%arg11 : memref<40x128xf32, #tpu.memory_space<vmem>>) dst(%dma_wait3A_375 : memref<10000x128xf32, #tpu.memory_space<vmem_shared>>)
    %dma_wait3A_376 = arith.constant 244 : i32
    %dma_wait3A_377 = arith.constant 0 : i32
    %dma_wait3A_378 = tpu.memref_slice %arg7[%dma_wait3A_376, %dma_wait3A_377] : memref<250x40xi32, #tpu.memory_space<vmem>> -> memref<1x40xi32, #tpu.memory_space<vmem>>
    %dma_wait3A_379 = tpu.memref_squeeze %dma_wait3A_378 : memref<1x40xi32, #tpu.memory_space<vmem>> -> memref<40xi32, #tpu.memory_space<vmem>>
    %dma_wait3A_380 = arith.constant 0 : i32
    %dma_wait3A_381 = arith.constant 0 : i32
    %dma_wait3A_382 = tpu.memref_slice %arg26[%dma_wait3A_380, %dma_wait3A_381] : memref<10000x128xf32, #tpu.memory_space<vmem_shared>> -> memref<10000x128xf32, #tpu.memory_space<vmem_shared>>
    tpu.wait_indirect_dma semaphore(%arg24 : memref<!tpu.dma_semaphore, #tpu.memory_space<semaphore_mem>>) src(%arg12 : memref<40x128xf32, #tpu.memory_space<vmem>>) dst(%dma_wait3A_382 : memref<10000x128xf32, #tpu.memory_space<vmem_shared>>)
    %dma_wait3A_383 = arith.constant 245 : i32
    %dma_wait3A_384 = arith.constant 0 : i32
    %dma_wait3A_385 = tpu.memref_slice %arg7[%dma_wait3A_383, %dma_wait3A_384] : memref<250x40xi32, #tpu.memory_space<vmem>> -> memref<1x40xi32, #tpu.memory_space<vmem>>
    %dma_wait3A_386 = tpu.memref_squeeze %dma_wait3A_385 : memref<1x40xi32, #tpu.memory_space<vmem>> -> memref<40xi32, #tpu.memory_space<vmem>>
    %dma_wait3A_387 = arith.constant 0 : i32
    %dma_wait3A_388 = arith.constant 0 : i32
    %dma_wait3A_389 = tpu.memref_slice %arg26[%dma_wait3A_387, %dma_wait3A_388] : memref<10000x128xf32, #tpu.memory_space<vmem_shared>> -> memref<10000x128xf32, #tpu.memory_space<vmem_shared>>
    tpu.wait_indirect_dma semaphore(%arg25 : memref<!tpu.dma_semaphore, #tpu.memory_space<semaphore_mem>>) src(%arg13 : memref<40x128xf32, #tpu.memory_space<vmem>>) dst(%dma_wait3A_389 : memref<10000x128xf32, #tpu.memory_space<vmem_shared>>)
    %barrier3A_390 = arith.constant 0 : index
    tpu.barrier barrier_id(%barrier3A_390)
    %dma_start3A_391 = arith.constant 0 : i32
    %dma_start3A_392 = tpu.memref_slice %arg5[%arg0, %mul3A_21, %dma_start3A_391] : memref<2x10000x128xf32, #tpu.memory_space<hbm>> -> memref<1x624x128xf32, #tpu.memory_space<hbm>>
    %dma_start3A_393 = tpu.memref_squeeze %dma_start3A_392 : memref<1x624x128xf32, #tpu.memory_space<hbm>> -> memref<624x128xf32, #tpu.memory_space<hbm>>
    %dma_start3A_394 = arith.constant 0 : i32
    %dma_start3A_395 = tpu.memref_slice %arg26[%mul3A_21, %dma_start3A_394] : memref<10000x128xf32, #tpu.memory_space<vmem_shared>> -> memref<624x128xf32, #tpu.memory_space<vmem_shared>>
    tpu.enqueue_dma source(%dma_start3A_395 : memref<624x128xf32, #tpu.memory_space<vmem_shared>>) target(%dma_start3A_393 : memref<624x128xf32, #tpu.memory_space<hbm>>) target_semaphore(%arg14 : memref<!tpu.dma_semaphore, #tpu.memory_space<semaphore_mem>>)
    %eq3A_396 = arith.constant 15 : i32
    %eq3A_397 = arith.cmpi eq, %arg1, %eq3A_396 : i32
    %convert_element_type3A_398 = arith.extui %eq3A_397 : i1 to i32
    %cond3A_399 = arith.constant 0 : i32
    %cond3A_400 = arith.cmpi ne, %convert_element_type3A_398, %cond3A_399 : i32
    scf.if %cond3A_400 {
      %dma_start3A_406 = arith.constant 9984 : i32
      %dma_start3A_407 = arith.constant 0 : i32
      %dma_start3A_408 = tpu.memref_slice %arg5[%arg0, %dma_start3A_406, %dma_start3A_407] : memref<2x10000x128xf32, #tpu.memory_space<hbm>> -> memref<1x16x128xf32, #tpu.memory_space<hbm>>
      %dma_start3A_409 = tpu.memref_squeeze %dma_start3A_408 : memref<1x16x128xf32, #tpu.memory_space<hbm>> -> memref<16x128xf32, #tpu.memory_space<hbm>>
      %dma_start3A_410 = arith.constant 9984 : i32
      %dma_start3A_411 = arith.constant 0 : i32
      %dma_start3A_412 = tpu.memref_slice %arg26[%dma_start3A_410, %dma_start3A_411] : memref<10000x128xf32, #tpu.memory_space<vmem_shared>> -> memref<16x128xf32, #tpu.memory_space<vmem_shared>>
      tpu.enqueue_dma source(%dma_start3A_412 : memref<16x128xf32, #tpu.memory_space<vmem_shared>>) target(%dma_start3A_409 : memref<16x128xf32, #tpu.memory_space<hbm>>) target_semaphore(%arg15 : memref<!tpu.dma_semaphore, #tpu.memory_space<semaphore_mem>>)
      %dma_wait3A_413 = arith.constant 9984 : i32
      %dma_wait3A_414 = arith.constant 0 : i32
      %dma_wait3A_415 = tpu.memref_slice %arg5[%arg0, %dma_wait3A_413, %dma_wait3A_414] : memref<2x10000x128xf32, #tpu.memory_space<hbm>> -> memref<1x16x128xf32, #tpu.memory_space<hbm>>
      %dma_wait3A_416 = tpu.memref_squeeze %dma_wait3A_415 : memref<1x16x128xf32, #tpu.memory_space<hbm>> -> memref<16x128xf32, #tpu.memory_space<hbm>>
      %dma_wait3A_417 = arith.constant 9984 : i32
      %dma_wait3A_418 = arith.constant 0 : i32
      %dma_wait3A_419 = tpu.memref_slice %arg26[%dma_wait3A_417, %dma_wait3A_418] : memref<10000x128xf32, #tpu.memory_space<vmem_shared>> -> memref<16x128xf32, #tpu.memory_space<vmem_shared>>
      tpu.wait_dma2 semaphore(%arg15 : memref<!tpu.dma_semaphore, #tpu.memory_space<semaphore_mem>>) src(%dma_wait3A_419 : memref<16x128xf32, #tpu.memory_space<vmem_shared>>) dst(%dma_wait3A_416 : memref<16x128xf32, #tpu.memory_space<hbm>>)
    } else {
    }
    %dma_wait3A_401 = arith.constant 0 : i32
    %dma_wait3A_402 = tpu.memref_slice %arg5[%arg0, %mul3A_21, %dma_wait3A_401] : memref<2x10000x128xf32, #tpu.memory_space<hbm>> -> memref<1x624x128xf32, #tpu.memory_space<hbm>>
    %dma_wait3A_403 = tpu.memref_squeeze %dma_wait3A_402 : memref<1x624x128xf32, #tpu.memory_space<hbm>> -> memref<624x128xf32, #tpu.memory_space<hbm>>
    %dma_wait3A_404 = arith.constant 0 : i32
    %dma_wait3A_405 = tpu.memref_slice %arg26[%mul3A_21, %dma_wait3A_404] : memref<10000x128xf32, #tpu.memory_space<vmem_shared>> -> memref<624x128xf32, #tpu.memory_space<vmem_shared>>
    tpu.wait_dma2 semaphore(%arg14 : memref<!tpu.dma_semaphore, #tpu.memory_space<semaphore_mem>>) src(%dma_wait3A_405 : memref<624x128xf32, #tpu.memory_space<vmem_shared>>) dst(%dma_wait3A_403 : memref<624x128xf32, #tpu.memory_space<hbm>>)
    return
  }
}

module attributes {stable_mosaic.version = 14 : i64} {
  func.func @_prep_body(%arg0: i32, %arg1: memref<5000x16xf32, #tpu.memory_space<vmem>>, %arg2: memref<5000x16xf32, #tpu.memory_space<vmem>>, %arg3: memref<5000x128xf32, #tpu.memory_space<vmem>>, %arg4: memref<5000x128xf32, #tpu.memory_space<vmem>>) attributes {dimension_semantics = [#tpu.dimension_semantics<arbitrary>], iteration_bounds = array<i64: 2>, scalar_prefetch = 0 : i64, scratch_operands = 0 : i64, tpu.core_type = #tpu.core_type<tc>, window_params = [{transform_indices = @transform_0, window_bounds = array<i64: 5000, 16>}, {transform_indices = @transform_1, window_bounds = array<i64: 5000, 16>}, {transform_indices = @transform_2, window_bounds = array<i64: 5000, 128>}, {transform_indices = @transform_3, window_bounds = array<i64: 5000, 128>}]} {
    %get3A = arith.constant 0 : index
    %get3A_0 = arith.constant 0 : index
    %get3A_1 = vector.load %arg1[%get3A, %get3A_0] : memref<5000x16xf32, #tpu.memory_space<vmem>>, vector<5000x16xf32>
    %get3A_2 = arith.constant 0 : index
    %get3A_3 = arith.constant 0 : index
    %get3A_4 = vector.load %arg2[%get3A_2, %get3A_3] : memref<5000x16xf32, #tpu.memory_space<vmem>>, vector<5000x16xf32>
    %slice3A = vector.extract_strided_slice %get3A_1 {offsets = [0, 0], sizes = [5000, 1], strides = [1, 1]} : vector<5000x16xf32> to vector<5000x1xf32>
    %slice3A_5 = vector.extract_strided_slice %get3A_4 {offsets = [0, 0], sizes = [5000, 1], strides = [1, 1]} : vector<5000x16xf32> to vector<5000x1xf32>
    %add3A = arith.addf %slice3A, %slice3A_5 : vector<5000x1xf32>
    %gt3A = arith.constant 0.000000e+00 : f32
    %gt3A_6 = vector.broadcast %gt3A : f32 to vector<5000x1xf32>
    %gt3A_7 = arith.cmpf ogt, %add3A, %gt3A_6 : vector<5000x1xf32>
    %max3A = arith.constant 1.000000e+00 : f32
    %max3A_8 = vector.broadcast %max3A : f32 to vector<5000x1xf32>
    %max3A_9 = arith.maximumf %add3A, %max3A_8 : vector<5000x1xf32>
    %rsqrt3A = math.rsqrt %max3A_9 : vector<5000x1xf32>
    %jit3A = arith.constant 0.000000e+00 : f32
    %broadcast_in_dim3A = vector.broadcast %jit3A : f32 to vector<5000x1xf32>
    %select_n3A = arith.select %gt3A_7, %rsqrt3A, %broadcast_in_dim3A : vector<5000x1xi1>, vector<5000x1xf32>
    %get3A_10 = arith.constant 0 : index
    %get3A_11 = arith.constant 0 : index
    %get3A_12 = vector.load %arg3[%get3A_10, %get3A_11] : memref<5000x128xf32, #tpu.memory_space<vmem>>, vector<5000x128xf32>
    %mul3A = vector.broadcast %select_n3A : vector<5000x1xf32> to vector<5000x128xf32>
    %mul3A_13 = arith.mulf %get3A_12, %mul3A : vector<5000x128xf32>
    %swap3A = arith.constant 0 : index
    %swap3A_14 = arith.constant 0 : index
    %swap3A_15 = vector.load %arg4[%swap3A, %swap3A_14] : memref<5000x128xf32, #tpu.memory_space<vmem>>, vector<5000x128xf32>
    tpu.vector_store %arg4[%swap3A, %swap3A_14], %mul3A_13 {strides = array<i32>} : memref<5000x128xf32, #tpu.memory_space<vmem>>, vector<5000x128xf32>,
    return
  }
  func.func @transform_0(%arg0: i32) -> (i32, i32) {
    %c0_i32 = arith.constant 0 : i32
    %c0_i32_0 = arith.constant 0 : i32
    return %arg0, %c0_i32 : i32, i32
  }
  func.func @transform_1(%arg0: i32) -> (i32, i32) {
    %c0_i32 = arith.constant 0 : i32
    %c0_i32_0 = arith.constant 0 : i32
    return %arg0, %c0_i32 : i32, i32
  }
  func.func @transform_2(%arg0: i32) -> (i32, i32) {
    %c0_i32 = arith.constant 0 : i32
    %c0_i32_0 = arith.constant 0 : i32
    return %arg0, %c0_i32 : i32, i32
  }
  func.func @transform_3(%arg0: i32) -> (i32, i32) {
    %c0_i32 = arith.constant 0 : i32
    %c0_i32_0 = arith.constant 0 : i32
    return %arg0, %c0_i32 : i32, i32
  }
}

module attributes {stable_mosaic.version = 14 : i64} {
  func.func @_layer_body(%arg0: i32, %arg1: memref<5000x128xf32, #tpu.memory_space<vmem>>, %arg2: memref<5000x128xf32, #tpu.memory_space<vmem>>, %arg3: memref<5000x128xf32, #tpu.memory_space<vmem>>, %arg4: memref<5000x16xf32, #tpu.memory_space<vmem>>, %arg5: memref<5000x16xf32, #tpu.memory_space<vmem>>, %arg6: memref<128x128xf32, #tpu.memory_space<vmem>>, %arg7: memref<128x128xf32, #tpu.memory_space<vmem>>, %arg8: memref<1x128xf32, #tpu.memory_space<vmem>>, %arg9: memref<5000x128xf32, #tpu.memory_space<vmem>>, %arg10: memref<5000x128xf32, #tpu.memory_space<vmem>>) attributes {dimension_semantics = [#tpu.dimension_semantics<arbitrary>], iteration_bounds = array<i64: 2>, scalar_prefetch = 0 : i64, scratch_operands = 0 : i64, tpu.core_type = #tpu.core_type<tc>, window_params = [{transform_indices = @transform_0, window_bounds = array<i64: 5000, 128>}, {transform_indices = @transform_1, window_bounds = array<i64: 5000, 128>}, {transform_indices = @transform_2, window_bounds = array<i64: 5000, 128>}, {transform_indices = @transform_3, window_bounds = array<i64: 5000, 16>}, {transform_indices = @transform_4, window_bounds = array<i64: 5000, 16>}, {pipeline_mode = #tpu.pipeline_mode<synchronous>, transform_indices = @transform_5, window_bounds = array<i64: 128, 128>}, {pipeline_mode = #tpu.pipeline_mode<synchronous>, transform_indices = @transform_6, window_bounds = array<i64: 128, 128>}, {pipeline_mode = #tpu.pipeline_mode<synchronous>, transform_indices = @transform_7, window_bounds = array<i64: 1, 128>}, {transform_indices = @transform_8, window_bounds = array<i64: 5000, 128>}, {transform_indices = @transform_9, window_bounds = array<i64: 5000, 128>}]} {
    %get3A = arith.constant 0 : index
    %get3A_0 = arith.constant 0 : index
    %get3A_1 = vector.load %arg4[%get3A, %get3A_0] : memref<5000x16xf32, #tpu.memory_space<vmem>>, vector<5000x16xf32>
    %get3A_2 = arith.constant 0 : index
    %get3A_3 = arith.constant 0 : index
    %get3A_4 = vector.load %arg5[%get3A_2, %get3A_3] : memref<5000x16xf32, #tpu.memory_space<vmem>>, vector<5000x16xf32>
    %slice3A = vector.extract_strided_slice %get3A_1 {offsets = [0, 0], sizes = [5000, 1], strides = [1, 1]} : vector<5000x16xf32> to vector<5000x1xf32>
    %slice3A_5 = vector.extract_strided_slice %get3A_4 {offsets = [0, 0], sizes = [5000, 1], strides = [1, 1]} : vector<5000x16xf32> to vector<5000x1xf32>
    %add3A = arith.addf %slice3A, %slice3A_5 : vector<5000x1xf32>
    %gt3A = arith.constant 0.000000e+00 : f32
    %gt3A_6 = vector.broadcast %gt3A : f32 to vector<5000x1xf32>
    %gt3A_7 = arith.cmpf ogt, %add3A, %gt3A_6 : vector<5000x1xf32>
    %max3A = arith.constant 1.000000e+00 : f32
    %max3A_8 = vector.broadcast %max3A : f32 to vector<5000x1xf32>
    %max3A_9 = arith.maximumf %add3A, %max3A_8 : vector<5000x1xf32>
    %rsqrt3A = math.rsqrt %max3A_9 : vector<5000x1xf32>
    %jit3A = arith.constant 0.000000e+00 : f32
    %broadcast_in_dim3A = vector.broadcast %jit3A : f32 to vector<5000x1xf32>
    %select_n3A = arith.select %gt3A_7, %rsqrt3A, %broadcast_in_dim3A : vector<5000x1xi1>, vector<5000x1xf32>
    %get3A_10 = arith.constant 0 : index
    %get3A_11 = arith.constant 0 : index
    %get3A_12 = vector.load %arg2[%get3A_10, %get3A_11] : memref<5000x128xf32, #tpu.memory_space<vmem>>, vector<5000x128xf32>
    %get3A_13 = arith.constant 0 : index
    %get3A_14 = arith.constant 0 : index
    %get3A_15 = vector.load %arg3[%get3A_13, %get3A_14] : memref<5000x128xf32, #tpu.memory_space<vmem>>, vector<5000x128xf32>
    %add3A_16 = arith.addf %get3A_12, %get3A_15 : vector<5000x128xf32>
    %mul3A = vector.broadcast %select_n3A : vector<5000x1xf32> to vector<5000x128xf32>
    %mul3A_17 = arith.mulf %add3A_16, %mul3A : vector<5000x128xf32>
    %get3A_18 = arith.constant 0 : index
    %get3A_19 = arith.constant 0 : index
    %get3A_20 = vector.load %arg1[%get3A_18, %get3A_19] : memref<5000x128xf32, #tpu.memory_space<vmem>>, vector<5000x128xf32>
    %get3A_21 = arith.constant 0 : index
    %get3A_22 = arith.constant 0 : index
    %get3A_23 = vector.load %arg6[%get3A_21, %get3A_22] : memref<128x128xf32, #tpu.memory_space<vmem>>, vector<128x128xf32>
    %dot_general3A = arith.constant dense<0.000000e+00> : vector<5000x128xf32>
    %dot_general3A_24 = tpu.matmul %get3A_20, %get3A_23, %dot_general3A {dimension_numbers = #tpu.dot_dimension_numbers<[1], [0], [0], [1], [0, 0, 1, 1], [], []>, transpose_lhs_hint = false} : vector<5000x128xf32>, vector<128x128xf32>, vector<5000x128xf32> -> vector<5000x128xf32>
    %get3A_25 = arith.constant 0 : index
    %get3A_26 = arith.constant 0 : index
    %get3A_27 = vector.load %arg7[%get3A_25, %get3A_26] : memref<128x128xf32, #tpu.memory_space<vmem>>, vector<128x128xf32>
    %dot_general3A_28 = arith.constant dense<0.000000e+00> : vector<5000x128xf32>
    %dot_general3A_29 = tpu.matmul %mul3A_17, %get3A_27, %dot_general3A_28 {dimension_numbers = #tpu.dot_dimension_numbers<[1], [0], [0], [1], [0, 0, 1, 1], [], []>, transpose_lhs_hint = false} : vector<5000x128xf32>, vector<128x128xf32>, vector<5000x128xf32> -> vector<5000x128xf32>
    %sub3A = arith.subf %dot_general3A_24, %dot_general3A_29 : vector<5000x128xf32>
    %get3A_30 = arith.constant 0 : index
    %get3A_31 = arith.constant 0 : index
    %get3A_32 = vector.load %arg8[%get3A_30, %get3A_31] : memref<1x128xf32, #tpu.memory_space<vmem>>, vector<1x128xf32>
    %add3A_33 = vector.broadcast %get3A_32 : vector<1x128xf32> to vector<5000x128xf32>
    %add3A_34 = arith.addf %sub3A, %add3A_33 : vector<5000x128xf32>
    %max3A_35 = arith.constant 0.000000e+00 : f32
    %max3A_36 = vector.broadcast %max3A_35 : f32 to vector<5000x128xf32>
    %max3A_37 = arith.maximumf %add3A_34, %max3A_36 : vector<5000x128xf32>
    %swap3A = arith.constant 0 : index
    %swap3A_38 = arith.constant 0 : index
    %swap3A_39 = vector.load %arg9[%swap3A, %swap3A_38] : memref<5000x128xf32, #tpu.memory_space<vmem>>, vector<5000x128xf32>
    tpu.vector_store %arg9[%swap3A, %swap3A_38], %max3A_37 {strides = array<i32>} : memref<5000x128xf32, #tpu.memory_space<vmem>>, vector<5000x128xf32>,
    %mul3A_40 = vector.broadcast %select_n3A : vector<5000x1xf32> to vector<5000x128xf32>
    %mul3A_41 = arith.mulf %max3A_37, %mul3A_40 : vector<5000x128xf32>
    %swap3A_42 = arith.constant 0 : index
    %swap3A_43 = arith.constant 0 : index
    %swap3A_44 = vector.load %arg10[%swap3A_42, %swap3A_43] : memref<5000x128xf32, #tpu.memory_space<vmem>>, vector<5000x128xf32>
    tpu.vector_store %arg10[%swap3A_42, %swap3A_43], %mul3A_41 {strides = array<i32>} : memref<5000x128xf32, #tpu.memory_space<vmem>>, vector<5000x128xf32>,
    return
  }
  func.func @transform_0(%arg0: i32) -> (i32, i32) {
    %c0_i32 = arith.constant 0 : i32
    %c0_i32_0 = arith.constant 0 : i32
    return %arg0, %c0_i32 : i32, i32
  }
  func.func @transform_1(%arg0: i32) -> (i32, i32) {
    %c0_i32 = arith.constant 0 : i32
    %c0_i32_0 = arith.constant 0 : i32
    return %arg0, %c0_i32 : i32, i32
  }
  func.func @transform_2(%arg0: i32) -> (i32, i32) {
    %c0_i32 = arith.constant 0 : i32
    %c0_i32_0 = arith.constant 0 : i32
    return %arg0, %c0_i32 : i32, i32
  }
  func.func @transform_3(%arg0: i32) -> (i32, i32) {
    %c0_i32 = arith.constant 0 : i32
    %c0_i32_0 = arith.constant 0 : i32
    return %arg0, %c0_i32 : i32, i32
  }
  func.func @transform_4(%arg0: i32) -> (i32, i32) {
    %c0_i32 = arith.constant 0 : i32
    %c0_i32_0 = arith.constant 0 : i32
    return %arg0, %c0_i32 : i32, i32
  }
  func.func @transform_5(%arg0: i32) -> (i32, i32) {
    %c0_i32 = arith.constant 0 : i32
    %c0_i32_0 = arith.constant 0 : i32
    %c0_i32_1 = arith.constant 0 : i32
    return %c0_i32, %c0_i32_0 : i32, i32
  }
  func.func @transform_6(%arg0: i32) -> (i32, i32) {
    %c0_i32 = arith.constant 0 : i32
    %c0_i32_0 = arith.constant 0 : i32
    %c0_i32_1 = arith.constant 0 : i32
    return %c0_i32, %c0_i32_0 : i32, i32
  }
  func.func @transform_7(%arg0: i32) -> (i32, i32) {
    %c0_i32 = arith.constant 0 : i32
    %c0_i32_0 = arith.constant 0 : i32
    %c0_i32_1 = arith.constant 0 : i32
    return %c0_i32, %c0_i32_0 : i32, i32
  }
  func.func @transform_8(%arg0: i32) -> (i32, i32) {
    %c0_i32 = arith.constant 0 : i32
    %c0_i32_0 = arith.constant 0 : i32
    return %arg0, %c0_i32 : i32, i32
  }
  func.func @transform_9(%arg0: i32) -> (i32, i32) {
    %c0_i32 = arith.constant 0 : i32
    %c0_i32_0 = arith.constant 0 : i32
    return %arg0, %c0_i32 : i32, i32
  }
}

module attributes {stable_mosaic.version = 14 : i64} {
  func.func @_final_body(%arg0: i32, %arg1: memref<5000x128xf32, #tpu.memory_space<vmem>>, %arg2: memref<5000x128xf32, #tpu.memory_space<vmem>>, %arg3: memref<5000x128xf32, #tpu.memory_space<vmem>>, %arg4: memref<5000x16xf32, #tpu.memory_space<vmem>>, %arg5: memref<5000x16xf32, #tpu.memory_space<vmem>>, %arg6: memref<128x128xf32, #tpu.memory_space<vmem>>, %arg7: memref<128x128xf32, #tpu.memory_space<vmem>>, %arg8: memref<1x128xf32, #tpu.memory_space<vmem>>, %arg9: memref<5000x128xf32, #tpu.memory_space<vmem>>) attributes {dimension_semantics = [#tpu.dimension_semantics<arbitrary>], iteration_bounds = array<i64: 2>, scalar_prefetch = 0 : i64, scratch_operands = 0 : i64, tpu.core_type = #tpu.core_type<tc>, window_params = [{transform_indices = @transform_0, window_bounds = array<i64: 5000, 128>}, {transform_indices = @transform_1, window_bounds = array<i64: 5000, 128>}, {transform_indices = @transform_2, window_bounds = array<i64: 5000, 128>}, {transform_indices = @transform_3, window_bounds = array<i64: 5000, 16>}, {transform_indices = @transform_4, window_bounds = array<i64: 5000, 16>}, {pipeline_mode = #tpu.pipeline_mode<synchronous>, transform_indices = @transform_5, window_bounds = array<i64: 128, 128>}, {pipeline_mode = #tpu.pipeline_mode<synchronous>, transform_indices = @transform_6, window_bounds = array<i64: 128, 128>}, {pipeline_mode = #tpu.pipeline_mode<synchronous>, transform_indices = @transform_7, window_bounds = array<i64: 1, 128>}, {transform_indices = @transform_8, window_bounds = array<i64: 5000, 128>}]} {
    %get3A = arith.constant 0 : index
    %get3A_0 = arith.constant 0 : index
    %get3A_1 = vector.load %arg4[%get3A, %get3A_0] : memref<5000x16xf32, #tpu.memory_space<vmem>>, vector<5000x16xf32>
    %get3A_2 = arith.constant 0 : index
    %get3A_3 = arith.constant 0 : index
    %get3A_4 = vector.load %arg5[%get3A_2, %get3A_3] : memref<5000x16xf32, #tpu.memory_space<vmem>>, vector<5000x16xf32>
    %slice3A = vector.extract_strided_slice %get3A_1 {offsets = [0, 0], sizes = [5000, 1], strides = [1, 1]} : vector<5000x16xf32> to vector<5000x1xf32>
    %slice3A_5 = vector.extract_strided_slice %get3A_4 {offsets = [0, 0], sizes = [5000, 1], strides = [1, 1]} : vector<5000x16xf32> to vector<5000x1xf32>
    %add3A = arith.addf %slice3A, %slice3A_5 : vector<5000x1xf32>
    %gt3A = arith.constant 0.000000e+00 : f32
    %gt3A_6 = vector.broadcast %gt3A : f32 to vector<5000x1xf32>
    %gt3A_7 = arith.cmpf ogt, %add3A, %gt3A_6 : vector<5000x1xf32>
    %max3A = arith.constant 1.000000e+00 : f32
    %max3A_8 = vector.broadcast %max3A : f32 to vector<5000x1xf32>
    %max3A_9 = arith.maximumf %add3A, %max3A_8 : vector<5000x1xf32>
    %rsqrt3A = math.rsqrt %max3A_9 : vector<5000x1xf32>
    %jit3A = arith.constant 0.000000e+00 : f32
    %broadcast_in_dim3A = vector.broadcast %jit3A : f32 to vector<5000x1xf32>
    %select_n3A = arith.select %gt3A_7, %rsqrt3A, %broadcast_in_dim3A : vector<5000x1xi1>, vector<5000x1xf32>
    %get3A_10 = arith.constant 0 : index
    %get3A_11 = arith.constant 0 : index
    %get3A_12 = vector.load %arg2[%get3A_10, %get3A_11] : memref<5000x128xf32, #tpu.memory_space<vmem>>, vector<5000x128xf32>
    %get3A_13 = arith.constant 0 : index
    %get3A_14 = arith.constant 0 : index
    %get3A_15 = vector.load %arg3[%get3A_13, %get3A_14] : memref<5000x128xf32, #tpu.memory_space<vmem>>, vector<5000x128xf32>
    %add3A_16 = arith.addf %get3A_12, %get3A_15 : vector<5000x128xf32>
    %mul3A = vector.broadcast %select_n3A : vector<5000x1xf32> to vector<5000x128xf32>
    %mul3A_17 = arith.mulf %add3A_16, %mul3A : vector<5000x128xf32>
    %get3A_18 = arith.constant 0 : index
    %get3A_19 = arith.constant 0 : index
    %get3A_20 = vector.load %arg1[%get3A_18, %get3A_19] : memref<5000x128xf32, #tpu.memory_space<vmem>>, vector<5000x128xf32>
    %get3A_21 = arith.constant 0 : index
    %get3A_22 = arith.constant 0 : index
    %get3A_23 = vector.load %arg6[%get3A_21, %get3A_22] : memref<128x128xf32, #tpu.memory_space<vmem>>, vector<128x128xf32>
    %dot_general3A = arith.constant dense<0.000000e+00> : vector<5000x128xf32>
    %dot_general3A_24 = tpu.matmul %get3A_20, %get3A_23, %dot_general3A {dimension_numbers = #tpu.dot_dimension_numbers<[1], [0], [0], [1], [0, 0, 1, 1], [], []>, transpose_lhs_hint = false} : vector<5000x128xf32>, vector<128x128xf32>, vector<5000x128xf32> -> vector<5000x128xf32>
    %get3A_25 = arith.constant 0 : index
    %get3A_26 = arith.constant 0 : index
    %get3A_27 = vector.load %arg7[%get3A_25, %get3A_26] : memref<128x128xf32, #tpu.memory_space<vmem>>, vector<128x128xf32>
    %dot_general3A_28 = arith.constant dense<0.000000e+00> : vector<5000x128xf32>
    %dot_general3A_29 = tpu.matmul %mul3A_17, %get3A_27, %dot_general3A_28 {dimension_numbers = #tpu.dot_dimension_numbers<[1], [0], [0], [1], [0, 0, 1, 1], [], []>, transpose_lhs_hint = false} : vector<5000x128xf32>, vector<128x128xf32>, vector<5000x128xf32> -> vector<5000x128xf32>
    %sub3A = arith.subf %dot_general3A_24, %dot_general3A_29 : vector<5000x128xf32>
    %get3A_30 = arith.constant 0 : index
    %get3A_31 = arith.constant 0 : index
    %get3A_32 = vector.load %arg8[%get3A_30, %get3A_31] : memref<1x128xf32, #tpu.memory_space<vmem>>, vector<1x128xf32>
    %add3A_33 = vector.broadcast %get3A_32 : vector<1x128xf32> to vector<5000x128xf32>
    %add3A_34 = arith.addf %sub3A, %add3A_33 : vector<5000x128xf32>
    %swap3A = arith.constant 0 : index
    %swap3A_35 = arith.constant 0 : index
    %swap3A_36 = vector.load %arg9[%swap3A, %swap3A_35] : memref<5000x128xf32, #tpu.memory_space<vmem>>, vector<5000x128xf32>
    tpu.vector_store %arg9[%swap3A, %swap3A_35], %add3A_34 {strides = array<i32>} : memref<5000x128xf32, #tpu.memory_space<vmem>>, vector<5000x128xf32>,
    return
  }
  func.func @transform_0(%arg0: i32) -> (i32, i32) {
    %c0_i32 = arith.constant 0 : i32
    %c0_i32_0 = arith.constant 0 : i32
    return %arg0, %c0_i32 : i32, i32
  }
  func.func @transform_1(%arg0: i32) -> (i32, i32) {
    %c0_i32 = arith.constant 0 : i32
    %c0_i32_0 = arith.constant 0 : i32
    return %arg0, %c0_i32 : i32, i32
  }
  func.func @transform_2(%arg0: i32) -> (i32, i32) {
    %c0_i32 = arith.constant 0 : i32
    %c0_i32_0 = arith.constant 0 : i32
    return %arg0, %c0_i32 : i32, i32
  }
  func.func @transform_3(%arg0: i32) -> (i32, i32) {
    %c0_i32 = arith.constant 0 : i32
    %c0_i32_0 = arith.constant 0 : i32
    return %arg0, %c0_i32 : i32, i32
  }
  func.func @transform_4(%arg0: i32) -> (i32, i32) {
    %c0_i32 = arith.constant 0 : i32
    %c0_i32_0 = arith.constant 0 : i32
    return %arg0, %c0_i32 : i32, i32
  }
  func.func @transform_5(%arg0: i32) -> (i32, i32) {
    %c0_i32 = arith.constant 0 : i32
    %c0_i32_0 = arith.constant 0 : i32
    %c0_i32_1 = arith.constant 0 : i32
    return %c0_i32, %c0_i32_0 : i32, i32
  }
  func.func @transform_6(%arg0: i32) -> (i32, i32) {
    %c0_i32 = arith.constant 0 : i32
    %c0_i32_0 = arith.constant 0 : i32
    %c0_i32_1 = arith.constant 0 : i32
    return %c0_i32, %c0_i32_0 : i32, i32
  }
  func.func @transform_7(%arg0: i32) -> (i32, i32) {
    %c0_i32 = arith.constant 0 : i32
    %c0_i32_0 = arith.constant 0 : i32
    %c0_i32_1 = arith.constant 0 : i32
    return %c0_i32, %c0_i32_0 : i32, i32
  }
  func.func @transform_8(%arg0: i32) -> (i32, i32) {
    %c0_i32 = arith.constant 0 : i32
    %c0_i32_0 = arith.constant 0 : i32
    return %arg0, %c0_i32 : i32, i32
  }
}

</mosaic_0001>

<sc_bundles>
// kernel: kernel.10.cloned.1.call-start
scs
__scs_entry_jumppad:
0x0: {  	(pc) =	sbr.rel $0x88, $3  }
0x1: {  	(tag) =	ssettag $0x0;
	lr =	simm.s32 $0x1  }
0x2: {  	[smem:$0x3F9B] =	sst lr;
	_ =	strace $0xD0000000  }
0x3: {  	_ = 	snop  }
0x4: {  	_ = 	snop  }
0x5: {  	_ = 	snop  }
0x6: {  	_ = 	snop  }
0x7: {  	_ = 	snop  }
__scs_overlays_trampoline_lowered:
0x8: {  	[smem:$0x3FAA] =	sst s0  }
0x9: {  	[smem:$0x3FAB] =	sst s1  }
0xa: {  	[smem:$0x3FAC] =	sst s2  }
0xb: {  	[smem:$0x3FAD] =	sst s3  }
0xc: {  	[smem:$0x3FAE] =	sst s4  }
0xd: {  	[smem:$0x3FAF] =	sst s5  }
0xe: {  	[smem:$0x3FB0] =	sst s6  }
0xf: {  	[smem:$0x3FB1] =	sst s7  }
0x10: {  	[smem:$0x3FB2] =	sst s8  }
0x11: {  	[smem:$0x3FB3] =	sst s9;
	s0 =	simm.s32 @!p0 $0x0  }
0x12: {  	s1 =	sld [smem:$0x3F99];
	s0 =	simm.s32 @p0 $0x1  }
0x13: {  	[smem:$0x3FB4] =	sst s0;
	s0 =	simm.s32 @!p1 $0x0  }
0x14: {  	s2 =	sld [smem:$0x3F98];
	s0 =	simm.s32 @p1 $0x1  }
0x15: {  	[smem:$0x3FB5] =	sst s0;
	s0 =	simm.s32 @!p2 $0x0  }
0x16: {  	s3 =	sld [smem:$0x3FDB];
	s0 =	simm.s32 @p2 $0x1  }
0x17: {  	s4 =	simm.s32 $0x1BF5;
	[smem:$0x3FB7] =	sst s0  }
0x18: {  	s0 =	sld [smem:$0x3F9A];
	_ =	swait.ge [sflag:s4], $0x0  }
0x19: {  	s7 =	sld [smem:$0x3F9B]  }
0x1a: {  	s8 =	sadd.s32 $0xFFFFE003, lr  }
0x1b: {  	s9 =	sadd.s32 $0xFFFFFEF7, lr;
	s5 =	simm.s32 $0xFFFFFFFF;
	p2 =	slt.u32 s8, $0xFFFFF086  }
0x1c: {  	p1 =	slt.u32 s9, $0xF7A;
	s5 =	simm.s32 @!p2 $0x0  }
0x1d: {  	s5 =	simm.s32 @p1 $0x1;
	p0 =	seq.s32 s7, s2  }
0x1e: {  	s7 =	smul.u32 @!p0 $0xF7A, s2;
	p2 =	seq.s32 @!p0 s5, $0x0  }
0x1f: {  	s9 =	smul.u32 $0xF7A, s1;
	s8 =	simm.s32 @!p0 $0x1BF5;
	p2 =	por !p2, p0  }
0x20: {  	[sflag:s8] =	ssyncset.s32 @!p0 $0xFFFFF086;
	s6 =	sadd.s32 @!p0 s3, s7;
	s7 =	simm.s32 @!p0 $0x108  }
0x21: {  	s3 =	sadd.s32 s3, s9;
	s6 =	sadd.s32 @!p0 $0x88, s6;
	s7 =	simm.s32 @p2 $0x1082  }
0x22: {  	[simem:s7], [sflag:s8] =	dma.local @!p0 [hbm:s6], $0xF7A  }
0x23: {  	s9 =	sor.u32 $0xD0000000, s2;
	s6 =	simm.s32 $0x108;
	_ =	swait.ge @!p0 [sflag:s8], $0x0  }
0x24: {  	s3 =	sadd.s32 $0x88, s3;
	s6 =	simm.s32 @!p1 $0x1082;
	[sflag:s4] =	ssyncset.s32 $0xFFFFF086  }
0x25: {  	[simem:s6], [sflag:s4] =	dma.local [hbm:s3], $0xF7A  }
0x26: {  	[smem:$0x3F9B] =	sst s1;
	(tag) =	ssettag s2;
	_ =	strace s9  }
0x27: {  	s1 =	sld [smem:$0x3FAB]  }
0x28: {  	s2 =	sld [smem:$0x3FAC]  }
0x29: {  	s4 =	sld [smem:$0x3FAE]  }
0x2a: {  	p0 =	seq.s32 s5, $0x0;
	s5 =	sld [smem:$0x3FAF]  }
0x2b: {  	s6 =	sld [smem:$0x3FB0]  }
0x2c: {  	s7 =	sld [smem:$0x3FB1]  }
0x2d: {  	s3 =	simm.s32 $0x108;
	s8 =	sld [smem:$0x3FB2]  }
0x2e: {  	s3 =	simm.s32 @!p0 $0x1082;
	s9 =	sld [smem:$0x3FB3]  }
0x2f: {  	lr =	sadd.s32 s0, s3;
	s0 =	sld [smem:$0x3FAA]  }
0x30: {  	s3 =	sld [smem:$0x3FAD]  }
0x31: {  	[smem:$0x3FB6] =	sst s10  }
0x32: {  	s10 =	sld [smem:$0x3FB4];
	_ =	sdelay $0x3  }
0x33: {  	p0 =	seq.s32 s10, $0x1;
	s10 =	sld [smem:$0x3FB6];
	_ =	sdelay $0x3  }
0x34: {  	[smem:$0x3FB6] =	sst s10  }
0x35: {  	s10 =	sld [smem:$0x3FB5];
	_ =	sdelay $0x3  }
0x36: {  	p1 =	seq.s32 s10, $0x1;
	s10 =	sld [smem:$0x3FB6];
	_ =	sdelay $0x3  }
0x37: {  	[smem:$0x3FB6] =	sst s10  }
0x38: {  	s10 =	sld [smem:$0x3FB7]  }
0x39: {  	_ = 	snop;
	(pc) =	sbr.ind lr, $3  }
0x3a: {  	_ = 	snop  }
0x3b: {  	_ = 	snop  }
0x3c: {  	p2 =	seq.s32 s10, $0x1;
	s10 =	sld [smem:$0x3FB6]  }
0x3d: {  	_ =	shalt  }
0x3e: {  	_ =	shalt  }
0x3f: {  	_ =	shalt  }
0x40: {  	_ =	shalt  }
0x41: {  	_ =	shalt  }
0x42: {  	_ =	shalt  }
0x43: {  	_ =	shalt  }
0x44: {  	_ =	shalt  }
0x45: {  	_ =	shalt  }
0x46: {  	_ =	shalt  }
0x47: {  	_ =	shalt  }
0x48: {  	_ =	shalt  }
0x49: {  	_ =	shalt  }
0x4a: {  	_ =	shalt  }
0x4b: {  	_ =	shalt  }
0x4c: {  	_ =	shalt  }
0x4d: {  	_ =	shalt  }
0x4e: {  	_ =	shalt  }
0x4f: {  	_ =	shalt  }
0x50: {  	_ =	shalt  }
0x51: {  	_ =	shalt  }
0x52: {  	_ =	shalt  }
0x53: {  	_ =	shalt  }
0x54: {  	_ =	shalt  }
0x55: {  	_ =	shalt  }
0x56: {  	_ =	shalt  }
0x57: {  	_ =	shalt  }
0x58: {  	_ =	shalt  }
0x59: {  	_ =	shalt  }
0x5a: {  	_ =	shalt  }
0x5b: {  	_ =	shalt  }
0x5c: {  	_ =	shalt  }
0x5d: {  	_ =	shalt  }
0x5e: {  	_ =	shalt  }
0x5f: {  	_ =	shalt  }
0x60: {  	_ =	shalt  }
0x61: {  	_ =	shalt  }
0x62: {  	_ =	shalt  }
0x63: {  	_ =	shalt  }
0x64: {  	_ =	shalt  }
0x65: {  	_ =	shalt  }
0x66: {  	_ =	shalt  }
0x67: {  	_ =	shalt  }
0x68: {  	_ =	shalt  }
0x69: {  	_ =	shalt  }
0x6a: {  	_ =	shalt  }
0x6b: {  	_ =	shalt  }
0x6c: {  	_ =	shalt  }
0x6d: {  	_ =	shalt  }
0x6e: {  	_ =	shalt  }
0x6f: {  	_ =	shalt  }
0x70: {  	_ =	shalt  }
0x71: {  	_ =	shalt  }
0x72: {  	_ =	shalt  }
0x73: {  	_ =	shalt  }
0x74: {  	_ =	shalt  }
0x75: {  	_ =	shalt  }
0x76: {  	_ =	shalt  }
0x77: {  	_ =	shalt  }
0x78: {  	_ =	shalt  }
0x79: {  	_ =	shalt  }
0x7a: {  	_ =	shalt  }
0x7b: {  	_ =	shalt  }
0x7c: {  	_ =	shalt  }
0x7d: {  	_ =	shalt  }
0x7e: {  	_ =	shalt  }
0x7f: {  	_ =	shalt  }
0x80: {  	_ =	shalt  }
0x81: {  	_ =	shalt  }
0x82: {  	_ =	shalt  }
0x83: {  	_ =	shalt  }
0x84: {  	_ =	shalt  }
0x85: {  	_ =	shalt  }
0x86: {  	_ =	shalt  }
0x87: {  	_ =	shalt  }
.Lfunc_end0:
.L_simem_size_0:
called_computation_lowered:
.L_overlay_start_0:
0x88: {  	s2 =	sld [smem:$0x3FD9]  }
0x89: {  	s3 =	sld [smem:$0x3FFE];
	_ =	sdelay $0x1  }
0x8a: {  	s1 =	srdreg.scid  }
0x8b: {  	s0 =	sand.u32 $0x1, s1  }
0x8c: {  	s17 =	sshll.u32 s0, $0xA;
	s2 =	sadd.s32 s3, s2  }
0x8d: {  	s2 =	sadd.s32 s2, s17  }
0x8e: {  	[smem:$0x3FC2] =	sst s2  }
0x8f: {  	_ = 	snop  }
0x90: {  	s2 =	sld [smem:$0x3FD0];
	(tm) =	ssettm $0x1  }
0x91: {  	s18 =	sld [smem:$0x3FFB];
	_ =	sdelay $0x3  }
0x92: {  	_ =	strace s18  }
0x93: {  	s3 =	sld [smem:$0x3FFC];
	_ =	sdelay $0x3  }
0x94: {  	_ =	strace s3  }
0x95: {  	s3 =	sld [smem:$0x3FFD];
	_ =	sdelay $0x3  }
0x96: {  	_ =	strace s3  }
0x97: {  	_ =	strace $0x8FFFFFFF  }
0x98: {  	s19 =	sld [smem:$0x3FDB];
	_ =	sdelay $0x1  }
0x99: {  	s4 =	simm.s32 $_scs_section_size  }
0x9a: {  	s5 =	simm.s32 $_size__tile_overlayer_lowered;
	s6 =	simm.s32 $_tile_overlayer_lowered  }
0x9b: {  	s22 =	simm.s32 $0x1BFF;
	s21 =	sshll.u32 s6, $0x1;
	s3 =	sadd.s32 s4, s19  }
0x9c: {  	s7 =	simm.s32 $0x0;
	s20 =	sshll.u32 s5, $0x1;
	s5 =	sadd.s32 s21, s3  }
0x9d: {  	[timem:s7], [sflag:s22] =	dma.local [hbm:s5], s20  }
0x9e: {  	_ =	swait.ge [sflag:s22], s20  }
0x9f: {  	s4 =	ssub.s32 $0x0, s20;
	[sflag:s22] =	ssyncset.done $0x0  }
0xa0: {  	[sflag:s22] =	ssyncadd.s32 s4;
	_ =	sdelay $0x1  }
0xa1: {  	s23 =	simm.s32 $0x1B8B  }
0xa2: {  	_ =	swait.ge [sflag:s23], $0x1  }
0xa3: {  	[sflag:s23] =	ssyncset.done $0x0  }
0xa4: {  	s25 =	simm.s32 $0x1B8E;
	s24 =	sld [smem:$0x3FFE];
	[sflag:s23] =	ssyncadd.s32 $0xFFFFFFFF  }
0xa5: {  	s26 =	simm.s32 $execute0_lowered;
	[smem:$0x3FD2] =	sst s25  }
0xa6: {  	s5 =	sshll.u32 s26, $0x1;
	_ =	strace $0x80000046;
	[dreg:$0x1] =	wrdreg $0xFFFFFFFF  }
0xa7: {  	s28 =	simm.s32 $_size_execute0_lowered;
	s3 =	sadd.s32 s3, s5;
	[dreg:$0x0] =	wrdreg $0x0  }
0xa8: {  	s5 =	sshll.u32 s28, $0x1;
	[dreg:$0x2] =	wrdreg s3  }
0xa9: {  	[dreg:$0x3] =	wrdreg s5  }
0xaa: {  	[dreg:$0x4] =	wrdreg $0xC0  }
0xab: {  	_ =	task [dreg:s7], $0x5FFFF  }
0xac: {  	[dreg:$0x1] =	wrdreg $0xFFFFFFFF  }
0xad: {  	[dreg:$0x0] =	wrdreg $0x60  }
0xae: {  	[dreg:$0x2] =	wrdreg s24  }
0xaf: {  	[dreg:$0x3] =	wrdreg s2  }
0xb0: {  	[dreg:$0x4] =	wrdreg $0x36900  }
0xb1: {  	[dreg:$0x5] =	wrdreg $0x9  }
0xb2: {  	_ =	task.clear_ibuf [dreg:s7], $0x6FFFF;
	_ =	strace $0x90000046  }
0xb3: {  	s29 =	simm.s32 $0x9;
	_ =	strace $0x80000048  }
0xb4: {  	_ =	swait.ge [sflag:s29], $0x1  }
0xb5: {  	[sflag:s29] =	ssyncadd.s32 $0xFFFFFFFF  }
0xb6: {  	_ =	strace $0x90000048  }
0xb7: {  	_ =	sfence  }
0xb8: {  	s30 =	sld [smem:$0x0];
	_ =	sdelay $0x2  }
0xb9: {  	s31 =	sshll.u32 s1, $0xD;
	s1 =	sshrl.u32 s1, $0x2  }
0xba: {  	s3 =	sand.u32 $0x4000, s31;
	s1 =	sadd.s32 s1, s30  }
0xbb: {  	s0 =	sor.u32 s3, s0;
	s1 =	sshll.u32 s1, $0x11  }
0xbc: {  	s0 =	sor.u32 s1, s0  }
0xbd: {  	s0 =	sadd.s32 $0x8F2B, s0  }
0xbe: {  	[sflag:s0] =	ssyncadd.remote.s32 $0x1  }
0xbf: {  	_ =	sfence.sel $0xFFFF  }
0xc0: {  	[dreg:$0x0] =	wrdreg $0xFFFFFFFF;
	(pc) =	sbr.abs _section_cstart, $3  }
0xc1: {  	[dreg:$0x1] =	wrdreg $0xFFFFFFFF  }
0xc2: {  	_ =	task.clear_ibuf [dreg:s7], $0x2FFFF;
	_ =	strace $0x9FFFFFFF  }
0xc3: {  	(tm) =	ssettm $0x7FFFFFFF  }
tec
execute0_lowered:
.L_overlay_start_1:
0x0: {  	(tag) =	ssettag $0x1  }
0x1: {  	s4 =	rddreg [dreg:$0x0]  }
0x2: {  	s10 =	rddreg [dreg:$0x1]  }
0x3: {  	s2 =	rddreg [dreg:$0x2]  }
0x4: {  	s0 =	srdreg.scid;
	s1 =	rddreg [dreg:$0x3]  }
0x5: {  	s3 =	simm.s32 $0x0;
	s13 =	simm.s32 $0x1;
	s5 =	sand.u32 $0x1, s0  }
0x6: {  	s14 =	simm.s32 $0x28;
	s0 =	stileid.u32;
	s8 =	smul.u32 $0x27100, s5  }
0x7: {  	s15 =	simm.s32 $0x2710;
	s18 =	simm.s32 $0x2;
	s6 =	smul.u32 $0x2710, s0  }
0x8: {  	s19 =	simm.s32 $0x0;
	[smem:$0x7FF] =	sst s3;
	s7 =	smul.u32 $0x9C00, s0  }
0x9: {  	_ =	strace $0x80000047;
	s5 =	ssub.s32 $0x2, s5;
	s9 =	smul.u32 $0x2700, s0  }
0xa: {  	p0 =	sne.s32 s0, $0xF;
	s16 =	sshll.u32 s0, $0x6;
	s31 =	sshrl.u32 s5, $0x1  }
0xb: {  	s16 =	sor.u32 $0x1C02, s16;
	s6 =	sadd.s32 s6, s8;
	s7 =	sshrl.u32 s7, $0x2  }
0xc: {  	s11 =	ssub.s32 s5, s31;
	s5 =	sadd.s32 s9, s2;
	s9 =	sadd.s32 s9, s8  }
0xd: {  	s12 =	sshrl.u32 s8, $0x3;
	s8 =	sadd.s32 $0x27000, s2;
	s6 =	sshrl.u32 s6, $0x3  }
0xe: {  	s7 =	sadd.s32 s7, s2;
	s9 =	sshrl.u32 s9, $0x3;
	s11 =	smax.u32 s11, $0x1  }
0xf: {  	s17 =	sshrl.u32 s5, $0x3;
	s4 =	sadd.s32 s6, s4;
	s6 =	sadd.s32 $0xD00, s7  }
0x10: {  	s7 =	sadd.s32 $0x1A00, s7;
	s9 =	sadd.s32 s10, s9;
	s10 =	sadd.s32 s10, s12  }
0x11: {  	v0 =	vimm.f32 $1.000000000e+00;
	v1 =	vimm.f32 $0.0e+00;
	s12 =	simm.s32 $0x2990;
	s4 =	sadd.s32 $0xD800, s4;
	s10 =	sadd.s32 $0x4E00, s10  }
.LBB2_1:
0x12: {  	[tilespmem:s3], [sflag:$0x1] =	stream.linear.gather [hbm4b:s4+s3], $0x2710, $0x38;
	[tilespmem:$0x5DA0] =	vst v63  }
0x13: {  	[tilespmem:$0x2710] =	vst v0  }
0x14: {  	[tilespmem:$0x2720] =	vst v0  }
0x15: {  	[tilespmem:$0x2730] =	vst v0  }
0x16: {  	[tilespmem:$0x2740] =	vst v0  }
0x17: {  	[tilespmem:$0x2750] =	vst v0  }
0x18: {  	[tilespmem:$0x2760] =	vst v0  }
0x19: {  	[tilespmem:$0x2770] =	vst v0  }
0x1a: {  	[tilespmem:$0x2780] =	vst v0  }
0x1b: {  	[tilespmem:$0x2790] =	vst v0  }
0x1c: {  	[tilespmem:$0x27A0] =	vst v0  }
0x1d: {  	[tilespmem:$0x27B0] =	vst v0  }
0x1e: {  	[tilespmem:$0x27C0] =	vst v0  }
0x1f: {  	[tilespmem:$0x27D0] =	vst v0  }
0x20: {  	[tilespmem:$0x27E0] =	vst v0  }
0x21: {  	[tilespmem:$0x27F0] =	vst v0  }
0x22: {  	[tilespmem:$0x2800] =	vst v0  }
0x23: {  	[tilespmem:$0x2810] =	vst v0  }
0x24: {  	[tilespmem:$0x2820] =	vst v0  }
0x25: {  	[tilespmem:$0x2830] =	vst v0  }
0x26: {  	[tilespmem:$0x2840] =	vst v0  }
0x27: {  	[tilespmem:$0x2850] =	vst v0  }
0x28: {  	[tilespmem:$0x2860] =	vst v0  }
0x29: {  	[tilespmem:$0x2870] =	vst v0  }
0x2a: {  	[tilespmem:$0x2880] =	vst v0  }
0x2b: {  	[tilespmem:$0x2890] =	vst v0  }
0x2c: {  	[tilespmem:$0x28A0] =	vst v0  }
0x2d: {  	[tilespmem:$0x28B0] =	vst v0  }
0x2e: {  	[tilespmem:$0x28C0] =	vst v0  }
0x2f: {  	[tilespmem:$0x28D0] =	vst v0  }
0x30: {  	[tilespmem:$0x28E0] =	vst v0  }
0x31: {  	[tilespmem:$0x28F0] =	vst v0  }
0x32: {  	[tilespmem:$0x2900] =	vst v0  }
0x33: {  	[tilespmem:$0x2910] =	vst v0  }
0x34: {  	[tilespmem:$0x2920] =	vst v0  }
0x35: {  	[tilespmem:$0x2930] =	vst v0  }
0x36: {  	[tilespmem:$0x2940] =	vst v0  }
0x37: {  	[tilespmem:$0x2950] =	vst v0  }
0x38: {  	[tilespmem:$0x2960] =	vst v0  }
0x39: {  	[tilespmem:$0x2970] =	vst v0  }
0x3a: {  	s20 =	simm.s32 $0x40;
	s21 =	simm.s32 $0x0;
	[tilespmem:$0x2980] =	vst v0  }
.LBB2_2:
0x3b: {  	p1 =	sne.s32 s20, $0x33C0;
	[tilespmem:s21+$0x2990] =	vst v1;
	s21 =	smov.u32 s20;
	s20 =	sadd.s32 $0x40, s20  }
.Ltmp0:
0x3c: {  	(pc) =	sbr.rel @p1 .LBB2_2-.Ltmp0, $2  }
0x3d: {  	_ =	sdelay $0x2  }
0x3e: {  	s21 =	sshra.s32 s21, $0x2  }
0x3f: {  	[tilespmem:s21+$0x2990] =	vst v1  }
0x40: {  	[spmem:s5] =	stream.linear.scatter [tilespmem:s12], [sflag:$0x2], $0xD00, $0x38;
	[tilespmem:$0x5DA0] =	vst v63  }
0x41: {  	_ = 	snop  }
0x42: {  	[spmem:s6] =	stream.linear.scatter [tilespmem:s12], [sflag:$0x2], $0xD00, $0x38;
	[tilespmem:$0x5DA0] =	vst v63  }
0x43: {  	s20 =	simm.s32 @p0 $0x2  }
0x44: {  	[spmem:s7] =	stream.linear.scatter [tilespmem:s12], [sflag:$0x2], $0xD00, $0x38;
	[tilespmem:$0x5DA0] =	vst v63  }
0x45: {  	_ =	swait.ge @p0 [sflag:s20], $0xD00  }
0x46: {  	[sflag:s20] =	ssyncset.done @p0 $0x0  }
0x47: {  	[sflag:s20] =	ssyncadd.s32 @p0 $0xFFFFF300  }
0x48: {  	_ =	swait.ge @p0 [sflag:s20], $0xD00  }
0x49: {  	[sflag:s20] =	ssyncset.done @p0 $0x0  }
0x4a: {  	[sflag:s20] =	ssyncadd.s32 @p0 $0xFFFFF300  }
0x4b: {  	_ =	swait.ge @p0 [sflag:s20], $0xD00  }
0x4c: {  	[sflag:s20] =	ssyncset.done @p0 $0x0  }
0x4d: {  	[sflag:s20] =	ssyncadd.s32 @p0 $0xFFFFF300;
	s20 =	simm.s32 @!p0 $0x2990  }
0x4e: {  	[spmem:s8] =	stream.linear.scatter @!p0 [tilespmem:s20], [sflag:$0x2], $0x100, $0x38;
	[tilespmem:$0x5DA0] =	vst v63  }
0x4f: {  	s20 =	simm.s32 @!p0 $0x2  }
0x50: {  	_ =	swait.ge @!p0 [sflag:s20], $0xD00  }
0x51: {  	[sflag:s20] =	ssyncset.done @!p0 $0x0  }
0x52: {  	[sflag:s20] =	ssyncadd.s32 @!p0 $0xFFFFF300  }
0x53: {  	_ =	swait.ge @!p0 [sflag:s20], $0xD00  }
0x54: {  	[sflag:s20] =	ssyncset.done @!p0 $0x0  }
0x55: {  	[sflag:s20] =	ssyncadd.s32 @!p0 $0xFFFFF300  }
0x56: {  	_ =	swait.ge @!p0 [sflag:s20], $0xD00  }
0x57: {  	[sflag:s20] =	ssyncset.done @!p0 $0x0  }
0x58: {  	[sflag:s20] =	ssyncadd.s32 @!p0 $0xFFFFF300  }
0x59: {  	_ =	swait.ge @!p0 [sflag:s20], $0x100  }
0x5a: {  	[sflag:s20] =	ssyncset.done @!p0 $0x0  }
0x5b: {  	[sflag:s20] =	ssyncadd.s32 @!p0 $0xFFFFFF00  }
0x5c: {  	_ =	swait.ge [sflag:s13], $0x2710  }
0x5d: {  	[sflag:s13] =	ssyncset.done $0x0  }
0x5e: {  	[sflag:s13] =	ssyncadd.s32 $0xFFFFD8F0  }
0x5f: {  	s26 =	simm.s32 $0x0;
	[bflag:$0x0] =	sbarrier.arrive $0xFFFF  }
0x60: {  	[spmem:s2] =	stream.indirect.scatter.add.f32 [tilespmem:s15], [sflag:$0x1], $0x10, s26, s14, $0xb8;
	[tilespmem:$0x5DA0] =	vst v63  }
0x61: {  	s28 =	simm.s32 $0x28  }
0x62: {  	[spmem:s2] =	stream.indirect.scatter.add.f32 [tilespmem:s15], [sflag:$0x1], $0x10, s28, s14, $0xb8;
	[tilespmem:$0x5DA0] =	vst v63  }
0x63: {  	s29 =	simm.s32 $0x50  }
0x64: {  	[spmem:s2] =	stream.indirect.scatter.add.f32 [tilespmem:s15], [sflag:$0x1], $0x10, s29, s14, $0xb8;
	[tilespmem:$0x5DA0] =	vst v63  }
0x65: {  	s30 =	simm.s32 $0x78  }
0x66: {  	[spmem:s2] =	stream.indirect.scatter.add.f32 [tilespmem:s15], [sflag:$0x1], $0x10, s30, s14, $0xb8;
	[tilespmem:$0x5DA0] =	vst v63  }
0x67: {  	s31 =	simm.s32 $0xA0  }
0x68: {  	[spmem:s2] =	stream.indirect.scatter.add.f32 [tilespmem:s15], [sflag:$0x1], $0x10, s31, s14, $0xb8;
	[tilespmem:$0x5DA0] =	vst v63  }
0x69: {  	_ =	swait.ge [sflag:s13], $0x280  }
0x6a: {  	[sflag:s13] =	ssyncset.done $0x0  }
0x6b: {  	[sflag:s13] =	ssyncadd.s32 $0xFFFFFD80  }
0x6c: {  	_ =	swait.ge [sflag:s13], $0x280  }
0x6d: {  	[sflag:s13] =	ssyncset.done $0x0  }
0x6e: {  	[sflag:s13] =	ssyncadd.s32 $0xFFFFFD80  }
0x6f: {  	_ =	swait.ge [sflag:s13], $0x280  }
0x70: {  	[sflag:s13] =	ssyncset.done $0x0  }
0x71: {  	[sflag:s13] =	ssyncadd.s32 $0xFFFFFD80  }
0x72: {  	_ =	swait.ge [sflag:s13], $0x280  }
0x73: {  	[sflag:s13] =	ssyncset.done $0x0  }
0x74: {  	[sflag:s13] =	ssyncadd.s32 $0xFFFFFD80  }
0x75: {  	_ =	swait.ge [sflag:s13], $0x280  }
0x76: {  	s21 =	simm.s32 $0x640;
	s20 =	simm.s32 $0x320;
	[sflag:s13] =	ssyncset.done $0x0  }
.LBB2_4:
0x77: {  	s22 =	sshra.s32 s20, $0x2  }
0x78: {  	[sflag:s13] =	ssyncadd.s32 $0xFFFFFD80;
	s20 =	smov.u32 s21;
	s23 =	sadd.s32 $0x320, s21  }
0x79: {  	[spmem:s2] =	stream.indirect.scatter.add.f32 [tilespmem:s15], [sflag:$0x1], $0x10, s22, s14, $0xb8;
	[tilespmem:$0x5DA0] =	vst v63  }
0x7a: {  	p1 =	sne.s32 s21, $0x9920;
	s21 =	sadd.s32 $0x28, s22  }
0x7b: {  	[spmem:s2] =	stream.indirect.scatter.add.f32 [tilespmem:s15], [sflag:$0x1], $0x10, s21, s14, $0xb8;
	[tilespmem:$0x5DA0] =	vst v63  }
0x7c: {  	s21 =	sadd.s32 $0x50, s22  }
0x7d: {  	[spmem:s2] =	stream.indirect.scatter.add.f32 [tilespmem:s15], [sflag:$0x1], $0x10, s21, s14, $0xb8;
	[tilespmem:$0x5DA0] =	vst v63  }
0x7e: {  	s21 =	sadd.s32 $0x78, s22  }
0x7f: {  	[spmem:s2] =	stream.indirect.scatter.add.f32 [tilespmem:s15], [sflag:$0x1], $0x10, s21, s14, $0xb8;
	[tilespmem:$0x5DA0] =	vst v63  }
0x80: {  	s21 =	sadd.s32 $0xA0, s22  }
0x81: {  	[spmem:s2] =	stream.indirect.scatter.add.f32 [tilespmem:s15], [sflag:$0x1], $0x10, s21, s14, $0xb8;
	[tilespmem:$0x5DA0] =	vst v63  }
0x82: {  	_ =	swait.ge [sflag:s13], $0x280  }
0x83: {  	[sflag:s13] =	ssyncset.done $0x0  }
0x84: {  	[sflag:s13] =	ssyncadd.s32 $0xFFFFFD80  }
0x85: {  	_ =	swait.ge [sflag:s13], $0x280  }
0x86: {  	[sflag:s13] =	ssyncset.done $0x0  }
0x87: {  	[sflag:s13] =	ssyncadd.s32 $0xFFFFFD80  }
0x88: {  	_ =	swait.ge [sflag:s13], $0x280  }
0x89: {  	[sflag:s13] =	ssyncset.done $0x0  }
0x8a: {  	[sflag:s13] =	ssyncadd.s32 $0xFFFFFD80  }
.Ltmp1:
0x8b: {  	_ =	swait.ge [sflag:s13], $0x280;
	(pc) =	sbr.rel @p1 .LBB2_4-.Ltmp1, $4  }
0x8c: {  	[sflag:s13] =	ssyncset.done $0x0  }
0x8d: {  	[sflag:s13] =	ssyncadd.s32 $0xFFFFFD80  }
0x8e: {  	_ =	swait.ge [sflag:s13], $0x280  }
0x8f: {  	s21 =	smov.u32 s23;
	[sflag:s13] =	ssyncset.done $0x0  }
0x90: {  	s20 =	sshra.s32 s20, $0x2;
	[sflag:s13] =	ssyncadd.s32 $0xFFFFFD80  }
0x91: {  	[spmem:s2] =	stream.indirect.scatter.add.f32 [tilespmem:s15], [sflag:$0x1], $0x10, s20, s14, $0xb8;
	[tilespmem:$0x5DA0] =	vst v63  }
0x92: {  	s21 =	sadd.s32 $0x28, s20  }
0x93: {  	[spmem:s2] =	stream.indirect.scatter.add.f32 [tilespmem:s15], [sflag:$0x1], $0x10, s21, s14, $0xb8;
	[tilespmem:$0x5DA0] =	vst v63  }
0x94: {  	s30 =	sadd.s32 $0x50, s20  }
0x95: {  	[spmem:s2] =	stream.indirect.scatter.add.f32 [tilespmem:s15], [sflag:$0x1], $0x10, s30, s14, $0xb8;
	[tilespmem:$0x5DA0] =	vst v63  }
0x96: {  	s31 =	sadd.s32 $0x78, s20  }
0x97: {  	[spmem:s2] =	stream.indirect.scatter.add.f32 [tilespmem:s15], [sflag:$0x1], $0x10, s31, s14, $0xb8;
	[tilespmem:$0x5DA0] =	vst v63  }
0x98: {  	s20 =	sadd.s32 $0xA0, s20  }
0x99: {  	[spmem:s2] =	stream.indirect.scatter.add.f32 [tilespmem:s15], [sflag:$0x1], $0x10, s20, s14, $0xb8;
	[tilespmem:$0x5DA0] =	vst v63  }
0x9a: {  	_ =	swait.ge [sflag:s13], $0x280  }
0x9b: {  	[sflag:s13] =	ssyncset.done $0x0  }
0x9c: {  	[sflag:s13] =	ssyncadd.s32 $0xFFFFFD80  }
0x9d: {  	_ =	swait.ge [sflag:s13], $0x280  }
0x9e: {  	[sflag:s13] =	ssyncset.done $0x0  }
0x9f: {  	[sflag:s13] =	ssyncadd.s32 $0xFFFFFD80  }
0xa0: {  	_ =	swait.ge [sflag:s13], $0x280  }
0xa1: {  	[sflag:s13] =	ssyncset.done $0x0  }
0xa2: {  	[sflag:s13] =	ssyncadd.s32 $0xFFFFFD80  }
0xa3: {  	_ =	swait.ge [sflag:s13], $0x280  }
0xa4: {  	[sflag:s13] =	ssyncset.done $0x0  }
0xa5: {  	[sflag:s13] =	ssyncadd.s32 $0xFFFFFD80  }
0xa6: {  	_ =	swait.ge [sflag:s13], $0x280  }
0xa7: {  	[sflag:s13] =	ssyncset.done $0x0  }
0xa8: {  	[sflag:s13] =	ssyncadd.s32 $0xFFFFFD80  }
0xa9: {  	s21 =	simm.s32 @!p0 $0x1FC1;
	s20 =	sshrl.u32 @!p0 s8, $0x3;
	[bflag:$0x0] =	sbarrier.arrive $0xFFFF  }
0xaa: {  	[hbm:s9], [sflag:s16] =	dma.local [spmem:s17], $0x4E0  }
0xab: {  	[hbm:s10], [sflag:s21] =	dma.local @!p0 [spmem:s20], $0x20  }
0xac: {  	s19 =	sadd.s32 $0x1, s19;
	s20 =	simm.s32 @!p0 $0x1  }
0xad: {  	p1 =	sne.s32 s19, s11;
	_ =	swait.ge @!p0 [sflag:s20], $0x20  }
.Ltmp2:
0xae: {  	[sflag:s20] =	ssyncset.done @!p0 $0x0;
	(pc) =	sbr.rel @p1 .LBB2_1-.Ltmp2, $4  }
0xaf: {  	[sflag:s20] =	ssyncadd.s32 @!p0 $0xFFFFFFE0  }
0xb0: {  	_ =	swait.ge [sflag:s18], $0x4E0  }
0xb1: {  	[sflag:s18] =	ssyncset.done $0x0  }
0xb2: {  	[sflag:s18] =	ssyncadd.s32 $0xFFFFFB20  }
0xb3: {  	_ =	sfence.sel $0x180000  }
0xb4: {  	[bflag:$0x0] =	sbarrier.arrive $0xFFFF  }
0xb5: {  	p0 =	sne.s32 s0, $0x0;
	_ =	strace $0x90000047  }
0xb6: {  	s0 =	sadd.s32 @!p0 $0x100000, s1;
	[bflag:$0x2] =	sbarrier.arrive $0xFFFF  }
0xb7: {  	[sflag:s0] =	ssyncadd.tile.s32 @!p0 $0x1;
	_ =	shalt  }
.Lfunc_end2:
_tile_overlayer_lowered:
.L_overlay_start_2:
0xb8: {  	(tag) =	ssettag $0x2  }
0xb9: {  	s0 =	rddreg [dreg:$0x0];
	s2 =	stileid.u32  }
0xba: {  	s1 =	rddreg [dreg:$0x1];
	p0 =	sne.s32 s2, $0x0  }
0xbb: {  	s3 =	rddreg [dreg:$0x2];
	[bflag:$0x3] =	sbarrier.arrive $0xFFFF;
	s2 =	simm.s32 @!p0 $0x1C03  }
0xbc: {  	[timem:s3], [sflag:s2] =	dma.local @!p0 [hbm:s0], s1  }
0xbd: {  	s0 =	simm.s32 @!p0 $0x3  }
0xbe: {  	_ =	swait.ge @!p0 [sflag:s0], s1  }
0xbf: {  	s1 =	ssub.s32 @!p0 $0x0, s1;
	[sflag:s0] =	ssyncset.done @!p0 $0x0  }
0xc0: {  	[sflag:s0] =	ssyncadd.s32 @!p0 s1  }
0xc1: {  	[bflag:$0x3] =	sbarrier.arrive $0xFFFF  }
0xc2: {  	_ =	shalt  }

// kernel: kernel.13.cloned.1.call-start
scs
__scs_entry_jumppad:
0x0: {  	(pc) =	sbr.rel $0x88, $3  }
0x1: {  	(tag) =	ssettag $0x0;
	lr =	simm.s32 $0x1  }
0x2: {  	[smem:$0x3F9B] =	sst lr;
	_ =	strace $0xD0000000  }
0x3: {  	_ = 	snop  }
0x4: {  	_ = 	snop  }
0x5: {  	_ = 	snop  }
0x6: {  	_ = 	snop  }
0x7: {  	_ = 	snop  }
__scs_overlays_trampoline_lowered:
0x8: {  	[smem:$0x3FAA] =	sst s0  }
0x9: {  	[smem:$0x3FAB] =	sst s1  }
0xa: {  	[smem:$0x3FAC] =	sst s2  }
0xb: {  	[smem:$0x3FAD] =	sst s3  }
0xc: {  	[smem:$0x3FAE] =	sst s4  }
0xd: {  	[smem:$0x3FAF] =	sst s5  }
0xe: {  	[smem:$0x3FB0] =	sst s6  }
0xf: {  	[smem:$0x3FB1] =	sst s7  }
0x10: {  	[smem:$0x3FB2] =	sst s8  }
0x11: {  	[smem:$0x3FB3] =	sst s9;
	s0 =	simm.s32 @!p0 $0x0  }
0x12: {  	s1 =	sld [smem:$0x3F99];
	s0 =	simm.s32 @p0 $0x1  }
0x13: {  	[smem:$0x3FB4] =	sst s0;
	s0 =	simm.s32 @!p1 $0x0  }
0x14: {  	s2 =	sld [smem:$0x3F98];
	s0 =	simm.s32 @p1 $0x1  }
0x15: {  	[smem:$0x3FB5] =	sst s0;
	s0 =	simm.s32 @!p2 $0x0  }
0x16: {  	s3 =	sld [smem:$0x3FDB];
	s0 =	simm.s32 @p2 $0x1  }
0x17: {  	s4 =	simm.s32 $0x1BF5;
	[smem:$0x3FB7] =	sst s0  }
0x18: {  	s0 =	sld [smem:$0x3F9A];
	_ =	swait.ge [sflag:s4], $0x0  }
0x19: {  	s7 =	sld [smem:$0x3F9B]  }
0x1a: {  	s8 =	sadd.s32 $0xFFFFE003, lr  }
0x1b: {  	s9 =	sadd.s32 $0xFFFFFEF7, lr;
	s5 =	simm.s32 $0xFFFFFFFF;
	p2 =	slt.u32 s8, $0xFFFFF086  }
0x1c: {  	p1 =	slt.u32 s9, $0xF7A;
	s5 =	simm.s32 @!p2 $0x0  }
0x1d: {  	s5 =	simm.s32 @p1 $0x1;
	p0 =	seq.s32 s7, s2  }
0x1e: {  	s7 =	smul.u32 @!p0 $0xF7A, s2;
	p2 =	seq.s32 @!p0 s5, $0x0  }
0x1f: {  	s9 =	smul.u32 $0xF7A, s1;
	s8 =	simm.s32 @!p0 $0x1BF5;
	p2 =	por !p2, p0  }
0x20: {  	[sflag:s8] =	ssyncset.s32 @!p0 $0xFFFFF086;
	s6 =	sadd.s32 @!p0 s3, s7;
	s7 =	simm.s32 @!p0 $0x108  }
0x21: {  	s3 =	sadd.s32 s3, s9;
	s6 =	sadd.s32 @!p0 $0x88, s6;
	s7 =	simm.s32 @p2 $0x1082  }
0x22: {  	[simem:s7], [sflag:s8] =	dma.local @!p0 [hbm:s6], $0xF7A  }
0x23: {  	s9 =	sor.u32 $0xD0000000, s2;
	s6 =	simm.s32 $0x108;
	_ =	swait.ge @!p0 [sflag:s8], $0x0  }
0x24: {  	s3 =	sadd.s32 $0x88, s3;
	s6 =	simm.s32 @!p1 $0x1082;
	[sflag:s4] =	ssyncset.s32 $0xFFFFF086  }
0x25: {  	[simem:s6], [sflag:s4] =	dma.local [hbm:s3], $0xF7A  }
0x26: {  	[smem:$0x3F9B] =	sst s1;
	(tag) =	ssettag s2;
	_ =	strace s9  }
0x27: {  	s1 =	sld [smem:$0x3FAB]  }
0x28: {  	s2 =	sld [smem:$0x3FAC]  }
0x29: {  	s4 =	sld [smem:$0x3FAE]  }
0x2a: {  	p0 =	seq.s32 s5, $0x0;
	s5 =	sld [smem:$0x3FAF]  }
0x2b: {  	s6 =	sld [smem:$0x3FB0]  }
0x2c: {  	s7 =	sld [smem:$0x3FB1]  }
0x2d: {  	s3 =	simm.s32 $0x108;
	s8 =	sld [smem:$0x3FB2]  }
0x2e: {  	s3 =	simm.s32 @!p0 $0x1082;
	s9 =	sld [smem:$0x3FB3]  }
0x2f: {  	lr =	sadd.s32 s0, s3;
	s0 =	sld [smem:$0x3FAA]  }
0x30: {  	s3 =	sld [smem:$0x3FAD]  }
0x31: {  	[smem:$0x3FB6] =	sst s10  }
0x32: {  	s10 =	sld [smem:$0x3FB4];
	_ =	sdelay $0x3  }
0x33: {  	p0 =	seq.s32 s10, $0x1;
	s10 =	sld [smem:$0x3FB6];
	_ =	sdelay $0x3  }
0x34: {  	[smem:$0x3FB6] =	sst s10  }
0x35: {  	s10 =	sld [smem:$0x3FB5];
	_ =	sdelay $0x3  }
0x36: {  	p1 =	seq.s32 s10, $0x1;
	s10 =	sld [smem:$0x3FB6];
	_ =	sdelay $0x3  }
0x37: {  	[smem:$0x3FB6] =	sst s10  }
0x38: {  	s10 =	sld [smem:$0x3FB7]  }
0x39: {  	_ = 	snop;
	(pc) =	sbr.ind lr, $3  }
0x3a: {  	_ = 	snop  }
0x3b: {  	_ = 	snop  }
0x3c: {  	p2 =	seq.s32 s10, $0x1;
	s10 =	sld [smem:$0x3FB6]  }
0x3d: {  	_ =	shalt  }
0x3e: {  	_ =	shalt  }
0x3f: {  	_ =	shalt  }
0x40: {  	_ =	shalt  }
0x41: {  	_ =	shalt  }
0x42: {  	_ =	shalt  }
0x43: {  	_ =	shalt  }
0x44: {  	_ =	shalt  }
0x45: {  	_ =	shalt  }
0x46: {  	_ =	shalt  }
0x47: {  	_ =	shalt  }
0x48: {  	_ =	shalt  }
0x49: {  	_ =	shalt  }
0x4a: {  	_ =	shalt  }
0x4b: {  	_ =	shalt  }
0x4c: {  	_ =	shalt  }
0x4d: {  	_ =	shalt  }
0x4e: {  	_ =	shalt  }
0x4f: {  	_ =	shalt  }
0x50: {  	_ =	shalt  }
0x51: {  	_ =	shalt  }
0x52: {  	_ =	shalt  }
0x53: {  	_ =	shalt  }
0x54: {  	_ =	shalt  }
0x55: {  	_ =	shalt  }
0x56: {  	_ =	shalt  }
0x57: {  	_ =	shalt  }
0x58: {  	_ =	shalt  }
0x59: {  	_ =	shalt  }
0x5a: {  	_ =	shalt  }
0x5b: {  	_ =	shalt  }
0x5c: {  	_ =	shalt  }
0x5d: {  	_ =	shalt  }
0x5e: {  	_ =	shalt  }
0x5f: {  	_ =	shalt  }
0x60: {  	_ =	shalt  }
0x61: {  	_ =	shalt  }
0x62: {  	_ =	shalt  }
0x63: {  	_ =	shalt  }
0x64: {  	_ =	shalt  }
0x65: {  	_ =	shalt  }
0x66: {  	_ =	shalt  }
0x67: {  	_ =	shalt  }
0x68: {  	_ =	shalt  }
0x69: {  	_ =	shalt  }
0x6a: {  	_ =	shalt  }
0x6b: {  	_ =	shalt  }
0x6c: {  	_ =	shalt  }
0x6d: {  	_ =	shalt  }
0x6e: {  	_ =	shalt  }
0x6f: {  	_ =	shalt  }
0x70: {  	_ =	shalt  }
0x71: {  	_ =	shalt  }
0x72: {  	_ =	shalt  }
0x73: {  	_ =	shalt  }
0x74: {  	_ =	shalt  }
0x75: {  	_ =	shalt  }
0x76: {  	_ =	shalt  }
0x77: {  	_ =	shalt  }
0x78: {  	_ =	shalt  }
0x79: {  	_ =	shalt  }
0x7a: {  	_ =	shalt  }
0x7b: {  	_ =	shalt  }
0x7c: {  	_ =	shalt  }
0x7d: {  	_ =	shalt  }
0x7e: {  	_ =	shalt  }
0x7f: {  	_ =	shalt  }
0x80: {  	_ =	shalt  }
0x81: {  	_ =	shalt  }
0x82: {  	_ =	shalt  }
0x83: {  	_ =	shalt  }
0x84: {  	_ =	shalt  }
0x85: {  	_ =	shalt  }
0x86: {  	_ =	shalt  }
0x87: {  	_ =	shalt  }
.Lfunc_end0:
.L_simem_size_0:
called_computation.1_lowered:
.L_overlay_start_0:
0x88: {  	s2 =	sld [smem:$0x3FD9]  }
0x89: {  	s3 =	sld [smem:$0x3FFE];
	_ =	sdelay $0x1  }
0x8a: {  	s1 =	srdreg.scid  }
0x8b: {  	s0 =	sand.u32 $0x1, s1  }
0x8c: {  	s17 =	sshll.u32 s0, $0xA;
	s2 =	sadd.s32 s3, s2  }
0x8d: {  	s2 =	sadd.s32 s2, s17  }
0x8e: {  	[smem:$0x3FC2] =	sst s2  }
0x8f: {  	_ = 	snop  }
0x90: {  	s2 =	sld [smem:$0x3FD0];
	(tm) =	ssettm $0x1  }
0x91: {  	s18 =	sld [smem:$0x3FFB];
	_ =	sdelay $0x3  }
0x92: {  	_ =	strace s18  }
0x93: {  	s3 =	sld [smem:$0x3FFC];
	_ =	sdelay $0x3  }
0x94: {  	_ =	strace s3  }
0x95: {  	s3 =	sld [smem:$0x3FFD];
	_ =	sdelay $0x3  }
0x96: {  	_ =	strace s3  }
0x97: {  	_ =	strace $0x8FFFFFFF  }
0x98: {  	s19 =	sld [smem:$0x3FDB];
	_ =	sdelay $0x1  }
0x99: {  	s4 =	simm.s32 $_scs_section_size  }
0x9a: {  	s5 =	simm.s32 $_size__tile_overlayer_lowered;
	s6 =	simm.s32 $_tile_overlayer_lowered  }
0x9b: {  	s22 =	simm.s32 $0x1BFF;
	s21 =	sshll.u32 s6, $0x1;
	s3 =	sadd.s32 s4, s19  }
0x9c: {  	s7 =	simm.s32 $0x0;
	s20 =	sshll.u32 s5, $0x1;
	s5 =	sadd.s32 s21, s3  }
0x9d: {  	[timem:s7], [sflag:s22] =	dma.local [hbm:s5], s20  }
0x9e: {  	_ =	swait.ge [sflag:s22], s20  }
0x9f: {  	s4 =	ssub.s32 $0x0, s20;
	[sflag:s22] =	ssyncset.done $0x0  }
0xa0: {  	[sflag:s22] =	ssyncadd.s32 s4;
	_ =	sdelay $0x1  }
0xa1: {  	s23 =	simm.s32 $0x1B8B  }
0xa2: {  	_ =	swait.ge [sflag:s23], $0x1  }
0xa3: {  	[sflag:s23] =	ssyncset.done $0x0  }
0xa4: {  	s25 =	simm.s32 $0x1B8E;
	s24 =	sld [smem:$0x3FFE];
	[sflag:s23] =	ssyncadd.s32 $0xFFFFFFFF  }
0xa5: {  	s26 =	simm.s32 $execute0_lowered;
	[smem:$0x3FD2] =	sst s25  }
0xa6: {  	s5 =	sshll.u32 s26, $0x1;
	_ =	strace $0x80000049;
	[dreg:$0x1] =	wrdreg $0xFFFFFFFF  }
0xa7: {  	s28 =	simm.s32 $_size_execute0_lowered;
	s3 =	sadd.s32 s3, s5;
	[dreg:$0x0] =	wrdreg $0x0  }
0xa8: {  	s5 =	sshll.u32 s28, $0x1;
	[dreg:$0x2] =	wrdreg s3  }
0xa9: {  	[dreg:$0x3] =	wrdreg s5  }
0xaa: {  	[dreg:$0x4] =	wrdreg $0xC0  }
0xab: {  	_ =	task [dreg:s7], $0x5FFFF  }
0xac: {  	[dreg:$0x1] =	wrdreg $0xFFFFFFFF  }
0xad: {  	[dreg:$0x0] =	wrdreg $0x60  }
0xae: {  	[dreg:$0x2] =	wrdreg s2  }
0xaf: {  	[dreg:$0x3] =	wrdreg s24  }
0xb0: {  	[dreg:$0x4] =	wrdreg $0xC6200  }
0xb1: {  	[dreg:$0x5] =	wrdreg $0x9  }
0xb2: {  	_ =	task.clear_ibuf [dreg:s7], $0x6FFFF;
	_ =	strace $0x90000049  }
0xb3: {  	s29 =	simm.s32 $0x9;
	_ =	strace $0x8000004B  }
0xb4: {  	_ =	swait.ge [sflag:s29], $0x1  }
0xb5: {  	[sflag:s29] =	ssyncadd.s32 $0xFFFFFFFF  }
0xb6: {  	_ =	strace $0x9000004B  }
0xb7: {  	_ =	sfence  }
0xb8: {  	s30 =	sld [smem:$0x0];
	_ =	sdelay $0x2  }
0xb9: {  	s31 =	sshll.u32 s1, $0xD;
	s1 =	sshrl.u32 s1, $0x2  }
0xba: {  	s3 =	sand.u32 $0x4000, s31;
	s1 =	sadd.s32 s1, s30  }
0xbb: {  	s0 =	sor.u32 s3, s0;
	s1 =	sshll.u32 s1, $0x11  }
0xbc: {  	s0 =	sor.u32 s1, s0  }
0xbd: {  	s0 =	sadd.s32 $0x8F2B, s0  }
0xbe: {  	[sflag:s0] =	ssyncadd.remote.s32 $0x1  }
0xbf: {  	_ =	sfence.sel $0xFFFF  }
0xc0: {  	[dreg:$0x0] =	wrdreg $0xFFFFFFFF;
	(pc) =	sbr.abs _section_cstart, $3  }
0xc1: {  	[dreg:$0x1] =	wrdreg $0xFFFFFFFF  }
0xc2: {  	_ =	task.clear_ibuf [dreg:s7], $0x2FFFF;
	_ =	strace $0x9FFFFFFF  }
0xc3: {  	(tm) =	ssettm $0x7FFFFFFF  }
tec
execute0_lowered:
.L_overlay_start_1:
0x0: {  	(tag) =	ssettag $0x1  }
0x1: {  	s1 =	rddreg [dreg:$0x0];
	s0 =	srdreg.scid  }
0x2: {  	s2 =	rddreg [dreg:$0x1];
	s10 =	stileid.u32  }
0x3: {  	s3 =	rddreg [dreg:$0x2];
	s6 =	smul.u32 $0x2710, s10  }
0x4: {  	s4 =	simm.s32 $0x0;
	s0 =	sand.u32 $0x1, s0;
	s25 =	smul.u32 $0x4E000, s10  }
0x5: {  	s28 =	simm.s32 $0x2710;
	s29 =	simm.s32 $0x4E20;
	s5 =	smul.u32 $0x27100, s0  }
0x6: {  	s30 =	simm.s32 $0x1;
	s31 =	simm.s32 $0x2;
	[smem:$0x7FF] =	sst s4  }
0x7: {  	s9 =	smul.u32 $0x13800, s10;
	s5 =	sadd.s32 s6, s5;
	s6 =	sshrl.u32 s25, $0x2  }
0x8: {  	p0 =	sne.s32 s10, $0xF;
	s10 =	simm.s32 $0xB220;
	s6 =	sadd.s32 s6, s3  }
0x9: {  	_ =	strace $0x8000004A;
	s7 =	ssub.s32 $0x2, s0;
	s11 =	sadd.s32 $0x1400, s6  }
0xa: {  	s0 =	smul.u32 $0x138800, s0;
	s12 =	sadd.s32 $0x2800, s6;
	[dreg:$0x6] =	wrdreg s11  }
0xb: {  	s8 =	sshrl.u32 s7, $0x1;
	s13 =	sadd.s32 $0x3C00, s6;
	[dreg:$0x7] =	wrdreg s12  }
0xc: {  	s8 =	ssub.s32 s7, s8;
	s14 =	sadd.s32 $0x5000, s6;
	[dreg:$0x8] =	wrdreg s13  }
0xd: {  	s7 =	sadd.s32 s9, s3;
	s15 =	sadd.s32 $0x6400, s6;
	[dreg:$0x9] =	wrdreg s14  }
0xe: {  	s22 =	sadd.s32 s9, s0;
	s16 =	sadd.s32 $0x7800, s6;
	[dreg:$0xa] =	wrdreg s15  }
0xf: {  	s0 =	sshrl.u32 s0, $0x3;
	s17 =	sadd.s32 $0x8C00, s6;
	[dreg:$0xb] =	wrdreg s16  }
0x10: {  	s9 =	simm.s32 $0x9E20;
	s18 =	sadd.s32 $0xA000, s6;
	[dreg:$0xc] =	wrdreg s17  }
0x11: {  	s5 =	sshrl.u32 s5, $0x3;
	s19 =	sadd.s32 $0xB400, s6;
	[dreg:$0xd] =	wrdreg s18  }
0x12: {  	s5 =	sadd.s32 s5, s2;
	s20 =	sadd.s32 $0xC800, s6;
	[dreg:$0xe] =	wrdreg s19  }
0x13: {  	s2 =	sadd.s32 $0x65A00, s2;
	s21 =	sadd.s32 $0xDC00, s6;
	[dreg:$0xf] =	wrdreg s20  }
0x14: {  	s23 =	sadd.s32 $0xF000, s6;
	s24 =	sadd.s32 $0x10400, s6;
	[dreg:$0x10] =	wrdreg s21  }
0x15: {  	s25 =	sadd.s32 $0x11800, s6;
	s26 =	sadd.s32 $0x3A00, s5;
	[dreg:$0x11] =	wrdreg s23  }
0x16: {  	s5 =	sadd.s32 $0xD800, s5;
	[dreg:$0x12] =	wrdreg s24;
	s0 =	sadd.s32 s2, s0  }
0x17: {  	[dreg:$0x14] =	wrdreg s25;
	s25 =	smax.u32 s8, $0x1;
	s8 =	simm.s32 $0x8A20  }
0x18: {  	s11 =	simm.s32 $0x7;
	s12 =	simm.s32 $0x8;
	s13 =	simm.s32 $0x4  }
0x19: {  	s14 =	simm.s32 $0x9;
	s15 =	simm.s32 $0x5;
	s16 =	simm.s32 $0xA  }
0x1a: {  	s17 =	simm.s32 $0x6;
	s18 =	simm.s32 $0xB;
	s19 =	simm.s32 $0xC  }
.Ltmp0:
0x1b: {  	s20 =	simm.s32 $0x0;
	[dreg:$0x4] =	wrdreg s26;
	(pc) =	sbr.rel .LBB2_1-.Ltmp0, $4  }
0x1c: {  	[dreg:$0x5] =	wrdreg s5;
	s5 =	sshrl.u32 s22, $0x3;
	s26 =	sadd.s32 $0x12C00, s6  }
0x1d: {  	s24 =	sadd.s32 $0x27000, s0;
	s0 =	simm.s32 $0x28;
	s6 =	simm.s32 $0x7620  }
0x1e: {  	s5 =	sadd.s32 s2, s5;
	[dreg:$0x15] =	wrdreg s26;
	s26 =	sadd.s32 $0x138000, s3  }
0x1f: {  	v0 =	vimm.f32 $0.0e+00;
	s2 =	simm.s32 $0x3;
	[dreg:$0x13] =	wrdreg s5;
	s5 =	simm.s32 $0x6220  }
.LBB2_6:
0x20: {  	_ =	swait.ge [sflag:s30], $0x1400  }
0x21: {  	[sflag:s30] =	ssyncset.done $0x0  }
0x22: {  	s21 =	simm.s32 $0x4D80;
	[sflag:s30] =	ssyncadd.s32 $0xFFFFEC00  }
0x23: {  	[spmem:s3] =	stream.indirect.scatter.add.f32 [tilespmem:s29], [sflag:$0x7], $0x80, s21, s0, $0xb8;
	[tilespmem:$0x1FEA0] =	vst v63  }
0x24: {  	_ =	swait.ge [sflag:s31], $0x1400  }
0x25: {  	[sflag:s31] =	ssyncset.done $0x0  }
0x26: {  	s22 =	simm.s32 $0x4DA8;
	[sflag:s31] =	ssyncadd.s32 $0xFFFFEC00  }
0x27: {  	[spmem:s3] =	stream.indirect.scatter.add.f32 [tilespmem:s5], [sflag:$0x8], $0x80, s22, s0, $0xb8;
	[tilespmem:$0x1FEA0] =	vst v63  }
0x28: {  	_ =	swait.ge [sflag:s2], $0x1400  }
0x29: {  	[sflag:s2] =	ssyncset.done $0x0  }
0x2a: {  	s23 =	simm.s32 $0x4DD0;
	[sflag:s2] =	ssyncadd.s32 $0xFFFFEC00  }
0x2b: {  	[spmem:s3] =	stream.indirect.scatter.add.f32 [tilespmem:s6], [sflag:$0x9], $0x80, s23, s0, $0xb8;
	[tilespmem:$0x1FEA0] =	vst v63  }
0x2c: {  	_ =	swait.ge [sflag:s13], $0x1400  }
0x2d: {  	[sflag:s13] =	ssyncset.done $0x0  }
0x2e: {  	s22 =	simm.s32 $0x4DF8;
	[sflag:s13] =	ssyncadd.s32 $0xFFFFEC00  }
0x2f: {  	[spmem:s3] =	stream.indirect.scatter.add.f32 [tilespmem:s8], [sflag:$0xA], $0x80, s22, s0, $0xb8;
	[tilespmem:$0x1FEA0] =	vst v63  }
0x30: {  	_ =	swait.ge [sflag:s11], $0x1400  }
0x31: {  	[sflag:s11] =	ssyncset.done $0x0  }
0x32: {  	[sflag:s11] =	ssyncadd.s32 $0xFFFFEC00  }
0x33: {  	_ =	swait.ge [sflag:s12], $0x1400  }
0x34: {  	[sflag:s12] =	ssyncset.done $0x0  }
0x35: {  	[sflag:s12] =	ssyncadd.s32 $0xFFFFEC00  }
0x36: {  	_ =	swait.ge [sflag:s14], $0x1400  }
0x37: {  	[sflag:s14] =	ssyncset.done $0x0  }
0x38: {  	[sflag:s14] =	ssyncadd.s32 $0xFFFFEC00  }
0x39: {  	_ =	swait.ge [sflag:s16], $0x1400  }
0x3a: {  	[sflag:s16] =	ssyncset.done $0x0  }
0x3b: {  	[sflag:s16] =	ssyncadd.s32 $0xFFFFEC00  }
0x3c: {  	_ =	swait.ge [sflag:s18], $0x1400  }
0x3d: {  	[sflag:s18] =	ssyncset.done $0x0  }
0x3e: {  	[sflag:s18] =	ssyncadd.s32 $0xFFFFEC00  }
0x3f: {  	_ =	swait.ge [sflag:s19], $0x1400  }
0x40: {  	[sflag:s19] =	ssyncset.done $0x0  }
0x41: {  	s23 =	stileid.u32;
	[sflag:s19] =	ssyncadd.s32 $0xFFFFEC00  }
0x42: {  	s21 =	sshll.u32 s23, $0x6;
	[bflag:$0x0] =	sbarrier.arrive $0xFFFF  }
0x43: {  	s21 =	sor.u32 $0x1C01, s21;
	s22 =	sshrl.u32 s7, $0x3;
	s23 =	rddreg [dreg:$0x13]  }
0x44: {  	[hbm:s23], [sflag:s21] =	dma.local [spmem:s22], $0x2700  }
0x45: {  	s21 =	sshrl.u32 @!p0 s26, $0x3;
	s22 =	simm.s32 @!p0 $0x1FC2  }
0x46: {  	[hbm:s24], [sflag:s22] =	dma.local @!p0 [spmem:s21], $0x100  }
0x47: {  	s20 =	sadd.s32 $0x1, s20;
	s21 =	simm.s32 @!p0 $0x2  }
0x48: {  	p1 =	sne.s32 s20, s25;
	_ =	swait.ge @!p0 [sflag:s21], $0x100  }
.Ltmp1:
0x49: {  	[sflag:s21] =	ssyncset.done @!p0 $0x0;
	(pc) =	sbr.rel @!p1 .LBB2_7-.Ltmp1, $4  }
0x4a: {  	[sflag:s21] =	ssyncadd.s32 @!p0 $0xFFFFFF00  }
0x4b: {  	_ =	swait.ge [sflag:s30], $0x2700  }
0x4c: {  	[sflag:s30] =	ssyncset.done $0x0  }
0x4d: {  	[sflag:s30] =	ssyncadd.s32 $0xFFFFD900  }
.LBB2_1:
0x4e: {  	s21 =	rddreg [dreg:$0x4]  }
0x4f: {  	[tilespmem:s4], [sflag:$0x2] =	stream.linear.gather [hbm4b:s21+s4], $0x2710, $0x38;
	[tilespmem:$0x1FEA0] =	vst v63  }
0x50: {  	s22 =	rddreg [dreg:$0x5];
	s23 =	sand.u32 $0x7E00, s4  }
0x51: {  	[tilespmem:s28], [sflag:$0x3] =	stream.linear.gather [hbm4b:s22+s4], $0x2710, $0x38;
	[tilespmem:$0x1FEA0] =	vst v63  }
0x52: {  	s22 =	sand.u32 $0x70, s4;
	s28 =	sshrl.u32 s23, $0x2  }
0x53: {  	s21 =	simm.s32 $0x40;
	s28 =	sor.u32 s22, s28;
	s22 =	simm.s32 $0x0  }
.LBB2_2:
0x54: {  	p1 =	sne.s32 s21, $0x4FC0  }
0x55: {  	[tilespmem:s28+$0x4E20] =	vst v0;
	s22 =	sadd.s32 $0x10, s22;
	s28 =	smov.u32 s21;
	s21 =	sadd.s32 $0x40, s21  }
.Ltmp2:
0x56: {  	(pc) =	sbr.rel @p1 .LBB2_2-.Ltmp2, $4  }
0x57: {  	_ = 	snop  }
0x58: {  	s28 =	sand.u32 $0x7E00, s28  }
0x59: {  	s23 =	sand.u32 $0x70, s22;
	s28 =	sshrl.u32 s28, $0x2  }
0x5a: {  	s28 =	sor.u32 s23, s28  }
0x5b: {  	[tilespmem:s28+$0x4E20] =	vst v0  }
0x5c: {  	[spmem:s7] =	stream.linear.scatter [tilespmem:s29], [sflag:$0x1], $0x1400, $0x38;
	[tilespmem:$0x1FEA0] =	vst v63  }
0x5d: {  	s21 =	rddreg [dreg:$0x6]  }
0x5e: {  	[spmem:s21] =	stream.linear.scatter [tilespmem:s29], [sflag:$0x1], $0x1400, $0x38;
	[tilespmem:$0x1FEA0] =	vst v63  }
0x5f: {  	s23 =	rddreg [dreg:$0x7]  }
0x60: {  	[spmem:s23] =	stream.linear.scatter [tilespmem:s29], [sflag:$0x1], $0x1400, $0x38;
	[tilespmem:$0x1FEA0] =	vst v63  }
0x61: {  	s22 =	rddreg [dreg:$0x8]  }
0x62: {  	[spmem:s22] =	stream.linear.scatter [tilespmem:s29], [sflag:$0x1], $0x1400, $0x38;
	[tilespmem:$0x1FEA0] =	vst v63  }
0x63: {  	s23 =	rddreg [dreg:$0x9]  }
0x64: {  	[spmem:s23] =	stream.linear.scatter [tilespmem:s29], [sflag:$0x1], $0x1400, $0x38;
	[tilespmem:$0x1FEA0] =	vst v63  }
0x65: {  	s22 =	rddreg [dreg:$0xa]  }
0x66: {  	[spmem:s22] =	stream.linear.scatter [tilespmem:s29], [sflag:$0x1], $0x1400, $0x38;
	[tilespmem:$0x1FEA0] =	vst v63  }
0x67: {  	s23 =	rddreg [dreg:$0xb]  }
0x68: {  	[spmem:s23] =	stream.linear.scatter [tilespmem:s29], [sflag:$0x1], $0x1400, $0x38;
	[tilespmem:$0x1FEA0] =	vst v63  }
0x69: {  	s22 =	rddreg [dreg:$0xc]  }
0x6a: {  	[spmem:s22] =	stream.linear.scatter [tilespmem:s29], [sflag:$0x1], $0x1400, $0x38;
	[tilespmem:$0x1FEA0] =	vst v63  }
0x6b: {  	s23 =	rddreg [dreg:$0xd]  }
0x6c: {  	[spmem:s23] =	stream.linear.scatter [tilespmem:s29], [sflag:$0x1], $0x1400, $0x38;
	[tilespmem:$0x1FEA0] =	vst v63  }
0x6d: {  	s22 =	rddreg [dreg:$0xe]  }
0x6e: {  	[spmem:s22] =	stream.linear.scatter [tilespmem:s29], [sflag:$0x1], $0x1400, $0x38;
	[tilespmem:$0x1FEA0] =	vst v63  }
0x6f: {  	s23 =	rddreg [dreg:$0xf]  }
0x70: {  	[spmem:s23] =	stream.linear.scatter [tilespmem:s29], [sflag:$0x1], $0x1400, $0x38;
	[tilespmem:$0x1FEA0] =	vst v63  }
0x71: {  	s22 =	rddreg [dreg:$0x10]  }
0x72: {  	[spmem:s22] =	stream.linear.scatter [tilespmem:s29], [sflag:$0x1], $0x1400, $0x38;
	[tilespmem:$0x1FEA0] =	vst v63  }
0x73: {  	s23 =	rddreg [dreg:$0x11]  }
0x74: {  	[spmem:s23] =	stream.linear.scatter [tilespmem:s29], [sflag:$0x1], $0x1400, $0x38;
	[tilespmem:$0x1FEA0] =	vst v63  }
0x75: {  	s22 =	rddreg [dreg:$0x12]  }
0x76: {  	[spmem:s22] =	stream.linear.scatter [tilespmem:s29], [sflag:$0x1], $0x1400, $0x38;
	[tilespmem:$0x1FEA0] =	vst v63  }
0x77: {  	s23 =	rddreg [dreg:$0x14]  }
0x78: {  	[spmem:s23] =	stream.linear.scatter [tilespmem:s29], [sflag:$0x1], $0x1400, $0x38;
	[tilespmem:$0x1FEA0] =	vst v63  }
0x79: {  	s22 =	rddreg [dreg:$0x15]  }
0x7a: {  	[spmem:s22] =	stream.linear.scatter [tilespmem:s29], [sflag:$0x1], $0xC00, $0x38;
	[tilespmem:$0x1FEA0] =	vst v63  }
0x7b: {  	s21 =	simm.s32 @!p0 $0x4E20  }
0x7c: {  	[spmem:s26] =	stream.linear.scatter @!p0 [tilespmem:s21], [sflag:$0x4], $0x800, $0x38;
	[tilespmem:$0x1FEA0] =	vst v63  }
0x7d: {  	_ =	swait.ge [sflag:s30], $0x1400  }
0x7e: {  	[sflag:s30] =	ssyncset.done $0x0  }
0x7f: {  	[sflag:s30] =	ssyncadd.s32 $0xFFFFEC00  }
0x80: {  	_ =	swait.ge [sflag:s30], $0x1400  }
0x81: {  	[sflag:s30] =	ssyncset.done $0x0  }
0x82: {  	[sflag:s30] =	ssyncadd.s32 $0xFFFFEC00  }
0x83: {  	_ =	swait.ge [sflag:s30], $0x1400  }
0x84: {  	[sflag:s30] =	ssyncset.done $0x0  }
0x85: {  	[sflag:s30] =	ssyncadd.s32 $0xFFFFEC00  }
0x86: {  	_ =	swait.ge [sflag:s30], $0x1400  }
0x87: {  	[sflag:s30] =	ssyncset.done $0x0  }
0x88: {  	[sflag:s30] =	ssyncadd.s32 $0xFFFFEC00  }
0x89: {  	_ =	swait.ge [sflag:s30], $0x1400  }
0x8a: {  	[sflag:s30] =	ssyncset.done $0x0  }
0x8b: {  	[sflag:s30] =	ssyncadd.s32 $0xFFFFEC00  }
0x8c: {  	_ =	swait.ge [sflag:s30], $0x1400  }
0x8d: {  	[sflag:s30] =	ssyncset.done $0x0  }
0x8e: {  	[sflag:s30] =	ssyncadd.s32 $0xFFFFEC00  }
0x8f: {  	_ =	swait.ge [sflag:s30], $0x1400  }
0x90: {  	[sflag:s30] =	ssyncset.done $0x0  }
0x91: {  	[sflag:s30] =	ssyncadd.s32 $0xFFFFEC00  }
0x92: {  	_ =	swait.ge [sflag:s30], $0x1400  }
0x93: {  	[sflag:s30] =	ssyncset.done $0x0  }
0x94: {  	[sflag:s30] =	ssyncadd.s32 $0xFFFFEC00  }
0x95: {  	_ =	swait.ge [sflag:s30], $0x1400  }
0x96: {  	[sflag:s30] =	ssyncset.done $0x0  }
0x97: {  	[sflag:s30] =	ssyncadd.s32 $0xFFFFEC00  }
0x98: {  	_ =	swait.ge [sflag:s30], $0x1400  }
0x99: {  	[sflag:s30] =	ssyncset.done $0x0  }
0x9a: {  	[sflag:s30] =	ssyncadd.s32 $0xFFFFEC00  }
0x9b: {  	_ =	swait.ge [sflag:s30], $0x1400  }
0x9c: {  	[sflag:s30] =	ssyncset.done $0x0  }
0x9d: {  	[sflag:s30] =	ssyncadd.s32 $0xFFFFEC00  }
0x9e: {  	_ =	swait.ge [sflag:s30], $0x1400  }
0x9f: {  	[sflag:s30] =	ssyncset.done $0x0  }
0xa0: {  	[sflag:s30] =	ssyncadd.s32 $0xFFFFEC00  }
0xa1: {  	_ =	swait.ge [sflag:s30], $0x1400  }
0xa2: {  	[sflag:s30] =	ssyncset.done $0x0  }
0xa3: {  	[sflag:s30] =	ssyncadd.s32 $0xFFFFEC00  }
0xa4: {  	_ =	swait.ge [sflag:s30], $0x1400  }
0xa5: {  	[sflag:s30] =	ssyncset.done $0x0  }
0xa6: {  	[sflag:s30] =	ssyncadd.s32 $0xFFFFEC00  }
0xa7: {  	_ =	swait.ge [sflag:s30], $0x1400  }
0xa8: {  	[sflag:s30] =	ssyncset.done $0x0  }
0xa9: {  	[sflag:s30] =	ssyncadd.s32 $0xFFFFEC00  }
0xaa: {  	_ =	swait.ge [sflag:s30], $0xC00  }
0xab: {  	[sflag:s30] =	ssyncset.done $0x0  }
0xac: {  	s21 =	simm.s32 @!p0 $0x4;
	[sflag:s30] =	ssyncadd.s32 $0xFFFFF400  }
0xad: {  	_ =	swait.ge @!p0 [sflag:s21], $0x800  }
0xae: {  	[sflag:s21] =	ssyncset.done @!p0 $0x0  }
0xaf: {  	[sflag:s21] =	ssyncadd.s32 @!p0 $0xFFFFF800  }
0xb0: {  	_ =	swait.ge [sflag:s31], $0x2710  }
0xb1: {  	[sflag:s31] =	ssyncset.done $0x0  }
0xb2: {  	[sflag:s31] =	ssyncadd.s32 $0xFFFFD8F0  }
0xb3: {  	_ =	swait.ge [sflag:s2], $0x2710  }
0xb4: {  	[sflag:s2] =	ssyncset.done $0x0  }
0xb5: {  	[sflag:s2] =	ssyncadd.s32 $0xFFFFD8F0  }
0xb6: {  	s21 =	simm.s32 $0x0;
	[bflag:$0x0] =	sbarrier.arrive $0xFFFF  }
0xb7: {  	[tilespmem:s29], [sflag:$0x1] =	stream.indirect.gather [hbm4b:s1+s0], $0x80, s21, s0, $0xb8;
	[tilespmem:$0x1FEA0] =	vst v63  }
0xb8: {  	_ = 	snop  }
0xb9: {  	[tilespmem:s5], [sflag:$0x2] =	stream.indirect.gather [hbm4b:s1+s0], $0x80, s0, s0, $0xb8;
	[tilespmem:$0x1FEA0] =	vst v63  }
0xba: {  	s22 =	simm.s32 $0x50  }
0xbb: {  	[tilespmem:s6], [sflag:$0x3] =	stream.indirect.gather [hbm4b:s1+s0], $0x80, s22, s0, $0xb8;
	[tilespmem:$0x1FEA0] =	vst v63  }
0xbc: {  	s23 =	simm.s32 $0x78  }
0xbd: {  	[tilespmem:s8], [sflag:$0x4] =	stream.indirect.gather [hbm4b:s1+s0], $0x80, s23, s0, $0xb8;
	[tilespmem:$0x1FEA0] =	vst v63  }
0xbe: {  	s23 =	simm.s32 $0xA0  }
0xbf: {  	[tilespmem:s9], [sflag:$0x5] =	stream.indirect.gather [hbm4b:s1+s0], $0x80, s23, s0, $0xb8;
	[tilespmem:$0x1FEA0] =	vst v63  }
0xc0: {  	_ =	swait.ge [sflag:s30], $0x1400  }
0xc1: {  	[sflag:s30] =	ssyncset.done $0x0  }
0xc2: {  	s28 =	simm.s32 $0x2710;
	[sflag:s30] =	ssyncadd.s32 $0xFFFFEC00  }
0xc3: {  	[spmem:s3] =	stream.indirect.scatter.add.f32 [tilespmem:s29], [sflag:$0x7], $0x80, s28, s0, $0xb8;
	[tilespmem:$0x1FEA0] =	vst v63  }
0xc4: {  	s23 =	simm.s32 $0xC8  }
0xc5: {  	[tilespmem:s10], [sflag:$0x6] =	stream.indirect.gather [hbm4b:s1+s0], $0x80, s23, s0, $0xb8;
	[tilespmem:$0x1FEA0] =	vst v63  }
0xc6: {  	_ =	swait.ge [sflag:s31], $0x1400  }
0xc7: {  	[sflag:s31] =	ssyncset.done $0x0  }
0xc8: {  	s23 =	simm.s32 $0x2738;
	[sflag:s31] =	ssyncadd.s32 $0xFFFFEC00  }
0xc9: {  	[spmem:s3] =	stream.indirect.scatter.add.f32 [tilespmem:s5], [sflag:$0x8], $0x80, s23, s0, $0xb8;
	[tilespmem:$0x1FEA0] =	vst v63  }
0xca: {  	_ =	swait.ge [sflag:s11], $0x1400  }
0xcb: {  	[sflag:s11] =	ssyncset.done $0x0  }
0xcc: {  	s23 =	simm.s32 $0xF0;
	[sflag:s11] =	ssyncadd.s32 $0xFFFFEC00  }
0xcd: {  	[tilespmem:s29], [sflag:$0x1] =	stream.indirect.gather [hbm4b:s1+s0], $0x80, s23, s0, $0xb8;
	[tilespmem:$0x1FEA0] =	vst v63  }
0xce: {  	_ =	swait.ge [sflag:s2], $0x1400  }
0xcf: {  	[sflag:s2] =	ssyncset.done $0x0  }
0xd0: {  	s23 =	simm.s32 $0x2760;
	[sflag:s2] =	ssyncadd.s32 $0xFFFFEC00  }
0xd1: {  	[spmem:s3] =	stream.indirect.scatter.add.f32 [tilespmem:s6], [sflag:$0x9], $0x80, s23, s0, $0xb8;
	[tilespmem:$0x1FEA0] =	vst v63  }
0xd2: {  	_ =	swait.ge [sflag:s12], $0x1400  }
0xd3: {  	[sflag:s12] =	ssyncset.done $0x0  }
0xd4: {  	s23 =	simm.s32 $0x118;
	[sflag:s12] =	ssyncadd.s32 $0xFFFFEC00  }
0xd5: {  	[tilespmem:s5], [sflag:$0x2] =	stream.indirect.gather [hbm4b:s1+s0], $0x80, s23, s0, $0xb8;
	[tilespmem:$0x1FEA0] =	vst v63  }
0xd6: {  	_ =	swait.ge [sflag:s13], $0x1400  }
0xd7: {  	[sflag:s13] =	ssyncset.done $0x0  }
0xd8: {  	s23 =	simm.s32 $0x2788;
	[sflag:s13] =	ssyncadd.s32 $0xFFFFEC00  }
0xd9: {  	[spmem:s3] =	stream.indirect.scatter.add.f32 [tilespmem:s8], [sflag:$0xA], $0x80, s23, s0, $0xb8;
	[tilespmem:$0x1FEA0] =	vst v63  }
0xda: {  	_ =	swait.ge [sflag:s14], $0x1400  }
0xdb: {  	[sflag:s14] =	ssyncset.done $0x0  }
0xdc: {  	s23 =	simm.s32 $0x140;
	[sflag:s14] =	ssyncadd.s32 $0xFFFFEC00  }
0xdd: {  	[tilespmem:s6], [sflag:$0x3] =	stream.indirect.gather [hbm4b:s1+s0], $0x80, s23, s0, $0xb8;
	[tilespmem:$0x1FEA0] =	vst v63  }
0xde: {  	_ =	swait.ge [sflag:s15], $0x1400  }
0xdf: {  	[sflag:s15] =	ssyncset.done $0x0  }
0xe0: {  	s23 =	simm.s32 $0x27B0;
	[sflag:s15] =	ssyncadd.s32 $0xFFFFEC00  }
0xe1: {  	[spmem:s3] =	stream.indirect.scatter.add.f32 [tilespmem:s9], [sflag:$0xB], $0x80, s23, s0, $0xb8;
	[tilespmem:$0x1FEA0] =	vst v63  }
0xe2: {  	_ =	swait.ge [sflag:s16], $0x1400  }
0xe3: {  	[sflag:s16] =	ssyncset.done $0x0  }
0xe4: {  	s23 =	simm.s32 $0x168;
	[sflag:s16] =	ssyncadd.s32 $0xFFFFEC00  }
0xe5: {  	[tilespmem:s8], [sflag:$0x4] =	stream.indirect.gather [hbm4b:s1+s0], $0x80, s23, s0, $0xb8;
	[tilespmem:$0x1FEA0] =	vst v63  }
0xe6: {  	_ =	swait.ge [sflag:s17], $0x1400  }
0xe7: {  	[sflag:s17] =	ssyncset.done $0x0  }
0xe8: {  	s23 =	simm.s32 $0x27D8;
	[sflag:s17] =	ssyncadd.s32 $0xFFFFEC00  }
0xe9: {  	[spmem:s3] =	stream.indirect.scatter.add.f32 [tilespmem:s10], [sflag:$0xC], $0x80, s23, s0, $0xb8;
	[tilespmem:$0x1FEA0] =	vst v63  }
0xea: {  	_ =	swait.ge [sflag:s18], $0x1400  }
0xeb: {  	[sflag:s18] =	ssyncset.done $0x0  }
0xec: {  	s23 =	simm.s32 $0x190;
	[sflag:s18] =	ssyncadd.s32 $0xFFFFEC00  }
0xed: {  	[tilespmem:s9], [sflag:$0x5] =	stream.indirect.gather [hbm4b:s1+s0], $0x80, s23, s0, $0xb8;
	[tilespmem:$0x1FEA0] =	vst v63  }
.LBB2_4:
0xee: {  	_ =	swait.ge [sflag:s30], $0x1400  }
0xef: {  	s22 =	sshra.s32 s21, $0x2;
	[sflag:s30] =	ssyncset.done $0x0  }
0xf0: {  	s23 =	sadd.s32 $0x2800, s22;
	[sflag:s30] =	ssyncadd.s32 $0xFFFFEC00  }
0xf1: {  	[spmem:s3] =	stream.indirect.scatter.add.f32 [tilespmem:s29], [sflag:$0x7], $0x80, s23, s0, $0xb8;
	[tilespmem:$0x1FEA0] =	vst v63  }
0xf2: {  	_ =	swait.ge [sflag:s19], $0x1400  }
0xf3: {  	[sflag:s19] =	ssyncset.done $0x0  }
0xf4: {  	s23 =	sadd.s32 $0x1B8, s22;
	[sflag:s19] =	ssyncadd.s32 $0xFFFFEC00  }
0xf5: {  	[tilespmem:s10], [sflag:$0x6] =	stream.indirect.gather [hbm4b:s1+s0], $0x80, s23, s0, $0xb8;
	[tilespmem:$0x1FEA0] =	vst v63  }
0xf6: {  	_ =	swait.ge [sflag:s31], $0x1400  }
0xf7: {  	[sflag:s31] =	ssyncset.done $0x0  }
0xf8: {  	s23 =	sadd.s32 $0x2828, s22;
	[sflag:s31] =	ssyncadd.s32 $0xFFFFEC00  }
0xf9: {  	[spmem:s3] =	stream.indirect.scatter.add.f32 [tilespmem:s5], [sflag:$0x8], $0x80, s23, s0, $0xb8;
	[tilespmem:$0x1FEA0] =	vst v63  }
0xfa: {  	_ =	swait.ge [sflag:s11], $0x1400  }
0xfb: {  	[sflag:s11] =	ssyncset.done $0x0  }
0xfc: {  	s23 =	sadd.s32 $0x1E0, s22;
	[sflag:s11] =	ssyncadd.s32 $0xFFFFEC00  }
0xfd: {  	[tilespmem:s29], [sflag:$0x1] =	stream.indirect.gather [hbm4b:s1+s0], $0x80, s23, s0, $0xb8;
	[tilespmem:$0x1FEA0] =	vst v63  }
0xfe: {  	_ =	swait.ge [sflag:s2], $0x1400  }
0xff: {  	[sflag:s2] =	ssyncset.done $0x0  }
0x100: {  	s23 =	sadd.s32 $0x2850, s22;
	[sflag:s2] =	ssyncadd.s32 $0xFFFFEC00  }
0x101: {  	[spmem:s3] =	stream.indirect.scatter.add.f32 [tilespmem:s6], [sflag:$0x9], $0x80, s23, s0, $0xb8;
	[tilespmem:$0x1FEA0] =	vst v63  }
0x102: {  	_ =	swait.ge [sflag:s12], $0x1400  }
0x103: {  	[sflag:s12] =	ssyncset.done $0x0  }
0x104: {  	s23 =	sadd.s32 $0x208, s22;
	[sflag:s12] =	ssyncadd.s32 $0xFFFFEC00  }
0x105: {  	[tilespmem:s5], [sflag:$0x2] =	stream.indirect.gather [hbm4b:s1+s0], $0x80, s23, s0, $0xb8;
	[tilespmem:$0x1FEA0] =	vst v63  }
0x106: {  	_ =	swait.ge [sflag:s13], $0x1400  }
0x107: {  	[sflag:s13] =	ssyncset.done $0x0  }
0x108: {  	s23 =	sadd.s32 $0x2878, s22;
	[sflag:s13] =	ssyncadd.s32 $0xFFFFEC00  }
0x109: {  	[spmem:s3] =	stream.indirect.scatter.add.f32 [tilespmem:s8], [sflag:$0xA], $0x80, s23, s0, $0xb8;
	[tilespmem:$0x1FEA0] =	vst v63  }
0x10a: {  	_ =	swait.ge [sflag:s14], $0x1400  }
0x10b: {  	[sflag:s14] =	ssyncset.done $0x0  }
0x10c: {  	s23 =	sadd.s32 $0x230, s22;
	[sflag:s14] =	ssyncadd.s32 $0xFFFFEC00  }
0x10d: {  	[tilespmem:s6], [sflag:$0x3] =	stream.indirect.gather [hbm4b:s1+s0], $0x80, s23, s0, $0xb8;
	[tilespmem:$0x1FEA0] =	vst v63  }
0x10e: {  	_ =	swait.ge [sflag:s15], $0x1400  }
0x10f: {  	[sflag:s15] =	ssyncset.done $0x0  }
0x110: {  	s23 =	sadd.s32 $0x28A0, s22;
	[sflag:s15] =	ssyncadd.s32 $0xFFFFEC00  }
0x111: {  	[spmem:s3] =	stream.indirect.scatter.add.f32 [tilespmem:s9], [sflag:$0xB], $0x80, s23, s0, $0xb8;
	[tilespmem:$0x1FEA0] =	vst v63  }
0x112: {  	_ =	swait.ge [sflag:s16], $0x1400  }
0x113: {  	[sflag:s16] =	ssyncset.done $0x0  }
0x114: {  	p1 =	seq.s32 s21, $0x9240;
	s23 =	sadd.s32 $0x258, s22;
	[sflag:s16] =	ssyncadd.s32 $0xFFFFEC00  }
0x115: {  	[tilespmem:s8], [sflag:$0x4] =	stream.indirect.gather [hbm4b:s1+s0], $0x80, s23, s0, $0xb8;
	[tilespmem:$0x1FEA0] =	vst v63  }
.Ltmp3:
0x116: {  	_ = 	snop;
	(pc) =	sbr.rel @p1 .LBB2_6-.Ltmp3, $4  }
0x117: {  	_ =	swait.ge [sflag:s17], $0x1400  }
0x118: {  	[sflag:s17] =	ssyncset.done $0x0  }
0x119: {  	s23 =	sadd.s32 $0x28C8, s22;
	[sflag:s17] =	ssyncadd.s32 $0xFFFFEC00  }
0x11a: {  	[spmem:s3] =	stream.indirect.scatter.add.f32 [tilespmem:s10], [sflag:$0xC], $0x80, s23, s0, $0xb8;
	[tilespmem:$0x1FEA0] =	vst v63  }
.Ltmp4:
0x11b: {  	(pc) =	sbr.rel .LBB2_4-.Ltmp4, $4  }
0x11c: {  	_ =	swait.ge [sflag:s18], $0x1400  }
0x11d: {  	[sflag:s18] =	ssyncset.done $0x0  }
0x11e: {  	s22 =	sadd.s32 $0x280, s22;
	s21 =	sadd.s32 $0x3C0, s21;
	[sflag:s18] =	ssyncadd.s32 $0xFFFFEC00  }
0x11f: {  	[tilespmem:s9], [sflag:$0x5] =	stream.indirect.gather [hbm4b:s1+s0], $0x80, s22, s0, $0xb8;
	[tilespmem:$0x1FEA0] =	vst v63  }
.LBB2_7:
0x120: {  	_ =	sfence.sel $0x180000  }
0x121: {  	[bflag:$0x0] =	sbarrier.arrive $0xFFFF  }
0x122: {  	_ =	strace $0x9000004A  }
0x123: {  	s0 =	stileid.u32;
	[bflag:$0x2] =	sbarrier.arrive $0xFFFF  }
0x124: {  	p0 =	sne.s32 s0, $0x0;
	s0 =	rddreg [dreg:$0x3]  }
0x125: {  	s0 =	sadd.s32 @!p0 $0x100000, s0  }
0x126: {  	[sflag:s0] =	ssyncadd.tile.s32 @!p0 $0x1;
	_ =	shalt  }
.Lfunc_end2:
_tile_overlayer_lowered:
.L_overlay_start_2:
0x127: {  	(tag) =	ssettag $0x2  }
0x128: {  	s0 =	rddreg [dreg:$0x0];
	s2 =	stileid.u32  }
0x129: {  	s1 =	rddreg [dreg:$0x1];
	p0 =	sne.s32 s2, $0x0  }
0x12a: {  	s3 =	rddreg [dreg:$0x2];
	[bflag:$0x3] =	sbarrier.arrive $0xFFFF;
	s2 =	simm.s32 @!p0 $0x1C0D  }
0x12b: {  	[timem:s3], [sflag:s2] =	dma.local @!p0 [hbm:s0], s1  }
0x12c: {  	s0 =	simm.s32 @!p0 $0xD  }
0x12d: {  	_ =	swait.ge @!p0 [sflag:s0], s1  }
0x12e: {  	s1 =	ssub.s32 @!p0 $0x0, s1;
	[sflag:s0] =	ssyncset.done @!p0 $0x0  }
0x12f: {  	[sflag:s0] =	ssyncadd.s32 @!p0 s1  }
0x130: {  	[bflag:$0x3] =	sbarrier.arrive $0xFFFF  }
0x131: {  	_ =	shalt  }

// kernel: kernel.16.cloned.1.call-start
scs
__scs_entry_jumppad:
0x0: {  	(pc) =	sbr.rel $0x88, $3  }
0x1: {  	(tag) =	ssettag $0x0;
	lr =	simm.s32 $0x1  }
0x2: {  	[smem:$0x3F9B] =	sst lr;
	_ =	strace $0xD0000000  }
0x3: {  	_ = 	snop  }
0x4: {  	_ = 	snop  }
0x5: {  	_ = 	snop  }
0x6: {  	_ = 	snop  }
0x7: {  	_ = 	snop  }
__scs_overlays_trampoline_lowered:
0x8: {  	[smem:$0x3FAA] =	sst s0  }
0x9: {  	[smem:$0x3FAB] =	sst s1  }
0xa: {  	[smem:$0x3FAC] =	sst s2  }
0xb: {  	[smem:$0x3FAD] =	sst s3  }
0xc: {  	[smem:$0x3FAE] =	sst s4  }
0xd: {  	[smem:$0x3FAF] =	sst s5  }
0xe: {  	[smem:$0x3FB0] =	sst s6  }
0xf: {  	[smem:$0x3FB1] =	sst s7  }
0x10: {  	[smem:$0x3FB2] =	sst s8  }
0x11: {  	[smem:$0x3FB3] =	sst s9;
	s0 =	simm.s32 @!p0 $0x0  }
0x12: {  	s1 =	sld [smem:$0x3F99];
	s0 =	simm.s32 @p0 $0x1  }
0x13: {  	[smem:$0x3FB4] =	sst s0;
	s0 =	simm.s32 @!p1 $0x0  }
0x14: {  	s2 =	sld [smem:$0x3F98];
	s0 =	simm.s32 @p1 $0x1  }
0x15: {  	[smem:$0x3FB5] =	sst s0;
	s0 =	simm.s32 @!p2 $0x0  }
0x16: {  	s3 =	sld [smem:$0x3FDB];
	s0 =	simm.s32 @p2 $0x1  }
0x17: {  	s4 =	simm.s32 $0x1BF5;
	[smem:$0x3FB7] =	sst s0  }
0x18: {  	s0 =	sld [smem:$0x3F9A];
	_ =	swait.ge [sflag:s4], $0x0  }
0x19: {  	s7 =	sld [smem:$0x3F9B]  }
0x1a: {  	s8 =	sadd.s32 $0xFFFFE003, lr  }
0x1b: {  	s9 =	sadd.s32 $0xFFFFFEF7, lr;
	s5 =	simm.s32 $0xFFFFFFFF;
	p2 =	slt.u32 s8, $0xFFFFF086  }
0x1c: {  	p1 =	slt.u32 s9, $0xF7A;
	s5 =	simm.s32 @!p2 $0x0  }
0x1d: {  	s5 =	simm.s32 @p1 $0x1;
	p0 =	seq.s32 s7, s2  }
0x1e: {  	s7 =	smul.u32 @!p0 $0xF7A, s2;
	p2 =	seq.s32 @!p0 s5, $0x0  }
0x1f: {  	s9 =	smul.u32 $0xF7A, s1;
	s8 =	simm.s32 @!p0 $0x1BF5;
	p2 =	por !p2, p0  }
0x20: {  	[sflag:s8] =	ssyncset.s32 @!p0 $0xFFFFF086;
	s6 =	sadd.s32 @!p0 s3, s7;
	s7 =	simm.s32 @!p0 $0x108  }
0x21: {  	s3 =	sadd.s32 s3, s9;
	s6 =	sadd.s32 @!p0 $0x88, s6;
	s7 =	simm.s32 @p2 $0x1082  }
0x22: {  	[simem:s7], [sflag:s8] =	dma.local @!p0 [hbm:s6], $0xF7A  }
0x23: {  	s9 =	sor.u32 $0xD0000000, s2;
	s6 =	simm.s32 $0x108;
	_ =	swait.ge @!p0 [sflag:s8], $0x0  }
0x24: {  	s3 =	sadd.s32 $0x88, s3;
	s6 =	simm.s32 @!p1 $0x1082;
	[sflag:s4] =	ssyncset.s32 $0xFFFFF086  }
0x25: {  	[simem:s6], [sflag:s4] =	dma.local [hbm:s3], $0xF7A  }
0x26: {  	[smem:$0x3F9B] =	sst s1;
	(tag) =	ssettag s2;
	_ =	strace s9  }
0x27: {  	s1 =	sld [smem:$0x3FAB]  }
0x28: {  	s2 =	sld [smem:$0x3FAC]  }
0x29: {  	s4 =	sld [smem:$0x3FAE]  }
0x2a: {  	p0 =	seq.s32 s5, $0x0;
	s5 =	sld [smem:$0x3FAF]  }
0x2b: {  	s6 =	sld [smem:$0x3FB0]  }
0x2c: {  	s7 =	sld [smem:$0x3FB1]  }
0x2d: {  	s3 =	simm.s32 $0x108;
	s8 =	sld [smem:$0x3FB2]  }
0x2e: {  	s3 =	simm.s32 @!p0 $0x1082;
	s9 =	sld [smem:$0x3FB3]  }
0x2f: {  	lr =	sadd.s32 s0, s3;
	s0 =	sld [smem:$0x3FAA]  }
0x30: {  	s3 =	sld [smem:$0x3FAD]  }
0x31: {  	[smem:$0x3FB6] =	sst s10  }
0x32: {  	s10 =	sld [smem:$0x3FB4];
	_ =	sdelay $0x3  }
0x33: {  	p0 =	seq.s32 s10, $0x1;
	s10 =	sld [smem:$0x3FB6];
	_ =	sdelay $0x3  }
0x34: {  	[smem:$0x3FB6] =	sst s10  }
0x35: {  	s10 =	sld [smem:$0x3FB5];
	_ =	sdelay $0x3  }
0x36: {  	p1 =	seq.s32 s10, $0x1;
	s10 =	sld [smem:$0x3FB6];
	_ =	sdelay $0x3  }
0x37: {  	[smem:$0x3FB6] =	sst s10  }
0x38: {  	s10 =	sld [smem:$0x3FB7]  }
0x39: {  	_ = 	snop;
	(pc) =	sbr.ind lr, $3  }
0x3a: {  	_ = 	snop  }
0x3b: {  	_ = 	snop  }
0x3c: {  	p2 =	seq.s32 s10, $0x1;
	s10 =	sld [smem:$0x3FB6]  }
0x3d: {  	_ =	shalt  }
0x3e: {  	_ =	shalt  }
0x3f: {  	_ =	shalt  }
0x40: {  	_ =	shalt  }
0x41: {  	_ =	shalt  }
0x42: {  	_ =	shalt  }
0x43: {  	_ =	shalt  }
0x44: {  	_ =	shalt  }
0x45: {  	_ =	shalt  }
0x46: {  	_ =	shalt  }
0x47: {  	_ =	shalt  }
0x48: {  	_ =	shalt  }
0x49: {  	_ =	shalt  }
0x4a: {  	_ =	shalt  }
0x4b: {  	_ =	shalt  }
0x4c: {  	_ =	shalt  }
0x4d: {  	_ =	shalt  }
0x4e: {  	_ =	shalt  }
0x4f: {  	_ =	shalt  }
0x50: {  	_ =	shalt  }
0x51: {  	_ =	shalt  }
0x52: {  	_ =	shalt  }
0x53: {  	_ =	shalt  }
0x54: {  	_ =	shalt  }
0x55: {  	_ =	shalt  }
0x56: {  	_ =	shalt  }
0x57: {  	_ =	shalt  }
0x58: {  	_ =	shalt  }
0x59: {  	_ =	shalt  }
0x5a: {  	_ =	shalt  }
0x5b: {  	_ =	shalt  }
0x5c: {  	_ =	shalt  }
0x5d: {  	_ =	shalt  }
0x5e: {  	_ =	shalt  }
0x5f: {  	_ =	shalt  }
0x60: {  	_ =	shalt  }
0x61: {  	_ =	shalt  }
0x62: {  	_ =	shalt  }
0x63: {  	_ =	shalt  }
0x64: {  	_ =	shalt  }
0x65: {  	_ =	shalt  }
0x66: {  	_ =	shalt  }
0x67: {  	_ =	shalt  }
0x68: {  	_ =	shalt  }
0x69: {  	_ =	shalt  }
0x6a: {  	_ =	shalt  }
0x6b: {  	_ =	shalt  }
0x6c: {  	_ =	shalt  }
0x6d: {  	_ =	shalt  }
0x6e: {  	_ =	shalt  }
0x6f: {  	_ =	shalt  }
0x70: {  	_ =	shalt  }
0x71: {  	_ =	shalt  }
0x72: {  	_ =	shalt  }
0x73: {  	_ =	shalt  }
0x74: {  	_ =	shalt  }
0x75: {  	_ =	shalt  }
0x76: {  	_ =	shalt  }
0x77: {  	_ =	shalt  }
0x78: {  	_ =	shalt  }
0x79: {  	_ =	shalt  }
0x7a: {  	_ =	shalt  }
0x7b: {  	_ =	shalt  }
0x7c: {  	_ =	shalt  }
0x7d: {  	_ =	shalt  }
0x7e: {  	_ =	shalt  }
0x7f: {  	_ =	shalt  }
0x80: {  	_ =	shalt  }
0x81: {  	_ =	shalt  }
0x82: {  	_ =	shalt  }
0x83: {  	_ =	shalt  }
0x84: {  	_ =	shalt  }
0x85: {  	_ =	shalt  }
0x86: {  	_ =	shalt  }
0x87: {  	_ =	shalt  }
.Lfunc_end0:
.L_simem_size_0:
called_computation.2_lowered:
.L_overlay_start_0:
0x88: {  	s2 =	sld [smem:$0x3FD9]  }
0x89: {  	s3 =	sld [smem:$0x3FFE];
	_ =	sdelay $0x1  }
0x8a: {  	s1 =	srdreg.scid  }
0x8b: {  	s0 =	sand.u32 $0x1, s1  }
0x8c: {  	s17 =	sshll.u32 s0, $0xA;
	s2 =	sadd.s32 s3, s2  }
0x8d: {  	s2 =	sadd.s32 s2, s17  }
0x8e: {  	[smem:$0x3FC2] =	sst s2  }
0x8f: {  	_ = 	snop  }
0x90: {  	s2 =	sld [smem:$0x3FD0];
	(tm) =	ssettm $0x1  }
0x91: {  	s18 =	sld [smem:$0x3FFB];
	_ =	sdelay $0x3  }
0x92: {  	_ =	strace s18  }
0x93: {  	s3 =	sld [smem:$0x3FFC];
	_ =	sdelay $0x3  }
0x94: {  	_ =	strace s3  }
0x95: {  	s3 =	sld [smem:$0x3FFD];
	_ =	sdelay $0x3  }
0x96: {  	_ =	strace s3  }
0x97: {  	_ =	strace $0x8FFFFFFF  }
0x98: {  	s19 =	sld [smem:$0x3FDB];
	_ =	sdelay $0x1  }
0x99: {  	s4 =	simm.s32 $_scs_section_size  }
0x9a: {  	s5 =	simm.s32 $_size__tile_overlayer_lowered;
	s6 =	simm.s32 $_tile_overlayer_lowered  }
0x9b: {  	s22 =	simm.s32 $0x1BFF;
	s21 =	sshll.u32 s6, $0x1;
	s3 =	sadd.s32 s4, s19  }
0x9c: {  	s7 =	simm.s32 $0x0;
	s20 =	sshll.u32 s5, $0x1;
	s5 =	sadd.s32 s21, s3  }
0x9d: {  	[timem:s7], [sflag:s22] =	dma.local [hbm:s5], s20  }
0x9e: {  	_ =	swait.ge [sflag:s22], s20  }
0x9f: {  	s4 =	ssub.s32 $0x0, s20;
	[sflag:s22] =	ssyncset.done $0x0  }
0xa0: {  	[sflag:s22] =	ssyncadd.s32 s4;
	_ =	sdelay $0x1  }
0xa1: {  	s23 =	simm.s32 $0x1B8B  }
0xa2: {  	_ =	swait.ge [sflag:s23], $0x1  }
0xa3: {  	[sflag:s23] =	ssyncset.done $0x0  }
0xa4: {  	s25 =	simm.s32 $0x1B8E;
	s24 =	sld [smem:$0x3FFE];
	[sflag:s23] =	ssyncadd.s32 $0xFFFFFFFF  }
0xa5: {  	s26 =	simm.s32 $execute0_lowered;
	[smem:$0x3FD2] =	sst s25  }
0xa6: {  	s5 =	sshll.u32 s26, $0x1;
	_ =	strace $0x8000004C;
	[dreg:$0x1] =	wrdreg $0xFFFFFFFF  }
0xa7: {  	s28 =	simm.s32 $_size_execute0_lowered;
	s3 =	sadd.s32 s3, s5;
	[dreg:$0x0] =	wrdreg $0x0  }
0xa8: {  	s5 =	sshll.u32 s28, $0x1;
	[dreg:$0x2] =	wrdreg s3  }
0xa9: {  	[dreg:$0x3] =	wrdreg s5  }
0xaa: {  	[dreg:$0x4] =	wrdreg $0xC0  }
0xab: {  	_ =	task [dreg:s7], $0x5FFFF  }
0xac: {  	[dreg:$0x1] =	wrdreg $0xFFFFFFFF  }
0xad: {  	[dreg:$0x0] =	wrdreg $0x60  }
0xae: {  	[dreg:$0x2] =	wrdreg s2  }
0xaf: {  	[dreg:$0x3] =	wrdreg s24  }
0xb0: {  	[dreg:$0x4] =	wrdreg $0xC6200  }
0xb1: {  	[dreg:$0x5] =	wrdreg $0x9  }
0xb2: {  	_ =	task.clear_ibuf [dreg:s7], $0x6FFFF;
	_ =	strace $0x9000004C  }
0xb3: {  	s29 =	simm.s32 $0x9;
	_ =	strace $0x8000004E  }
0xb4: {  	_ =	swait.ge [sflag:s29], $0x1  }
0xb5: {  	[sflag:s29] =	ssyncadd.s32 $0xFFFFFFFF  }
0xb6: {  	_ =	strace $0x9000004E  }
0xb7: {  	_ =	sfence  }
0xb8: {  	s30 =	sld [smem:$0x0];
	_ =	sdelay $0x2  }
0xb9: {  	s31 =	sshll.u32 s1, $0xD;
	s1 =	sshrl.u32 s1, $0x2  }
0xba: {  	s3 =	sand.u32 $0x4000, s31;
	s1 =	sadd.s32 s1, s30  }
0xbb: {  	s0 =	sor.u32 s3, s0;
	s1 =	sshll.u32 s1, $0x11  }
0xbc: {  	s0 =	sor.u32 s1, s0  }
0xbd: {  	s0 =	sadd.s32 $0x8F2B, s0  }
0xbe: {  	[sflag:s0] =	ssyncadd.remote.s32 $0x1  }
0xbf: {  	_ =	sfence.sel $0xFFFF  }
0xc0: {  	[dreg:$0x0] =	wrdreg $0xFFFFFFFF;
	(pc) =	sbr.abs _section_cstart, $3  }
0xc1: {  	[dreg:$0x1] =	wrdreg $0xFFFFFFFF  }
0xc2: {  	_ =	task.clear_ibuf [dreg:s7], $0x2FFFF;
	_ =	strace $0x9FFFFFFF  }
0xc3: {  	(tm) =	ssettm $0x7FFFFFFF  }
tec
execute0_lowered:
.L_overlay_start_1:
0x0: {  	(tag) =	ssettag $0x1  }
0x1: {  	s1 =	rddreg [dreg:$0x0];
	s0 =	srdreg.scid  }
0x2: {  	s2 =	rddreg [dreg:$0x1];
	s10 =	stileid.u32  }
0x3: {  	s3 =	rddreg [dreg:$0x2];
	s6 =	smul.u32 $0x2710, s10  }
0x4: {  	s4 =	simm.s32 $0x0;
	s0 =	sand.u32 $0x1, s0;
	s25 =	smul.u32 $0x4E000, s10  }
0x5: {  	s28 =	simm.s32 $0x2710;
	s29 =	simm.s32 $0x4E20;
	s5 =	smul.u32 $0x27100, s0  }
0x6: {  	s30 =	simm.s32 $0x1;
	s31 =	simm.s32 $0x2;
	[smem:$0x7FF] =	sst s4  }
0x7: {  	s9 =	smul.u32 $0x13800, s10;
	s5 =	sadd.s32 s6, s5;
	s6 =	sshrl.u32 s25, $0x2  }
0x8: {  	p0 =	sne.s32 s10, $0xF;
	s10 =	simm.s32 $0xB220;
	s6 =	sadd.s32 s6, s3  }
0x9: {  	_ =	strace $0x8000004D;
	s7 =	ssub.s32 $0x2, s0;
	s11 =	sadd.s32 $0x1400, s6  }
0xa: {  	s0 =	smul.u32 $0x138800, s0;
	s12 =	sadd.s32 $0x2800, s6;
	[dreg:$0x6] =	wrdreg s11  }
0xb: {  	s8 =	sshrl.u32 s7, $0x1;
	s13 =	sadd.s32 $0x3C00, s6;
	[dreg:$0x7] =	wrdreg s12  }
0xc: {  	s8 =	ssub.s32 s7, s8;
	s14 =	sadd.s32 $0x5000, s6;
	[dreg:$0x8] =	wrdreg s13  }
0xd: {  	s7 =	sadd.s32 s9, s3;
	s15 =	sadd.s32 $0x6400, s6;
	[dreg:$0x9] =	wrdreg s14  }
0xe: {  	s22 =	sadd.s32 s9, s0;
	s16 =	sadd.s32 $0x7800, s6;
	[dreg:$0xa] =	wrdreg s15  }
0xf: {  	s0 =	sshrl.u32 s0, $0x3;
	s17 =	sadd.s32 $0x8C00, s6;
	[dreg:$0xb] =	wrdreg s16  }
0x10: {  	s9 =	simm.s32 $0x9E20;
	s18 =	sadd.s32 $0xA000, s6;
	[dreg:$0xc] =	wrdreg s17  }
0x11: {  	s5 =	sshrl.u32 s5, $0x3;
	s19 =	sadd.s32 $0xB400, s6;
	[dreg:$0xd] =	wrdreg s18  }
0x12: {  	s5 =	sadd.s32 s5, s2;
	s20 =	sadd.s32 $0xC800, s6;
	[dreg:$0xe] =	wrdreg s19  }
0x13: {  	s2 =	sadd.s32 $0x65A00, s2;
	s21 =	sadd.s32 $0xDC00, s6;
	[dreg:$0xf] =	wrdreg s20  }
0x14: {  	s23 =	sadd.s32 $0xF000, s6;
	s24 =	sadd.s32 $0x10400, s6;
	[dreg:$0x10] =	wrdreg s21  }
0x15: {  	s25 =	sadd.s32 $0x11800, s6;
	s26 =	sadd.s32 $0x3A00, s5;
	[dreg:$0x11] =	wrdreg s23  }
0x16: {  	s5 =	sadd.s32 $0xD800, s5;
	[dreg:$0x12] =	wrdreg s24;
	s0 =	sadd.s32 s2, s0  }
0x17: {  	[dreg:$0x14] =	wrdreg s25;
	s25 =	smax.u32 s8, $0x1;
	s8 =	simm.s32 $0x8A20  }
0x18: {  	s11 =	simm.s32 $0x7;
	s12 =	simm.s32 $0x8;
	s13 =	simm.s32 $0x4  }
0x19: {  	s14 =	simm.s32 $0x9;
	s15 =	simm.s32 $0x5;
	s16 =	simm.s32 $0xA  }
0x1a: {  	s17 =	simm.s32 $0x6;
	s18 =	simm.s32 $0xB;
	s19 =	simm.s32 $0xC  }
.Ltmp0:
0x1b: {  	s20 =	simm.s32 $0x0;
	[dreg:$0x4] =	wrdreg s26;
	(pc) =	sbr.rel .LBB2_1-.Ltmp0, $4  }
0x1c: {  	[dreg:$0x5] =	wrdreg s5;
	s5 =	sshrl.u32 s22, $0x3;
	s26 =	sadd.s32 $0x12C00, s6  }
0x1d: {  	s24 =	sadd.s32 $0x27000, s0;
	s0 =	simm.s32 $0x28;
	s6 =	simm.s32 $0x7620  }
0x1e: {  	s5 =	sadd.s32 s2, s5;
	[dreg:$0x15] =	wrdreg s26;
	s26 =	sadd.s32 $0x138000, s3  }
0x1f: {  	v0 =	vimm.f32 $0.0e+00;
	s2 =	simm.s32 $0x3;
	[dreg:$0x13] =	wrdreg s5;
	s5 =	simm.s32 $0x6220  }
.LBB2_6:
0x20: {  	_ =	swait.ge [sflag:s30], $0x1400  }
0x21: {  	[sflag:s30] =	ssyncset.done $0x0  }
0x22: {  	s21 =	simm.s32 $0x4D80;
	[sflag:s30] =	ssyncadd.s32 $0xFFFFEC00  }
0x23: {  	[spmem:s3] =	stream.indirect.scatter.add.f32 [tilespmem:s29], [sflag:$0x7], $0x80, s21, s0, $0xb8;
	[tilespmem:$0x1FEA0] =	vst v63  }
0x24: {  	_ =	swait.ge [sflag:s31], $0x1400  }
0x25: {  	[sflag:s31] =	ssyncset.done $0x0  }
0x26: {  	s22 =	simm.s32 $0x4DA8;
	[sflag:s31] =	ssyncadd.s32 $0xFFFFEC00  }
0x27: {  	[spmem:s3] =	stream.indirect.scatter.add.f32 [tilespmem:s5], [sflag:$0x8], $0x80, s22, s0, $0xb8;
	[tilespmem:$0x1FEA0] =	vst v63  }
0x28: {  	_ =	swait.ge [sflag:s2], $0x1400  }
0x29: {  	[sflag:s2] =	ssyncset.done $0x0  }
0x2a: {  	s23 =	simm.s32 $0x4DD0;
	[sflag:s2] =	ssyncadd.s32 $0xFFFFEC00  }
0x2b: {  	[spmem:s3] =	stream.indirect.scatter.add.f32 [tilespmem:s6], [sflag:$0x9], $0x80, s23, s0, $0xb8;
	[tilespmem:$0x1FEA0] =	vst v63  }
0x2c: {  	_ =	swait.ge [sflag:s13], $0x1400  }
0x2d: {  	[sflag:s13] =	ssyncset.done $0x0  }
0x2e: {  	s22 =	simm.s32 $0x4DF8;
	[sflag:s13] =	ssyncadd.s32 $0xFFFFEC00  }
0x2f: {  	[spmem:s3] =	stream.indirect.scatter.add.f32 [tilespmem:s8], [sflag:$0xA], $0x80, s22, s0, $0xb8;
	[tilespmem:$0x1FEA0] =	vst v63  }
0x30: {  	_ =	swait.ge [sflag:s11], $0x1400  }
0x31: {  	[sflag:s11] =	ssyncset.done $0x0  }
0x32: {  	[sflag:s11] =	ssyncadd.s32 $0xFFFFEC00  }
0x33: {  	_ =	swait.ge [sflag:s12], $0x1400  }
0x34: {  	[sflag:s12] =	ssyncset.done $0x0  }
0x35: {  	[sflag:s12] =	ssyncadd.s32 $0xFFFFEC00  }
0x36: {  	_ =	swait.ge [sflag:s14], $0x1400  }
0x37: {  	[sflag:s14] =	ssyncset.done $0x0  }
0x38: {  	[sflag:s14] =	ssyncadd.s32 $0xFFFFEC00  }
0x39: {  	_ =	swait.ge [sflag:s16], $0x1400  }
0x3a: {  	[sflag:s16] =	ssyncset.done $0x0  }
0x3b: {  	[sflag:s16] =	ssyncadd.s32 $0xFFFFEC00  }
0x3c: {  	_ =	swait.ge [sflag:s18], $0x1400  }
0x3d: {  	[sflag:s18] =	ssyncset.done $0x0  }
0x3e: {  	[sflag:s18] =	ssyncadd.s32 $0xFFFFEC00  }
0x3f: {  	_ =	swait.ge [sflag:s19], $0x1400  }
0x40: {  	[sflag:s19] =	ssyncset.done $0x0  }
0x41: {  	s23 =	stileid.u32;
	[sflag:s19] =	ssyncadd.s32 $0xFFFFEC00  }
0x42: {  	s21 =	sshll.u32 s23, $0x6;
	[bflag:$0x0] =	sbarrier.arrive $0xFFFF  }
0x43: {  	s21 =	sor.u32 $0x1C01, s21;
	s22 =	sshrl.u32 s7, $0x3;
	s23 =	rddreg [dreg:$0x13]  }
0x44: {  	[hbm:s23], [sflag:s21] =	dma.local [spmem:s22], $0x2700  }
0x45: {  	s21 =	sshrl.u32 @!p0 s26, $0x3;
	s22 =	simm.s32 @!p0 $0x1FC2  }
0x46: {  	[hbm:s24], [sflag:s22] =	dma.local @!p0 [spmem:s21], $0x100  }
0x47: {  	s20 =	sadd.s32 $0x1, s20;
	s21 =	simm.s32 @!p0 $0x2  }
0x48: {  	p1 =	sne.s32 s20, s25;
	_ =	swait.ge @!p0 [sflag:s21], $0x100  }
.Ltmp1:
0x49: {  	[sflag:s21] =	ssyncset.done @!p0 $0x0;
	(pc) =	sbr.rel @!p1 .LBB2_7-.Ltmp1, $4  }
0x4a: {  	[sflag:s21] =	ssyncadd.s32 @!p0 $0xFFFFFF00  }
0x4b: {  	_ =	swait.ge [sflag:s30], $0x2700  }
0x4c: {  	[sflag:s30] =	ssyncset.done $0x0  }
0x4d: {  	[sflag:s30] =	ssyncadd.s32 $0xFFFFD900  }
.LBB2_1:
0x4e: {  	s21 =	rddreg [dreg:$0x4]  }
0x4f: {  	[tilespmem:s4], [sflag:$0x2] =	stream.linear.gather [hbm4b:s21+s4], $0x2710, $0x38;
	[tilespmem:$0x1FEA0] =	vst v63  }
0x50: {  	s22 =	rddreg [dreg:$0x5];
	s23 =	sand.u32 $0x7E00, s4  }
0x51: {  	[tilespmem:s28], [sflag:$0x3] =	stream.linear.gather [hbm4b:s22+s4], $0x2710, $0x38;
	[tilespmem:$0x1FEA0] =	vst v63  }
0x52: {  	s22 =	sand.u32 $0x70, s4;
	s28 =	sshrl.u32 s23, $0x2  }
0x53: {  	s21 =	simm.s32 $0x40;
	s28 =	sor.u32 s22, s28;
	s22 =	simm.s32 $0x0  }
.LBB2_2:
0x54: {  	p1 =	sne.s32 s21, $0x4FC0  }
0x55: {  	[tilespmem:s28+$0x4E20] =	vst v0;
	s22 =	sadd.s32 $0x10, s22;
	s28 =	smov.u32 s21;
	s21 =	sadd.s32 $0x40, s21  }
.Ltmp2:
0x56: {  	(pc) =	sbr.rel @p1 .LBB2_2-.Ltmp2, $4  }
0x57: {  	_ = 	snop  }
0x58: {  	s28 =	sand.u32 $0x7E00, s28  }
0x59: {  	s23 =	sand.u32 $0x70, s22;
	s28 =	sshrl.u32 s28, $0x2  }
0x5a: {  	s28 =	sor.u32 s23, s28  }
0x5b: {  	[tilespmem:s28+$0x4E20] =	vst v0  }
0x5c: {  	[spmem:s7] =	stream.linear.scatter [tilespmem:s29], [sflag:$0x1], $0x1400, $0x38;
	[tilespmem:$0x1FEA0] =	vst v63  }
0x5d: {  	s21 =	rddreg [dreg:$0x6]  }
0x5e: {  	[spmem:s21] =	stream.linear.scatter [tilespmem:s29], [sflag:$0x1], $0x1400, $0x38;
	[tilespmem:$0x1FEA0] =	vst v63  }
0x5f: {  	s23 =	rddreg [dreg:$0x7]  }
0x60: {  	[spmem:s23] =	stream.linear.scatter [tilespmem:s29], [sflag:$0x1], $0x1400, $0x38;
	[tilespmem:$0x1FEA0] =	vst v63  }
0x61: {  	s22 =	rddreg [dreg:$0x8]  }
0x62: {  	[spmem:s22] =	stream.linear.scatter [tilespmem:s29], [sflag:$0x1], $0x1400, $0x38;
	[tilespmem:$0x1FEA0] =	vst v63  }
0x63: {  	s23 =	rddreg [dreg:$0x9]  }
0x64: {  	[spmem:s23] =	stream.linear.scatter [tilespmem:s29], [sflag:$0x1], $0x1400, $0x38;
	[tilespmem:$0x1FEA0] =	vst v63  }
0x65: {  	s22 =	rddreg [dreg:$0xa]  }
0x66: {  	[spmem:s22] =	stream.linear.scatter [tilespmem:s29], [sflag:$0x1], $0x1400, $0x38;
	[tilespmem:$0x1FEA0] =	vst v63  }
0x67: {  	s23 =	rddreg [dreg:$0xb]  }
0x68: {  	[spmem:s23] =	stream.linear.scatter [tilespmem:s29], [sflag:$0x1], $0x1400, $0x38;
	[tilespmem:$0x1FEA0] =	vst v63  }
0x69: {  	s22 =	rddreg [dreg:$0xc]  }
0x6a: {  	[spmem:s22] =	stream.linear.scatter [tilespmem:s29], [sflag:$0x1], $0x1400, $0x38;
	[tilespmem:$0x1FEA0] =	vst v63  }
0x6b: {  	s23 =	rddreg [dreg:$0xd]  }
0x6c: {  	[spmem:s23] =	stream.linear.scatter [tilespmem:s29], [sflag:$0x1], $0x1400, $0x38;
	[tilespmem:$0x1FEA0] =	vst v63  }
0x6d: {  	s22 =	rddreg [dreg:$0xe]  }
0x6e: {  	[spmem:s22] =	stream.linear.scatter [tilespmem:s29], [sflag:$0x1], $0x1400, $0x38;
	[tilespmem:$0x1FEA0] =	vst v63  }
0x6f: {  	s23 =	rddreg [dreg:$0xf]  }
0x70: {  	[spmem:s23] =	stream.linear.scatter [tilespmem:s29], [sflag:$0x1], $0x1400, $0x38;
	[tilespmem:$0x1FEA0] =	vst v63  }
0x71: {  	s22 =	rddreg [dreg:$0x10]  }
0x72: {  	[spmem:s22] =	stream.linear.scatter [tilespmem:s29], [sflag:$0x1], $0x1400, $0x38;
	[tilespmem:$0x1FEA0] =	vst v63  }
0x73: {  	s23 =	rddreg [dreg:$0x11]  }
0x74: {  	[spmem:s23] =	stream.linear.scatter [tilespmem:s29], [sflag:$0x1], $0x1400, $0x38;
	[tilespmem:$0x1FEA0] =	vst v63  }
0x75: {  	s22 =	rddreg [dreg:$0x12]  }
0x76: {  	[spmem:s22] =	stream.linear.scatter [tilespmem:s29], [sflag:$0x1], $0x1400, $0x38;
	[tilespmem:$0x1FEA0] =	vst v63  }
0x77: {  	s23 =	rddreg [dreg:$0x14]  }
0x78: {  	[spmem:s23] =	stream.linear.scatter [tilespmem:s29], [sflag:$0x1], $0x1400, $0x38;
	[tilespmem:$0x1FEA0] =	vst v63  }
0x79: {  	s22 =	rddreg [dreg:$0x15]  }
0x7a: {  	[spmem:s22] =	stream.linear.scatter [tilespmem:s29], [sflag:$0x1], $0xC00, $0x38;
	[tilespmem:$0x1FEA0] =	vst v63  }
0x7b: {  	s21 =	simm.s32 @!p0 $0x4E20  }
0x7c: {  	[spmem:s26] =	stream.linear.scatter @!p0 [tilespmem:s21], [sflag:$0x4], $0x800, $0x38;
	[tilespmem:$0x1FEA0] =	vst v63  }
0x7d: {  	_ =	swait.ge [sflag:s30], $0x1400  }
0x7e: {  	[sflag:s30] =	ssyncset.done $0x0  }
0x7f: {  	[sflag:s30] =	ssyncadd.s32 $0xFFFFEC00  }
0x80: {  	_ =	swait.ge [sflag:s30], $0x1400  }
0x81: {  	[sflag:s30] =	ssyncset.done $0x0  }
0x82: {  	[sflag:s30] =	ssyncadd.s32 $0xFFFFEC00  }
0x83: {  	_ =	swait.ge [sflag:s30], $0x1400  }
0x84: {  	[sflag:s30] =	ssyncset.done $0x0  }
0x85: {  	[sflag:s30] =	ssyncadd.s32 $0xFFFFEC00  }
0x86: {  	_ =	swait.ge [sflag:s30], $0x1400  }
0x87: {  	[sflag:s30] =	ssyncset.done $0x0  }
0x88: {  	[sflag:s30] =	ssyncadd.s32 $0xFFFFEC00  }
0x89: {  	_ =	swait.ge [sflag:s30], $0x1400  }
0x8a: {  	[sflag:s30] =	ssyncset.done $0x0  }
0x8b: {  	[sflag:s30] =	ssyncadd.s32 $0xFFFFEC00  }
0x8c: {  	_ =	swait.ge [sflag:s30], $0x1400  }
0x8d: {  	[sflag:s30] =	ssyncset.done $0x0  }
0x8e: {  	[sflag:s30] =	ssyncadd.s32 $0xFFFFEC00  }
0x8f: {  	_ =	swait.ge [sflag:s30], $0x1400  }
0x90: {  	[sflag:s30] =	ssyncset.done $0x0  }
0x91: {  	[sflag:s30] =	ssyncadd.s32 $0xFFFFEC00  }
0x92: {  	_ =	swait.ge [sflag:s30], $0x1400  }
0x93: {  	[sflag:s30] =	ssyncset.done $0x0  }
0x94: {  	[sflag:s30] =	ssyncadd.s32 $0xFFFFEC00  }
0x95: {  	_ =	swait.ge [sflag:s30], $0x1400  }
0x96: {  	[sflag:s30] =	ssyncset.done $0x0  }
0x97: {  	[sflag:s30] =	ssyncadd.s32 $0xFFFFEC00  }
0x98: {  	_ =	swait.ge [sflag:s30], $0x1400  }
0x99: {  	[sflag:s30] =	ssyncset.done $0x0  }
0x9a: {  	[sflag:s30] =	ssyncadd.s32 $0xFFFFEC00  }
0x9b: {  	_ =	swait.ge [sflag:s30], $0x1400  }
0x9c: {  	[sflag:s30] =	ssyncset.done $0x0  }
0x9d: {  	[sflag:s30] =	ssyncadd.s32 $0xFFFFEC00  }
0x9e: {  	_ =	swait.ge [sflag:s30], $0x1400  }
0x9f: {  	[sflag:s30] =	ssyncset.done $0x0  }
0xa0: {  	[sflag:s30] =	ssyncadd.s32 $0xFFFFEC00  }
0xa1: {  	_ =	swait.ge [sflag:s30], $0x1400  }
0xa2: {  	[sflag:s30] =	ssyncset.done $0x0  }
0xa3: {  	[sflag:s30] =	ssyncadd.s32 $0xFFFFEC00  }
0xa4: {  	_ =	swait.ge [sflag:s30], $0x1400  }
0xa5: {  	[sflag:s30] =	ssyncset.done $0x0  }
0xa6: {  	[sflag:s30] =	ssyncadd.s32 $0xFFFFEC00  }
0xa7: {  	_ =	swait.ge [sflag:s30], $0x1400  }
0xa8: {  	[sflag:s30] =	ssyncset.done $0x0  }
0xa9: {  	[sflag:s30] =	ssyncadd.s32 $0xFFFFEC00  }
0xaa: {  	_ =	swait.ge [sflag:s30], $0xC00  }
0xab: {  	[sflag:s30] =	ssyncset.done $0x0  }
0xac: {  	s21 =	simm.s32 @!p0 $0x4;
	[sflag:s30] =	ssyncadd.s32 $0xFFFFF400  }
0xad: {  	_ =	swait.ge @!p0 [sflag:s21], $0x800  }
0xae: {  	[sflag:s21] =	ssyncset.done @!p0 $0x0  }
0xaf: {  	[sflag:s21] =	ssyncadd.s32 @!p0 $0xFFFFF800  }
0xb0: {  	_ =	swait.ge [sflag:s31], $0x2710  }
0xb1: {  	[sflag:s31] =	ssyncset.done $0x0  }
0xb2: {  	[sflag:s31] =	ssyncadd.s32 $0xFFFFD8F0  }
0xb3: {  	_ =	swait.ge [sflag:s2], $0x2710  }
0xb4: {  	[sflag:s2] =	ssyncset.done $0x0  }
0xb5: {  	[sflag:s2] =	ssyncadd.s32 $0xFFFFD8F0  }
0xb6: {  	s21 =	simm.s32 $0x0;
	[bflag:$0x0] =	sbarrier.arrive $0xFFFF  }
0xb7: {  	[tilespmem:s29], [sflag:$0x1] =	stream.indirect.gather [hbm4b:s1+s0], $0x80, s21, s0, $0xb8;
	[tilespmem:$0x1FEA0] =	vst v63  }
0xb8: {  	_ = 	snop  }
0xb9: {  	[tilespmem:s5], [sflag:$0x2] =	stream.indirect.gather [hbm4b:s1+s0], $0x80, s0, s0, $0xb8;
	[tilespmem:$0x1FEA0] =	vst v63  }
0xba: {  	s22 =	simm.s32 $0x50  }
0xbb: {  	[tilespmem:s6], [sflag:$0x3] =	stream.indirect.gather [hbm4b:s1+s0], $0x80, s22, s0, $0xb8;
	[tilespmem:$0x1FEA0] =	vst v63  }
0xbc: {  	s23 =	simm.s32 $0x78  }
0xbd: {  	[tilespmem:s8], [sflag:$0x4] =	stream.indirect.gather [hbm4b:s1+s0], $0x80, s23, s0, $0xb8;
	[tilespmem:$0x1FEA0] =	vst v63  }
0xbe: {  	s23 =	simm.s32 $0xA0  }
0xbf: {  	[tilespmem:s9], [sflag:$0x5] =	stream.indirect.gather [hbm4b:s1+s0], $0x80, s23, s0, $0xb8;
	[tilespmem:$0x1FEA0] =	vst v63  }
0xc0: {  	_ =	swait.ge [sflag:s30], $0x1400  }
0xc1: {  	[sflag:s30] =	ssyncset.done $0x0  }
0xc2: {  	s28 =	simm.s32 $0x2710;
	[sflag:s30] =	ssyncadd.s32 $0xFFFFEC00  }
0xc3: {  	[spmem:s3] =	stream.indirect.scatter.add.f32 [tilespmem:s29], [sflag:$0x7], $0x80, s28, s0, $0xb8;
	[tilespmem:$0x1FEA0] =	vst v63  }
0xc4: {  	s23 =	simm.s32 $0xC8  }
0xc5: {  	[tilespmem:s10], [sflag:$0x6] =	stream.indirect.gather [hbm4b:s1+s0], $0x80, s23, s0, $0xb8;
	[tilespmem:$0x1FEA0] =	vst v63  }
0xc6: {  	_ =	swait.ge [sflag:s31], $0x1400  }
0xc7: {  	[sflag:s31] =	ssyncset.done $0x0  }
0xc8: {  	s23 =	simm.s32 $0x2738;
	[sflag:s31] =	ssyncadd.s32 $0xFFFFEC00  }
0xc9: {  	[spmem:s3] =	stream.indirect.scatter.add.f32 [tilespmem:s5], [sflag:$0x8], $0x80, s23, s0, $0xb8;
	[tilespmem:$0x1FEA0] =	vst v63  }
0xca: {  	_ =	swait.ge [sflag:s11], $0x1400  }
0xcb: {  	[sflag:s11] =	ssyncset.done $0x0  }
0xcc: {  	s23 =	simm.s32 $0xF0;
	[sflag:s11] =	ssyncadd.s32 $0xFFFFEC00  }
0xcd: {  	[tilespmem:s29], [sflag:$0x1] =	stream.indirect.gather [hbm4b:s1+s0], $0x80, s23, s0, $0xb8;
	[tilespmem:$0x1FEA0] =	vst v63  }
0xce: {  	_ =	swait.ge [sflag:s2], $0x1400  }
0xcf: {  	[sflag:s2] =	ssyncset.done $0x0  }
0xd0: {  	s23 =	simm.s32 $0x2760;
	[sflag:s2] =	ssyncadd.s32 $0xFFFFEC00  }
0xd1: {  	[spmem:s3] =	stream.indirect.scatter.add.f32 [tilespmem:s6], [sflag:$0x9], $0x80, s23, s0, $0xb8;
	[tilespmem:$0x1FEA0] =	vst v63  }
0xd2: {  	_ =	swait.ge [sflag:s12], $0x1400  }
0xd3: {  	[sflag:s12] =	ssyncset.done $0x0  }
0xd4: {  	s23 =	simm.s32 $0x118;
	[sflag:s12] =	ssyncadd.s32 $0xFFFFEC00  }
0xd5: {  	[tilespmem:s5], [sflag:$0x2] =	stream.indirect.gather [hbm4b:s1+s0], $0x80, s23, s0, $0xb8;
	[tilespmem:$0x1FEA0] =	vst v63  }
0xd6: {  	_ =	swait.ge [sflag:s13], $0x1400  }
0xd7: {  	[sflag:s13] =	ssyncset.done $0x0  }
0xd8: {  	s23 =	simm.s32 $0x2788;
	[sflag:s13] =	ssyncadd.s32 $0xFFFFEC00  }
0xd9: {  	[spmem:s3] =	stream.indirect.scatter.add.f32 [tilespmem:s8], [sflag:$0xA], $0x80, s23, s0, $0xb8;
	[tilespmem:$0x1FEA0] =	vst v63  }
0xda: {  	_ =	swait.ge [sflag:s14], $0x1400  }
0xdb: {  	[sflag:s14] =	ssyncset.done $0x0  }
0xdc: {  	s23 =	simm.s32 $0x140;
	[sflag:s14] =	ssyncadd.s32 $0xFFFFEC00  }
0xdd: {  	[tilespmem:s6], [sflag:$0x3] =	stream.indirect.gather [hbm4b:s1+s0], $0x80, s23, s0, $0xb8;
	[tilespmem:$0x1FEA0] =	vst v63  }
0xde: {  	_ =	swait.ge [sflag:s15], $0x1400  }
0xdf: {  	[sflag:s15] =	ssyncset.done $0x0  }
0xe0: {  	s23 =	simm.s32 $0x27B0;
	[sflag:s15] =	ssyncadd.s32 $0xFFFFEC00  }
0xe1: {  	[spmem:s3] =	stream.indirect.scatter.add.f32 [tilespmem:s9], [sflag:$0xB], $0x80, s23, s0, $0xb8;
	[tilespmem:$0x1FEA0] =	vst v63  }
0xe2: {  	_ =	swait.ge [sflag:s16], $0x1400  }
0xe3: {  	[sflag:s16] =	ssyncset.done $0x0  }
0xe4: {  	s23 =	simm.s32 $0x168;
	[sflag:s16] =	ssyncadd.s32 $0xFFFFEC00  }
0xe5: {  	[tilespmem:s8], [sflag:$0x4] =	stream.indirect.gather [hbm4b:s1+s0], $0x80, s23, s0, $0xb8;
	[tilespmem:$0x1FEA0] =	vst v63  }
0xe6: {  	_ =	swait.ge [sflag:s17], $0x1400  }
0xe7: {  	[sflag:s17] =	ssyncset.done $0x0  }
0xe8: {  	s23 =	simm.s32 $0x27D8;
	[sflag:s17] =	ssyncadd.s32 $0xFFFFEC00  }
0xe9: {  	[spmem:s3] =	stream.indirect.scatter.add.f32 [tilespmem:s10], [sflag:$0xC], $0x80, s23, s0, $0xb8;
	[tilespmem:$0x1FEA0] =	vst v63  }
0xea: {  	_ =	swait.ge [sflag:s18], $0x1400  }
0xeb: {  	[sflag:s18] =	ssyncset.done $0x0  }
0xec: {  	s23 =	simm.s32 $0x190;
	[sflag:s18] =	ssyncadd.s32 $0xFFFFEC00  }
0xed: {  	[tilespmem:s9], [sflag:$0x5] =	stream.indirect.gather [hbm4b:s1+s0], $0x80, s23, s0, $0xb8;
	[tilespmem:$0x1FEA0] =	vst v63  }
.LBB2_4:
0xee: {  	_ =	swait.ge [sflag:s30], $0x1400  }
0xef: {  	s22 =	sshra.s32 s21, $0x2;
	[sflag:s30] =	ssyncset.done $0x0  }
0xf0: {  	s23 =	sadd.s32 $0x2800, s22;
	[sflag:s30] =	ssyncadd.s32 $0xFFFFEC00  }
0xf1: {  	[spmem:s3] =	stream.indirect.scatter.add.f32 [tilespmem:s29], [sflag:$0x7], $0x80, s23, s0, $0xb8;
	[tilespmem:$0x1FEA0] =	vst v63  }
0xf2: {  	_ =	swait.ge [sflag:s19], $0x1400  }
0xf3: {  	[sflag:s19] =	ssyncset.done $0x0  }
0xf4: {  	s23 =	sadd.s32 $0x1B8, s22;
	[sflag:s19] =	ssyncadd.s32 $0xFFFFEC00  }
0xf5: {  	[tilespmem:s10], [sflag:$0x6] =	stream.indirect.gather [hbm4b:s1+s0], $0x80, s23, s0, $0xb8;
	[tilespmem:$0x1FEA0] =	vst v63  }
0xf6: {  	_ =	swait.ge [sflag:s31], $0x1400  }
0xf7: {  	[sflag:s31] =	ssyncset.done $0x0  }
0xf8: {  	s23 =	sadd.s32 $0x2828, s22;
	[sflag:s31] =	ssyncadd.s32 $0xFFFFEC00  }
0xf9: {  	[spmem:s3] =	stream.indirect.scatter.add.f32 [tilespmem:s5], [sflag:$0x8], $0x80, s23, s0, $0xb8;
	[tilespmem:$0x1FEA0] =	vst v63  }
0xfa: {  	_ =	swait.ge [sflag:s11], $0x1400  }
0xfb: {  	[sflag:s11] =	ssyncset.done $0x0  }
0xfc: {  	s23 =	sadd.s32 $0x1E0, s22;
	[sflag:s11] =	ssyncadd.s32 $0xFFFFEC00  }
0xfd: {  	[tilespmem:s29], [sflag:$0x1] =	stream.indirect.gather [hbm4b:s1+s0], $0x80, s23, s0, $0xb8;
	[tilespmem:$0x1FEA0] =	vst v63  }
0xfe: {  	_ =	swait.ge [sflag:s2], $0x1400  }
0xff: {  	[sflag:s2] =	ssyncset.done $0x0  }
0x100: {  	s23 =	sadd.s32 $0x2850, s22;
	[sflag:s2] =	ssyncadd.s32 $0xFFFFEC00  }
0x101: {  	[spmem:s3] =	stream.indirect.scatter.add.f32 [tilespmem:s6], [sflag:$0x9], $0x80, s23, s0, $0xb8;
	[tilespmem:$0x1FEA0] =	vst v63  }
0x102: {  	_ =	swait.ge [sflag:s12], $0x1400  }
0x103: {  	[sflag:s12] =	ssyncset.done $0x0  }
0x104: {  	s23 =	sadd.s32 $0x208, s22;
	[sflag:s12] =	ssyncadd.s32 $0xFFFFEC00  }
0x105: {  	[tilespmem:s5], [sflag:$0x2] =	stream.indirect.gather [hbm4b:s1+s0], $0x80, s23, s0, $0xb8;
	[tilespmem:$0x1FEA0] =	vst v63  }
0x106: {  	_ =	swait.ge [sflag:s13], $0x1400  }
0x107: {  	[sflag:s13] =	ssyncset.done $0x0  }
0x108: {  	s23 =	sadd.s32 $0x2878, s22;
	[sflag:s13] =	ssyncadd.s32 $0xFFFFEC00  }
0x109: {  	[spmem:s3] =	stream.indirect.scatter.add.f32 [tilespmem:s8], [sflag:$0xA], $0x80, s23, s0, $0xb8;
	[tilespmem:$0x1FEA0] =	vst v63  }
0x10a: {  	_ =	swait.ge [sflag:s14], $0x1400  }
0x10b: {  	[sflag:s14] =	ssyncset.done $0x0  }
0x10c: {  	s23 =	sadd.s32 $0x230, s22;
	[sflag:s14] =	ssyncadd.s32 $0xFFFFEC00  }
0x10d: {  	[tilespmem:s6], [sflag:$0x3] =	stream.indirect.gather [hbm4b:s1+s0], $0x80, s23, s0, $0xb8;
	[tilespmem:$0x1FEA0] =	vst v63  }
0x10e: {  	_ =	swait.ge [sflag:s15], $0x1400  }
0x10f: {  	[sflag:s15] =	ssyncset.done $0x0  }
0x110: {  	s23 =	sadd.s32 $0x28A0, s22;
	[sflag:s15] =	ssyncadd.s32 $0xFFFFEC00  }
0x111: {  	[spmem:s3] =	stream.indirect.scatter.add.f32 [tilespmem:s9], [sflag:$0xB], $0x80, s23, s0, $0xb8;
	[tilespmem:$0x1FEA0] =	vst v63  }
0x112: {  	_ =	swait.ge [sflag:s16], $0x1400  }
0x113: {  	[sflag:s16] =	ssyncset.done $0x0  }
0x114: {  	p1 =	seq.s32 s21, $0x9240;
	s23 =	sadd.s32 $0x258, s22;
	[sflag:s16] =	ssyncadd.s32 $0xFFFFEC00  }
0x115: {  	[tilespmem:s8], [sflag:$0x4] =	stream.indirect.gather [hbm4b:s1+s0], $0x80, s23, s0, $0xb8;
	[tilespmem:$0x1FEA0] =	vst v63  }
.Ltmp3:
0x116: {  	_ = 	snop;
	(pc) =	sbr.rel @p1 .LBB2_6-.Ltmp3, $4  }
0x117: {  	_ =	swait.ge [sflag:s17], $0x1400  }
0x118: {  	[sflag:s17] =	ssyncset.done $0x0  }
0x119: {  	s23 =	sadd.s32 $0x28C8, s22;
	[sflag:s17] =	ssyncadd.s32 $0xFFFFEC00  }
0x11a: {  	[spmem:s3] =	stream.indirect.scatter.add.f32 [tilespmem:s10], [sflag:$0xC], $0x80, s23, s0, $0xb8;
	[tilespmem:$0x1FEA0] =	vst v63  }
.Ltmp4:
0x11b: {  	(pc) =	sbr.rel .LBB2_4-.Ltmp4, $4  }
0x11c: {  	_ =	swait.ge [sflag:s18], $0x1400  }
0x11d: {  	[sflag:s18] =	ssyncset.done $0x0  }
0x11e: {  	s22 =	sadd.s32 $0x280, s22;
	s21 =	sadd.s32 $0x3C0, s21;
	[sflag:s18] =	ssyncadd.s32 $0xFFFFEC00  }
0x11f: {  	[tilespmem:s9], [sflag:$0x5] =	stream.indirect.gather [hbm4b:s1+s0], $0x80, s22, s0, $0xb8;
	[tilespmem:$0x1FEA0] =	vst v63  }
.LBB2_7:
0x120: {  	_ =	sfence.sel $0x180000  }
0x121: {  	[bflag:$0x0] =	sbarrier.arrive $0xFFFF  }
0x122: {  	_ =	strace $0x9000004D  }
0x123: {  	s0 =	stileid.u32;
	[bflag:$0x2] =	sbarrier.arrive $0xFFFF  }
0x124: {  	p0 =	sne.s32 s0, $0x0;
	s0 =	rddreg [dreg:$0x3]  }
0x125: {  	s0 =	sadd.s32 @!p0 $0x100000, s0  }
0x126: {  	[sflag:s0] =	ssyncadd.tile.s32 @!p0 $0x1;
	_ =	shalt  }
.Lfunc_end2:
_tile_overlayer_lowered:
.L_overlay_start_2:
0x127: {  	(tag) =	ssettag $0x2  }
0x128: {  	s0 =	rddreg [dreg:$0x0];
	s2 =	stileid.u32  }
0x129: {  	s1 =	rddreg [dreg:$0x1];
	p0 =	sne.s32 s2, $0x0  }
0x12a: {  	s3 =	rddreg [dreg:$0x2];
	[bflag:$0x3] =	sbarrier.arrive $0xFFFF;
	s2 =	simm.s32 @!p0 $0x1C0D  }
0x12b: {  	[timem:s3], [sflag:s2] =	dma.local @!p0 [hbm:s0], s1  }
0x12c: {  	s0 =	simm.s32 @!p0 $0xD  }
0x12d: {  	_ =	swait.ge @!p0 [sflag:s0], s1  }
0x12e: {  	s1 =	ssub.s32 @!p0 $0x0, s1;
	[sflag:s0] =	ssyncset.done @!p0 $0x0  }
0x12f: {  	[sflag:s0] =	ssyncadd.s32 @!p0 s1  }
0x130: {  	[bflag:$0x3] =	sbarrier.arrive $0xFFFF  }
0x131: {  	_ =	shalt  }

// kernel: kernel.19.cloned.1.call-start
scs
__scs_entry_jumppad:
0x0: {  	(pc) =	sbr.rel $0x88, $3  }
0x1: {  	(tag) =	ssettag $0x0;
	lr =	simm.s32 $0x1  }
0x2: {  	[smem:$0x3F9B] =	sst lr;
	_ =	strace $0xD0000000  }
0x3: {  	_ = 	snop  }
0x4: {  	_ = 	snop  }
0x5: {  	_ = 	snop  }
0x6: {  	_ = 	snop  }
0x7: {  	_ = 	snop  }
__scs_overlays_trampoline_lowered:
0x8: {  	[smem:$0x3FAA] =	sst s0  }
0x9: {  	[smem:$0x3FAB] =	sst s1  }
0xa: {  	[smem:$0x3FAC] =	sst s2  }
0xb: {  	[smem:$0x3FAD] =	sst s3  }
0xc: {  	[smem:$0x3FAE] =	sst s4  }
0xd: {  	[smem:$0x3FAF] =	sst s5  }
0xe: {  	[smem:$0x3FB0] =	sst s6  }
0xf: {  	[smem:$0x3FB1] =	sst s7  }
0x10: {  	[smem:$0x3FB2] =	sst s8  }
0x11: {  	[smem:$0x3FB3] =	sst s9;
	s0 =	simm.s32 @!p0 $0x0  }
0x12: {  	s1 =	sld [smem:$0x3F99];
	s0 =	simm.s32 @p0 $0x1  }
0x13: {  	[smem:$0x3FB4] =	sst s0;
	s0 =	simm.s32 @!p1 $0x0  }
0x14: {  	s2 =	sld [smem:$0x3F98];
	s0 =	simm.s32 @p1 $0x1  }
0x15: {  	[smem:$0x3FB5] =	sst s0;
	s0 =	simm.s32 @!p2 $0x0  }
0x16: {  	s3 =	sld [smem:$0x3FDB];
	s0 =	simm.s32 @p2 $0x1  }
0x17: {  	s4 =	simm.s32 $0x1BF5;
	[smem:$0x3FB7] =	sst s0  }
0x18: {  	s0 =	sld [smem:$0x3F9A];
	_ =	swait.ge [sflag:s4], $0x0  }
0x19: {  	s7 =	sld [smem:$0x3F9B]  }
0x1a: {  	s8 =	sadd.s32 $0xFFFFE003, lr  }
0x1b: {  	s9 =	sadd.s32 $0xFFFFFEF7, lr;
	s5 =	simm.s32 $0xFFFFFFFF;
	p2 =	slt.u32 s8, $0xFFFFF086  }
0x1c: {  	p1 =	slt.u32 s9, $0xF7A;
	s5 =	simm.s32 @!p2 $0x0  }
0x1d: {  	s5 =	simm.s32 @p1 $0x1;
	p0 =	seq.s32 s7, s2  }
0x1e: {  	s7 =	smul.u32 @!p0 $0xF7A, s2;
	p2 =	seq.s32 @!p0 s5, $0x0  }
0x1f: {  	s9 =	smul.u32 $0xF7A, s1;
	s8 =	simm.s32 @!p0 $0x1BF5;
	p2 =	por !p2, p0  }
0x20: {  	[sflag:s8] =	ssyncset.s32 @!p0 $0xFFFFF086;
	s6 =	sadd.s32 @!p0 s3, s7;
	s7 =	simm.s32 @!p0 $0x108  }
0x21: {  	s3 =	sadd.s32 s3, s9;
	s6 =	sadd.s32 @!p0 $0x88, s6;
	s7 =	simm.s32 @p2 $0x1082  }
0x22: {  	[simem:s7], [sflag:s8] =	dma.local @!p0 [hbm:s6], $0xF7A  }
0x23: {  	s9 =	sor.u32 $0xD0000000, s2;
	s6 =	simm.s32 $0x108;
	_ =	swait.ge @!p0 [sflag:s8], $0x0  }
0x24: {  	s3 =	sadd.s32 $0x88, s3;
	s6 =	simm.s32 @!p1 $0x1082;
	[sflag:s4] =	ssyncset.s32 $0xFFFFF086  }
0x25: {  	[simem:s6], [sflag:s4] =	dma.local [hbm:s3], $0xF7A  }
0x26: {  	[smem:$0x3F9B] =	sst s1;
	(tag) =	ssettag s2;
	_ =	strace s9  }
0x27: {  	s1 =	sld [smem:$0x3FAB]  }
0x28: {  	s2 =	sld [smem:$0x3FAC]  }
0x29: {  	s4 =	sld [smem:$0x3FAE]  }
0x2a: {  	p0 =	seq.s32 s5, $0x0;
	s5 =	sld [smem:$0x3FAF]  }
0x2b: {  	s6 =	sld [smem:$0x3FB0]  }
0x2c: {  	s7 =	sld [smem:$0x3FB1]  }
0x2d: {  	s3 =	simm.s32 $0x108;
	s8 =	sld [smem:$0x3FB2]  }
0x2e: {  	s3 =	simm.s32 @!p0 $0x1082;
	s9 =	sld [smem:$0x3FB3]  }
0x2f: {  	lr =	sadd.s32 s0, s3;
	s0 =	sld [smem:$0x3FAA]  }
0x30: {  	s3 =	sld [smem:$0x3FAD]  }
0x31: {  	[smem:$0x3FB6] =	sst s10  }
0x32: {  	s10 =	sld [smem:$0x3FB4];
	_ =	sdelay $0x3  }
0x33: {  	p0 =	seq.s32 s10, $0x1;
	s10 =	sld [smem:$0x3FB6];
	_ =	sdelay $0x3  }
0x34: {  	[smem:$0x3FB6] =	sst s10  }
0x35: {  	s10 =	sld [smem:$0x3FB5];
	_ =	sdelay $0x3  }
0x36: {  	p1 =	seq.s32 s10, $0x1;
	s10 =	sld [smem:$0x3FB6];
	_ =	sdelay $0x3  }
0x37: {  	[smem:$0x3FB6] =	sst s10  }
0x38: {  	s10 =	sld [smem:$0x3FB7]  }
0x39: {  	_ = 	snop;
	(pc) =	sbr.ind lr, $3  }
0x3a: {  	_ = 	snop  }
0x3b: {  	_ = 	snop  }
0x3c: {  	p2 =	seq.s32 s10, $0x1;
	s10 =	sld [smem:$0x3FB6]  }
0x3d: {  	_ =	shalt  }
0x3e: {  	_ =	shalt  }
0x3f: {  	_ =	shalt  }
0x40: {  	_ =	shalt  }
0x41: {  	_ =	shalt  }
0x42: {  	_ =	shalt  }
0x43: {  	_ =	shalt  }
0x44: {  	_ =	shalt  }
0x45: {  	_ =	shalt  }
0x46: {  	_ =	shalt  }
0x47: {  	_ =	shalt  }
0x48: {  	_ =	shalt  }
0x49: {  	_ =	shalt  }
0x4a: {  	_ =	shalt  }
0x4b: {  	_ =	shalt  }
0x4c: {  	_ =	shalt  }
0x4d: {  	_ =	shalt  }
0x4e: {  	_ =	shalt  }
0x4f: {  	_ =	shalt  }
0x50: {  	_ =	shalt  }
0x51: {  	_ =	shalt  }
0x52: {  	_ =	shalt  }
0x53: {  	_ =	shalt  }
0x54: {  	_ =	shalt  }
0x55: {  	_ =	shalt  }
0x56: {  	_ =	shalt  }
0x57: {  	_ =	shalt  }
0x58: {  	_ =	shalt  }
0x59: {  	_ =	shalt  }
0x5a: {  	_ =	shalt  }
0x5b: {  	_ =	shalt  }
0x5c: {  	_ =	shalt  }
0x5d: {  	_ =	shalt  }
0x5e: {  	_ =	shalt  }
0x5f: {  	_ =	shalt  }
0x60: {  	_ =	shalt  }
0x61: {  	_ =	shalt  }
0x62: {  	_ =	shalt  }
0x63: {  	_ =	shalt  }
0x64: {  	_ =	shalt  }
0x65: {  	_ =	shalt  }
0x66: {  	_ =	shalt  }
0x67: {  	_ =	shalt  }
0x68: {  	_ =	shalt  }
0x69: {  	_ =	shalt  }
0x6a: {  	_ =	shalt  }
0x6b: {  	_ =	shalt  }
0x6c: {  	_ =	shalt  }
0x6d: {  	_ =	shalt  }
0x6e: {  	_ =	shalt  }
0x6f: {  	_ =	shalt  }
0x70: {  	_ =	shalt  }
0x71: {  	_ =	shalt  }
0x72: {  	_ =	shalt  }
0x73: {  	_ =	shalt  }
0x74: {  	_ =	shalt  }
0x75: {  	_ =	shalt  }
0x76: {  	_ =	shalt  }
0x77: {  	_ =	shalt  }
0x78: {  	_ =	shalt  }
0x79: {  	_ =	shalt  }
0x7a: {  	_ =	shalt  }
0x7b: {  	_ =	shalt  }
0x7c: {  	_ =	shalt  }
0x7d: {  	_ =	shalt  }
0x7e: {  	_ =	shalt  }
0x7f: {  	_ =	shalt  }
0x80: {  	_ =	shalt  }
0x81: {  	_ =	shalt  }
0x82: {  	_ =	shalt  }
0x83: {  	_ =	shalt  }
0x84: {  	_ =	shalt  }
0x85: {  	_ =	shalt  }
0x86: {  	_ =	shalt  }
0x87: {  	_ =	shalt  }
.Lfunc_end0:
.L_simem_size_0:
called_computation.3_lowered:
.L_overlay_start_0:
0x88: {  	s2 =	sld [smem:$0x3FD9]  }
0x89: {  	s3 =	sld [smem:$0x3FFE];
	_ =	sdelay $0x1  }
0x8a: {  	s1 =	srdreg.scid  }
0x8b: {  	s0 =	sand.u32 $0x1, s1  }
0x8c: {  	s17 =	sshll.u32 s0, $0xA;
	s2 =	sadd.s32 s3, s2  }
0x8d: {  	s2 =	sadd.s32 s2, s17  }
0x8e: {  	[smem:$0x3FC2] =	sst s2  }
0x8f: {  	_ = 	snop  }
0x90: {  	s2 =	sld [smem:$0x3FD0];
	(tm) =	ssettm $0x1  }
0x91: {  	s18 =	sld [smem:$0x3FFB];
	_ =	sdelay $0x3  }
0x92: {  	_ =	strace s18  }
0x93: {  	s3 =	sld [smem:$0x3FFC];
	_ =	sdelay $0x3  }
0x94: {  	_ =	strace s3  }
0x95: {  	s3 =	sld [smem:$0x3FFD];
	_ =	sdelay $0x3  }
0x96: {  	_ =	strace s3  }
0x97: {  	_ =	strace $0x8FFFFFFF  }
0x98: {  	s19 =	sld [smem:$0x3FDB];
	_ =	sdelay $0x1  }
0x99: {  	s4 =	simm.s32 $_scs_section_size  }
0x9a: {  	s5 =	simm.s32 $_size__tile_overlayer_lowered;
	s6 =	simm.s32 $_tile_overlayer_lowered  }
0x9b: {  	s22 =	simm.s32 $0x1BFF;
	s21 =	sshll.u32 s6, $0x1;
	s3 =	sadd.s32 s4, s19  }
0x9c: {  	s7 =	simm.s32 $0x0;
	s20 =	sshll.u32 s5, $0x1;
	s5 =	sadd.s32 s21, s3  }
0x9d: {  	[timem:s7], [sflag:s22] =	dma.local [hbm:s5], s20  }
0x9e: {  	_ =	swait.ge [sflag:s22], s20  }
0x9f: {  	s4 =	ssub.s32 $0x0, s20;
	[sflag:s22] =	ssyncset.done $0x0  }
0xa0: {  	[sflag:s22] =	ssyncadd.s32 s4;
	_ =	sdelay $0x1  }
0xa1: {  	s23 =	simm.s32 $0x1B8B  }
0xa2: {  	_ =	swait.ge [sflag:s23], $0x1  }
0xa3: {  	[sflag:s23] =	ssyncset.done $0x0  }
0xa4: {  	s25 =	simm.s32 $0x1B8E;
	s24 =	sld [smem:$0x3FFE];
	[sflag:s23] =	ssyncadd.s32 $0xFFFFFFFF  }
0xa5: {  	s26 =	simm.s32 $execute0_lowered;
	[smem:$0x3FD2] =	sst s25  }
0xa6: {  	s5 =	sshll.u32 s26, $0x1;
	_ =	strace $0x8000004F;
	[dreg:$0x1] =	wrdreg $0xFFFFFFFF  }
0xa7: {  	s28 =	simm.s32 $_size_execute0_lowered;
	s3 =	sadd.s32 s3, s5;
	[dreg:$0x0] =	wrdreg $0x0  }
0xa8: {  	s5 =	sshll.u32 s28, $0x1;
	[dreg:$0x2] =	wrdreg s3  }
0xa9: {  	[dreg:$0x3] =	wrdreg s5  }
0xaa: {  	[dreg:$0x4] =	wrdreg $0xC0  }
0xab: {  	_ =	task [dreg:s7], $0x5FFFF  }
0xac: {  	[dreg:$0x1] =	wrdreg $0xFFFFFFFF  }
0xad: {  	[dreg:$0x0] =	wrdreg $0x60  }
0xae: {  	[dreg:$0x2] =	wrdreg s2  }
0xaf: {  	[dreg:$0x3] =	wrdreg s24  }
0xb0: {  	[dreg:$0x4] =	wrdreg $0xC6200  }
0xb1: {  	[dreg:$0x5] =	wrdreg $0x9  }
0xb2: {  	_ =	task.clear_ibuf [dreg:s7], $0x6FFFF;
	_ =	strace $0x9000004F  }
0xb3: {  	s29 =	simm.s32 $0x9;
	_ =	strace $0x80000051  }
0xb4: {  	_ =	swait.ge [sflag:s29], $0x1  }
0xb5: {  	[sflag:s29] =	ssyncadd.s32 $0xFFFFFFFF  }
0xb6: {  	_ =	strace $0x90000051  }
0xb7: {  	_ =	sfence  }
0xb8: {  	s30 =	sld [smem:$0x0];
	_ =	sdelay $0x2  }
0xb9: {  	s31 =	sshll.u32 s1, $0xD;
	s1 =	sshrl.u32 s1, $0x2  }
0xba: {  	s3 =	sand.u32 $0x4000, s31;
	s1 =	sadd.s32 s1, s30  }
0xbb: {  	s0 =	sor.u32 s3, s0;
	s1 =	sshll.u32 s1, $0x11  }
0xbc: {  	s0 =	sor.u32 s1, s0  }
0xbd: {  	s0 =	sadd.s32 $0x8F2B, s0  }
0xbe: {  	[sflag:s0] =	ssyncadd.remote.s32 $0x1  }
0xbf: {  	_ =	sfence.sel $0xFFFF  }
0xc0: {  	[dreg:$0x0] =	wrdreg $0xFFFFFFFF;
	(pc) =	sbr.abs _section_cstart, $3  }
0xc1: {  	[dreg:$0x1] =	wrdreg $0xFFFFFFFF  }
0xc2: {  	_ =	task.clear_ibuf [dreg:s7], $0x2FFFF;
	_ =	strace $0x9FFFFFFF  }
0xc3: {  	(tm) =	ssettm $0x7FFFFFFF  }
tec
execute0_lowered:
.L_overlay_start_1:
0x0: {  	(tag) =	ssettag $0x1  }
0x1: {  	s1 =	rddreg [dreg:$0x0];
	s0 =	srdreg.scid  }
0x2: {  	s2 =	rddreg [dreg:$0x1];
	s10 =	stileid.u32  }
0x3: {  	s3 =	rddreg [dreg:$0x2];
	s6 =	smul.u32 $0x2710, s10  }
0x4: {  	s4 =	simm.s32 $0x0;
	s0 =	sand.u32 $0x1, s0;
	s25 =	smul.u32 $0x4E000, s10  }
0x5: {  	s28 =	simm.s32 $0x2710;
	s29 =	simm.s32 $0x4E20;
	s5 =	smul.u32 $0x27100, s0  }
0x6: {  	s30 =	simm.s32 $0x1;
	s31 =	simm.s32 $0x2;
	[smem:$0x7FF] =	sst s4  }
0x7: {  	s9 =	smul.u32 $0x13800, s10;
	s5 =	sadd.s32 s6, s5;
	s6 =	sshrl.u32 s25, $0x2  }
0x8: {  	p0 =	sne.s32 s10, $0xF;
	s10 =	simm.s32 $0xB220;
	s6 =	sadd.s32 s6, s3  }
0x9: {  	_ =	strace $0x80000050;
	s7 =	ssub.s32 $0x2, s0;
	s11 =	sadd.s32 $0x1400, s6  }
0xa: {  	s0 =	smul.u32 $0x138800, s0;
	s12 =	sadd.s32 $0x2800, s6;
	[dreg:$0x6] =	wrdreg s11  }
0xb: {  	s8 =	sshrl.u32 s7, $0x1;
	s13 =	sadd.s32 $0x3C00, s6;
	[dreg:$0x7] =	wrdreg s12  }
0xc: {  	s8 =	ssub.s32 s7, s8;
	s14 =	sadd.s32 $0x5000, s6;
	[dreg:$0x8] =	wrdreg s13  }
0xd: {  	s7 =	sadd.s32 s9, s3;
	s15 =	sadd.s32 $0x6400, s6;
	[dreg:$0x9] =	wrdreg s14  }
0xe: {  	s22 =	sadd.s32 s9, s0;
	s16 =	sadd.s32 $0x7800, s6;
	[dreg:$0xa] =	wrdreg s15  }
0xf: {  	s0 =	sshrl.u32 s0, $0x3;
	s17 =	sadd.s32 $0x8C00, s6;
	[dreg:$0xb] =	wrdreg s16  }
0x10: {  	s9 =	simm.s32 $0x9E20;
	s18 =	sadd.s32 $0xA000, s6;
	[dreg:$0xc] =	wrdreg s17  }
0x11: {  	s5 =	sshrl.u32 s5, $0x3;
	s19 =	sadd.s32 $0xB400, s6;
	[dreg:$0xd] =	wrdreg s18  }
0x12: {  	s5 =	sadd.s32 s5, s2;
	s20 =	sadd.s32 $0xC800, s6;
	[dreg:$0xe] =	wrdreg s19  }
0x13: {  	s2 =	sadd.s32 $0x65A00, s2;
	s21 =	sadd.s32 $0xDC00, s6;
	[dreg:$0xf] =	wrdreg s20  }
0x14: {  	s23 =	sadd.s32 $0xF000, s6;
	s24 =	sadd.s32 $0x10400, s6;
	[dreg:$0x10] =	wrdreg s21  }
0x15: {  	s25 =	sadd.s32 $0x11800, s6;
	s26 =	sadd.s32 $0x3A00, s5;
	[dreg:$0x11] =	wrdreg s23  }
0x16: {  	s5 =	sadd.s32 $0xD800, s5;
	[dreg:$0x12] =	wrdreg s24;
	s0 =	sadd.s32 s2, s0  }
0x17: {  	[dreg:$0x14] =	wrdreg s25;
	s25 =	smax.u32 s8, $0x1;
	s8 =	simm.s32 $0x8A20  }
0x18: {  	s11 =	simm.s32 $0x7;
	s12 =	simm.s32 $0x8;
	s13 =	simm.s32 $0x4  }
0x19: {  	s14 =	simm.s32 $0x9;
	s15 =	simm.s32 $0x5;
	s16 =	simm.s32 $0xA  }
0x1a: {  	s17 =	simm.s32 $0x6;
	s18 =	simm.s32 $0xB;
	s19 =	simm.s32 $0xC  }
.Ltmp0:
0x1b: {  	s20 =	simm.s32 $0x0;
	[dreg:$0x4] =	wrdreg s26;
	(pc) =	sbr.rel .LBB2_1-.Ltmp0, $4  }
0x1c: {  	[dreg:$0x5] =	wrdreg s5;
	s5 =	sshrl.u32 s22, $0x3;
	s26 =	sadd.s32 $0x12C00, s6  }
0x1d: {  	s24 =	sadd.s32 $0x27000, s0;
	s0 =	simm.s32 $0x28;
	s6 =	simm.s32 $0x7620  }
0x1e: {  	s5 =	sadd.s32 s2, s5;
	[dreg:$0x15] =	wrdreg s26;
	s26 =	sadd.s32 $0x138000, s3  }
0x1f: {  	v0 =	vimm.f32 $0.0e+00;
	s2 =	simm.s32 $0x3;
	[dreg:$0x13] =	wrdreg s5;
	s5 =	simm.s32 $0x6220  }
.LBB2_6:
0x20: {  	_ =	swait.ge [sflag:s30], $0x1400  }
0x21: {  	[sflag:s30] =	ssyncset.done $0x0  }
0x22: {  	s21 =	simm.s32 $0x4D80;
	[sflag:s30] =	ssyncadd.s32 $0xFFFFEC00  }
0x23: {  	[spmem:s3] =	stream.indirect.scatter.add.f32 [tilespmem:s29], [sflag:$0x7], $0x80, s21, s0, $0xb8;
	[tilespmem:$0x1FEA0] =	vst v63  }
0x24: {  	_ =	swait.ge [sflag:s31], $0x1400  }
0x25: {  	[sflag:s31] =	ssyncset.done $0x0  }
0x26: {  	s22 =	simm.s32 $0x4DA8;
	[sflag:s31] =	ssyncadd.s32 $0xFFFFEC00  }
0x27: {  	[spmem:s3] =	stream.indirect.scatter.add.f32 [tilespmem:s5], [sflag:$0x8], $0x80, s22, s0, $0xb8;
	[tilespmem:$0x1FEA0] =	vst v63  }
0x28: {  	_ =	swait.ge [sflag:s2], $0x1400  }
0x29: {  	[sflag:s2] =	ssyncset.done $0x0  }
0x2a: {  	s23 =	simm.s32 $0x4DD0;
	[sflag:s2] =	ssyncadd.s32 $0xFFFFEC00  }
0x2b: {  	[spmem:s3] =	stream.indirect.scatter.add.f32 [tilespmem:s6], [sflag:$0x9], $0x80, s23, s0, $0xb8;
	[tilespmem:$0x1FEA0] =	vst v63  }
0x2c: {  	_ =	swait.ge [sflag:s13], $0x1400  }
0x2d: {  	[sflag:s13] =	ssyncset.done $0x0  }
0x2e: {  	s22 =	simm.s32 $0x4DF8;
	[sflag:s13] =	ssyncadd.s32 $0xFFFFEC00  }
0x2f: {  	[spmem:s3] =	stream.indirect.scatter.add.f32 [tilespmem:s8], [sflag:$0xA], $0x80, s22, s0, $0xb8;
	[tilespmem:$0x1FEA0] =	vst v63  }
0x30: {  	_ =	swait.ge [sflag:s11], $0x1400  }
0x31: {  	[sflag:s11] =	ssyncset.done $0x0  }
0x32: {  	[sflag:s11] =	ssyncadd.s32 $0xFFFFEC00  }
0x33: {  	_ =	swait.ge [sflag:s12], $0x1400  }
0x34: {  	[sflag:s12] =	ssyncset.done $0x0  }
0x35: {  	[sflag:s12] =	ssyncadd.s32 $0xFFFFEC00  }
0x36: {  	_ =	swait.ge [sflag:s14], $0x1400  }
0x37: {  	[sflag:s14] =	ssyncset.done $0x0  }
0x38: {  	[sflag:s14] =	ssyncadd.s32 $0xFFFFEC00  }
0x39: {  	_ =	swait.ge [sflag:s16], $0x1400  }
0x3a: {  	[sflag:s16] =	ssyncset.done $0x0  }
0x3b: {  	[sflag:s16] =	ssyncadd.s32 $0xFFFFEC00  }
0x3c: {  	_ =	swait.ge [sflag:s18], $0x1400  }
0x3d: {  	[sflag:s18] =	ssyncset.done $0x0  }
0x3e: {  	[sflag:s18] =	ssyncadd.s32 $0xFFFFEC00  }
0x3f: {  	_ =	swait.ge [sflag:s19], $0x1400  }
0x40: {  	[sflag:s19] =	ssyncset.done $0x0  }
0x41: {  	s23 =	stileid.u32;
	[sflag:s19] =	ssyncadd.s32 $0xFFFFEC00  }
0x42: {  	s21 =	sshll.u32 s23, $0x6;
	[bflag:$0x0] =	sbarrier.arrive $0xFFFF  }
0x43: {  	s21 =	sor.u32 $0x1C01, s21;
	s22 =	sshrl.u32 s7, $0x3;
	s23 =	rddreg [dreg:$0x13]  }
0x44: {  	[hbm:s23], [sflag:s21] =	dma.local [spmem:s22], $0x2700  }
0x45: {  	s21 =	sshrl.u32 @!p0 s26, $0x3;
	s22 =	simm.s32 @!p0 $0x1FC2  }
0x46: {  	[hbm:s24], [sflag:s22] =	dma.local @!p0 [spmem:s21], $0x100  }
0x47: {  	s20 =	sadd.s32 $0x1, s20;
	s21 =	simm.s32 @!p0 $0x2  }
0x48: {  	p1 =	sne.s32 s20, s25;
	_ =	swait.ge @!p0 [sflag:s21], $0x100  }
.Ltmp1:
0x49: {  	[sflag:s21] =	ssyncset.done @!p0 $0x0;
	(pc) =	sbr.rel @!p1 .LBB2_7-.Ltmp1, $4  }
0x4a: {  	[sflag:s21] =	ssyncadd.s32 @!p0 $0xFFFFFF00  }
0x4b: {  	_ =	swait.ge [sflag:s30], $0x2700  }
0x4c: {  	[sflag:s30] =	ssyncset.done $0x0  }
0x4d: {  	[sflag:s30] =	ssyncadd.s32 $0xFFFFD900  }
.LBB2_1:
0x4e: {  	s21 =	rddreg [dreg:$0x4]  }
0x4f: {  	[tilespmem:s4], [sflag:$0x2] =	stream.linear.gather [hbm4b:s21+s4], $0x2710, $0x38;
	[tilespmem:$0x1FEA0] =	vst v63  }
0x50: {  	s22 =	rddreg [dreg:$0x5];
	s23 =	sand.u32 $0x7E00, s4  }
0x51: {  	[tilespmem:s28], [sflag:$0x3] =	stream.linear.gather [hbm4b:s22+s4], $0x2710, $0x38;
	[tilespmem:$0x1FEA0] =	vst v63  }
0x52: {  	s22 =	sand.u32 $0x70, s4;
	s28 =	sshrl.u32 s23, $0x2  }
0x53: {  	s21 =	simm.s32 $0x40;
	s28 =	sor.u32 s22, s28;
	s22 =	simm.s32 $0x0  }
.LBB2_2:
0x54: {  	p1 =	sne.s32 s21, $0x4FC0  }
0x55: {  	[tilespmem:s28+$0x4E20] =	vst v0;
	s22 =	sadd.s32 $0x10, s22;
	s28 =	smov.u32 s21;
	s21 =	sadd.s32 $0x40, s21  }
.Ltmp2:
0x56: {  	(pc) =	sbr.rel @p1 .LBB2_2-.Ltmp2, $4  }
0x57: {  	_ = 	snop  }
0x58: {  	s28 =	sand.u32 $0x7E00, s28  }
0x59: {  	s23 =	sand.u32 $0x70, s22;
	s28 =	sshrl.u32 s28, $0x2  }
0x5a: {  	s28 =	sor.u32 s23, s28  }
0x5b: {  	[tilespmem:s28+$0x4E20] =	vst v0  }
0x5c: {  	[spmem:s7] =	stream.linear.scatter [tilespmem:s29], [sflag:$0x1], $0x1400, $0x38;
	[tilespmem:$0x1FEA0] =	vst v63  }
0x5d: {  	s21 =	rddreg [dreg:$0x6]  }
0x5e: {  	[spmem:s21] =	stream.linear.scatter [tilespmem:s29], [sflag:$0x1], $0x1400, $0x38;
	[tilespmem:$0x1FEA0] =	vst v63  }
0x5f: {  	s23 =	rddreg [dreg:$0x7]  }
0x60: {  	[spmem:s23] =	stream.linear.scatter [tilespmem:s29], [sflag:$0x1], $0x1400, $0x38;
	[tilespmem:$0x1FEA0] =	vst v63  }
0x61: {  	s22 =	rddreg [dreg:$0x8]  }
0x62: {  	[spmem:s22] =	stream.linear.scatter [tilespmem:s29], [sflag:$0x1], $0x1400, $0x38;
	[tilespmem:$0x1FEA0] =	vst v63  }
0x63: {  	s23 =	rddreg [dreg:$0x9]  }
0x64: {  	[spmem:s23] =	stream.linear.scatter [tilespmem:s29], [sflag:$0x1], $0x1400, $0x38;
	[tilespmem:$0x1FEA0] =	vst v63  }
0x65: {  	s22 =	rddreg [dreg:$0xa]  }
0x66: {  	[spmem:s22] =	stream.linear.scatter [tilespmem:s29], [sflag:$0x1], $0x1400, $0x38;
	[tilespmem:$0x1FEA0] =	vst v63  }
0x67: {  	s23 =	rddreg [dreg:$0xb]  }
0x68: {  	[spmem:s23] =	stream.linear.scatter [tilespmem:s29], [sflag:$0x1], $0x1400, $0x38;
	[tilespmem:$0x1FEA0] =	vst v63  }
0x69: {  	s22 =	rddreg [dreg:$0xc]  }
0x6a: {  	[spmem:s22] =	stream.linear.scatter [tilespmem:s29], [sflag:$0x1], $0x1400, $0x38;
	[tilespmem:$0x1FEA0] =	vst v63  }
0x6b: {  	s23 =	rddreg [dreg:$0xd]  }
0x6c: {  	[spmem:s23] =	stream.linear.scatter [tilespmem:s29], [sflag:$0x1], $0x1400, $0x38;
	[tilespmem:$0x1FEA0] =	vst v63  }
0x6d: {  	s22 =	rddreg [dreg:$0xe]  }
0x6e: {  	[spmem:s22] =	stream.linear.scatter [tilespmem:s29], [sflag:$0x1], $0x1400, $0x38;
	[tilespmem:$0x1FEA0] =	vst v63  }
0x6f: {  	s23 =	rddreg [dreg:$0xf]  }
0x70: {  	[spmem:s23] =	stream.linear.scatter [tilespmem:s29], [sflag:$0x1], $0x1400, $0x38;
	[tilespmem:$0x1FEA0] =	vst v63  }
0x71: {  	s22 =	rddreg [dreg:$0x10]  }
0x72: {  	[spmem:s22] =	stream.linear.scatter [tilespmem:s29], [sflag:$0x1], $0x1400, $0x38;
	[tilespmem:$0x1FEA0] =	vst v63  }
0x73: {  	s23 =	rddreg [dreg:$0x11]  }
0x74: {  	[spmem:s23] =	stream.linear.scatter [tilespmem:s29], [sflag:$0x1], $0x1400, $0x38;
	[tilespmem:$0x1FEA0] =	vst v63  }
0x75: {  	s22 =	rddreg [dreg:$0x12]  }
0x76: {  	[spmem:s22] =	stream.linear.scatter [tilespmem:s29], [sflag:$0x1], $0x1400, $0x38;
	[tilespmem:$0x1FEA0] =	vst v63  }
0x77: {  	s23 =	rddreg [dreg:$0x14]  }
0x78: {  	[spmem:s23] =	stream.linear.scatter [tilespmem:s29], [sflag:$0x1], $0x1400, $0x38;
	[tilespmem:$0x1FEA0] =	vst v63  }
0x79: {  	s22 =	rddreg [dreg:$0x15]  }
0x7a: {  	[spmem:s22] =	stream.linear.scatter [tilespmem:s29], [sflag:$0x1], $0xC00, $0x38;
	[tilespmem:$0x1FEA0] =	vst v63  }
0x7b: {  	s21 =	simm.s32 @!p0 $0x4E20  }
0x7c: {  	[spmem:s26] =	stream.linear.scatter @!p0 [tilespmem:s21], [sflag:$0x4], $0x800, $0x38;
	[tilespmem:$0x1FEA0] =	vst v63  }
0x7d: {  	_ =	swait.ge [sflag:s30], $0x1400  }
0x7e: {  	[sflag:s30] =	ssyncset.done $0x0  }
0x7f: {  	[sflag:s30] =	ssyncadd.s32 $0xFFFFEC00  }
0x80: {  	_ =	swait.ge [sflag:s30], $0x1400  }
0x81: {  	[sflag:s30] =	ssyncset.done $0x0  }
0x82: {  	[sflag:s30] =	ssyncadd.s32 $0xFFFFEC00  }
0x83: {  	_ =	swait.ge [sflag:s30], $0x1400  }
0x84: {  	[sflag:s30] =	ssyncset.done $0x0  }
0x85: {  	[sflag:s30] =	ssyncadd.s32 $0xFFFFEC00  }
0x86: {  	_ =	swait.ge [sflag:s30], $0x1400  }
0x87: {  	[sflag:s30] =	ssyncset.done $0x0  }
0x88: {  	[sflag:s30] =	ssyncadd.s32 $0xFFFFEC00  }
0x89: {  	_ =	swait.ge [sflag:s30], $0x1400  }
0x8a: {  	[sflag:s30] =	ssyncset.done $0x0  }
0x8b: {  	[sflag:s30] =	ssyncadd.s32 $0xFFFFEC00  }
0x8c: {  	_ =	swait.ge [sflag:s30], $0x1400  }
0x8d: {  	[sflag:s30] =	ssyncset.done $0x0  }
0x8e: {  	[sflag:s30] =	ssyncadd.s32 $0xFFFFEC00  }
0x8f: {  	_ =	swait.ge [sflag:s30], $0x1400  }
0x90: {  	[sflag:s30] =	ssyncset.done $0x0  }
0x91: {  	[sflag:s30] =	ssyncadd.s32 $0xFFFFEC00  }
0x92: {  	_ =	swait.ge [sflag:s30], $0x1400  }
0x93: {  	[sflag:s30] =	ssyncset.done $0x0  }
0x94: {  	[sflag:s30] =	ssyncadd.s32 $0xFFFFEC00  }
0x95: {  	_ =	swait.ge [sflag:s30], $0x1400  }
0x96: {  	[sflag:s30] =	ssyncset.done $0x0  }
0x97: {  	[sflag:s30] =	ssyncadd.s32 $0xFFFFEC00  }
0x98: {  	_ =	swait.ge [sflag:s30], $0x1400  }
0x99: {  	[sflag:s30] =	ssyncset.done $0x0  }
0x9a: {  	[sflag:s30] =	ssyncadd.s32 $0xFFFFEC00  }
0x9b: {  	_ =	swait.ge [sflag:s30], $0x1400  }
0x9c: {  	[sflag:s30] =	ssyncset.done $0x0  }
0x9d: {  	[sflag:s30] =	ssyncadd.s32 $0xFFFFEC00  }
0x9e: {  	_ =	swait.ge [sflag:s30], $0x1400  }
0x9f: {  	[sflag:s30] =	ssyncset.done $0x0  }
0xa0: {  	[sflag:s30] =	ssyncadd.s32 $0xFFFFEC00  }
0xa1: {  	_ =	swait.ge [sflag:s30], $0x1400  }
0xa2: {  	[sflag:s30] =	ssyncset.done $0x0  }
0xa3: {  	[sflag:s30] =	ssyncadd.s32 $0xFFFFEC00  }
0xa4: {  	_ =	swait.ge [sflag:s30], $0x1400  }
0xa5: {  	[sflag:s30] =	ssyncset.done $0x0  }
0xa6: {  	[sflag:s30] =	ssyncadd.s32 $0xFFFFEC00  }
0xa7: {  	_ =	swait.ge [sflag:s30], $0x1400  }
0xa8: {  	[sflag:s30] =	ssyncset.done $0x0  }
0xa9: {  	[sflag:s30] =	ssyncadd.s32 $0xFFFFEC00  }
0xaa: {  	_ =	swait.ge [sflag:s30], $0xC00  }
0xab: {  	[sflag:s30] =	ssyncset.done $0x0  }
0xac: {  	s21 =	simm.s32 @!p0 $0x4;
	[sflag:s30] =	ssyncadd.s32 $0xFFFFF400  }
0xad: {  	_ =	swait.ge @!p0 [sflag:s21], $0x800  }
0xae: {  	[sflag:s21] =	ssyncset.done @!p0 $0x0  }
0xaf: {  	[sflag:s21] =	ssyncadd.s32 @!p0 $0xFFFFF800  }
0xb0: {  	_ =	swait.ge [sflag:s31], $0x2710  }
0xb1: {  	[sflag:s31] =	ssyncset.done $0x0  }
0xb2: {  	[sflag:s31] =	ssyncadd.s32 $0xFFFFD8F0  }
0xb3: {  	_ =	swait.ge [sflag:s2], $0x2710  }
0xb4: {  	[sflag:s2] =	ssyncset.done $0x0  }
0xb5: {  	[sflag:s2] =	ssyncadd.s32 $0xFFFFD8F0  }
0xb6: {  	s21 =	simm.s32 $0x0;
	[bflag:$0x0] =	sbarrier.arrive $0xFFFF  }
0xb7: {  	[tilespmem:s29], [sflag:$0x1] =	stream.indirect.gather [hbm4b:s1+s0], $0x80, s21, s0, $0xb8;
	[tilespmem:$0x1FEA0] =	vst v63  }
0xb8: {  	_ = 	snop  }
0xb9: {  	[tilespmem:s5], [sflag:$0x2] =	stream.indirect.gather [hbm4b:s1+s0], $0x80, s0, s0, $0xb8;
	[tilespmem:$0x1FEA0] =	vst v63  }
0xba: {  	s22 =	simm.s32 $0x50  }
0xbb: {  	[tilespmem:s6], [sflag:$0x3] =	stream.indirect.gather [hbm4b:s1+s0], $0x80, s22, s0, $0xb8;
	[tilespmem:$0x1FEA0] =	vst v63  }
0xbc: {  	s23 =	simm.s32 $0x78  }
0xbd: {  	[tilespmem:s8], [sflag:$0x4] =	stream.indirect.gather [hbm4b:s1+s0], $0x80, s23, s0, $0xb8;
	[tilespmem:$0x1FEA0] =	vst v63  }
0xbe: {  	s23 =	simm.s32 $0xA0  }
0xbf: {  	[tilespmem:s9], [sflag:$0x5] =	stream.indirect.gather [hbm4b:s1+s0], $0x80, s23, s0, $0xb8;
	[tilespmem:$0x1FEA0] =	vst v63  }
0xc0: {  	_ =	swait.ge [sflag:s30], $0x1400  }
0xc1: {  	[sflag:s30] =	ssyncset.done $0x0  }
0xc2: {  	s28 =	simm.s32 $0x2710;
	[sflag:s30] =	ssyncadd.s32 $0xFFFFEC00  }
0xc3: {  	[spmem:s3] =	stream.indirect.scatter.add.f32 [tilespmem:s29], [sflag:$0x7], $0x80, s28, s0, $0xb8;
	[tilespmem:$0x1FEA0] =	vst v63  }
0xc4: {  	s23 =	simm.s32 $0xC8  }
0xc5: {  	[tilespmem:s10], [sflag:$0x6] =	stream.indirect.gather [hbm4b:s1+s0], $0x80, s23, s0, $0xb8;
	[tilespmem:$0x1FEA0] =	vst v63  }
0xc6: {  	_ =	swait.ge [sflag:s31], $0x1400  }
0xc7: {  	[sflag:s31] =	ssyncset.done $0x0  }
0xc8: {  	s23 =	simm.s32 $0x2738;
	[sflag:s31] =	ssyncadd.s32 $0xFFFFEC00  }
0xc9: {  	[spmem:s3] =	stream.indirect.scatter.add.f32 [tilespmem:s5], [sflag:$0x8], $0x80, s23, s0, $0xb8;
	[tilespmem:$0x1FEA0] =	vst v63  }
0xca: {  	_ =	swait.ge [sflag:s11], $0x1400  }
0xcb: {  	[sflag:s11] =	ssyncset.done $0x0  }
0xcc: {  	s23 =	simm.s32 $0xF0;
	[sflag:s11] =	ssyncadd.s32 $0xFFFFEC00  }
0xcd: {  	[tilespmem:s29], [sflag:$0x1] =	stream.indirect.gather [hbm4b:s1+s0], $0x80, s23, s0, $0xb8;
	[tilespmem:$0x1FEA0] =	vst v63  }
0xce: {  	_ =	swait.ge [sflag:s2], $0x1400  }
0xcf: {  	[sflag:s2] =	ssyncset.done $0x0  }
0xd0: {  	s23 =	simm.s32 $0x2760;
	[sflag:s2] =	ssyncadd.s32 $0xFFFFEC00  }
0xd1: {  	[spmem:s3] =	stream.indirect.scatter.add.f32 [tilespmem:s6], [sflag:$0x9], $0x80, s23, s0, $0xb8;
	[tilespmem:$0x1FEA0] =	vst v63  }
0xd2: {  	_ =	swait.ge [sflag:s12], $0x1400  }
0xd3: {  	[sflag:s12] =	ssyncset.done $0x0  }
0xd4: {  	s23 =	simm.s32 $0x118;
	[sflag:s12] =	ssyncadd.s32 $0xFFFFEC00  }
0xd5: {  	[tilespmem:s5], [sflag:$0x2] =	stream.indirect.gather [hbm4b:s1+s0], $0x80, s23, s0, $0xb8;
	[tilespmem:$0x1FEA0] =	vst v63  }
0xd6: {  	_ =	swait.ge [sflag:s13], $0x1400  }
0xd7: {  	[sflag:s13] =	ssyncset.done $0x0  }
0xd8: {  	s23 =	simm.s32 $0x2788;
	[sflag:s13] =	ssyncadd.s32 $0xFFFFEC00  }
0xd9: {  	[spmem:s3] =	stream.indirect.scatter.add.f32 [tilespmem:s8], [sflag:$0xA], $0x80, s23, s0, $0xb8;
	[tilespmem:$0x1FEA0] =	vst v63  }
0xda: {  	_ =	swait.ge [sflag:s14], $0x1400  }
0xdb: {  	[sflag:s14] =	ssyncset.done $0x0  }
0xdc: {  	s23 =	simm.s32 $0x140;
	[sflag:s14] =	ssyncadd.s32 $0xFFFFEC00  }
0xdd: {  	[tilespmem:s6], [sflag:$0x3] =	stream.indirect.gather [hbm4b:s1+s0], $0x80, s23, s0, $0xb8;
	[tilespmem:$0x1FEA0] =	vst v63  }
0xde: {  	_ =	swait.ge [sflag:s15], $0x1400  }
0xdf: {  	[sflag:s15] =	ssyncset.done $0x0  }
0xe0: {  	s23 =	simm.s32 $0x27B0;
	[sflag:s15] =	ssyncadd.s32 $0xFFFFEC00  }
0xe1: {  	[spmem:s3] =	stream.indirect.scatter.add.f32 [tilespmem:s9], [sflag:$0xB], $0x80, s23, s0, $0xb8;
	[tilespmem:$0x1FEA0] =	vst v63  }
0xe2: {  	_ =	swait.ge [sflag:s16], $0x1400  }
0xe3: {  	[sflag:s16] =	ssyncset.done $0x0  }
0xe4: {  	s23 =	simm.s32 $0x168;
	[sflag:s16] =	ssyncadd.s32 $0xFFFFEC00  }
0xe5: {  	[tilespmem:s8], [sflag:$0x4] =	stream.indirect.gather [hbm4b:s1+s0], $0x80, s23, s0, $0xb8;
	[tilespmem:$0x1FEA0] =	vst v63  }
0xe6: {  	_ =	swait.ge [sflag:s17], $0x1400  }
0xe7: {  	[sflag:s17] =	ssyncset.done $0x0  }
0xe8: {  	s23 =	simm.s32 $0x27D8;
	[sflag:s17] =	ssyncadd.s32 $0xFFFFEC00  }
0xe9: {  	[spmem:s3] =	stream.indirect.scatter.add.f32 [tilespmem:s10], [sflag:$0xC], $0x80, s23, s0, $0xb8;
	[tilespmem:$0x1FEA0] =	vst v63  }
0xea: {  	_ =	swait.ge [sflag:s18], $0x1400  }
0xeb: {  	[sflag:s18] =	ssyncset.done $0x0  }
0xec: {  	s23 =	simm.s32 $0x190;
	[sflag:s18] =	ssyncadd.s32 $0xFFFFEC00  }
0xed: {  	[tilespmem:s9], [sflag:$0x5] =	stream.indirect.gather [hbm4b:s1+s0], $0x80, s23, s0, $0xb8;
	[tilespmem:$0x1FEA0] =	vst v63  }
.LBB2_4:
0xee: {  	_ =	swait.ge [sflag:s30], $0x1400  }
0xef: {  	s22 =	sshra.s32 s21, $0x2;
	[sflag:s30] =	ssyncset.done $0x0  }
0xf0: {  	s23 =	sadd.s32 $0x2800, s22;
	[sflag:s30] =	ssyncadd.s32 $0xFFFFEC00  }
0xf1: {  	[spmem:s3] =	stream.indirect.scatter.add.f32 [tilespmem:s29], [sflag:$0x7], $0x80, s23, s0, $0xb8;
	[tilespmem:$0x1FEA0] =	vst v63  }
0xf2: {  	_ =	swait.ge [sflag:s19], $0x1400  }
0xf3: {  	[sflag:s19] =	ssyncset.done $0x0  }
0xf4: {  	s23 =	sadd.s32 $0x1B8, s22;
	[sflag:s19] =	ssyncadd.s32 $0xFFFFEC00  }
0xf5: {  	[tilespmem:s10], [sflag:$0x6] =	stream.indirect.gather [hbm4b:s1+s0], $0x80, s23, s0, $0xb8;
	[tilespmem:$0x1FEA0] =	vst v63  }
0xf6: {  	_ =	swait.ge [sflag:s31], $0x1400  }
0xf7: {  	[sflag:s31] =	ssyncset.done $0x0  }
0xf8: {  	s23 =	sadd.s32 $0x2828, s22;
	[sflag:s31] =	ssyncadd.s32 $0xFFFFEC00  }
0xf9: {  	[spmem:s3] =	stream.indirect.scatter.add.f32 [tilespmem:s5], [sflag:$0x8], $0x80, s23, s0, $0xb8;
	[tilespmem:$0x1FEA0] =	vst v63  }
0xfa: {  	_ =	swait.ge [sflag:s11], $0x1400  }
0xfb: {  	[sflag:s11] =	ssyncset.done $0x0  }
0xfc: {  	s23 =	sadd.s32 $0x1E0, s22;
	[sflag:s11] =	ssyncadd.s32 $0xFFFFEC00  }
0xfd: {  	[tilespmem:s29], [sflag:$0x1] =	stream.indirect.gather [hbm4b:s1+s0], $0x80, s23, s0, $0xb8;
	[tilespmem:$0x1FEA0] =	vst v63  }
0xfe: {  	_ =	swait.ge [sflag:s2], $0x1400  }
0xff: {  	[sflag:s2] =	ssyncset.done $0x0  }
0x100: {  	s23 =	sadd.s32 $0x2850, s22;
	[sflag:s2] =	ssyncadd.s32 $0xFFFFEC00  }
0x101: {  	[spmem:s3] =	stream.indirect.scatter.add.f32 [tilespmem:s6], [sflag:$0x9], $0x80, s23, s0, $0xb8;
	[tilespmem:$0x1FEA0] =	vst v63  }
0x102: {  	_ =	swait.ge [sflag:s12], $0x1400  }
0x103: {  	[sflag:s12] =	ssyncset.done $0x0  }
0x104: {  	s23 =	sadd.s32 $0x208, s22;
	[sflag:s12] =	ssyncadd.s32 $0xFFFFEC00  }
0x105: {  	[tilespmem:s5], [sflag:$0x2] =	stream.indirect.gather [hbm4b:s1+s0], $0x80, s23, s0, $0xb8;
	[tilespmem:$0x1FEA0] =	vst v63  }
0x106: {  	_ =	swait.ge [sflag:s13], $0x1400  }
0x107: {  	[sflag:s13] =	ssyncset.done $0x0  }
0x108: {  	s23 =	sadd.s32 $0x2878, s22;
	[sflag:s13] =	ssyncadd.s32 $0xFFFFEC00  }
0x109: {  	[spmem:s3] =	stream.indirect.scatter.add.f32 [tilespmem:s8], [sflag:$0xA], $0x80, s23, s0, $0xb8;
	[tilespmem:$0x1FEA0] =	vst v63  }
0x10a: {  	_ =	swait.ge [sflag:s14], $0x1400  }
0x10b: {  	[sflag:s14] =	ssyncset.done $0x0  }
0x10c: {  	s23 =	sadd.s32 $0x230, s22;
	[sflag:s14] =	ssyncadd.s32 $0xFFFFEC00  }
0x10d: {  	[tilespmem:s6], [sflag:$0x3] =	stream.indirect.gather [hbm4b:s1+s0], $0x80, s23, s0, $0xb8;
	[tilespmem:$0x1FEA0] =	vst v63  }
0x10e: {  	_ =	swait.ge [sflag:s15], $0x1400  }
0x10f: {  	[sflag:s15] =	ssyncset.done $0x0  }
0x110: {  	s23 =	sadd.s32 $0x28A0, s22;
	[sflag:s15] =	ssyncadd.s32 $0xFFFFEC00  }
0x111: {  	[spmem:s3] =	stream.indirect.scatter.add.f32 [tilespmem:s9], [sflag:$0xB], $0x80, s23, s0, $0xb8;
	[tilespmem:$0x1FEA0] =	vst v63  }
0x112: {  	_ =	swait.ge [sflag:s16], $0x1400  }
0x113: {  	[sflag:s16] =	ssyncset.done $0x0  }
0x114: {  	p1 =	seq.s32 s21, $0x9240;
	s23 =	sadd.s32 $0x258, s22;
	[sflag:s16] =	ssyncadd.s32 $0xFFFFEC00  }
0x115: {  	[tilespmem:s8], [sflag:$0x4] =	stream.indirect.gather [hbm4b:s1+s0], $0x80, s23, s0, $0xb8;
	[tilespmem:$0x1FEA0] =	vst v63  }
.Ltmp3:
0x116: {  	_ = 	snop;
	(pc) =	sbr.rel @p1 .LBB2_6-.Ltmp3, $4  }
0x117: {  	_ =	swait.ge [sflag:s17], $0x1400  }
0x118: {  	[sflag:s17] =	ssyncset.done $0x0  }
0x119: {  	s23 =	sadd.s32 $0x28C8, s22;
	[sflag:s17] =	ssyncadd.s32 $0xFFFFEC00  }
0x11a: {  	[spmem:s3] =	stream.indirect.scatter.add.f32 [tilespmem:s10], [sflag:$0xC], $0x80, s23, s0, $0xb8;
	[tilespmem:$0x1FEA0] =	vst v63  }
.Ltmp4:
0x11b: {  	(pc) =	sbr.rel .LBB2_4-.Ltmp4, $4  }
0x11c: {  	_ =	swait.ge [sflag:s18], $0x1400  }
0x11d: {  	[sflag:s18] =	ssyncset.done $0x0  }
0x11e: {  	s22 =	sadd.s32 $0x280, s22;
	s21 =	sadd.s32 $0x3C0, s21;
	[sflag:s18] =	ssyncadd.s32 $0xFFFFEC00  }
0x11f: {  	[tilespmem:s9], [sflag:$0x5] =	stream.indirect.gather [hbm4b:s1+s0], $0x80, s22, s0, $0xb8;
	[tilespmem:$0x1FEA0] =	vst v63  }
.LBB2_7:
0x120: {  	_ =	sfence.sel $0x180000  }
0x121: {  	[bflag:$0x0] =	sbarrier.arrive $0xFFFF  }
0x122: {  	_ =	strace $0x90000050  }
0x123: {  	s0 =	stileid.u32;
	[bflag:$0x2] =	sbarrier.arrive $0xFFFF  }
0x124: {  	p0 =	sne.s32 s0, $0x0;
	s0 =	rddreg [dreg:$0x3]  }
0x125: {  	s0 =	sadd.s32 @!p0 $0x100000, s0  }
0x126: {  	[sflag:s0] =	ssyncadd.tile.s32 @!p0 $0x1;
	_ =	shalt  }
.Lfunc_end2:
_tile_overlayer_lowered:
.L_overlay_start_2:
0x127: {  	(tag) =	ssettag $0x2  }
0x128: {  	s0 =	rddreg [dreg:$0x0];
	s2 =	stileid.u32  }
0x129: {  	s1 =	rddreg [dreg:$0x1];
	p0 =	sne.s32 s2, $0x0  }
0x12a: {  	s3 =	rddreg [dreg:$0x2];
	[bflag:$0x3] =	sbarrier.arrive $0xFFFF;
	s2 =	simm.s32 @!p0 $0x1C0D  }
0x12b: {  	[timem:s3], [sflag:s2] =	dma.local @!p0 [hbm:s0], s1  }
0x12c: {  	s0 =	simm.s32 @!p0 $0xD  }
0x12d: {  	_ =	swait.ge @!p0 [sflag:s0], s1  }
0x12e: {  	s1 =	ssub.s32 @!p0 $0x0, s1;
	[sflag:s0] =	ssyncset.done @!p0 $0x0  }
0x12f: {  	[sflag:s0] =	ssyncadd.s32 @!p0 s1  }
0x130: {  	[bflag:$0x3] =	sbarrier.arrive $0xFFFF  }
0x131: {  	_ =	shalt  }

</sc_bundles>
